<compile_context>
chip_gen: v7x
topology: tpu7x:2x2x1
jax: 0.10.2.dev20260603
libtpu: 0.0.44.dev20260713+nightly
codegen_flags: <defaults>
</compile_context>

<pallas_src>
import functools

import jax
import jax.numpy as jnp
from jax import lax
from jax.experimental import pallas as pl
from jax.experimental.pallas import tpu as pltpu
from jax.experimental.pallas import tpu_sc as plsc

N_TOTAL = 4_000_000
N_BINS_K = 15
N_WORKERS = 32
PER_W = N_TOTAL // N_WORKERS
CHUNK_A = 12_504
CHUNK_B = PER_W - 9 * CHUNK_A
BUF = 12_544
VREGS = BUF // 16
UNROLL = 8
TBL = 288

_mesh = plsc.VectorSubcoreMesh(core_axis_name="c", subcore_axis_name="s")


@functools.partial(
    pl.kernel,
    out_type=(
        jax.ShapeDtypeStruct((N_WORKERS * TBL,), jnp.int32),
        jax.ShapeDtypeStruct((N_WORKERS * TBL,), jnp.float32),
    ),
    mesh=_mesh,
    compiler_params=pltpu.CompilerParams(needs_layout_passes=False,
                                         disable_bounds_checks=True),
    scratch_types=[
        pltpu.VMEM((BUF,), jnp.int32),
        pltpu.VMEM((BUF,), jnp.int32),
        pltpu.VMEM((BUF,), jnp.int32),
        pltpu.VMEM((BUF,), jnp.int32),
        pltpu.VMEM((BUF,), jnp.float32),
        pltpu.VMEM((BUF,), jnp.float32),
        pltpu.VMEM((TBL,), jnp.int32),
        pltpu.VMEM((TBL,), jnp.float32),
        pltpu.SemaphoreType.DMA,
        pltpu.SemaphoreType.DMA,
    ],
)
def _ece_hist(preds_hbm, targets_hbm, confs_hbm, out_i_hbm, out_f_hbm,
              p0, p1, t0, t1, c0, c1, tbl_i, tbl_f, sem0, sem1):
    wid = lax.axis_index("s") * 2 + lax.axis_index("c")
    base = wid * PER_W
    pbufs, tbufs, cbufs = (p0, p1), (t0, t1), (c0, c1)
    sems = (sem0, sem1)

    zero_i = jnp.zeros((16,), jnp.int32)
    zero_f = jnp.zeros((16,), jnp.float32)
    for k in range(TBL // 16):
        tbl_i[pl.ds(k * 16, 16)] = zero_i
        tbl_f[pl.ds(k * 16, 16)] = zero_f
    for off in (12_496, 12_512, 12_528):
        c0[pl.ds(off, 16)] = zero_f
        c1[pl.ds(off, 16)] = zero_f

    lane = lax.iota(jnp.int32, 16)
    c15 = jnp.float32(N_BINS_K)
    inv15 = jnp.float32(1.0 / N_BINS_K)

    def start(c, par):
        size = CHUNK_A if c < 9 else CHUNK_B
        off = base + c * CHUNK_A
        return (
            pltpu.async_copy(preds_hbm.at[pl.ds(off, size)],
                             pbufs[par].at[pl.ds(0, size)], sems[par]),
            pltpu.async_copy(targets_hbm.at[pl.ds(off, size)],
                             tbufs[par].at[pl.ds(0, size)], sems[par]),
            pltpu.async_copy(confs_hbm.at[pl.ds(off, size)],
                             cbufs[par].at[pl.ds(0, size)], sems[par]),
        )

    def compute(par, n_vregs):
        p_v, t_v, c_v = pbufs[par], tbufs[par], cbufs[par]

        @plsc.parallel_loop(0, n_vregs, 1, unroll=UNROLL)
        def vbody(j):
            b0 = j * 16
            conf = c_v[pl.ds(b0, 16)]
            p = p_v[pl.ds(b0, 16)]
            t = t_v[pl.ds(b0, 16)]
            ji = (conf * c15).astype(jnp.int32)
            jf = ji.astype(jnp.float32)
            blo = jf * inv15
            bhi = (jf + 1.0) * inv15
            binx1 = (ji
                     - jnp.where(conf <= blo, 1, 0)
                     + jnp.where(conf > bhi, 2, 1))
            sidx = binx1 * 16 + lane
            vi = jnp.where(p == t, jnp.int32(65537), jnp.int32(1))
            plsc.addupdate_scatter(tbl_i, [sidx], vi)
            plsc.addupdate_scatter(tbl_f, [sidx], conf)

    handles = [None, None]
    handles[0] = start(0, 0)
    for c in range(10):
        par = c & 1
        if c + 1 < 10:
            handles[1 - par] = start(c + 1, 1 - par)
        for h in handles[par]:
            h.wait()
        if c == 9:
            for off in (12_464, 12_480, 12_496, 12_512, 12_528):
                cbufs[par][pl.ds(off, 16)] = zero_f
        compute(par, VREGS)

    pltpu.sync_copy(tbl_i, out_i_hbm.at[pl.ds(wid * TBL, TBL)])
    pltpu.sync_copy(tbl_f, out_f_hbm.at[pl.ds(wid * TBL, TBL)])


def kernel(preds, targets, confs):
    raw_i, raw_f = _ece_hist(preds.astype(jnp.int32),
                             targets.astype(jnp.int32), confs)
    pk = raw_i.reshape(N_WORKERS, TBL)[:, 16:(N_BINS_K + 1) * 16]
    pk = pk.reshape(N_WORKERS, N_BINS_K, 16).sum(axis=(0, 2))
    count = (pk & 0xFFFF).astype(jnp.float32)
    acc_sum = (pk >> 16).astype(jnp.float32)
    cf = raw_f.reshape(N_WORKERS, TBL)[:, 16:(N_BINS_K + 1) * 16]
    conf_sum = cf.reshape(N_WORKERS, N_BINS_K, 16).sum(axis=(0, 2))
    prop = count / jnp.float32(N_TOTAL)
    safe = jnp.maximum(count, 1.0)
    contrib = jnp.abs(conf_sum / safe - acc_sum / safe) * prop
    ece = jnp.sum(jnp.where(count > 0, contrib, 0.0))
    return ece.reshape(1)

# --- scband reference (transcript-rebuilt; emitter-appended) ---
"""Pipeline reference for scband-eceloss-48567490183751 (READ-ONLY COPY).

The authoritative reference and input builder live on the scoring server;
editing this copy changes nothing except your own understanding.
"""

import jax, jax.numpy as jnp
import numpy as np

N_BINS = 15
N = 4000000
NUM_CLASSES = 1000

def setup_inputs(seed: int = 0) -> dict:
    key = jax.random.key(seed)
    k1, k2, k3 = jax.random.split(key, 3)
    preds = jax.random.randint(k1, (N,), 0, NUM_CLASSES, dtype=jnp.int64) if jax.config.jax_enable_x64 else jax.random.randint(k1, (N,), 0, NUM_CLASSES, dtype=jnp.int32)
    targets = jax.random.randint(k2, (N,), 0, NUM_CLASSES, dtype=preds.dtype)
    confs = jax.random.uniform(k3, (N,), dtype=jnp.float32)
    return {"preds": preds, "targets": targets, "confs": confs}

def reference(preds, targets, confs):
    bin_boundaries = jnp.linspace(0.0, 1.0, N_BINS + 1)
    bin_lowers = bin_boundaries[:-1]
    bin_uppers = bin_boundaries[1:]
    accuracies = (preds == targets).astype(jnp.float32)
    ece = jnp.zeros((1,), dtype=jnp.float32)
    for i in range(N_BINS):
        lo = bin_lowers[i]
        hi = bin_uppers[i]
        in_bin = jnp.logical_and(confs > lo, confs <= hi).astype(jnp.float32)
        prop_in_bin = jnp.mean(in_bin)
        count = jnp.sum(in_bin)
        safe_count = jnp.maximum(count, 1.0)
        accuracy_in_bin = jnp.sum(accuracies * in_bin) / safe_count
        avg_confidence_in_bin = jnp.sum(confs * in_bin) / safe_count
        contrib = jnp.abs(avg_confidence_in_bin - accuracy_in_bin) * prop_in_bin
        ece = ece + jnp.where(count > 0, contrib, 0.0)
    return ece

if __name__ == "__main__":
    import jax
    _d = setup_inputs()
    print(jax.jit(kernel)(*tuple(_d.values())))

</pallas_src>

<mosaic_0001>
#map = affine_map<(d0, d1) -> (0)>
module attributes {stable_mosaic.version = 14 : i64} {
  func.func @_ece_hist(%arg0: i32, %arg1: i32, %arg2: memref<4000000xi32, #tpu.memory_space<hbm>>, %arg3: memref<4000000xi32, #tpu.memory_space<hbm>>, %arg4: memref<4000000xf32, #tpu.memory_space<hbm>>, %arg5: memref<9216xi32, #tpu.memory_space<hbm>>, %arg6: memref<9216xf32, #tpu.memory_space<hbm>>, %arg7: memref<12544xi32, #tpu.memory_space<vmem>>, %arg8: memref<12544xi32, #tpu.memory_space<vmem>>, %arg9: memref<12544xi32, #tpu.memory_space<vmem>>, %arg10: memref<12544xi32, #tpu.memory_space<vmem>>, %arg11: memref<12544xf32, #tpu.memory_space<vmem>>, %arg12: memref<12544xf32, #tpu.memory_space<vmem>>, %arg13: memref<288xi32, #tpu.memory_space<vmem>>, %arg14: memref<288xf32, #tpu.memory_space<vmem>>, %arg15: memref<!tpu.dma_semaphore, #tpu.memory_space<semaphore_mem>>, %arg16: memref<!tpu.dma_semaphore, #tpu.memory_space<semaphore_mem>>) attributes {dimension_semantics = [#tpu.dimension_semantics<core_parallel>, #tpu.dimension_semantics<subcore_parallel>], iteration_bounds = array<i64: 2, 16>, scalar_prefetch = 0 : i64, scratch_operands = 10 : i64, tpu.core_type = #tpu.core_type<sc_vector_subcore>, window_params = [{transform_indices = #map}, {transform_indices = #map}, {transform_indices = #map}, {transform_indices = #map}, {transform_indices = #map}]} {
    %mul3A = arith.constant 2 : i32
    %mul3A_0 = arith.muli %arg1, %mul3A : i32
    %add3A = arith.addi %mul3A_0, %arg0 : i32
    %mul3A_1 = arith.constant 125000 : i32
    %mul3A_2 = arith.muli %add3A, %mul3A_1 : i32
    %broadcast_in_dim3A = arith.constant 0 : i32
    %broadcast_in_dim3A_3 = vector.broadcast %broadcast_in_dim3A : i32 to vector<16xi32>
    %broadcast_in_dim3A_4 = arith.constant 0.000000e+00 : f32
    %broadcast_in_dim3A_5 = vector.broadcast %broadcast_in_dim3A_4 : f32 to vector<16xf32>
    %swap3A = arith.constant 0 : index
    %swap3A_6 = tpu.vector_load %arg13[%swap3A] {strides = array<i32>} : memref<288xi32, #tpu.memory_space<vmem>>, vector<16xi32>,
    tpu.vector_store %arg13[%swap3A], %broadcast_in_dim3A_3 {strides = array<i32>} : memref<288xi32, #tpu.memory_space<vmem>>, vector<16xi32>,
    %swap3A_7 = arith.constant 0 : index
    %swap3A_8 = tpu.vector_load %arg14[%swap3A_7] {strides = array<i32>} : memref<288xf32, #tpu.memory_space<vmem>>, vector<16xf32>,
    tpu.vector_store %arg14[%swap3A_7], %broadcast_in_dim3A_5 {strides = array<i32>} : memref<288xf32, #tpu.memory_space<vmem>>, vector<16xf32>,
    %swap3A_9 = arith.constant 16 : index
    %swap3A_10 = tpu.vector_load %arg13[%swap3A_9] {strides = array<i32>} : memref<288xi32, #tpu.memory_space<vmem>>, vector<16xi32>,
    tpu.vector_store %arg13[%swap3A_9], %broadcast_in_dim3A_3 {strides = array<i32>} : memref<288xi32, #tpu.memory_space<vmem>>, vector<16xi32>,
    %swap3A_11 = arith.constant 16 : index
    %swap3A_12 = tpu.vector_load %arg14[%swap3A_11] {strides = array<i32>} : memref<288xf32, #tpu.memory_space<vmem>>, vector<16xf32>,
    tpu.vector_store %arg14[%swap3A_11], %broadcast_in_dim3A_5 {strides = array<i32>} : memref<288xf32, #tpu.memory_space<vmem>>, vector<16xf32>,
    %swap3A_13 = arith.constant 32 : index
    %swap3A_14 = tpu.vector_load %arg13[%swap3A_13] {strides = array<i32>} : memref<288xi32, #tpu.memory_space<vmem>>, vector<16xi32>,
    tpu.vector_store %arg13[%swap3A_13], %broadcast_in_dim3A_3 {strides = array<i32>} : memref<288xi32, #tpu.memory_space<vmem>>, vector<16xi32>,
    %swap3A_15 = arith.constant 32 : index
    %swap3A_16 = tpu.vector_load %arg14[%swap3A_15] {strides = array<i32>} : memref<288xf32, #tpu.memory_space<vmem>>, vector<16xf32>,
    tpu.vector_store %arg14[%swap3A_15], %broadcast_in_dim3A_5 {strides = array<i32>} : memref<288xf32, #tpu.memory_space<vmem>>, vector<16xf32>,
    %swap3A_17 = arith.constant 48 : index
    %swap3A_18 = tpu.vector_load %arg13[%swap3A_17] {strides = array<i32>} : memref<288xi32, #tpu.memory_space<vmem>>, vector<16xi32>,
    tpu.vector_store %arg13[%swap3A_17], %broadcast_in_dim3A_3 {strides = array<i32>} : memref<288xi32, #tpu.memory_space<vmem>>, vector<16xi32>,
    %swap3A_19 = arith.constant 48 : index
    %swap3A_20 = tpu.vector_load %arg14[%swap3A_19] {strides = array<i32>} : memref<288xf32, #tpu.memory_space<vmem>>, vector<16xf32>,
    tpu.vector_store %arg14[%swap3A_19], %broadcast_in_dim3A_5 {strides = array<i32>} : memref<288xf32, #tpu.memory_space<vmem>>, vector<16xf32>,
    %swap3A_21 = arith.constant 64 : index
    %swap3A_22 = tpu.vector_load %arg13[%swap3A_21] {strides = array<i32>} : memref<288xi32, #tpu.memory_space<vmem>>, vector<16xi32>,
    tpu.vector_store %arg13[%swap3A_21], %broadcast_in_dim3A_3 {strides = array<i32>} : memref<288xi32, #tpu.memory_space<vmem>>, vector<16xi32>,
    %swap3A_23 = arith.constant 64 : index
    %swap3A_24 = tpu.vector_load %arg14[%swap3A_23] {strides = array<i32>} : memref<288xf32, #tpu.memory_space<vmem>>, vector<16xf32>,
    tpu.vector_store %arg14[%swap3A_23], %broadcast_in_dim3A_5 {strides = array<i32>} : memref<288xf32, #tpu.memory_space<vmem>>, vector<16xf32>,
    %swap3A_25 = arith.constant 80 : index
    %swap3A_26 = tpu.vector_load %arg13[%swap3A_25] {strides = array<i32>} : memref<288xi32, #tpu.memory_space<vmem>>, vector<16xi32>,
    tpu.vector_store %arg13[%swap3A_25], %broadcast_in_dim3A_3 {strides = array<i32>} : memref<288xi32, #tpu.memory_space<vmem>>, vector<16xi32>,
    %swap3A_27 = arith.constant 80 : index
    %swap3A_28 = tpu.vector_load %arg14[%swap3A_27] {strides = array<i32>} : memref<288xf32, #tpu.memory_space<vmem>>, vector<16xf32>,
    tpu.vector_store %arg14[%swap3A_27], %broadcast_in_dim3A_5 {strides = array<i32>} : memref<288xf32, #tpu.memory_space<vmem>>, vector<16xf32>,
    %swap3A_29 = arith.constant 96 : index
    %swap3A_30 = tpu.vector_load %arg13[%swap3A_29] {strides = array<i32>} : memref<288xi32, #tpu.memory_space<vmem>>, vector<16xi32>,
    tpu.vector_store %arg13[%swap3A_29], %broadcast_in_dim3A_3 {strides = array<i32>} : memref<288xi32, #tpu.memory_space<vmem>>, vector<16xi32>,
    %swap3A_31 = arith.constant 96 : index
    %swap3A_32 = tpu.vector_load %arg14[%swap3A_31] {strides = array<i32>} : memref<288xf32, #tpu.memory_space<vmem>>, vector<16xf32>,
    tpu.vector_store %arg14[%swap3A_31], %broadcast_in_dim3A_5 {strides = array<i32>} : memref<288xf32, #tpu.memory_space<vmem>>, vector<16xf32>,
    %swap3A_33 = arith.constant 112 : index
    %swap3A_34 = tpu.vector_load %arg13[%swap3A_33] {strides = array<i32>} : memref<288xi32, #tpu.memory_space<vmem>>, vector<16xi32>,
    tpu.vector_store %arg13[%swap3A_33], %broadcast_in_dim3A_3 {strides = array<i32>} : memref<288xi32, #tpu.memory_space<vmem>>, vector<16xi32>,
    %swap3A_35 = arith.constant 112 : index
    %swap3A_36 = tpu.vector_load %arg14[%swap3A_35] {strides = array<i32>} : memref<288xf32, #tpu.memory_space<vmem>>, vector<16xf32>,
    tpu.vector_store %arg14[%swap3A_35], %broadcast_in_dim3A_5 {strides = array<i32>} : memref<288xf32, #tpu.memory_space<vmem>>, vector<16xf32>,
    %swap3A_37 = arith.constant 128 : index
    %swap3A_38 = tpu.vector_load %arg13[%swap3A_37] {strides = array<i32>} : memref<288xi32, #tpu.memory_space<vmem>>, vector<16xi32>,
    tpu.vector_store %arg13[%swap3A_37], %broadcast_in_dim3A_3 {strides = array<i32>} : memref<288xi32, #tpu.memory_space<vmem>>, vector<16xi32>,
    %swap3A_39 = arith.constant 128 : index
    %swap3A_40 = tpu.vector_load %arg14[%swap3A_39] {strides = array<i32>} : memref<288xf32, #tpu.memory_space<vmem>>, vector<16xf32>,
    tpu.vector_store %arg14[%swap3A_39], %broadcast_in_dim3A_5 {strides = array<i32>} : memref<288xf32, #tpu.memory_space<vmem>>, vector<16xf32>,
    %swap3A_41 = arith.constant 144 : index
    %swap3A_42 = tpu.vector_load %arg13[%swap3A_41] {strides = array<i32>} : memref<288xi32, #tpu.memory_space<vmem>>, vector<16xi32>,
    tpu.vector_store %arg13[%swap3A_41], %broadcast_in_dim3A_3 {strides = array<i32>} : memref<288xi32, #tpu.memory_space<vmem>>, vector<16xi32>,
    %swap3A_43 = arith.constant 144 : index
    %swap3A_44 = tpu.vector_load %arg14[%swap3A_43] {strides = array<i32>} : memref<288xf32, #tpu.memory_space<vmem>>, vector<16xf32>,
    tpu.vector_store %arg14[%swap3A_43], %broadcast_in_dim3A_5 {strides = array<i32>} : memref<288xf32, #tpu.memory_space<vmem>>, vector<16xf32>,
    %swap3A_45 = arith.constant 160 : index
    %swap3A_46 = tpu.vector_load %arg13[%swap3A_45] {strides = array<i32>} : memref<288xi32, #tpu.memory_space<vmem>>, vector<16xi32>,
    tpu.vector_store %arg13[%swap3A_45], %broadcast_in_dim3A_3 {strides = array<i32>} : memref<288xi32, #tpu.memory_space<vmem>>, vector<16xi32>,
    %swap3A_47 = arith.constant 160 : index
    %swap3A_48 = tpu.vector_load %arg14[%swap3A_47] {strides = array<i32>} : memref<288xf32, #tpu.memory_space<vmem>>, vector<16xf32>,
    tpu.vector_store %arg14[%swap3A_47], %broadcast_in_dim3A_5 {strides = array<i32>} : memref<288xf32, #tpu.memory_space<vmem>>, vector<16xf32>,
    %swap3A_49 = arith.constant 176 : index
    %swap3A_50 = tpu.vector_load %arg13[%swap3A_49] {strides = array<i32>} : memref<288xi32, #tpu.memory_space<vmem>>, vector<16xi32>,
    tpu.vector_store %arg13[%swap3A_49], %broadcast_in_dim3A_3 {strides = array<i32>} : memref<288xi32, #tpu.memory_space<vmem>>, vector<16xi32>,
    %swap3A_51 = arith.constant 176 : index
    %swap3A_52 = tpu.vector_load %arg14[%swap3A_51] {strides = array<i32>} : memref<288xf32, #tpu.memory_space<vmem>>, vector<16xf32>,
    tpu.vector_store %arg14[%swap3A_51], %broadcast_in_dim3A_5 {strides = array<i32>} : memref<288xf32, #tpu.memory_space<vmem>>, vector<16xf32>,
    %swap3A_53 = arith.constant 192 : index
    %swap3A_54 = tpu.vector_load %arg13[%swap3A_53] {strides = array<i32>} : memref<288xi32, #tpu.memory_space<vmem>>, vector<16xi32>,
    tpu.vector_store %arg13[%swap3A_53], %broadcast_in_dim3A_3 {strides = array<i32>} : memref<288xi32, #tpu.memory_space<vmem>>, vector<16xi32>,
    %swap3A_55 = arith.constant 192 : index
    %swap3A_56 = tpu.vector_load %arg14[%swap3A_55] {strides = array<i32>} : memref<288xf32, #tpu.memory_space<vmem>>, vector<16xf32>,
    tpu.vector_store %arg14[%swap3A_55], %broadcast_in_dim3A_5 {strides = array<i32>} : memref<288xf32, #tpu.memory_space<vmem>>, vector<16xf32>,
    %swap3A_57 = arith.constant 208 : index
    %swap3A_58 = tpu.vector_load %arg13[%swap3A_57] {strides = array<i32>} : memref<288xi32, #tpu.memory_space<vmem>>, vector<16xi32>,
    tpu.vector_store %arg13[%swap3A_57], %broadcast_in_dim3A_3 {strides = array<i32>} : memref<288xi32, #tpu.memory_space<vmem>>, vector<16xi32>,
    %swap3A_59 = arith.constant 208 : index
    %swap3A_60 = tpu.vector_load %arg14[%swap3A_59] {strides = array<i32>} : memref<288xf32, #tpu.memory_space<vmem>>, vector<16xf32>,
    tpu.vector_store %arg14[%swap3A_59], %broadcast_in_dim3A_5 {strides = array<i32>} : memref<288xf32, #tpu.memory_space<vmem>>, vector<16xf32>,
    %swap3A_61 = arith.constant 224 : index
    %swap3A_62 = tpu.vector_load %arg13[%swap3A_61] {strides = array<i32>} : memref<288xi32, #tpu.memory_space<vmem>>, vector<16xi32>,
    tpu.vector_store %arg13[%swap3A_61], %broadcast_in_dim3A_3 {strides = array<i32>} : memref<288xi32, #tpu.memory_space<vmem>>, vector<16xi32>,
    %swap3A_63 = arith.constant 224 : index
    %swap3A_64 = tpu.vector_load %arg14[%swap3A_63] {strides = array<i32>} : memref<288xf32, #tpu.memory_space<vmem>>, vector<16xf32>,
    tpu.vector_store %arg14[%swap3A_63], %broadcast_in_dim3A_5 {strides = array<i32>} : memref<288xf32, #tpu.memory_space<vmem>>, vector<16xf32>,
    %swap3A_65 = arith.constant 240 : index
    %swap3A_66 = tpu.vector_load %arg13[%swap3A_65] {strides = array<i32>} : memref<288xi32, #tpu.memory_space<vmem>>, vector<16xi32>,
    tpu.vector_store %arg13[%swap3A_65], %broadcast_in_dim3A_3 {strides = array<i32>} : memref<288xi32, #tpu.memory_space<vmem>>, vector<16xi32>,
    %swap3A_67 = arith.constant 240 : index
    %swap3A_68 = tpu.vector_load %arg14[%swap3A_67] {strides = array<i32>} : memref<288xf32, #tpu.memory_space<vmem>>, vector<16xf32>,
    tpu.vector_store %arg14[%swap3A_67], %broadcast_in_dim3A_5 {strides = array<i32>} : memref<288xf32, #tpu.memory_space<vmem>>, vector<16xf32>,
    %swap3A_69 = arith.constant 256 : index
    %swap3A_70 = tpu.vector_load %arg13[%swap3A_69] {strides = array<i32>} : memref<288xi32, #tpu.memory_space<vmem>>, vector<16xi32>,
    tpu.vector_store %arg13[%swap3A_69], %broadcast_in_dim3A_3 {strides = array<i32>} : memref<288xi32, #tpu.memory_space<vmem>>, vector<16xi32>,
    %swap3A_71 = arith.constant 256 : index
    %swap3A_72 = tpu.vector_load %arg14[%swap3A_71] {strides = array<i32>} : memref<288xf32, #tpu.memory_space<vmem>>, vector<16xf32>,
    tpu.vector_store %arg14[%swap3A_71], %broadcast_in_dim3A_5 {strides = array<i32>} : memref<288xf32, #tpu.memory_space<vmem>>, vector<16xf32>,
    %swap3A_73 = arith.constant 272 : index
    %swap3A_74 = tpu.vector_load %arg13[%swap3A_73] {strides = array<i32>} : memref<288xi32, #tpu.memory_space<vmem>>, vector<16xi32>,
    tpu.vector_store %arg13[%swap3A_73], %broadcast_in_dim3A_3 {strides = array<i32>} : memref<288xi32, #tpu.memory_space<vmem>>, vector<16xi32>,
    %swap3A_75 = arith.constant 272 : index
    %swap3A_76 = tpu.vector_load %arg14[%swap3A_75] {strides = array<i32>} : memref<288xf32, #tpu.memory_space<vmem>>, vector<16xf32>,
    tpu.vector_store %arg14[%swap3A_75], %broadcast_in_dim3A_5 {strides = array<i32>} : memref<288xf32, #tpu.memory_space<vmem>>, vector<16xf32>,
    %swap3A_77 = arith.constant 12496 : index
    %swap3A_78 = tpu.vector_load %arg11[%swap3A_77] {strides = array<i32>} : memref<12544xf32, #tpu.memory_space<vmem>>, vector<16xf32>,
    tpu.vector_store %arg11[%swap3A_77], %broadcast_in_dim3A_5 {strides = array<i32>} : memref<12544xf32, #tpu.memory_space<vmem>>, vector<16xf32>,
    %swap3A_79 = arith.constant 12496 : index
    %swap3A_80 = tpu.vector_load %arg12[%swap3A_79] {strides = array<i32>} : memref<12544xf32, #tpu.memory_space<vmem>>, vector<16xf32>,
    tpu.vector_store %arg12[%swap3A_79], %broadcast_in_dim3A_5 {strides = array<i32>} : memref<12544xf32, #tpu.memory_space<vmem>>, vector<16xf32>,
    %swap3A_81 = arith.constant 12512 : index
    %swap3A_82 = tpu.vector_load %arg11[%swap3A_81] {strides = array<i32>} : memref<12544xf32, #tpu.memory_space<vmem>>, vector<16xf32>,
    tpu.vector_store %arg11[%swap3A_81], %broadcast_in_dim3A_5 {strides = array<i32>} : memref<12544xf32, #tpu.memory_space<vmem>>, vector<16xf32>,
    %swap3A_83 = arith.constant 12512 : index
    %swap3A_84 = tpu.vector_load %arg12[%swap3A_83] {strides = array<i32>} : memref<12544xf32, #tpu.memory_space<vmem>>, vector<16xf32>,
    tpu.vector_store %arg12[%swap3A_83], %broadcast_in_dim3A_5 {strides = array<i32>} : memref<12544xf32, #tpu.memory_space<vmem>>, vector<16xf32>,
    %swap3A_85 = arith.constant 12528 : index
    %swap3A_86 = tpu.vector_load %arg11[%swap3A_85] {strides = array<i32>} : memref<12544xf32, #tpu.memory_space<vmem>>, vector<16xf32>,
    tpu.vector_store %arg11[%swap3A_85], %broadcast_in_dim3A_5 {strides = array<i32>} : memref<12544xf32, #tpu.memory_space<vmem>>, vector<16xf32>,
    %swap3A_87 = arith.constant 12528 : index
    %swap3A_88 = tpu.vector_load %arg12[%swap3A_87] {strides = array<i32>} : memref<12544xf32, #tpu.memory_space<vmem>>, vector<16xf32>,
    tpu.vector_store %arg12[%swap3A_87], %broadcast_in_dim3A_5 {strides = array<i32>} : memref<12544xf32, #tpu.memory_space<vmem>>, vector<16xf32>,
    %iota3A = tpu.iota {dimensions = array<i32: 0>} : vector<16xi32>
    %add3A_89 = arith.constant 0 : i32
    %add3A_90 = arith.addi %mul3A_2, %add3A_89 : i32
    %dma_start3A = arith.constant 0 : i32
    %dma_start3A_91 = tpu.memref_slice %arg7[%dma_start3A] : memref<12544xi32, #tpu.memory_space<vmem>> -> memref<12504xi32, #tpu.memory_space<vmem>>
    %dma_start3A_92 = tpu.memref_slice %arg2[%add3A_90] : memref<4000000xi32, #tpu.memory_space<hbm>> -> memref<12504xi32, #tpu.memory_space<hbm>>
    %dma_start3A_93 = arith.constant 0 : i32
    %dma_start3A_94 = tpu.memref_slice %arg7[%dma_start3A_93] : memref<12544xi32, #tpu.memory_space<vmem>> -> memref<12504xi32, #tpu.memory_space<vmem>>
    %dma_start3A_95 = tpu.memref_slice %arg2[%add3A_90] : memref<4000000xi32, #tpu.memory_space<hbm>> -> memref<12504xi32, #tpu.memory_space<hbm>>
    tpu.enqueue_dma source(%dma_start3A_95 : memref<12504xi32, #tpu.memory_space<hbm>>) target(%dma_start3A_94 : memref<12504xi32, #tpu.memory_space<vmem>>) target_semaphore(%arg15 : memref<!tpu.dma_semaphore, #tpu.memory_space<semaphore_mem>>)
    %dma_start3A_96 = arith.constant 0 : i32
    %dma_start3A_97 = tpu.memref_slice %arg9[%dma_start3A_96] : memref<12544xi32, #tpu.memory_space<vmem>> -> memref<12504xi32, #tpu.memory_space<vmem>>
    %dma_start3A_98 = tpu.memref_slice %arg3[%add3A_90] : memref<4000000xi32, #tpu.memory_space<hbm>> -> memref<12504xi32, #tpu.memory_space<hbm>>
    %dma_start3A_99 = arith.constant 0 : i32
    %dma_start3A_100 = tpu.memref_slice %arg9[%dma_start3A_99] : memref<12544xi32, #tpu.memory_space<vmem>> -> memref<12504xi32, #tpu.memory_space<vmem>>
    %dma_start3A_101 = tpu.memref_slice %arg3[%add3A_90] : memref<4000000xi32, #tpu.memory_space<hbm>> -> memref<12504xi32, #tpu.memory_space<hbm>>
    tpu.enqueue_dma source(%dma_start3A_101 : memref<12504xi32, #tpu.memory_space<hbm>>) target(%dma_start3A_100 : memref<12504xi32, #tpu.memory_space<vmem>>) target_semaphore(%arg15 : memref<!tpu.dma_semaphore, #tpu.memory_space<semaphore_mem>>)
    %dma_start3A_102 = arith.constant 0 : i32
    %dma_start3A_103 = tpu.memref_slice %arg11[%dma_start3A_102] : memref<12544xf32, #tpu.memory_space<vmem>> -> memref<12504xf32, #tpu.memory_space<vmem>>
    %dma_start3A_104 = tpu.memref_slice %arg4[%add3A_90] : memref<4000000xf32, #tpu.memory_space<hbm>> -> memref<12504xf32, #tpu.memory_space<hbm>>
    %dma_start3A_105 = arith.constant 0 : i32
    %dma_start3A_106 = tpu.memref_slice %arg11[%dma_start3A_105] : memref<12544xf32, #tpu.memory_space<vmem>> -> memref<12504xf32, #tpu.memory_space<vmem>>
    %dma_start3A_107 = tpu.memref_slice %arg4[%add3A_90] : memref<4000000xf32, #tpu.memory_space<hbm>> -> memref<12504xf32, #tpu.memory_space<hbm>>
    tpu.enqueue_dma source(%dma_start3A_107 : memref<12504xf32, #tpu.memory_space<hbm>>) target(%dma_start3A_106 : memref<12504xf32, #tpu.memory_space<vmem>>) target_semaphore(%arg15 : memref<!tpu.dma_semaphore, #tpu.memory_space<semaphore_mem>>)
    %add3A_108 = arith.constant 12504 : i32
    %add3A_109 = arith.addi %mul3A_2, %add3A_108 : i32
    %dma_start3A_110 = arith.constant 0 : i32
    %dma_start3A_111 = tpu.memref_slice %arg8[%dma_start3A_110] : memref<12544xi32, #tpu.memory_space<vmem>> -> memref<12504xi32, #tpu.memory_space<vmem>>
    %dma_start3A_112 = tpu.memref_slice %arg2[%add3A_109] : memref<4000000xi32, #tpu.memory_space<hbm>> -> memref<12504xi32, #tpu.memory_space<hbm>>
    %dma_start3A_113 = arith.constant 0 : i32
    %dma_start3A_114 = tpu.memref_slice %arg8[%dma_start3A_113] : memref<12544xi32, #tpu.memory_space<vmem>> -> memref<12504xi32, #tpu.memory_space<vmem>>
    %dma_start3A_115 = tpu.memref_slice %arg2[%add3A_109] : memref<4000000xi32, #tpu.memory_space<hbm>> -> memref<12504xi32, #tpu.memory_space<hbm>>
    tpu.enqueue_dma source(%dma_start3A_115 : memref<12504xi32, #tpu.memory_space<hbm>>) target(%dma_start3A_114 : memref<12504xi32, #tpu.memory_space<vmem>>) target_semaphore(%arg16 : memref<!tpu.dma_semaphore, #tpu.memory_space<semaphore_mem>>)
    %dma_start3A_116 = arith.constant 0 : i32
    %dma_start3A_117 = tpu.memref_slice %arg10[%dma_start3A_116] : memref<12544xi32, #tpu.memory_space<vmem>> -> memref<12504xi32, #tpu.memory_space<vmem>>
    %dma_start3A_118 = tpu.memref_slice %arg3[%add3A_109] : memref<4000000xi32, #tpu.memory_space<hbm>> -> memref<12504xi32, #tpu.memory_space<hbm>>
    %dma_start3A_119 = arith.constant 0 : i32
    %dma_start3A_120 = tpu.memref_slice %arg10[%dma_start3A_119] : memref<12544xi32, #tpu.memory_space<vmem>> -> memref<12504xi32, #tpu.memory_space<vmem>>
    %dma_start3A_121 = tpu.memref_slice %arg3[%add3A_109] : memref<4000000xi32, #tpu.memory_space<hbm>> -> memref<12504xi32, #tpu.memory_space<hbm>>
    tpu.enqueue_dma source(%dma_start3A_121 : memref<12504xi32, #tpu.memory_space<hbm>>) target(%dma_start3A_120 : memref<12504xi32, #tpu.memory_space<vmem>>) target_semaphore(%arg16 : memref<!tpu.dma_semaphore, #tpu.memory_space<semaphore_mem>>)
    %dma_start3A_122 = arith.constant 0 : i32
    %dma_start3A_123 = tpu.memref_slice %arg12[%dma_start3A_122] : memref<12544xf32, #tpu.memory_space<vmem>> -> memref<12504xf32, #tpu.memory_space<vmem>>
    %dma_start3A_124 = tpu.memref_slice %arg4[%add3A_109] : memref<4000000xf32, #tpu.memory_space<hbm>> -> memref<12504xf32, #tpu.memory_space<hbm>>
    %dma_start3A_125 = arith.constant 0 : i32
    %dma_start3A_126 = tpu.memref_slice %arg12[%dma_start3A_125] : memref<12544xf32, #tpu.memory_space<vmem>> -> memref<12504xf32, #tpu.memory_space<vmem>>
    %dma_start3A_127 = tpu.memref_slice %arg4[%add3A_109] : memref<4000000xf32, #tpu.memory_space<hbm>> -> memref<12504xf32, #tpu.memory_space<hbm>>
    tpu.enqueue_dma source(%dma_start3A_127 : memref<12504xf32, #tpu.memory_space<hbm>>) target(%dma_start3A_126 : memref<12504xf32, #tpu.memory_space<vmem>>) target_semaphore(%arg16 : memref<!tpu.dma_semaphore, #tpu.memory_space<semaphore_mem>>)
    %dma_wait3A = arith.constant 0 : i32
    %dma_wait3A_128 = tpu.memref_slice %arg7[%dma_wait3A] : memref<12544xi32, #tpu.memory_space<vmem>> -> memref<12504xi32, #tpu.memory_space<vmem>>
    %dma_wait3A_129 = tpu.memref_slice %arg2[%add3A_90] : memref<4000000xi32, #tpu.memory_space<hbm>> -> memref<12504xi32, #tpu.memory_space<hbm>>
    %dma_wait3A_130 = arith.constant 0 : i32
    %dma_wait3A_131 = tpu.memref_slice %arg7[%dma_wait3A_130] : memref<12544xi32, #tpu.memory_space<vmem>> -> memref<12504xi32, #tpu.memory_space<vmem>>
    %dma_wait3A_132 = tpu.memref_slice %arg2[%add3A_90] : memref<4000000xi32, #tpu.memory_space<hbm>> -> memref<12504xi32, #tpu.memory_space<hbm>>
    tpu.wait_dma2 semaphore(%arg15 : memref<!tpu.dma_semaphore, #tpu.memory_space<semaphore_mem>>) src(%dma_wait3A_132 : memref<12504xi32, #tpu.memory_space<hbm>>) dst(%dma_wait3A_131 : memref<12504xi32, #tpu.memory_space<vmem>>)
    %dma_wait3A_133 = arith.constant 0 : i32
    %dma_wait3A_134 = tpu.memref_slice %arg9[%dma_wait3A_133] : memref<12544xi32, #tpu.memory_space<vmem>> -> memref<12504xi32, #tpu.memory_space<vmem>>
    %dma_wait3A_135 = tpu.memref_slice %arg3[%add3A_90] : memref<4000000xi32, #tpu.memory_space<hbm>> -> memref<12504xi32, #tpu.memory_space<hbm>>
    %dma_wait3A_136 = arith.constant 0 : i32
    %dma_wait3A_137 = tpu.memref_slice %arg9[%dma_wait3A_136] : memref<12544xi32, #tpu.memory_space<vmem>> -> memref<12504xi32, #tpu.memory_space<vmem>>
    %dma_wait3A_138 = tpu.memref_slice %arg3[%add3A_90] : memref<4000000xi32, #tpu.memory_space<hbm>> -> memref<12504xi32, #tpu.memory_space<hbm>>
    tpu.wait_dma2 semaphore(%arg15 : memref<!tpu.dma_semaphore, #tpu.memory_space<semaphore_mem>>) src(%dma_wait3A_138 : memref<12504xi32, #tpu.memory_space<hbm>>) dst(%dma_wait3A_137 : memref<12504xi32, #tpu.memory_space<vmem>>)
    %dma_wait3A_139 = arith.constant 0 : i32
    %dma_wait3A_140 = tpu.memref_slice %arg11[%dma_wait3A_139] : memref<12544xf32, #tpu.memory_space<vmem>> -> memref<12504xf32, #tpu.memory_space<vmem>>
    %dma_wait3A_141 = tpu.memref_slice %arg4[%add3A_90] : memref<4000000xf32, #tpu.memory_space<hbm>> -> memref<12504xf32, #tpu.memory_space<hbm>>
    %dma_wait3A_142 = arith.constant 0 : i32
    %dma_wait3A_143 = tpu.memref_slice %arg11[%dma_wait3A_142] : memref<12544xf32, #tpu.memory_space<vmem>> -> memref<12504xf32, #tpu.memory_space<vmem>>
    %dma_wait3A_144 = tpu.memref_slice %arg4[%add3A_90] : memref<4000000xf32, #tpu.memory_space<hbm>> -> memref<12504xf32, #tpu.memory_space<hbm>>
    tpu.wait_dma2 semaphore(%arg15 : memref<!tpu.dma_semaphore, #tpu.memory_space<semaphore_mem>>) src(%dma_wait3A_144 : memref<12504xf32, #tpu.memory_space<hbm>>) dst(%dma_wait3A_143 : memref<12504xf32, #tpu.memory_space<vmem>>)
    %parallel_loop3A = arith.constant 0 : i32
    %parallel_loop3A_145 = arith.constant 784 : i32
    %parallel_loop3A_146 = arith.constant 1 : i32
    %parallel_loop3A_147 = arith.constant 1.500000e+01 : f32
    %parallel_loop3A_148 = arith.constant 0.0666666701 : f32
    scf.for %parallel_loop3A_530 = %parallel_loop3A to %parallel_loop3A_145 step %parallel_loop3A_146  : i32 {
      %parallel_loop3A_531 = arith.constant 16 : i32
      %parallel_loop3A_532 = arith.muli %parallel_loop3A_530, %parallel_loop3A_531 : i32
      %parallel_loop3A_533 = arith.index_cast %parallel_loop3A_532 : i32 to index
      %parallel_loop3A_534 = tpu.vector_load %arg11[%parallel_loop3A_533] {strides = array<i32>} : memref<12544xf32, #tpu.memory_space<vmem>>, vector<16xf32>,
      %parallel_loop3A_535 = arith.index_cast %parallel_loop3A_532 : i32 to index
      %parallel_loop3A_536 = tpu.vector_load %arg7[%parallel_loop3A_535] {strides = array<i32>} : memref<12544xi32, #tpu.memory_space<vmem>>, vector<16xi32>,
      %parallel_loop3A_537 = arith.index_cast %parallel_loop3A_532 : i32 to index
      %parallel_loop3A_538 = tpu.vector_load %arg9[%parallel_loop3A_537] {strides = array<i32>} : memref<12544xi32, #tpu.memory_space<vmem>>, vector<16xi32>,
      %parallel_loop3A_539 = vector.broadcast %parallel_loop3A_147 : f32 to vector<16xf32>
      %parallel_loop3A_540 = arith.mulf %parallel_loop3A_534, %parallel_loop3A_539 : vector<16xf32>
      %parallel_loop3A_541 = arith.fptosi %parallel_loop3A_540 : vector<16xf32> to vector<16xi32>
      %parallel_loop3A_542 = arith.sitofp %parallel_loop3A_541 : vector<16xi32> to vector<16xf32>
      %parallel_loop3A_543 = vector.broadcast %parallel_loop3A_148 : f32 to vector<16xf32>
      %parallel_loop3A_544 = arith.mulf %parallel_loop3A_542, %parallel_loop3A_543 : vector<16xf32>
      %parallel_loop3A_545 = arith.constant 1.000000e+00 : f32
      %parallel_loop3A_546 = vector.broadcast %parallel_loop3A_545 : f32 to vector<16xf32>
      %parallel_loop3A_547 = arith.addf %parallel_loop3A_542, %parallel_loop3A_546 : vector<16xf32>
      %parallel_loop3A_548 = vector.broadcast %parallel_loop3A_148 : f32 to vector<16xf32>
      %parallel_loop3A_549 = arith.mulf %parallel_loop3A_547, %parallel_loop3A_548 : vector<16xf32>
      %parallel_loop3A_550 = arith.cmpf ole, %parallel_loop3A_534, %parallel_loop3A_544 : vector<16xf32>
      %parallel_loop3A_551 = arith.constant 1 : i32
      %parallel_loop3A_552 = arith.constant 0 : i32
      %parallel_loop3A_553 = vector.broadcast %parallel_loop3A_551 : i32 to vector<16xi32>
      %parallel_loop3A_554 = vector.broadcast %parallel_loop3A_552 : i32 to vector<16xi32>
      %parallel_loop3A_555 = arith.select %parallel_loop3A_550, %parallel_loop3A_553, %parallel_loop3A_554 : vector<16xi1>, vector<16xi32>
      %parallel_loop3A_556 = arith.subi %parallel_loop3A_541, %parallel_loop3A_555 : vector<16xi32>
      %parallel_loop3A_557 = arith.cmpf ogt, %parallel_loop3A_534, %parallel_loop3A_549 : vector<16xf32>
      %parallel_loop3A_558 = arith.constant 2 : i32
      %parallel_loop3A_559 = arith.constant 1 : i32
      %parallel_loop3A_560 = vector.broadcast %parallel_loop3A_558 : i32 to vector<16xi32>
      %parallel_loop3A_561 = vector.broadcast %parallel_loop3A_559 : i32 to vector<16xi32>
      %parallel_loop3A_562 = arith.select %parallel_loop3A_557, %parallel_loop3A_560, %parallel_loop3A_561 : vector<16xi1>, vector<16xi32>
      %parallel_loop3A_563 = arith.addi %parallel_loop3A_556, %parallel_loop3A_562 : vector<16xi32>
      %parallel_loop3A_564 = arith.constant 16 : i32
      %parallel_loop3A_565 = vector.broadcast %parallel_loop3A_564 : i32 to vector<16xi32>
      %parallel_loop3A_566 = arith.muli %parallel_loop3A_563, %parallel_loop3A_565 : vector<16xi32>
      %parallel_loop3A_567 = arith.addi %parallel_loop3A_566, %iota3A : vector<16xi32>
      %parallel_loop3A_568 = arith.cmpi eq, %parallel_loop3A_536, %parallel_loop3A_538 : vector<16xi32>
      %parallel_loop3A_569 = arith.constant 65537 : i32
      %parallel_loop3A_570 = arith.constant 1 : i32
      %parallel_loop3A_571 = vector.broadcast %parallel_loop3A_569 : i32 to vector<16xi32>
      %parallel_loop3A_572 = vector.broadcast %parallel_loop3A_570 : i32 to vector<16xi32>
      %parallel_loop3A_573 = arith.select %parallel_loop3A_568, %parallel_loop3A_571, %parallel_loop3A_572 : vector<16xi1>, vector<16xi32>
      tpu.vector_store_idx %arg13[%parallel_loop3A_567], %parallel_loop3A_573 {add = true} : memref<288xi32, #tpu.memory_space<vmem>>[vector<16xi32>], vector<16xi32>,
      tpu.vector_store_idx %arg14[%parallel_loop3A_567], %parallel_loop3A_534 {add = true} : memref<288xf32, #tpu.memory_space<vmem>>[vector<16xi32>], vector<16xf32>,
    } {sc.loop_unroll_factor = 8 : i64, sc.parallel_access}
    %add3A_149 = arith.constant 25008 : i32
    %add3A_150 = arith.addi %mul3A_2, %add3A_149 : i32
    %dma_start3A_151 = arith.constant 0 : i32
    %dma_start3A_152 = tpu.memref_slice %arg7[%dma_start3A_151] : memref<12544xi32, #tpu.memory_space<vmem>> -> memref<12504xi32, #tpu.memory_space<vmem>>
    %dma_start3A_153 = tpu.memref_slice %arg2[%add3A_150] : memref<4000000xi32, #tpu.memory_space<hbm>> -> memref<12504xi32, #tpu.memory_space<hbm>>
    %dma_start3A_154 = arith.constant 0 : i32
    %dma_start3A_155 = tpu.memref_slice %arg7[%dma_start3A_154] : memref<12544xi32, #tpu.memory_space<vmem>> -> memref<12504xi32, #tpu.memory_space<vmem>>
    %dma_start3A_156 = tpu.memref_slice %arg2[%add3A_150] : memref<4000000xi32, #tpu.memory_space<hbm>> -> memref<12504xi32, #tpu.memory_space<hbm>>
    tpu.enqueue_dma source(%dma_start3A_156 : memref<12504xi32, #tpu.memory_space<hbm>>) target(%dma_start3A_155 : memref<12504xi32, #tpu.memory_space<vmem>>) target_semaphore(%arg15 : memref<!tpu.dma_semaphore, #tpu.memory_space<semaphore_mem>>)
    %dma_start3A_157 = arith.constant 0 : i32
    %dma_start3A_158 = tpu.memref_slice %arg9[%dma_start3A_157] : memref<12544xi32, #tpu.memory_space<vmem>> -> memref<12504xi32, #tpu.memory_space<vmem>>
    %dma_start3A_159 = tpu.memref_slice %arg3[%add3A_150] : memref<4000000xi32, #tpu.memory_space<hbm>> -> memref<12504xi32, #tpu.memory_space<hbm>>
    %dma_start3A_160 = arith.constant 0 : i32
    %dma_start3A_161 = tpu.memref_slice %arg9[%dma_start3A_160] : memref<12544xi32, #tpu.memory_space<vmem>> -> memref<12504xi32, #tpu.memory_space<vmem>>
    %dma_start3A_162 = tpu.memref_slice %arg3[%add3A_150] : memref<4000000xi32, #tpu.memory_space<hbm>> -> memref<12504xi32, #tpu.memory_space<hbm>>
    tpu.enqueue_dma source(%dma_start3A_162 : memref<12504xi32, #tpu.memory_space<hbm>>) target(%dma_start3A_161 : memref<12504xi32, #tpu.memory_space<vmem>>) target_semaphore(%arg15 : memref<!tpu.dma_semaphore, #tpu.memory_space<semaphore_mem>>)
    %dma_start3A_163 = arith.constant 0 : i32
    %dma_start3A_164 = tpu.memref_slice %arg11[%dma_start3A_163] : memref<12544xf32, #tpu.memory_space<vmem>> -> memref<12504xf32, #tpu.memory_space<vmem>>
    %dma_start3A_165 = tpu.memref_slice %arg4[%add3A_150] : memref<4000000xf32, #tpu.memory_space<hbm>> -> memref<12504xf32, #tpu.memory_space<hbm>>
    %dma_start3A_166 = arith.constant 0 : i32
    %dma_start3A_167 = tpu.memref_slice %arg11[%dma_start3A_166] : memref<12544xf32, #tpu.memory_space<vmem>> -> memref<12504xf32, #tpu.memory_space<vmem>>
    %dma_start3A_168 = tpu.memref_slice %arg4[%add3A_150] : memref<4000000xf32, #tpu.memory_space<hbm>> -> memref<12504xf32, #tpu.memory_space<hbm>>
    tpu.enqueue_dma source(%dma_start3A_168 : memref<12504xf32, #tpu.memory_space<hbm>>) target(%dma_start3A_167 : memref<12504xf32, #tpu.memory_space<vmem>>) target_semaphore(%arg15 : memref<!tpu.dma_semaphore, #tpu.memory_space<semaphore_mem>>)
    %dma_wait3A_169 = arith.constant 0 : i32
    %dma_wait3A_170 = tpu.memref_slice %arg8[%dma_wait3A_169] : memref<12544xi32, #tpu.memory_space<vmem>> -> memref<12504xi32, #tpu.memory_space<vmem>>
    %dma_wait3A_171 = tpu.memref_slice %arg2[%add3A_109] : memref<4000000xi32, #tpu.memory_space<hbm>> -> memref<12504xi32, #tpu.memory_space<hbm>>
    %dma_wait3A_172 = arith.constant 0 : i32
    %dma_wait3A_173 = tpu.memref_slice %arg8[%dma_wait3A_172] : memref<12544xi32, #tpu.memory_space<vmem>> -> memref<12504xi32, #tpu.memory_space<vmem>>
    %dma_wait3A_174 = tpu.memref_slice %arg2[%add3A_109] : memref<4000000xi32, #tpu.memory_space<hbm>> -> memref<12504xi32, #tpu.memory_space<hbm>>
    tpu.wait_dma2 semaphore(%arg16 : memref<!tpu.dma_semaphore, #tpu.memory_space<semaphore_mem>>) src(%dma_wait3A_174 : memref<12504xi32, #tpu.memory_space<hbm>>) dst(%dma_wait3A_173 : memref<12504xi32, #tpu.memory_space<vmem>>)
    %dma_wait3A_175 = arith.constant 0 : i32
    %dma_wait3A_176 = tpu.memref_slice %arg10[%dma_wait3A_175] : memref<12544xi32, #tpu.memory_space<vmem>> -> memref<12504xi32, #tpu.memory_space<vmem>>
    %dma_wait3A_177 = tpu.memref_slice %arg3[%add3A_109] : memref<4000000xi32, #tpu.memory_space<hbm>> -> memref<12504xi32, #tpu.memory_space<hbm>>
    %dma_wait3A_178 = arith.constant 0 : i32
    %dma_wait3A_179 = tpu.memref_slice %arg10[%dma_wait3A_178] : memref<12544xi32, #tpu.memory_space<vmem>> -> memref<12504xi32, #tpu.memory_space<vmem>>
    %dma_wait3A_180 = tpu.memref_slice %arg3[%add3A_109] : memref<4000000xi32, #tpu.memory_space<hbm>> -> memref<12504xi32, #tpu.memory_space<hbm>>
    tpu.wait_dma2 semaphore(%arg16 : memref<!tpu.dma_semaphore, #tpu.memory_space<semaphore_mem>>) src(%dma_wait3A_180 : memref<12504xi32, #tpu.memory_space<hbm>>) dst(%dma_wait3A_179 : memref<12504xi32, #tpu.memory_space<vmem>>)
    %dma_wait3A_181 = arith.constant 0 : i32
    %dma_wait3A_182 = tpu.memref_slice %arg12[%dma_wait3A_181] : memref<12544xf32, #tpu.memory_space<vmem>> -> memref<12504xf32, #tpu.memory_space<vmem>>
    %dma_wait3A_183 = tpu.memref_slice %arg4[%add3A_109] : memref<4000000xf32, #tpu.memory_space<hbm>> -> memref<12504xf32, #tpu.memory_space<hbm>>
    %dma_wait3A_184 = arith.constant 0 : i32
    %dma_wait3A_185 = tpu.memref_slice %arg12[%dma_wait3A_184] : memref<12544xf32, #tpu.memory_space<vmem>> -> memref<12504xf32, #tpu.memory_space<vmem>>
    %dma_wait3A_186 = tpu.memref_slice %arg4[%add3A_109] : memref<4000000xf32, #tpu.memory_space<hbm>> -> memref<12504xf32, #tpu.memory_space<hbm>>
    tpu.wait_dma2 semaphore(%arg16 : memref<!tpu.dma_semaphore, #tpu.memory_space<semaphore_mem>>) src(%dma_wait3A_186 : memref<12504xf32, #tpu.memory_space<hbm>>) dst(%dma_wait3A_185 : memref<12504xf32, #tpu.memory_space<vmem>>)
    %parallel_loop3A_187 = arith.constant 0 : i32
    %parallel_loop3A_188 = arith.constant 784 : i32
    %parallel_loop3A_189 = arith.constant 1 : i32
    %parallel_loop3A_190 = arith.constant 1.500000e+01 : f32
    %parallel_loop3A_191 = arith.constant 0.0666666701 : f32
    scf.for %parallel_loop3A_530 = %parallel_loop3A_187 to %parallel_loop3A_188 step %parallel_loop3A_189  : i32 {
      %parallel_loop3A_531 = arith.constant 16 : i32
      %parallel_loop3A_532 = arith.muli %parallel_loop3A_530, %parallel_loop3A_531 : i32
      %parallel_loop3A_533 = arith.index_cast %parallel_loop3A_532 : i32 to index
      %parallel_loop3A_534 = tpu.vector_load %arg12[%parallel_loop3A_533] {strides = array<i32>} : memref<12544xf32, #tpu.memory_space<vmem>>, vector<16xf32>,
      %parallel_loop3A_535 = arith.index_cast %parallel_loop3A_532 : i32 to index
      %parallel_loop3A_536 = tpu.vector_load %arg8[%parallel_loop3A_535] {strides = array<i32>} : memref<12544xi32, #tpu.memory_space<vmem>>, vector<16xi32>,
      %parallel_loop3A_537 = arith.index_cast %parallel_loop3A_532 : i32 to index
      %parallel_loop3A_538 = tpu.vector_load %arg10[%parallel_loop3A_537] {strides = array<i32>} : memref<12544xi32, #tpu.memory_space<vmem>>, vector<16xi32>,
      %parallel_loop3A_539 = vector.broadcast %parallel_loop3A_190 : f32 to vector<16xf32>
      %parallel_loop3A_540 = arith.mulf %parallel_loop3A_534, %parallel_loop3A_539 : vector<16xf32>
      %parallel_loop3A_541 = arith.fptosi %parallel_loop3A_540 : vector<16xf32> to vector<16xi32>
      %parallel_loop3A_542 = arith.sitofp %parallel_loop3A_541 : vector<16xi32> to vector<16xf32>
      %parallel_loop3A_543 = vector.broadcast %parallel_loop3A_191 : f32 to vector<16xf32>
      %parallel_loop3A_544 = arith.mulf %parallel_loop3A_542, %parallel_loop3A_543 : vector<16xf32>
      %parallel_loop3A_545 = arith.constant 1.000000e+00 : f32
      %parallel_loop3A_546 = vector.broadcast %parallel_loop3A_545 : f32 to vector<16xf32>
      %parallel_loop3A_547 = arith.addf %parallel_loop3A_542, %parallel_loop3A_546 : vector<16xf32>
      %parallel_loop3A_548 = vector.broadcast %parallel_loop3A_191 : f32 to vector<16xf32>
      %parallel_loop3A_549 = arith.mulf %parallel_loop3A_547, %parallel_loop3A_548 : vector<16xf32>
      %parallel_loop3A_550 = arith.cmpf ole, %parallel_loop3A_534, %parallel_loop3A_544 : vector<16xf32>
      %parallel_loop3A_551 = arith.constant 1 : i32
      %parallel_loop3A_552 = arith.constant 0 : i32
      %parallel_loop3A_553 = vector.broadcast %parallel_loop3A_551 : i32 to vector<16xi32>
      %parallel_loop3A_554 = vector.broadcast %parallel_loop3A_552 : i32 to vector<16xi32>
      %parallel_loop3A_555 = arith.select %parallel_loop3A_550, %parallel_loop3A_553, %parallel_loop3A_554 : vector<16xi1>, vector<16xi32>
      %parallel_loop3A_556 = arith.subi %parallel_loop3A_541, %parallel_loop3A_555 : vector<16xi32>
      %parallel_loop3A_557 = arith.cmpf ogt, %parallel_loop3A_534, %parallel_loop3A_549 : vector<16xf32>
      %parallel_loop3A_558 = arith.constant 2 : i32
      %parallel_loop3A_559 = arith.constant 1 : i32
      %parallel_loop3A_560 = vector.broadcast %parallel_loop3A_558 : i32 to vector<16xi32>
      %parallel_loop3A_561 = vector.broadcast %parallel_loop3A_559 : i32 to vector<16xi32>
      %parallel_loop3A_562 = arith.select %parallel_loop3A_557, %parallel_loop3A_560, %parallel_loop3A_561 : vector<16xi1>, vector<16xi32>
      %parallel_loop3A_563 = arith.addi %parallel_loop3A_556, %parallel_loop3A_562 : vector<16xi32>
      %parallel_loop3A_564 = arith.constant 16 : i32
      %parallel_loop3A_565 = vector.broadcast %parallel_loop3A_564 : i32 to vector<16xi32>
      %parallel_loop3A_566 = arith.muli %parallel_loop3A_563, %parallel_loop3A_565 : vector<16xi32>
      %parallel_loop3A_567 = arith.addi %parallel_loop3A_566, %iota3A : vector<16xi32>
      %parallel_loop3A_568 = arith.cmpi eq, %parallel_loop3A_536, %parallel_loop3A_538 : vector<16xi32>
      %parallel_loop3A_569 = arith.constant 65537 : i32
      %parallel_loop3A_570 = arith.constant 1 : i32
      %parallel_loop3A_571 = vector.broadcast %parallel_loop3A_569 : i32 to vector<16xi32>
      %parallel_loop3A_572 = vector.broadcast %parallel_loop3A_570 : i32 to vector<16xi32>
      %parallel_loop3A_573 = arith.select %parallel_loop3A_568, %parallel_loop3A_571, %parallel_loop3A_572 : vector<16xi1>, vector<16xi32>
      tpu.vector_store_idx %arg13[%parallel_loop3A_567], %parallel_loop3A_573 {add = true} : memref<288xi32, #tpu.memory_space<vmem>>[vector<16xi32>], vector<16xi32>,
      tpu.vector_store_idx %arg14[%parallel_loop3A_567], %parallel_loop3A_534 {add = true} : memref<288xf32, #tpu.memory_space<vmem>>[vector<16xi32>], vector<16xf32>,
    } {sc.loop_unroll_factor = 8 : i64, sc.parallel_access}
    %add3A_192 = arith.constant 37512 : i32
    %add3A_193 = arith.addi %mul3A_2, %add3A_192 : i32
    %dma_start3A_194 = arith.constant 0 : i32
    %dma_start3A_195 = tpu.memref_slice %arg8[%dma_start3A_194] : memref<12544xi32, #tpu.memory_space<vmem>> -> memref<12504xi32, #tpu.memory_space<vmem>>
    %dma_start3A_196 = tpu.memref_slice %arg2[%add3A_193] : memref<4000000xi32, #tpu.memory_space<hbm>> -> memref<12504xi32, #tpu.memory_space<hbm>>
    %dma_start3A_197 = arith.constant 0 : i32
    %dma_start3A_198 = tpu.memref_slice %arg8[%dma_start3A_197] : memref<12544xi32, #tpu.memory_space<vmem>> -> memref<12504xi32, #tpu.memory_space<vmem>>
    %dma_start3A_199 = tpu.memref_slice %arg2[%add3A_193] : memref<4000000xi32, #tpu.memory_space<hbm>> -> memref<12504xi32, #tpu.memory_space<hbm>>
    tpu.enqueue_dma source(%dma_start3A_199 : memref<12504xi32, #tpu.memory_space<hbm>>) target(%dma_start3A_198 : memref<12504xi32, #tpu.memory_space<vmem>>) target_semaphore(%arg16 : memref<!tpu.dma_semaphore, #tpu.memory_space<semaphore_mem>>)
    %dma_start3A_200 = arith.constant 0 : i32
    %dma_start3A_201 = tpu.memref_slice %arg10[%dma_start3A_200] : memref<12544xi32, #tpu.memory_space<vmem>> -> memref<12504xi32, #tpu.memory_space<vmem>>
    %dma_start3A_202 = tpu.memref_slice %arg3[%add3A_193] : memref<4000000xi32, #tpu.memory_space<hbm>> -> memref<12504xi32, #tpu.memory_space<hbm>>
    %dma_start3A_203 = arith.constant 0 : i32
    %dma_start3A_204 = tpu.memref_slice %arg10[%dma_start3A_203] : memref<12544xi32, #tpu.memory_space<vmem>> -> memref<12504xi32, #tpu.memory_space<vmem>>
    %dma_start3A_205 = tpu.memref_slice %arg3[%add3A_193] : memref<4000000xi32, #tpu.memory_space<hbm>> -> memref<12504xi32, #tpu.memory_space<hbm>>
    tpu.enqueue_dma source(%dma_start3A_205 : memref<12504xi32, #tpu.memory_space<hbm>>) target(%dma_start3A_204 : memref<12504xi32, #tpu.memory_space<vmem>>) target_semaphore(%arg16 : memref<!tpu.dma_semaphore, #tpu.memory_space<semaphore_mem>>)
    %dma_start3A_206 = arith.constant 0 : i32
    %dma_start3A_207 = tpu.memref_slice %arg12[%dma_start3A_206] : memref<12544xf32, #tpu.memory_space<vmem>> -> memref<12504xf32, #tpu.memory_space<vmem>>
    %dma_start3A_208 = tpu.memref_slice %arg4[%add3A_193] : memref<4000000xf32, #tpu.memory_space<hbm>> -> memref<12504xf32, #tpu.memory_space<hbm>>
    %dma_start3A_209 = arith.constant 0 : i32
    %dma_start3A_210 = tpu.memref_slice %arg12[%dma_start3A_209] : memref<12544xf32, #tpu.memory_space<vmem>> -> memref<12504xf32, #tpu.memory_space<vmem>>
    %dma_start3A_211 = tpu.memref_slice %arg4[%add3A_193] : memref<4000000xf32, #tpu.memory_space<hbm>> -> memref<12504xf32, #tpu.memory_space<hbm>>
    tpu.enqueue_dma source(%dma_start3A_211 : memref<12504xf32, #tpu.memory_space<hbm>>) target(%dma_start3A_210 : memref<12504xf32, #tpu.memory_space<vmem>>) target_semaphore(%arg16 : memref<!tpu.dma_semaphore, #tpu.memory_space<semaphore_mem>>)
    %dma_wait3A_212 = arith.constant 0 : i32
    %dma_wait3A_213 = tpu.memref_slice %arg7[%dma_wait3A_212] : memref<12544xi32, #tpu.memory_space<vmem>> -> memref<12504xi32, #tpu.memory_space<vmem>>
    %dma_wait3A_214 = tpu.memref_slice %arg2[%add3A_150] : memref<4000000xi32, #tpu.memory_space<hbm>> -> memref<12504xi32, #tpu.memory_space<hbm>>
    %dma_wait3A_215 = arith.constant 0 : i32
    %dma_wait3A_216 = tpu.memref_slice %arg7[%dma_wait3A_215] : memref<12544xi32, #tpu.memory_space<vmem>> -> memref<12504xi32, #tpu.memory_space<vmem>>
    %dma_wait3A_217 = tpu.memref_slice %arg2[%add3A_150] : memref<4000000xi32, #tpu.memory_space<hbm>> -> memref<12504xi32, #tpu.memory_space<hbm>>
    tpu.wait_dma2 semaphore(%arg15 : memref<!tpu.dma_semaphore, #tpu.memory_space<semaphore_mem>>) src(%dma_wait3A_217 : memref<12504xi32, #tpu.memory_space<hbm>>) dst(%dma_wait3A_216 : memref<12504xi32, #tpu.memory_space<vmem>>)
    %dma_wait3A_218 = arith.constant 0 : i32
    %dma_wait3A_219 = tpu.memref_slice %arg9[%dma_wait3A_218] : memref<12544xi32, #tpu.memory_space<vmem>> -> memref<12504xi32, #tpu.memory_space<vmem>>
    %dma_wait3A_220 = tpu.memref_slice %arg3[%add3A_150] : memref<4000000xi32, #tpu.memory_space<hbm>> -> memref<12504xi32, #tpu.memory_space<hbm>>
    %dma_wait3A_221 = arith.constant 0 : i32
    %dma_wait3A_222 = tpu.memref_slice %arg9[%dma_wait3A_221] : memref<12544xi32, #tpu.memory_space<vmem>> -> memref<12504xi32, #tpu.memory_space<vmem>>
    %dma_wait3A_223 = tpu.memref_slice %arg3[%add3A_150] : memref<4000000xi32, #tpu.memory_space<hbm>> -> memref<12504xi32, #tpu.memory_space<hbm>>
    tpu.wait_dma2 semaphore(%arg15 : memref<!tpu.dma_semaphore, #tpu.memory_space<semaphore_mem>>) src(%dma_wait3A_223 : memref<12504xi32, #tpu.memory_space<hbm>>) dst(%dma_wait3A_222 : memref<12504xi32, #tpu.memory_space<vmem>>)
    %dma_wait3A_224 = arith.constant 0 : i32
    %dma_wait3A_225 = tpu.memref_slice %arg11[%dma_wait3A_224] : memref<12544xf32, #tpu.memory_space<vmem>> -> memref<12504xf32, #tpu.memory_space<vmem>>
    %dma_wait3A_226 = tpu.memref_slice %arg4[%add3A_150] : memref<4000000xf32, #tpu.memory_space<hbm>> -> memref<12504xf32, #tpu.memory_space<hbm>>
    %dma_wait3A_227 = arith.constant 0 : i32
    %dma_wait3A_228 = tpu.memref_slice %arg11[%dma_wait3A_227] : memref<12544xf32, #tpu.memory_space<vmem>> -> memref<12504xf32, #tpu.memory_space<vmem>>
    %dma_wait3A_229 = tpu.memref_slice %arg4[%add3A_150] : memref<4000000xf32, #tpu.memory_space<hbm>> -> memref<12504xf32, #tpu.memory_space<hbm>>
    tpu.wait_dma2 semaphore(%arg15 : memref<!tpu.dma_semaphore, #tpu.memory_space<semaphore_mem>>) src(%dma_wait3A_229 : memref<12504xf32, #tpu.memory_space<hbm>>) dst(%dma_wait3A_228 : memref<12504xf32, #tpu.memory_space<vmem>>)
    %parallel_loop3A_230 = arith.constant 0 : i32
    %parallel_loop3A_231 = arith.constant 784 : i32
    %parallel_loop3A_232 = arith.constant 1 : i32
    %parallel_loop3A_233 = arith.constant 1.500000e+01 : f32
    %parallel_loop3A_234 = arith.constant 0.0666666701 : f32
    scf.for %parallel_loop3A_530 = %parallel_loop3A_230 to %parallel_loop3A_231 step %parallel_loop3A_232  : i32 {
      %parallel_loop3A_531 = arith.constant 16 : i32
      %parallel_loop3A_532 = arith.muli %parallel_loop3A_530, %parallel_loop3A_531 : i32
      %parallel_loop3A_533 = arith.index_cast %parallel_loop3A_532 : i32 to index
      %parallel_loop3A_534 = tpu.vector_load %arg11[%parallel_loop3A_533] {strides = array<i32>} : memref<12544xf32, #tpu.memory_space<vmem>>, vector<16xf32>,
      %parallel_loop3A_535 = arith.index_cast %parallel_loop3A_532 : i32 to index
      %parallel_loop3A_536 = tpu.vector_load %arg7[%parallel_loop3A_535] {strides = array<i32>} : memref<12544xi32, #tpu.memory_space<vmem>>, vector<16xi32>,
      %parallel_loop3A_537 = arith.index_cast %parallel_loop3A_532 : i32 to index
      %parallel_loop3A_538 = tpu.vector_load %arg9[%parallel_loop3A_537] {strides = array<i32>} : memref<12544xi32, #tpu.memory_space<vmem>>, vector<16xi32>,
      %parallel_loop3A_539 = vector.broadcast %parallel_loop3A_233 : f32 to vector<16xf32>
      %parallel_loop3A_540 = arith.mulf %parallel_loop3A_534, %parallel_loop3A_539 : vector<16xf32>
      %parallel_loop3A_541 = arith.fptosi %parallel_loop3A_540 : vector<16xf32> to vector<16xi32>
      %parallel_loop3A_542 = arith.sitofp %parallel_loop3A_541 : vector<16xi32> to vector<16xf32>
      %parallel_loop3A_543 = vector.broadcast %parallel_loop3A_234 : f32 to vector<16xf32>
      %parallel_loop3A_544 = arith.mulf %parallel_loop3A_542, %parallel_loop3A_543 : vector<16xf32>
      %parallel_loop3A_545 = arith.constant 1.000000e+00 : f32
      %parallel_loop3A_546 = vector.broadcast %parallel_loop3A_545 : f32 to vector<16xf32>
      %parallel_loop3A_547 = arith.addf %parallel_loop3A_542, %parallel_loop3A_546 : vector<16xf32>
      %parallel_loop3A_548 = vector.broadcast %parallel_loop3A_234 : f32 to vector<16xf32>
      %parallel_loop3A_549 = arith.mulf %parallel_loop3A_547, %parallel_loop3A_548 : vector<16xf32>
      %parallel_loop3A_550 = arith.cmpf ole, %parallel_loop3A_534, %parallel_loop3A_544 : vector<16xf32>
      %parallel_loop3A_551 = arith.constant 1 : i32
      %parallel_loop3A_552 = arith.constant 0 : i32
      %parallel_loop3A_553 = vector.broadcast %parallel_loop3A_551 : i32 to vector<16xi32>
      %parallel_loop3A_554 = vector.broadcast %parallel_loop3A_552 : i32 to vector<16xi32>
      %parallel_loop3A_555 = arith.select %parallel_loop3A_550, %parallel_loop3A_553, %parallel_loop3A_554 : vector<16xi1>, vector<16xi32>
      %parallel_loop3A_556 = arith.subi %parallel_loop3A_541, %parallel_loop3A_555 : vector<16xi32>
      %parallel_loop3A_557 = arith.cmpf ogt, %parallel_loop3A_534, %parallel_loop3A_549 : vector<16xf32>
      %parallel_loop3A_558 = arith.constant 2 : i32
      %parallel_loop3A_559 = arith.constant 1 : i32
      %parallel_loop3A_560 = vector.broadcast %parallel_loop3A_558 : i32 to vector<16xi32>
      %parallel_loop3A_561 = vector.broadcast %parallel_loop3A_559 : i32 to vector<16xi32>
      %parallel_loop3A_562 = arith.select %parallel_loop3A_557, %parallel_loop3A_560, %parallel_loop3A_561 : vector<16xi1>, vector<16xi32>
      %parallel_loop3A_563 = arith.addi %parallel_loop3A_556, %parallel_loop3A_562 : vector<16xi32>
      %parallel_loop3A_564 = arith.constant 16 : i32
      %parallel_loop3A_565 = vector.broadcast %parallel_loop3A_564 : i32 to vector<16xi32>
      %parallel_loop3A_566 = arith.muli %parallel_loop3A_563, %parallel_loop3A_565 : vector<16xi32>
      %parallel_loop3A_567 = arith.addi %parallel_loop3A_566, %iota3A : vector<16xi32>
      %parallel_loop3A_568 = arith.cmpi eq, %parallel_loop3A_536, %parallel_loop3A_538 : vector<16xi32>
      %parallel_loop3A_569 = arith.constant 65537 : i32
      %parallel_loop3A_570 = arith.constant 1 : i32
      %parallel_loop3A_571 = vector.broadcast %parallel_loop3A_569 : i32 to vector<16xi32>
      %parallel_loop3A_572 = vector.broadcast %parallel_loop3A_570 : i32 to vector<16xi32>
      %parallel_loop3A_573 = arith.select %parallel_loop3A_568, %parallel_loop3A_571, %parallel_loop3A_572 : vector<16xi1>, vector<16xi32>
      tpu.vector_store_idx %arg13[%parallel_loop3A_567], %parallel_loop3A_573 {add = true} : memref<288xi32, #tpu.memory_space<vmem>>[vector<16xi32>], vector<16xi32>,
      tpu.vector_store_idx %arg14[%parallel_loop3A_567], %parallel_loop3A_534 {add = true} : memref<288xf32, #tpu.memory_space<vmem>>[vector<16xi32>], vector<16xf32>,
    } {sc.loop_unroll_factor = 8 : i64, sc.parallel_access}
    %add3A_235 = arith.constant 50016 : i32
    %add3A_236 = arith.addi %mul3A_2, %add3A_235 : i32
    %dma_start3A_237 = arith.constant 0 : i32
    %dma_start3A_238 = tpu.memref_slice %arg7[%dma_start3A_237] : memref<12544xi32, #tpu.memory_space<vmem>> -> memref<12504xi32, #tpu.memory_space<vmem>>
    %dma_start3A_239 = tpu.memref_slice %arg2[%add3A_236] : memref<4000000xi32, #tpu.memory_space<hbm>> -> memref<12504xi32, #tpu.memory_space<hbm>>
    %dma_start3A_240 = arith.constant 0 : i32
    %dma_start3A_241 = tpu.memref_slice %arg7[%dma_start3A_240] : memref<12544xi32, #tpu.memory_space<vmem>> -> memref<12504xi32, #tpu.memory_space<vmem>>
    %dma_start3A_242 = tpu.memref_slice %arg2[%add3A_236] : memref<4000000xi32, #tpu.memory_space<hbm>> -> memref<12504xi32, #tpu.memory_space<hbm>>
    tpu.enqueue_dma source(%dma_start3A_242 : memref<12504xi32, #tpu.memory_space<hbm>>) target(%dma_start3A_241 : memref<12504xi32, #tpu.memory_space<vmem>>) target_semaphore(%arg15 : memref<!tpu.dma_semaphore, #tpu.memory_space<semaphore_mem>>)
    %dma_start3A_243 = arith.constant 0 : i32
    %dma_start3A_244 = tpu.memref_slice %arg9[%dma_start3A_243] : memref<12544xi32, #tpu.memory_space<vmem>> -> memref<12504xi32, #tpu.memory_space<vmem>>
    %dma_start3A_245 = tpu.memref_slice %arg3[%add3A_236] : memref<4000000xi32, #tpu.memory_space<hbm>> -> memref<12504xi32, #tpu.memory_space<hbm>>
    %dma_start3A_246 = arith.constant 0 : i32
    %dma_start3A_247 = tpu.memref_slice %arg9[%dma_start3A_246] : memref<12544xi32, #tpu.memory_space<vmem>> -> memref<12504xi32, #tpu.memory_space<vmem>>
    %dma_start3A_248 = tpu.memref_slice %arg3[%add3A_236] : memref<4000000xi32, #tpu.memory_space<hbm>> -> memref<12504xi32, #tpu.memory_space<hbm>>
    tpu.enqueue_dma source(%dma_start3A_248 : memref<12504xi32, #tpu.memory_space<hbm>>) target(%dma_start3A_247 : memref<12504xi32, #tpu.memory_space<vmem>>) target_semaphore(%arg15 : memref<!tpu.dma_semaphore, #tpu.memory_space<semaphore_mem>>)
    %dma_start3A_249 = arith.constant 0 : i32
    %dma_start3A_250 = tpu.memref_slice %arg11[%dma_start3A_249] : memref<12544xf32, #tpu.memory_space<vmem>> -> memref<12504xf32, #tpu.memory_space<vmem>>
    %dma_start3A_251 = tpu.memref_slice %arg4[%add3A_236] : memref<4000000xf32, #tpu.memory_space<hbm>> -> memref<12504xf32, #tpu.memory_space<hbm>>
    %dma_start3A_252 = arith.constant 0 : i32
    %dma_start3A_253 = tpu.memref_slice %arg11[%dma_start3A_252] : memref<12544xf32, #tpu.memory_space<vmem>> -> memref<12504xf32, #tpu.memory_space<vmem>>
    %dma_start3A_254 = tpu.memref_slice %arg4[%add3A_236] : memref<4000000xf32, #tpu.memory_space<hbm>> -> memref<12504xf32, #tpu.memory_space<hbm>>
    tpu.enqueue_dma source(%dma_start3A_254 : memref<12504xf32, #tpu.memory_space<hbm>>) target(%dma_start3A_253 : memref<12504xf32, #tpu.memory_space<vmem>>) target_semaphore(%arg15 : memref<!tpu.dma_semaphore, #tpu.memory_space<semaphore_mem>>)
    %dma_wait3A_255 = arith.constant 0 : i32
    %dma_wait3A_256 = tpu.memref_slice %arg8[%dma_wait3A_255] : memref<12544xi32, #tpu.memory_space<vmem>> -> memref<12504xi32, #tpu.memory_space<vmem>>
    %dma_wait3A_257 = tpu.memref_slice %arg2[%add3A_193] : memref<4000000xi32, #tpu.memory_space<hbm>> -> memref<12504xi32, #tpu.memory_space<hbm>>
    %dma_wait3A_258 = arith.constant 0 : i32
    %dma_wait3A_259 = tpu.memref_slice %arg8[%dma_wait3A_258] : memref<12544xi32, #tpu.memory_space<vmem>> -> memref<12504xi32, #tpu.memory_space<vmem>>
    %dma_wait3A_260 = tpu.memref_slice %arg2[%add3A_193] : memref<4000000xi32, #tpu.memory_space<hbm>> -> memref<12504xi32, #tpu.memory_space<hbm>>
    tpu.wait_dma2 semaphore(%arg16 : memref<!tpu.dma_semaphore, #tpu.memory_space<semaphore_mem>>) src(%dma_wait3A_260 : memref<12504xi32, #tpu.memory_space<hbm>>) dst(%dma_wait3A_259 : memref<12504xi32, #tpu.memory_space<vmem>>)
    %dma_wait3A_261 = arith.constant 0 : i32
    %dma_wait3A_262 = tpu.memref_slice %arg10[%dma_wait3A_261] : memref<12544xi32, #tpu.memory_space<vmem>> -> memref<12504xi32, #tpu.memory_space<vmem>>
    %dma_wait3A_263 = tpu.memref_slice %arg3[%add3A_193] : memref<4000000xi32, #tpu.memory_space<hbm>> -> memref<12504xi32, #tpu.memory_space<hbm>>
    %dma_wait3A_264 = arith.constant 0 : i32
    %dma_wait3A_265 = tpu.memref_slice %arg10[%dma_wait3A_264] : memref<12544xi32, #tpu.memory_space<vmem>> -> memref<12504xi32, #tpu.memory_space<vmem>>
    %dma_wait3A_266 = tpu.memref_slice %arg3[%add3A_193] : memref<4000000xi32, #tpu.memory_space<hbm>> -> memref<12504xi32, #tpu.memory_space<hbm>>
    tpu.wait_dma2 semaphore(%arg16 : memref<!tpu.dma_semaphore, #tpu.memory_space<semaphore_mem>>) src(%dma_wait3A_266 : memref<12504xi32, #tpu.memory_space<hbm>>) dst(%dma_wait3A_265 : memref<12504xi32, #tpu.memory_space<vmem>>)
    %dma_wait3A_267 = arith.constant 0 : i32
    %dma_wait3A_268 = tpu.memref_slice %arg12[%dma_wait3A_267] : memref<12544xf32, #tpu.memory_space<vmem>> -> memref<12504xf32, #tpu.memory_space<vmem>>
    %dma_wait3A_269 = tpu.memref_slice %arg4[%add3A_193] : memref<4000000xf32, #tpu.memory_space<hbm>> -> memref<12504xf32, #tpu.memory_space<hbm>>
    %dma_wait3A_270 = arith.constant 0 : i32
    %dma_wait3A_271 = tpu.memref_slice %arg12[%dma_wait3A_270] : memref<12544xf32, #tpu.memory_space<vmem>> -> memref<12504xf32, #tpu.memory_space<vmem>>
    %dma_wait3A_272 = tpu.memref_slice %arg4[%add3A_193] : memref<4000000xf32, #tpu.memory_space<hbm>> -> memref<12504xf32, #tpu.memory_space<hbm>>
    tpu.wait_dma2 semaphore(%arg16 : memref<!tpu.dma_semaphore, #tpu.memory_space<semaphore_mem>>) src(%dma_wait3A_272 : memref<12504xf32, #tpu.memory_space<hbm>>) dst(%dma_wait3A_271 : memref<12504xf32, #tpu.memory_space<vmem>>)
    %parallel_loop3A_273 = arith.constant 0 : i32
    %parallel_loop3A_274 = arith.constant 784 : i32
    %parallel_loop3A_275 = arith.constant 1 : i32
    %parallel_loop3A_276 = arith.constant 1.500000e+01 : f32
    %parallel_loop3A_277 = arith.constant 0.0666666701 : f32
    scf.for %parallel_loop3A_530 = %parallel_loop3A_273 to %parallel_loop3A_274 step %parallel_loop3A_275  : i32 {
      %parallel_loop3A_531 = arith.constant 16 : i32
      %parallel_loop3A_532 = arith.muli %parallel_loop3A_530, %parallel_loop3A_531 : i32
      %parallel_loop3A_533 = arith.index_cast %parallel_loop3A_532 : i32 to index
      %parallel_loop3A_534 = tpu.vector_load %arg12[%parallel_loop3A_533] {strides = array<i32>} : memref<12544xf32, #tpu.memory_space<vmem>>, vector<16xf32>,
      %parallel_loop3A_535 = arith.index_cast %parallel_loop3A_532 : i32 to index
      %parallel_loop3A_536 = tpu.vector_load %arg8[%parallel_loop3A_535] {strides = array<i32>} : memref<12544xi32, #tpu.memory_space<vmem>>, vector<16xi32>,
      %parallel_loop3A_537 = arith.index_cast %parallel_loop3A_532 : i32 to index
      %parallel_loop3A_538 = tpu.vector_load %arg10[%parallel_loop3A_537] {strides = array<i32>} : memref<12544xi32, #tpu.memory_space<vmem>>, vector<16xi32>,
      %parallel_loop3A_539 = vector.broadcast %parallel_loop3A_276 : f32 to vector<16xf32>
      %parallel_loop3A_540 = arith.mulf %parallel_loop3A_534, %parallel_loop3A_539 : vector<16xf32>
      %parallel_loop3A_541 = arith.fptosi %parallel_loop3A_540 : vector<16xf32> to vector<16xi32>
      %parallel_loop3A_542 = arith.sitofp %parallel_loop3A_541 : vector<16xi32> to vector<16xf32>
      %parallel_loop3A_543 = vector.broadcast %parallel_loop3A_277 : f32 to vector<16xf32>
      %parallel_loop3A_544 = arith.mulf %parallel_loop3A_542, %parallel_loop3A_543 : vector<16xf32>
      %parallel_loop3A_545 = arith.constant 1.000000e+00 : f32
      %parallel_loop3A_546 = vector.broadcast %parallel_loop3A_545 : f32 to vector<16xf32>
      %parallel_loop3A_547 = arith.addf %parallel_loop3A_542, %parallel_loop3A_546 : vector<16xf32>
      %parallel_loop3A_548 = vector.broadcast %parallel_loop3A_277 : f32 to vector<16xf32>
      %parallel_loop3A_549 = arith.mulf %parallel_loop3A_547, %parallel_loop3A_548 : vector<16xf32>
      %parallel_loop3A_550 = arith.cmpf ole, %parallel_loop3A_534, %parallel_loop3A_544 : vector<16xf32>
      %parallel_loop3A_551 = arith.constant 1 : i32
      %parallel_loop3A_552 = arith.constant 0 : i32
      %parallel_loop3A_553 = vector.broadcast %parallel_loop3A_551 : i32 to vector<16xi32>
      %parallel_loop3A_554 = vector.broadcast %parallel_loop3A_552 : i32 to vector<16xi32>
      %parallel_loop3A_555 = arith.select %parallel_loop3A_550, %parallel_loop3A_553, %parallel_loop3A_554 : vector<16xi1>, vector<16xi32>
      %parallel_loop3A_556 = arith.subi %parallel_loop3A_541, %parallel_loop3A_555 : vector<16xi32>
      %parallel_loop3A_557 = arith.cmpf ogt, %parallel_loop3A_534, %parallel_loop3A_549 : vector<16xf32>
      %parallel_loop3A_558 = arith.constant 2 : i32
      %parallel_loop3A_559 = arith.constant 1 : i32
      %parallel_loop3A_560 = vector.broadcast %parallel_loop3A_558 : i32 to vector<16xi32>
      %parallel_loop3A_561 = vector.broadcast %parallel_loop3A_559 : i32 to vector<16xi32>
      %parallel_loop3A_562 = arith.select %parallel_loop3A_557, %parallel_loop3A_560, %parallel_loop3A_561 : vector<16xi1>, vector<16xi32>
      %parallel_loop3A_563 = arith.addi %parallel_loop3A_556, %parallel_loop3A_562 : vector<16xi32>
      %parallel_loop3A_564 = arith.constant 16 : i32
      %parallel_loop3A_565 = vector.broadcast %parallel_loop3A_564 : i32 to vector<16xi32>
      %parallel_loop3A_566 = arith.muli %parallel_loop3A_563, %parallel_loop3A_565 : vector<16xi32>
      %parallel_loop3A_567 = arith.addi %parallel_loop3A_566, %iota3A : vector<16xi32>
      %parallel_loop3A_568 = arith.cmpi eq, %parallel_loop3A_536, %parallel_loop3A_538 : vector<16xi32>
      %parallel_loop3A_569 = arith.constant 65537 : i32
      %parallel_loop3A_570 = arith.constant 1 : i32
      %parallel_loop3A_571 = vector.broadcast %parallel_loop3A_569 : i32 to vector<16xi32>
      %parallel_loop3A_572 = vector.broadcast %parallel_loop3A_570 : i32 to vector<16xi32>
      %parallel_loop3A_573 = arith.select %parallel_loop3A_568, %parallel_loop3A_571, %parallel_loop3A_572 : vector<16xi1>, vector<16xi32>
      tpu.vector_store_idx %arg13[%parallel_loop3A_567], %parallel_loop3A_573 {add = true} : memref<288xi32, #tpu.memory_space<vmem>>[vector<16xi32>], vector<16xi32>,
      tpu.vector_store_idx %arg14[%parallel_loop3A_567], %parallel_loop3A_534 {add = true} : memref<288xf32, #tpu.memory_space<vmem>>[vector<16xi32>], vector<16xf32>,
    } {sc.loop_unroll_factor = 8 : i64, sc.parallel_access}
    %add3A_278 = arith.constant 62520 : i32
    %add3A_279 = arith.addi %mul3A_2, %add3A_278 : i32
    %dma_start3A_280 = arith.constant 0 : i32
    %dma_start3A_281 = tpu.memref_slice %arg8[%dma_start3A_280] : memref<12544xi32, #tpu.memory_space<vmem>> -> memref<12504xi32, #tpu.memory_space<vmem>>
    %dma_start3A_282 = tpu.memref_slice %arg2[%add3A_279] : memref<4000000xi32, #tpu.memory_space<hbm>> -> memref<12504xi32, #tpu.memory_space<hbm>>
    %dma_start3A_283 = arith.constant 0 : i32
    %dma_start3A_284 = tpu.memref_slice %arg8[%dma_start3A_283] : memref<12544xi32, #tpu.memory_space<vmem>> -> memref<12504xi32, #tpu.memory_space<vmem>>
    %dma_start3A_285 = tpu.memref_slice %arg2[%add3A_279] : memref<4000000xi32, #tpu.memory_space<hbm>> -> memref<12504xi32, #tpu.memory_space<hbm>>
    tpu.enqueue_dma source(%dma_start3A_285 : memref<12504xi32, #tpu.memory_space<hbm>>) target(%dma_start3A_284 : memref<12504xi32, #tpu.memory_space<vmem>>) target_semaphore(%arg16 : memref<!tpu.dma_semaphore, #tpu.memory_space<semaphore_mem>>)
    %dma_start3A_286 = arith.constant 0 : i32
    %dma_start3A_287 = tpu.memref_slice %arg10[%dma_start3A_286] : memref<12544xi32, #tpu.memory_space<vmem>> -> memref<12504xi32, #tpu.memory_space<vmem>>
    %dma_start3A_288 = tpu.memref_slice %arg3[%add3A_279] : memref<4000000xi32, #tpu.memory_space<hbm>> -> memref<12504xi32, #tpu.memory_space<hbm>>
    %dma_start3A_289 = arith.constant 0 : i32
    %dma_start3A_290 = tpu.memref_slice %arg10[%dma_start3A_289] : memref<12544xi32, #tpu.memory_space<vmem>> -> memref<12504xi32, #tpu.memory_space<vmem>>
    %dma_start3A_291 = tpu.memref_slice %arg3[%add3A_279] : memref<4000000xi32, #tpu.memory_space<hbm>> -> memref<12504xi32, #tpu.memory_space<hbm>>
    tpu.enqueue_dma source(%dma_start3A_291 : memref<12504xi32, #tpu.memory_space<hbm>>) target(%dma_start3A_290 : memref<12504xi32, #tpu.memory_space<vmem>>) target_semaphore(%arg16 : memref<!tpu.dma_semaphore, #tpu.memory_space<semaphore_mem>>)
    %dma_start3A_292 = arith.constant 0 : i32
    %dma_start3A_293 = tpu.memref_slice %arg12[%dma_start3A_292] : memref<12544xf32, #tpu.memory_space<vmem>> -> memref<12504xf32, #tpu.memory_space<vmem>>
    %dma_start3A_294 = tpu.memref_slice %arg4[%add3A_279] : memref<4000000xf32, #tpu.memory_space<hbm>> -> memref<12504xf32, #tpu.memory_space<hbm>>
    %dma_start3A_295 = arith.constant 0 : i32
    %dma_start3A_296 = tpu.memref_slice %arg12[%dma_start3A_295] : memref<12544xf32, #tpu.memory_space<vmem>> -> memref<12504xf32, #tpu.memory_space<vmem>>
    %dma_start3A_297 = tpu.memref_slice %arg4[%add3A_279] : memref<4000000xf32, #tpu.memory_space<hbm>> -> memref<12504xf32, #tpu.memory_space<hbm>>
    tpu.enqueue_dma source(%dma_start3A_297 : memref<12504xf32, #tpu.memory_space<hbm>>) target(%dma_start3A_296 : memref<12504xf32, #tpu.memory_space<vmem>>) target_semaphore(%arg16 : memref<!tpu.dma_semaphore, #tpu.memory_space<semaphore_mem>>)
    %dma_wait3A_298 = arith.constant 0 : i32
    %dma_wait3A_299 = tpu.memref_slice %arg7[%dma_wait3A_298] : memref<12544xi32, #tpu.memory_space<vmem>> -> memref<12504xi32, #tpu.memory_space<vmem>>
    %dma_wait3A_300 = tpu.memref_slice %arg2[%add3A_236] : memref<4000000xi32, #tpu.memory_space<hbm>> -> memref<12504xi32, #tpu.memory_space<hbm>>
    %dma_wait3A_301 = arith.constant 0 : i32
    %dma_wait3A_302 = tpu.memref_slice %arg7[%dma_wait3A_301] : memref<12544xi32, #tpu.memory_space<vmem>> -> memref<12504xi32, #tpu.memory_space<vmem>>
    %dma_wait3A_303 = tpu.memref_slice %arg2[%add3A_236] : memref<4000000xi32, #tpu.memory_space<hbm>> -> memref<12504xi32, #tpu.memory_space<hbm>>
    tpu.wait_dma2 semaphore(%arg15 : memref<!tpu.dma_semaphore, #tpu.memory_space<semaphore_mem>>) src(%dma_wait3A_303 : memref<12504xi32, #tpu.memory_space<hbm>>) dst(%dma_wait3A_302 : memref<12504xi32, #tpu.memory_space<vmem>>)
    %dma_wait3A_304 = arith.constant 0 : i32
    %dma_wait3A_305 = tpu.memref_slice %arg9[%dma_wait3A_304] : memref<12544xi32, #tpu.memory_space<vmem>> -> memref<12504xi32, #tpu.memory_space<vmem>>
    %dma_wait3A_306 = tpu.memref_slice %arg3[%add3A_236] : memref<4000000xi32, #tpu.memory_space<hbm>> -> memref<12504xi32, #tpu.memory_space<hbm>>
    %dma_wait3A_307 = arith.constant 0 : i32
    %dma_wait3A_308 = tpu.memref_slice %arg9[%dma_wait3A_307] : memref<12544xi32, #tpu.memory_space<vmem>> -> memref<12504xi32, #tpu.memory_space<vmem>>
    %dma_wait3A_309 = tpu.memref_slice %arg3[%add3A_236] : memref<4000000xi32, #tpu.memory_space<hbm>> -> memref<12504xi32, #tpu.memory_space<hbm>>
    tpu.wait_dma2 semaphore(%arg15 : memref<!tpu.dma_semaphore, #tpu.memory_space<semaphore_mem>>) src(%dma_wait3A_309 : memref<12504xi32, #tpu.memory_space<hbm>>) dst(%dma_wait3A_308 : memref<12504xi32, #tpu.memory_space<vmem>>)
    %dma_wait3A_310 = arith.constant 0 : i32
    %dma_wait3A_311 = tpu.memref_slice %arg11[%dma_wait3A_310] : memref<12544xf32, #tpu.memory_space<vmem>> -> memref<12504xf32, #tpu.memory_space<vmem>>
    %dma_wait3A_312 = tpu.memref_slice %arg4[%add3A_236] : memref<4000000xf32, #tpu.memory_space<hbm>> -> memref<12504xf32, #tpu.memory_space<hbm>>
    %dma_wait3A_313 = arith.constant 0 : i32
    %dma_wait3A_314 = tpu.memref_slice %arg11[%dma_wait3A_313] : memref<12544xf32, #tpu.memory_space<vmem>> -> memref<12504xf32, #tpu.memory_space<vmem>>
    %dma_wait3A_315 = tpu.memref_slice %arg4[%add3A_236] : memref<4000000xf32, #tpu.memory_space<hbm>> -> memref<12504xf32, #tpu.memory_space<hbm>>
    tpu.wait_dma2 semaphore(%arg15 : memref<!tpu.dma_semaphore, #tpu.memory_space<semaphore_mem>>) src(%dma_wait3A_315 : memref<12504xf32, #tpu.memory_space<hbm>>) dst(%dma_wait3A_314 : memref<12504xf32, #tpu.memory_space<vmem>>)
    %parallel_loop3A_316 = arith.constant 0 : i32
    %parallel_loop3A_317 = arith.constant 784 : i32
    %parallel_loop3A_318 = arith.constant 1 : i32
    %parallel_loop3A_319 = arith.constant 1.500000e+01 : f32
    %parallel_loop3A_320 = arith.constant 0.0666666701 : f32
    scf.for %parallel_loop3A_530 = %parallel_loop3A_316 to %parallel_loop3A_317 step %parallel_loop3A_318  : i32 {
      %parallel_loop3A_531 = arith.constant 16 : i32
      %parallel_loop3A_532 = arith.muli %parallel_loop3A_530, %parallel_loop3A_531 : i32
      %parallel_loop3A_533 = arith.index_cast %parallel_loop3A_532 : i32 to index
      %parallel_loop3A_534 = tpu.vector_load %arg11[%parallel_loop3A_533] {strides = array<i32>} : memref<12544xf32, #tpu.memory_space<vmem>>, vector<16xf32>,
      %parallel_loop3A_535 = arith.index_cast %parallel_loop3A_532 : i32 to index
      %parallel_loop3A_536 = tpu.vector_load %arg7[%parallel_loop3A_535] {strides = array<i32>} : memref<12544xi32, #tpu.memory_space<vmem>>, vector<16xi32>,
      %parallel_loop3A_537 = arith.index_cast %parallel_loop3A_532 : i32 to index
      %parallel_loop3A_538 = tpu.vector_load %arg9[%parallel_loop3A_537] {strides = array<i32>} : memref<12544xi32, #tpu.memory_space<vmem>>, vector<16xi32>,
      %parallel_loop3A_539 = vector.broadcast %parallel_loop3A_319 : f32 to vector<16xf32>
      %parallel_loop3A_540 = arith.mulf %parallel_loop3A_534, %parallel_loop3A_539 : vector<16xf32>
      %parallel_loop3A_541 = arith.fptosi %parallel_loop3A_540 : vector<16xf32> to vector<16xi32>
      %parallel_loop3A_542 = arith.sitofp %parallel_loop3A_541 : vector<16xi32> to vector<16xf32>
      %parallel_loop3A_543 = vector.broadcast %parallel_loop3A_320 : f32 to vector<16xf32>
      %parallel_loop3A_544 = arith.mulf %parallel_loop3A_542, %parallel_loop3A_543 : vector<16xf32>
      %parallel_loop3A_545 = arith.constant 1.000000e+00 : f32
      %parallel_loop3A_546 = vector.broadcast %parallel_loop3A_545 : f32 to vector<16xf32>
      %parallel_loop3A_547 = arith.addf %parallel_loop3A_542, %parallel_loop3A_546 : vector<16xf32>
      %parallel_loop3A_548 = vector.broadcast %parallel_loop3A_320 : f32 to vector<16xf32>
      %parallel_loop3A_549 = arith.mulf %parallel_loop3A_547, %parallel_loop3A_548 : vector<16xf32>
      %parallel_loop3A_550 = arith.cmpf ole, %parallel_loop3A_534, %parallel_loop3A_544 : vector<16xf32>
      %parallel_loop3A_551 = arith.constant 1 : i32
      %parallel_loop3A_552 = arith.constant 0 : i32
      %parallel_loop3A_553 = vector.broadcast %parallel_loop3A_551 : i32 to vector<16xi32>
      %parallel_loop3A_554 = vector.broadcast %parallel_loop3A_552 : i32 to vector<16xi32>
      %parallel_loop3A_555 = arith.select %parallel_loop3A_550, %parallel_loop3A_553, %parallel_loop3A_554 : vector<16xi1>, vector<16xi32>
      %parallel_loop3A_556 = arith.subi %parallel_loop3A_541, %parallel_loop3A_555 : vector<16xi32>
      %parallel_loop3A_557 = arith.cmpf ogt, %parallel_loop3A_534, %parallel_loop3A_549 : vector<16xf32>
      %parallel_loop3A_558 = arith.constant 2 : i32
      %parallel_loop3A_559 = arith.constant 1 : i32
      %parallel_loop3A_560 = vector.broadcast %parallel_loop3A_558 : i32 to vector<16xi32>
      %parallel_loop3A_561 = vector.broadcast %parallel_loop3A_559 : i32 to vector<16xi32>
      %parallel_loop3A_562 = arith.select %parallel_loop3A_557, %parallel_loop3A_560, %parallel_loop3A_561 : vector<16xi1>, vector<16xi32>
      %parallel_loop3A_563 = arith.addi %parallel_loop3A_556, %parallel_loop3A_562 : vector<16xi32>
      %parallel_loop3A_564 = arith.constant 16 : i32
      %parallel_loop3A_565 = vector.broadcast %parallel_loop3A_564 : i32 to vector<16xi32>
      %parallel_loop3A_566 = arith.muli %parallel_loop3A_563, %parallel_loop3A_565 : vector<16xi32>
      %parallel_loop3A_567 = arith.addi %parallel_loop3A_566, %iota3A : vector<16xi32>
      %parallel_loop3A_568 = arith.cmpi eq, %parallel_loop3A_536, %parallel_loop3A_538 : vector<16xi32>
      %parallel_loop3A_569 = arith.constant 65537 : i32
      %parallel_loop3A_570 = arith.constant 1 : i32
      %parallel_loop3A_571 = vector.broadcast %parallel_loop3A_569 : i32 to vector<16xi32>
      %parallel_loop3A_572 = vector.broadcast %parallel_loop3A_570 : i32 to vector<16xi32>
      %parallel_loop3A_573 = arith.select %parallel_loop3A_568, %parallel_loop3A_571, %parallel_loop3A_572 : vector<16xi1>, vector<16xi32>
      tpu.vector_store_idx %arg13[%parallel_loop3A_567], %parallel_loop3A_573 {add = true} : memref<288xi32, #tpu.memory_space<vmem>>[vector<16xi32>], vector<16xi32>,
      tpu.vector_store_idx %arg14[%parallel_loop3A_567], %parallel_loop3A_534 {add = true} : memref<288xf32, #tpu.memory_space<vmem>>[vector<16xi32>], vector<16xf32>,
    } {sc.loop_unroll_factor = 8 : i64, sc.parallel_access}
    %add3A_321 = arith.constant 75024 : i32
    %add3A_322 = arith.addi %mul3A_2, %add3A_321 : i32
    %dma_start3A_323 = arith.constant 0 : i32
    %dma_start3A_324 = tpu.memref_slice %arg7[%dma_start3A_323] : memref<12544xi32, #tpu.memory_space<vmem>> -> memref<12504xi32, #tpu.memory_space<vmem>>
    %dma_start3A_325 = tpu.memref_slice %arg2[%add3A_322] : memref<4000000xi32, #tpu.memory_space<hbm>> -> memref<12504xi32, #tpu.memory_space<hbm>>
    %dma_start3A_326 = arith.constant 0 : i32
    %dma_start3A_327 = tpu.memref_slice %arg7[%dma_start3A_326] : memref<12544xi32, #tpu.memory_space<vmem>> -> memref<12504xi32, #tpu.memory_space<vmem>>
    %dma_start3A_328 = tpu.memref_slice %arg2[%add3A_322] : memref<4000000xi32, #tpu.memory_space<hbm>> -> memref<12504xi32, #tpu.memory_space<hbm>>
    tpu.enqueue_dma source(%dma_start3A_328 : memref<12504xi32, #tpu.memory_space<hbm>>) target(%dma_start3A_327 : memref<12504xi32, #tpu.memory_space<vmem>>) target_semaphore(%arg15 : memref<!tpu.dma_semaphore, #tpu.memory_space<semaphore_mem>>)
    %dma_start3A_329 = arith.constant 0 : i32
    %dma_start3A_330 = tpu.memref_slice %arg9[%dma_start3A_329] : memref<12544xi32, #tpu.memory_space<vmem>> -> memref<12504xi32, #tpu.memory_space<vmem>>
    %dma_start3A_331 = tpu.memref_slice %arg3[%add3A_322] : memref<4000000xi32, #tpu.memory_space<hbm>> -> memref<12504xi32, #tpu.memory_space<hbm>>
    %dma_start3A_332 = arith.constant 0 : i32
    %dma_start3A_333 = tpu.memref_slice %arg9[%dma_start3A_332] : memref<12544xi32, #tpu.memory_space<vmem>> -> memref<12504xi32, #tpu.memory_space<vmem>>
    %dma_start3A_334 = tpu.memref_slice %arg3[%add3A_322] : memref<4000000xi32, #tpu.memory_space<hbm>> -> memref<12504xi32, #tpu.memory_space<hbm>>
    tpu.enqueue_dma source(%dma_start3A_334 : memref<12504xi32, #tpu.memory_space<hbm>>) target(%dma_start3A_333 : memref<12504xi32, #tpu.memory_space<vmem>>) target_semaphore(%arg15 : memref<!tpu.dma_semaphore, #tpu.memory_space<semaphore_mem>>)
    %dma_start3A_335 = arith.constant 0 : i32
    %dma_start3A_336 = tpu.memref_slice %arg11[%dma_start3A_335] : memref<12544xf32, #tpu.memory_space<vmem>> -> memref<12504xf32, #tpu.memory_space<vmem>>
    %dma_start3A_337 = tpu.memref_slice %arg4[%add3A_322] : memref<4000000xf32, #tpu.memory_space<hbm>> -> memref<12504xf32, #tpu.memory_space<hbm>>
    %dma_start3A_338 = arith.constant 0 : i32
    %dma_start3A_339 = tpu.memref_slice %arg11[%dma_start3A_338] : memref<12544xf32, #tpu.memory_space<vmem>> -> memref<12504xf32, #tpu.memory_space<vmem>>
    %dma_start3A_340 = tpu.memref_slice %arg4[%add3A_322] : memref<4000000xf32, #tpu.memory_space<hbm>> -> memref<12504xf32, #tpu.memory_space<hbm>>
    tpu.enqueue_dma source(%dma_start3A_340 : memref<12504xf32, #tpu.memory_space<hbm>>) target(%dma_start3A_339 : memref<12504xf32, #tpu.memory_space<vmem>>) target_semaphore(%arg15 : memref<!tpu.dma_semaphore, #tpu.memory_space<semaphore_mem>>)
    %dma_wait3A_341 = arith.constant 0 : i32
    %dma_wait3A_342 = tpu.memref_slice %arg8[%dma_wait3A_341] : memref<12544xi32, #tpu.memory_space<vmem>> -> memref<12504xi32, #tpu.memory_space<vmem>>
    %dma_wait3A_343 = tpu.memref_slice %arg2[%add3A_279] : memref<4000000xi32, #tpu.memory_space<hbm>> -> memref<12504xi32, #tpu.memory_space<hbm>>
    %dma_wait3A_344 = arith.constant 0 : i32
    %dma_wait3A_345 = tpu.memref_slice %arg8[%dma_wait3A_344] : memref<12544xi32, #tpu.memory_space<vmem>> -> memref<12504xi32, #tpu.memory_space<vmem>>
    %dma_wait3A_346 = tpu.memref_slice %arg2[%add3A_279] : memref<4000000xi32, #tpu.memory_space<hbm>> -> memref<12504xi32, #tpu.memory_space<hbm>>
    tpu.wait_dma2 semaphore(%arg16 : memref<!tpu.dma_semaphore, #tpu.memory_space<semaphore_mem>>) src(%dma_wait3A_346 : memref<12504xi32, #tpu.memory_space<hbm>>) dst(%dma_wait3A_345 : memref<12504xi32, #tpu.memory_space<vmem>>)
    %dma_wait3A_347 = arith.constant 0 : i32
    %dma_wait3A_348 = tpu.memref_slice %arg10[%dma_wait3A_347] : memref<12544xi32, #tpu.memory_space<vmem>> -> memref<12504xi32, #tpu.memory_space<vmem>>
    %dma_wait3A_349 = tpu.memref_slice %arg3[%add3A_279] : memref<4000000xi32, #tpu.memory_space<hbm>> -> memref<12504xi32, #tpu.memory_space<hbm>>
    %dma_wait3A_350 = arith.constant 0 : i32
    %dma_wait3A_351 = tpu.memref_slice %arg10[%dma_wait3A_350] : memref<12544xi32, #tpu.memory_space<vmem>> -> memref<12504xi32, #tpu.memory_space<vmem>>
    %dma_wait3A_352 = tpu.memref_slice %arg3[%add3A_279] : memref<4000000xi32, #tpu.memory_space<hbm>> -> memref<12504xi32, #tpu.memory_space<hbm>>
    tpu.wait_dma2 semaphore(%arg16 : memref<!tpu.dma_semaphore, #tpu.memory_space<semaphore_mem>>) src(%dma_wait3A_352 : memref<12504xi32, #tpu.memory_space<hbm>>) dst(%dma_wait3A_351 : memref<12504xi32, #tpu.memory_space<vmem>>)
    %dma_wait3A_353 = arith.constant 0 : i32
    %dma_wait3A_354 = tpu.memref_slice %arg12[%dma_wait3A_353] : memref<12544xf32, #tpu.memory_space<vmem>> -> memref<12504xf32, #tpu.memory_space<vmem>>
    %dma_wait3A_355 = tpu.memref_slice %arg4[%add3A_279] : memref<4000000xf32, #tpu.memory_space<hbm>> -> memref<12504xf32, #tpu.memory_space<hbm>>
    %dma_wait3A_356 = arith.constant 0 : i32
    %dma_wait3A_357 = tpu.memref_slice %arg12[%dma_wait3A_356] : memref<12544xf32, #tpu.memory_space<vmem>> -> memref<12504xf32, #tpu.memory_space<vmem>>
    %dma_wait3A_358 = tpu.memref_slice %arg4[%add3A_279] : memref<4000000xf32, #tpu.memory_space<hbm>> -> memref<12504xf32, #tpu.memory_space<hbm>>
    tpu.wait_dma2 semaphore(%arg16 : memref<!tpu.dma_semaphore, #tpu.memory_space<semaphore_mem>>) src(%dma_wait3A_358 : memref<12504xf32, #tpu.memory_space<hbm>>) dst(%dma_wait3A_357 : memref<12504xf32, #tpu.memory_space<vmem>>)
    %parallel_loop3A_359 = arith.constant 0 : i32
    %parallel_loop3A_360 = arith.constant 784 : i32
    %parallel_loop3A_361 = arith.constant 1 : i32
    %parallel_loop3A_362 = arith.constant 1.500000e+01 : f32
    %parallel_loop3A_363 = arith.constant 0.0666666701 : f32
    scf.for %parallel_loop3A_530 = %parallel_loop3A_359 to %parallel_loop3A_360 step %parallel_loop3A_361  : i32 {
      %parallel_loop3A_531 = arith.constant 16 : i32
      %parallel_loop3A_532 = arith.muli %parallel_loop3A_530, %parallel_loop3A_531 : i32
      %parallel_loop3A_533 = arith.index_cast %parallel_loop3A_532 : i32 to index
      %parallel_loop3A_534 = tpu.vector_load %arg12[%parallel_loop3A_533] {strides = array<i32>} : memref<12544xf32, #tpu.memory_space<vmem>>, vector<16xf32>,
      %parallel_loop3A_535 = arith.index_cast %parallel_loop3A_532 : i32 to index
      %parallel_loop3A_536 = tpu.vector_load %arg8[%parallel_loop3A_535] {strides = array<i32>} : memref<12544xi32, #tpu.memory_space<vmem>>, vector<16xi32>,
      %parallel_loop3A_537 = arith.index_cast %parallel_loop3A_532 : i32 to index
      %parallel_loop3A_538 = tpu.vector_load %arg10[%parallel_loop3A_537] {strides = array<i32>} : memref<12544xi32, #tpu.memory_space<vmem>>, vector<16xi32>,
      %parallel_loop3A_539 = vector.broadcast %parallel_loop3A_362 : f32 to vector<16xf32>
      %parallel_loop3A_540 = arith.mulf %parallel_loop3A_534, %parallel_loop3A_539 : vector<16xf32>
      %parallel_loop3A_541 = arith.fptosi %parallel_loop3A_540 : vector<16xf32> to vector<16xi32>
      %parallel_loop3A_542 = arith.sitofp %parallel_loop3A_541 : vector<16xi32> to vector<16xf32>
      %parallel_loop3A_543 = vector.broadcast %parallel_loop3A_363 : f32 to vector<16xf32>
      %parallel_loop3A_544 = arith.mulf %parallel_loop3A_542, %parallel_loop3A_543 : vector<16xf32>
      %parallel_loop3A_545 = arith.constant 1.000000e+00 : f32
      %parallel_loop3A_546 = vector.broadcast %parallel_loop3A_545 : f32 to vector<16xf32>
      %parallel_loop3A_547 = arith.addf %parallel_loop3A_542, %parallel_loop3A_546 : vector<16xf32>
      %parallel_loop3A_548 = vector.broadcast %parallel_loop3A_363 : f32 to vector<16xf32>
      %parallel_loop3A_549 = arith.mulf %parallel_loop3A_547, %parallel_loop3A_548 : vector<16xf32>
      %parallel_loop3A_550 = arith.cmpf ole, %parallel_loop3A_534, %parallel_loop3A_544 : vector<16xf32>
      %parallel_loop3A_551 = arith.constant 1 : i32
      %parallel_loop3A_552 = arith.constant 0 : i32
      %parallel_loop3A_553 = vector.broadcast %parallel_loop3A_551 : i32 to vector<16xi32>
      %parallel_loop3A_554 = vector.broadcast %parallel_loop3A_552 : i32 to vector<16xi32>
      %parallel_loop3A_555 = arith.select %parallel_loop3A_550, %parallel_loop3A_553, %parallel_loop3A_554 : vector<16xi1>, vector<16xi32>
      %parallel_loop3A_556 = arith.subi %parallel_loop3A_541, %parallel_loop3A_555 : vector<16xi32>
      %parallel_loop3A_557 = arith.cmpf ogt, %parallel_loop3A_534, %parallel_loop3A_549 : vector<16xf32>
      %parallel_loop3A_558 = arith.constant 2 : i32
      %parallel_loop3A_559 = arith.constant 1 : i32
      %parallel_loop3A_560 = vector.broadcast %parallel_loop3A_558 : i32 to vector<16xi32>
      %parallel_loop3A_561 = vector.broadcast %parallel_loop3A_559 : i32 to vector<16xi32>
      %parallel_loop3A_562 = arith.select %parallel_loop3A_557, %parallel_loop3A_560, %parallel_loop3A_561 : vector<16xi1>, vector<16xi32>
      %parallel_loop3A_563 = arith.addi %parallel_loop3A_556, %parallel_loop3A_562 : vector<16xi32>
      %parallel_loop3A_564 = arith.constant 16 : i32
      %parallel_loop3A_565 = vector.broadcast %parallel_loop3A_564 : i32 to vector<16xi32>
      %parallel_loop3A_566 = arith.muli %parallel_loop3A_563, %parallel_loop3A_565 : vector<16xi32>
      %parallel_loop3A_567 = arith.addi %parallel_loop3A_566, %iota3A : vector<16xi32>
      %parallel_loop3A_568 = arith.cmpi eq, %parallel_loop3A_536, %parallel_loop3A_538 : vector<16xi32>
      %parallel_loop3A_569 = arith.constant 65537 : i32
      %parallel_loop3A_570 = arith.constant 1 : i32
      %parallel_loop3A_571 = vector.broadcast %parallel_loop3A_569 : i32 to vector<16xi32>
      %parallel_loop3A_572 = vector.broadcast %parallel_loop3A_570 : i32 to vector<16xi32>
      %parallel_loop3A_573 = arith.select %parallel_loop3A_568, %parallel_loop3A_571, %parallel_loop3A_572 : vector<16xi1>, vector<16xi32>
      tpu.vector_store_idx %arg13[%parallel_loop3A_567], %parallel_loop3A_573 {add = true} : memref<288xi32, #tpu.memory_space<vmem>>[vector<16xi32>], vector<16xi32>,
      tpu.vector_store_idx %arg14[%parallel_loop3A_567], %parallel_loop3A_534 {add = true} : memref<288xf32, #tpu.memory_space<vmem>>[vector<16xi32>], vector<16xf32>,
    } {sc.loop_unroll_factor = 8 : i64, sc.parallel_access}
    %add3A_364 = arith.constant 87528 : i32
    %add3A_365 = arith.addi %mul3A_2, %add3A_364 : i32
    %dma_start3A_366 = arith.constant 0 : i32
    %dma_start3A_367 = tpu.memref_slice %arg8[%dma_start3A_366] : memref<12544xi32, #tpu.memory_space<vmem>> -> memref<12504xi32, #tpu.memory_space<vmem>>
    %dma_start3A_368 = tpu.memref_slice %arg2[%add3A_365] : memref<4000000xi32, #tpu.memory_space<hbm>> -> memref<12504xi32, #tpu.memory_space<hbm>>
    %dma_start3A_369 = arith.constant 0 : i32
    %dma_start3A_370 = tpu.memref_slice %arg8[%dma_start3A_369] : memref<12544xi32, #tpu.memory_space<vmem>> -> memref<12504xi32, #tpu.memory_space<vmem>>
    %dma_start3A_371 = tpu.memref_slice %arg2[%add3A_365] : memref<4000000xi32, #tpu.memory_space<hbm>> -> memref<12504xi32, #tpu.memory_space<hbm>>
    tpu.enqueue_dma source(%dma_start3A_371 : memref<12504xi32, #tpu.memory_space<hbm>>) target(%dma_start3A_370 : memref<12504xi32, #tpu.memory_space<vmem>>) target_semaphore(%arg16 : memref<!tpu.dma_semaphore, #tpu.memory_space<semaphore_mem>>)
    %dma_start3A_372 = arith.constant 0 : i32
    %dma_start3A_373 = tpu.memref_slice %arg10[%dma_start3A_372] : memref<12544xi32, #tpu.memory_space<vmem>> -> memref<12504xi32, #tpu.memory_space<vmem>>
    %dma_start3A_374 = tpu.memref_slice %arg3[%add3A_365] : memref<4000000xi32, #tpu.memory_space<hbm>> -> memref<12504xi32, #tpu.memory_space<hbm>>
    %dma_start3A_375 = arith.constant 0 : i32
    %dma_start3A_376 = tpu.memref_slice %arg10[%dma_start3A_375] : memref<12544xi32, #tpu.memory_space<vmem>> -> memref<12504xi32, #tpu.memory_space<vmem>>
    %dma_start3A_377 = tpu.memref_slice %arg3[%add3A_365] : memref<4000000xi32, #tpu.memory_space<hbm>> -> memref<12504xi32, #tpu.memory_space<hbm>>
    tpu.enqueue_dma source(%dma_start3A_377 : memref<12504xi32, #tpu.memory_space<hbm>>) target(%dma_start3A_376 : memref<12504xi32, #tpu.memory_space<vmem>>) target_semaphore(%arg16 : memref<!tpu.dma_semaphore, #tpu.memory_space<semaphore_mem>>)
    %dma_start3A_378 = arith.constant 0 : i32
    %dma_start3A_379 = tpu.memref_slice %arg12[%dma_start3A_378] : memref<12544xf32, #tpu.memory_space<vmem>> -> memref<12504xf32, #tpu.memory_space<vmem>>
    %dma_start3A_380 = tpu.memref_slice %arg4[%add3A_365] : memref<4000000xf32, #tpu.memory_space<hbm>> -> memref<12504xf32, #tpu.memory_space<hbm>>
    %dma_start3A_381 = arith.constant 0 : i32
    %dma_start3A_382 = tpu.memref_slice %arg12[%dma_start3A_381] : memref<12544xf32, #tpu.memory_space<vmem>> -> memref<12504xf32, #tpu.memory_space<vmem>>
    %dma_start3A_383 = tpu.memref_slice %arg4[%add3A_365] : memref<4000000xf32, #tpu.memory_space<hbm>> -> memref<12504xf32, #tpu.memory_space<hbm>>
    tpu.enqueue_dma source(%dma_start3A_383 : memref<12504xf32, #tpu.memory_space<hbm>>) target(%dma_start3A_382 : memref<12504xf32, #tpu.memory_space<vmem>>) target_semaphore(%arg16 : memref<!tpu.dma_semaphore, #tpu.memory_space<semaphore_mem>>)
    %dma_wait3A_384 = arith.constant 0 : i32
    %dma_wait3A_385 = tpu.memref_slice %arg7[%dma_wait3A_384] : memref<12544xi32, #tpu.memory_space<vmem>> -> memref<12504xi32, #tpu.memory_space<vmem>>
    %dma_wait3A_386 = tpu.memref_slice %arg2[%add3A_322] : memref<4000000xi32, #tpu.memory_space<hbm>> -> memref<12504xi32, #tpu.memory_space<hbm>>
    %dma_wait3A_387 = arith.constant 0 : i32
    %dma_wait3A_388 = tpu.memref_slice %arg7[%dma_wait3A_387] : memref<12544xi32, #tpu.memory_space<vmem>> -> memref<12504xi32, #tpu.memory_space<vmem>>
    %dma_wait3A_389 = tpu.memref_slice %arg2[%add3A_322] : memref<4000000xi32, #tpu.memory_space<hbm>> -> memref<12504xi32, #tpu.memory_space<hbm>>
    tpu.wait_dma2 semaphore(%arg15 : memref<!tpu.dma_semaphore, #tpu.memory_space<semaphore_mem>>) src(%dma_wait3A_389 : memref<12504xi32, #tpu.memory_space<hbm>>) dst(%dma_wait3A_388 : memref<12504xi32, #tpu.memory_space<vmem>>)
    %dma_wait3A_390 = arith.constant 0 : i32
    %dma_wait3A_391 = tpu.memref_slice %arg9[%dma_wait3A_390] : memref<12544xi32, #tpu.memory_space<vmem>> -> memref<12504xi32, #tpu.memory_space<vmem>>
    %dma_wait3A_392 = tpu.memref_slice %arg3[%add3A_322] : memref<4000000xi32, #tpu.memory_space<hbm>> -> memref<12504xi32, #tpu.memory_space<hbm>>
    %dma_wait3A_393 = arith.constant 0 : i32
    %dma_wait3A_394 = tpu.memref_slice %arg9[%dma_wait3A_393] : memref<12544xi32, #tpu.memory_space<vmem>> -> memref<12504xi32, #tpu.memory_space<vmem>>
    %dma_wait3A_395 = tpu.memref_slice %arg3[%add3A_322] : memref<4000000xi32, #tpu.memory_space<hbm>> -> memref<12504xi32, #tpu.memory_space<hbm>>
    tpu.wait_dma2 semaphore(%arg15 : memref<!tpu.dma_semaphore, #tpu.memory_space<semaphore_mem>>) src(%dma_wait3A_395 : memref<12504xi32, #tpu.memory_space<hbm>>) dst(%dma_wait3A_394 : memref<12504xi32, #tpu.memory_space<vmem>>)
    %dma_wait3A_396 = arith.constant 0 : i32
    %dma_wait3A_397 = tpu.memref_slice %arg11[%dma_wait3A_396] : memref<12544xf32, #tpu.memory_space<vmem>> -> memref<12504xf32, #tpu.memory_space<vmem>>
    %dma_wait3A_398 = tpu.memref_slice %arg4[%add3A_322] : memref<4000000xf32, #tpu.memory_space<hbm>> -> memref<12504xf32, #tpu.memory_space<hbm>>
    %dma_wait3A_399 = arith.constant 0 : i32
    %dma_wait3A_400 = tpu.memref_slice %arg11[%dma_wait3A_399] : memref<12544xf32, #tpu.memory_space<vmem>> -> memref<12504xf32, #tpu.memory_space<vmem>>
    %dma_wait3A_401 = tpu.memref_slice %arg4[%add3A_322] : memref<4000000xf32, #tpu.memory_space<hbm>> -> memref<12504xf32, #tpu.memory_space<hbm>>
    tpu.wait_dma2 semaphore(%arg15 : memref<!tpu.dma_semaphore, #tpu.memory_space<semaphore_mem>>) src(%dma_wait3A_401 : memref<12504xf32, #tpu.memory_space<hbm>>) dst(%dma_wait3A_400 : memref<12504xf32, #tpu.memory_space<vmem>>)
    %parallel_loop3A_402 = arith.constant 0 : i32
    %parallel_loop3A_403 = arith.constant 784 : i32
    %parallel_loop3A_404 = arith.constant 1 : i32
    %parallel_loop3A_405 = arith.constant 1.500000e+01 : f32
    %parallel_loop3A_406 = arith.constant 0.0666666701 : f32
    scf.for %parallel_loop3A_530 = %parallel_loop3A_402 to %parallel_loop3A_403 step %parallel_loop3A_404  : i32 {
      %parallel_loop3A_531 = arith.constant 16 : i32
      %parallel_loop3A_532 = arith.muli %parallel_loop3A_530, %parallel_loop3A_531 : i32
      %parallel_loop3A_533 = arith.index_cast %parallel_loop3A_532 : i32 to index
      %parallel_loop3A_534 = tpu.vector_load %arg11[%parallel_loop3A_533] {strides = array<i32>} : memref<12544xf32, #tpu.memory_space<vmem>>, vector<16xf32>,
      %parallel_loop3A_535 = arith.index_cast %parallel_loop3A_532 : i32 to index
      %parallel_loop3A_536 = tpu.vector_load %arg7[%parallel_loop3A_535] {strides = array<i32>} : memref<12544xi32, #tpu.memory_space<vmem>>, vector<16xi32>,
      %parallel_loop3A_537 = arith.index_cast %parallel_loop3A_532 : i32 to index
      %parallel_loop3A_538 = tpu.vector_load %arg9[%parallel_loop3A_537] {strides = array<i32>} : memref<12544xi32, #tpu.memory_space<vmem>>, vector<16xi32>,
      %parallel_loop3A_539 = vector.broadcast %parallel_loop3A_405 : f32 to vector<16xf32>
      %parallel_loop3A_540 = arith.mulf %parallel_loop3A_534, %parallel_loop3A_539 : vector<16xf32>
      %parallel_loop3A_541 = arith.fptosi %parallel_loop3A_540 : vector<16xf32> to vector<16xi32>
      %parallel_loop3A_542 = arith.sitofp %parallel_loop3A_541 : vector<16xi32> to vector<16xf32>
      %parallel_loop3A_543 = vector.broadcast %parallel_loop3A_406 : f32 to vector<16xf32>
      %parallel_loop3A_544 = arith.mulf %parallel_loop3A_542, %parallel_loop3A_543 : vector<16xf32>
      %parallel_loop3A_545 = arith.constant 1.000000e+00 : f32
      %parallel_loop3A_546 = vector.broadcast %parallel_loop3A_545 : f32 to vector<16xf32>
      %parallel_loop3A_547 = arith.addf %parallel_loop3A_542, %parallel_loop3A_546 : vector<16xf32>
      %parallel_loop3A_548 = vector.broadcast %parallel_loop3A_406 : f32 to vector<16xf32>
      %parallel_loop3A_549 = arith.mulf %parallel_loop3A_547, %parallel_loop3A_548 : vector<16xf32>
      %parallel_loop3A_550 = arith.cmpf ole, %parallel_loop3A_534, %parallel_loop3A_544 : vector<16xf32>
      %parallel_loop3A_551 = arith.constant 1 : i32
      %parallel_loop3A_552 = arith.constant 0 : i32
      %parallel_loop3A_553 = vector.broadcast %parallel_loop3A_551 : i32 to vector<16xi32>
      %parallel_loop3A_554 = vector.broadcast %parallel_loop3A_552 : i32 to vector<16xi32>
      %parallel_loop3A_555 = arith.select %parallel_loop3A_550, %parallel_loop3A_553, %parallel_loop3A_554 : vector<16xi1>, vector<16xi32>
      %parallel_loop3A_556 = arith.subi %parallel_loop3A_541, %parallel_loop3A_555 : vector<16xi32>
      %parallel_loop3A_557 = arith.cmpf ogt, %parallel_loop3A_534, %parallel_loop3A_549 : vector<16xf32>
      %parallel_loop3A_558 = arith.constant 2 : i32
      %parallel_loop3A_559 = arith.constant 1 : i32
      %parallel_loop3A_560 = vector.broadcast %parallel_loop3A_558 : i32 to vector<16xi32>
      %parallel_loop3A_561 = vector.broadcast %parallel_loop3A_559 : i32 to vector<16xi32>
      %parallel_loop3A_562 = arith.select %parallel_loop3A_557, %parallel_loop3A_560, %parallel_loop3A_561 : vector<16xi1>, vector<16xi32>
      %parallel_loop3A_563 = arith.addi %parallel_loop3A_556, %parallel_loop3A_562 : vector<16xi32>
      %parallel_loop3A_564 = arith.constant 16 : i32
      %parallel_loop3A_565 = vector.broadcast %parallel_loop3A_564 : i32 to vector<16xi32>
      %parallel_loop3A_566 = arith.muli %parallel_loop3A_563, %parallel_loop3A_565 : vector<16xi32>
      %parallel_loop3A_567 = arith.addi %parallel_loop3A_566, %iota3A : vector<16xi32>
      %parallel_loop3A_568 = arith.cmpi eq, %parallel_loop3A_536, %parallel_loop3A_538 : vector<16xi32>
      %parallel_loop3A_569 = arith.constant 65537 : i32
      %parallel_loop3A_570 = arith.constant 1 : i32
      %parallel_loop3A_571 = vector.broadcast %parallel_loop3A_569 : i32 to vector<16xi32>
      %parallel_loop3A_572 = vector.broadcast %parallel_loop3A_570 : i32 to vector<16xi32>
      %parallel_loop3A_573 = arith.select %parallel_loop3A_568, %parallel_loop3A_571, %parallel_loop3A_572 : vector<16xi1>, vector<16xi32>
      tpu.vector_store_idx %arg13[%parallel_loop3A_567], %parallel_loop3A_573 {add = true} : memref<288xi32, #tpu.memory_space<vmem>>[vector<16xi32>], vector<16xi32>,
      tpu.vector_store_idx %arg14[%parallel_loop3A_567], %parallel_loop3A_534 {add = true} : memref<288xf32, #tpu.memory_space<vmem>>[vector<16xi32>], vector<16xf32>,
    } {sc.loop_unroll_factor = 8 : i64, sc.parallel_access}
    %add3A_407 = arith.constant 100032 : i32
    %add3A_408 = arith.addi %mul3A_2, %add3A_407 : i32
    %dma_start3A_409 = arith.constant 0 : i32
    %dma_start3A_410 = tpu.memref_slice %arg7[%dma_start3A_409] : memref<12544xi32, #tpu.memory_space<vmem>> -> memref<12504xi32, #tpu.memory_space<vmem>>
    %dma_start3A_411 = tpu.memref_slice %arg2[%add3A_408] : memref<4000000xi32, #tpu.memory_space<hbm>> -> memref<12504xi32, #tpu.memory_space<hbm>>
    %dma_start3A_412 = arith.constant 0 : i32
    %dma_start3A_413 = tpu.memref_slice %arg7[%dma_start3A_412] : memref<12544xi32, #tpu.memory_space<vmem>> -> memref<12504xi32, #tpu.memory_space<vmem>>
    %dma_start3A_414 = tpu.memref_slice %arg2[%add3A_408] : memref<4000000xi32, #tpu.memory_space<hbm>> -> memref<12504xi32, #tpu.memory_space<hbm>>
    tpu.enqueue_dma source(%dma_start3A_414 : memref<12504xi32, #tpu.memory_space<hbm>>) target(%dma_start3A_413 : memref<12504xi32, #tpu.memory_space<vmem>>) target_semaphore(%arg15 : memref<!tpu.dma_semaphore, #tpu.memory_space<semaphore_mem>>)
    %dma_start3A_415 = arith.constant 0 : i32
    %dma_start3A_416 = tpu.memref_slice %arg9[%dma_start3A_415] : memref<12544xi32, #tpu.memory_space<vmem>> -> memref<12504xi32, #tpu.memory_space<vmem>>
    %dma_start3A_417 = tpu.memref_slice %arg3[%add3A_408] : memref<4000000xi32, #tpu.memory_space<hbm>> -> memref<12504xi32, #tpu.memory_space<hbm>>
    %dma_start3A_418 = arith.constant 0 : i32
    %dma_start3A_419 = tpu.memref_slice %arg9[%dma_start3A_418] : memref<12544xi32, #tpu.memory_space<vmem>> -> memref<12504xi32, #tpu.memory_space<vmem>>
    %dma_start3A_420 = tpu.memref_slice %arg3[%add3A_408] : memref<4000000xi32, #tpu.memory_space<hbm>> -> memref<12504xi32, #tpu.memory_space<hbm>>
    tpu.enqueue_dma source(%dma_start3A_420 : memref<12504xi32, #tpu.memory_space<hbm>>) target(%dma_start3A_419 : memref<12504xi32, #tpu.memory_space<vmem>>) target_semaphore(%arg15 : memref<!tpu.dma_semaphore, #tpu.memory_space<semaphore_mem>>)
    %dma_start3A_421 = arith.constant 0 : i32
    %dma_start3A_422 = tpu.memref_slice %arg11[%dma_start3A_421] : memref<12544xf32, #tpu.memory_space<vmem>> -> memref<12504xf32, #tpu.memory_space<vmem>>
    %dma_start3A_423 = tpu.memref_slice %arg4[%add3A_408] : memref<4000000xf32, #tpu.memory_space<hbm>> -> memref<12504xf32, #tpu.memory_space<hbm>>
    %dma_start3A_424 = arith.constant 0 : i32
    %dma_start3A_425 = tpu.memref_slice %arg11[%dma_start3A_424] : memref<12544xf32, #tpu.memory_space<vmem>> -> memref<12504xf32, #tpu.memory_space<vmem>>
    %dma_start3A_426 = tpu.memref_slice %arg4[%add3A_408] : memref<4000000xf32, #tpu.memory_space<hbm>> -> memref<12504xf32, #tpu.memory_space<hbm>>
    tpu.enqueue_dma source(%dma_start3A_426 : memref<12504xf32, #tpu.memory_space<hbm>>) target(%dma_start3A_425 : memref<12504xf32, #tpu.memory_space<vmem>>) target_semaphore(%arg15 : memref<!tpu.dma_semaphore, #tpu.memory_space<semaphore_mem>>)
    %dma_wait3A_427 = arith.constant 0 : i32
    %dma_wait3A_428 = tpu.memref_slice %arg8[%dma_wait3A_427] : memref<12544xi32, #tpu.memory_space<vmem>> -> memref<12504xi32, #tpu.memory_space<vmem>>
    %dma_wait3A_429 = tpu.memref_slice %arg2[%add3A_365] : memref<4000000xi32, #tpu.memory_space<hbm>> -> memref<12504xi32, #tpu.memory_space<hbm>>
    %dma_wait3A_430 = arith.constant 0 : i32
    %dma_wait3A_431 = tpu.memref_slice %arg8[%dma_wait3A_430] : memref<12544xi32, #tpu.memory_space<vmem>> -> memref<12504xi32, #tpu.memory_space<vmem>>
    %dma_wait3A_432 = tpu.memref_slice %arg2[%add3A_365] : memref<4000000xi32, #tpu.memory_space<hbm>> -> memref<12504xi32, #tpu.memory_space<hbm>>
    tpu.wait_dma2 semaphore(%arg16 : memref<!tpu.dma_semaphore, #tpu.memory_space<semaphore_mem>>) src(%dma_wait3A_432 : memref<12504xi32, #tpu.memory_space<hbm>>) dst(%dma_wait3A_431 : memref<12504xi32, #tpu.memory_space<vmem>>)
    %dma_wait3A_433 = arith.constant 0 : i32
    %dma_wait3A_434 = tpu.memref_slice %arg10[%dma_wait3A_433] : memref<12544xi32, #tpu.memory_space<vmem>> -> memref<12504xi32, #tpu.memory_space<vmem>>
    %dma_wait3A_435 = tpu.memref_slice %arg3[%add3A_365] : memref<4000000xi32, #tpu.memory_space<hbm>> -> memref<12504xi32, #tpu.memory_space<hbm>>
    %dma_wait3A_436 = arith.constant 0 : i32
    %dma_wait3A_437 = tpu.memref_slice %arg10[%dma_wait3A_436] : memref<12544xi32, #tpu.memory_space<vmem>> -> memref<12504xi32, #tpu.memory_space<vmem>>
    %dma_wait3A_438 = tpu.memref_slice %arg3[%add3A_365] : memref<4000000xi32, #tpu.memory_space<hbm>> -> memref<12504xi32, #tpu.memory_space<hbm>>
    tpu.wait_dma2 semaphore(%arg16 : memref<!tpu.dma_semaphore, #tpu.memory_space<semaphore_mem>>) src(%dma_wait3A_438 : memref<12504xi32, #tpu.memory_space<hbm>>) dst(%dma_wait3A_437 : memref<12504xi32, #tpu.memory_space<vmem>>)
    %dma_wait3A_439 = arith.constant 0 : i32
    %dma_wait3A_440 = tpu.memref_slice %arg12[%dma_wait3A_439] : memref<12544xf32, #tpu.memory_space<vmem>> -> memref<12504xf32, #tpu.memory_space<vmem>>
    %dma_wait3A_441 = tpu.memref_slice %arg4[%add3A_365] : memref<4000000xf32, #tpu.memory_space<hbm>> -> memref<12504xf32, #tpu.memory_space<hbm>>
    %dma_wait3A_442 = arith.constant 0 : i32
    %dma_wait3A_443 = tpu.memref_slice %arg12[%dma_wait3A_442] : memref<12544xf32, #tpu.memory_space<vmem>> -> memref<12504xf32, #tpu.memory_space<vmem>>
    %dma_wait3A_444 = tpu.memref_slice %arg4[%add3A_365] : memref<4000000xf32, #tpu.memory_space<hbm>> -> memref<12504xf32, #tpu.memory_space<hbm>>
    tpu.wait_dma2 semaphore(%arg16 : memref<!tpu.dma_semaphore, #tpu.memory_space<semaphore_mem>>) src(%dma_wait3A_444 : memref<12504xf32, #tpu.memory_space<hbm>>) dst(%dma_wait3A_443 : memref<12504xf32, #tpu.memory_space<vmem>>)
    %parallel_loop3A_445 = arith.constant 0 : i32
    %parallel_loop3A_446 = arith.constant 784 : i32
    %parallel_loop3A_447 = arith.constant 1 : i32
    %parallel_loop3A_448 = arith.constant 1.500000e+01 : f32
    %parallel_loop3A_449 = arith.constant 0.0666666701 : f32
    scf.for %parallel_loop3A_530 = %parallel_loop3A_445 to %parallel_loop3A_446 step %parallel_loop3A_447  : i32 {
      %parallel_loop3A_531 = arith.constant 16 : i32
      %parallel_loop3A_532 = arith.muli %parallel_loop3A_530, %parallel_loop3A_531 : i32
      %parallel_loop3A_533 = arith.index_cast %parallel_loop3A_532 : i32 to index
      %parallel_loop3A_534 = tpu.vector_load %arg12[%parallel_loop3A_533] {strides = array<i32>} : memref<12544xf32, #tpu.memory_space<vmem>>, vector<16xf32>,
      %parallel_loop3A_535 = arith.index_cast %parallel_loop3A_532 : i32 to index
      %parallel_loop3A_536 = tpu.vector_load %arg8[%parallel_loop3A_535] {strides = array<i32>} : memref<12544xi32, #tpu.memory_space<vmem>>, vector<16xi32>,
      %parallel_loop3A_537 = arith.index_cast %parallel_loop3A_532 : i32 to index
      %parallel_loop3A_538 = tpu.vector_load %arg10[%parallel_loop3A_537] {strides = array<i32>} : memref<12544xi32, #tpu.memory_space<vmem>>, vector<16xi32>,
      %parallel_loop3A_539 = vector.broadcast %parallel_loop3A_448 : f32 to vector<16xf32>
      %parallel_loop3A_540 = arith.mulf %parallel_loop3A_534, %parallel_loop3A_539 : vector<16xf32>
      %parallel_loop3A_541 = arith.fptosi %parallel_loop3A_540 : vector<16xf32> to vector<16xi32>
      %parallel_loop3A_542 = arith.sitofp %parallel_loop3A_541 : vector<16xi32> to vector<16xf32>
      %parallel_loop3A_543 = vector.broadcast %parallel_loop3A_449 : f32 to vector<16xf32>
      %parallel_loop3A_544 = arith.mulf %parallel_loop3A_542, %parallel_loop3A_543 : vector<16xf32>
      %parallel_loop3A_545 = arith.constant 1.000000e+00 : f32
      %parallel_loop3A_546 = vector.broadcast %parallel_loop3A_545 : f32 to vector<16xf32>
      %parallel_loop3A_547 = arith.addf %parallel_loop3A_542, %parallel_loop3A_546 : vector<16xf32>
      %parallel_loop3A_548 = vector.broadcast %parallel_loop3A_449 : f32 to vector<16xf32>
      %parallel_loop3A_549 = arith.mulf %parallel_loop3A_547, %parallel_loop3A_548 : vector<16xf32>
      %parallel_loop3A_550 = arith.cmpf ole, %parallel_loop3A_534, %parallel_loop3A_544 : vector<16xf32>
      %parallel_loop3A_551 = arith.constant 1 : i32
      %parallel_loop3A_552 = arith.constant 0 : i32
      %parallel_loop3A_553 = vector.broadcast %parallel_loop3A_551 : i32 to vector<16xi32>
      %parallel_loop3A_554 = vector.broadcast %parallel_loop3A_552 : i32 to vector<16xi32>
      %parallel_loop3A_555 = arith.select %parallel_loop3A_550, %parallel_loop3A_553, %parallel_loop3A_554 : vector<16xi1>, vector<16xi32>
      %parallel_loop3A_556 = arith.subi %parallel_loop3A_541, %parallel_loop3A_555 : vector<16xi32>
      %parallel_loop3A_557 = arith.cmpf ogt, %parallel_loop3A_534, %parallel_loop3A_549 : vector<16xf32>
      %parallel_loop3A_558 = arith.constant 2 : i32
      %parallel_loop3A_559 = arith.constant 1 : i32
      %parallel_loop3A_560 = vector.broadcast %parallel_loop3A_558 : i32 to vector<16xi32>
      %parallel_loop3A_561 = vector.broadcast %parallel_loop3A_559 : i32 to vector<16xi32>
      %parallel_loop3A_562 = arith.select %parallel_loop3A_557, %parallel_loop3A_560, %parallel_loop3A_561 : vector<16xi1>, vector<16xi32>
      %parallel_loop3A_563 = arith.addi %parallel_loop3A_556, %parallel_loop3A_562 : vector<16xi32>
      %parallel_loop3A_564 = arith.constant 16 : i32
      %parallel_loop3A_565 = vector.broadcast %parallel_loop3A_564 : i32 to vector<16xi32>
      %parallel_loop3A_566 = arith.muli %parallel_loop3A_563, %parallel_loop3A_565 : vector<16xi32>
      %parallel_loop3A_567 = arith.addi %parallel_loop3A_566, %iota3A : vector<16xi32>
      %parallel_loop3A_568 = arith.cmpi eq, %parallel_loop3A_536, %parallel_loop3A_538 : vector<16xi32>
      %parallel_loop3A_569 = arith.constant 65537 : i32
      %parallel_loop3A_570 = arith.constant 1 : i32
      %parallel_loop3A_571 = vector.broadcast %parallel_loop3A_569 : i32 to vector<16xi32>
      %parallel_loop3A_572 = vector.broadcast %parallel_loop3A_570 : i32 to vector<16xi32>
      %parallel_loop3A_573 = arith.select %parallel_loop3A_568, %parallel_loop3A_571, %parallel_loop3A_572 : vector<16xi1>, vector<16xi32>
      tpu.vector_store_idx %arg13[%parallel_loop3A_567], %parallel_loop3A_573 {add = true} : memref<288xi32, #tpu.memory_space<vmem>>[vector<16xi32>], vector<16xi32>,
      tpu.vector_store_idx %arg14[%parallel_loop3A_567], %parallel_loop3A_534 {add = true} : memref<288xf32, #tpu.memory_space<vmem>>[vector<16xi32>], vector<16xf32>,
    } {sc.loop_unroll_factor = 8 : i64, sc.parallel_access}
    %add3A_450 = arith.constant 112536 : i32
    %add3A_451 = arith.addi %mul3A_2, %add3A_450 : i32
    %dma_start3A_452 = arith.constant 0 : i32
    %dma_start3A_453 = tpu.memref_slice %arg8[%dma_start3A_452] : memref<12544xi32, #tpu.memory_space<vmem>> -> memref<12464xi32, #tpu.memory_space<vmem>>
    %dma_start3A_454 = tpu.memref_slice %arg2[%add3A_451] : memref<4000000xi32, #tpu.memory_space<hbm>> -> memref<12464xi32, #tpu.memory_space<hbm>>
    %dma_start3A_455 = arith.constant 0 : i32
    %dma_start3A_456 = tpu.memref_slice %arg8[%dma_start3A_455] : memref<12544xi32, #tpu.memory_space<vmem>> -> memref<12464xi32, #tpu.memory_space<vmem>>
    %dma_start3A_457 = tpu.memref_slice %arg2[%add3A_451] : memref<4000000xi32, #tpu.memory_space<hbm>> -> memref<12464xi32, #tpu.memory_space<hbm>>
    tpu.enqueue_dma source(%dma_start3A_457 : memref<12464xi32, #tpu.memory_space<hbm>>) target(%dma_start3A_456 : memref<12464xi32, #tpu.memory_space<vmem>>) target_semaphore(%arg16 : memref<!tpu.dma_semaphore, #tpu.memory_space<semaphore_mem>>)
    %dma_start3A_458 = arith.constant 0 : i32
    %dma_start3A_459 = tpu.memref_slice %arg10[%dma_start3A_458] : memref<12544xi32, #tpu.memory_space<vmem>> -> memref<12464xi32, #tpu.memory_space<vmem>>
    %dma_start3A_460 = tpu.memref_slice %arg3[%add3A_451] : memref<4000000xi32, #tpu.memory_space<hbm>> -> memref<12464xi32, #tpu.memory_space<hbm>>
    %dma_start3A_461 = arith.constant 0 : i32
    %dma_start3A_462 = tpu.memref_slice %arg10[%dma_start3A_461] : memref<12544xi32, #tpu.memory_space<vmem>> -> memref<12464xi32, #tpu.memory_space<vmem>>
    %dma_start3A_463 = tpu.memref_slice %arg3[%add3A_451] : memref<4000000xi32, #tpu.memory_space<hbm>> -> memref<12464xi32, #tpu.memory_space<hbm>>
    tpu.enqueue_dma source(%dma_start3A_463 : memref<12464xi32, #tpu.memory_space<hbm>>) target(%dma_start3A_462 : memref<12464xi32, #tpu.memory_space<vmem>>) target_semaphore(%arg16 : memref<!tpu.dma_semaphore, #tpu.memory_space<semaphore_mem>>)
    %dma_start3A_464 = arith.constant 0 : i32
    %dma_start3A_465 = tpu.memref_slice %arg12[%dma_start3A_464] : memref<12544xf32, #tpu.memory_space<vmem>> -> memref<12464xf32, #tpu.memory_space<vmem>>
    %dma_start3A_466 = tpu.memref_slice %arg4[%add3A_451] : memref<4000000xf32, #tpu.memory_space<hbm>> -> memref<12464xf32, #tpu.memory_space<hbm>>
    %dma_start3A_467 = arith.constant 0 : i32
    %dma_start3A_468 = tpu.memref_slice %arg12[%dma_start3A_467] : memref<12544xf32, #tpu.memory_space<vmem>> -> memref<12464xf32, #tpu.memory_space<vmem>>
    %dma_start3A_469 = tpu.memref_slice %arg4[%add3A_451] : memref<4000000xf32, #tpu.memory_space<hbm>> -> memref<12464xf32, #tpu.memory_space<hbm>>
    tpu.enqueue_dma source(%dma_start3A_469 : memref<12464xf32, #tpu.memory_space<hbm>>) target(%dma_start3A_468 : memref<12464xf32, #tpu.memory_space<vmem>>) target_semaphore(%arg16 : memref<!tpu.dma_semaphore, #tpu.memory_space<semaphore_mem>>)
    %dma_wait3A_470 = arith.constant 0 : i32
    %dma_wait3A_471 = tpu.memref_slice %arg7[%dma_wait3A_470] : memref<12544xi32, #tpu.memory_space<vmem>> -> memref<12504xi32, #tpu.memory_space<vmem>>
    %dma_wait3A_472 = tpu.memref_slice %arg2[%add3A_408] : memref<4000000xi32, #tpu.memory_space<hbm>> -> memref<12504xi32, #tpu.memory_space<hbm>>
    %dma_wait3A_473 = arith.constant 0 : i32
    %dma_wait3A_474 = tpu.memref_slice %arg7[%dma_wait3A_473] : memref<12544xi32, #tpu.memory_space<vmem>> -> memref<12504xi32, #tpu.memory_space<vmem>>
    %dma_wait3A_475 = tpu.memref_slice %arg2[%add3A_408] : memref<4000000xi32, #tpu.memory_space<hbm>> -> memref<12504xi32, #tpu.memory_space<hbm>>
    tpu.wait_dma2 semaphore(%arg15 : memref<!tpu.dma_semaphore, #tpu.memory_space<semaphore_mem>>) src(%dma_wait3A_475 : memref<12504xi32, #tpu.memory_space<hbm>>) dst(%dma_wait3A_474 : memref<12504xi32, #tpu.memory_space<vmem>>)
    %dma_wait3A_476 = arith.constant 0 : i32
    %dma_wait3A_477 = tpu.memref_slice %arg9[%dma_wait3A_476] : memref<12544xi32, #tpu.memory_space<vmem>> -> memref<12504xi32, #tpu.memory_space<vmem>>
    %dma_wait3A_478 = tpu.memref_slice %arg3[%add3A_408] : memref<4000000xi32, #tpu.memory_space<hbm>> -> memref<12504xi32, #tpu.memory_space<hbm>>
    %dma_wait3A_479 = arith.constant 0 : i32
    %dma_wait3A_480 = tpu.memref_slice %arg9[%dma_wait3A_479] : memref<12544xi32, #tpu.memory_space<vmem>> -> memref<12504xi32, #tpu.memory_space<vmem>>
    %dma_wait3A_481 = tpu.memref_slice %arg3[%add3A_408] : memref<4000000xi32, #tpu.memory_space<hbm>> -> memref<12504xi32, #tpu.memory_space<hbm>>
    tpu.wait_dma2 semaphore(%arg15 : memref<!tpu.dma_semaphore, #tpu.memory_space<semaphore_mem>>) src(%dma_wait3A_481 : memref<12504xi32, #tpu.memory_space<hbm>>) dst(%dma_wait3A_480 : memref<12504xi32, #tpu.memory_space<vmem>>)
    %dma_wait3A_482 = arith.constant 0 : i32
    %dma_wait3A_483 = tpu.memref_slice %arg11[%dma_wait3A_482] : memref<12544xf32, #tpu.memory_space<vmem>> -> memref<12504xf32, #tpu.memory_space<vmem>>
    %dma_wait3A_484 = tpu.memref_slice %arg4[%add3A_408] : memref<4000000xf32, #tpu.memory_space<hbm>> -> memref<12504xf32, #tpu.memory_space<hbm>>
    %dma_wait3A_485 = arith.constant 0 : i32
    %dma_wait3A_486 = tpu.memref_slice %arg11[%dma_wait3A_485] : memref<12544xf32, #tpu.memory_space<vmem>> -> memref<12504xf32, #tpu.memory_space<vmem>>
    %dma_wait3A_487 = tpu.memref_slice %arg4[%add3A_408] : memref<4000000xf32, #tpu.memory_space<hbm>> -> memref<12504xf32, #tpu.memory_space<hbm>>
    tpu.wait_dma2 semaphore(%arg15 : memref<!tpu.dma_semaphore, #tpu.memory_space<semaphore_mem>>) src(%dma_wait3A_487 : memref<12504xf32, #tpu.memory_space<hbm>>) dst(%dma_wait3A_486 : memref<12504xf32, #tpu.memory_space<vmem>>)
    %parallel_loop3A_488 = arith.constant 0 : i32
    %parallel_loop3A_489 = arith.constant 784 : i32
    %parallel_loop3A_490 = arith.constant 1 : i32
    %parallel_loop3A_491 = arith.constant 1.500000e+01 : f32
    %parallel_loop3A_492 = arith.constant 0.0666666701 : f32
    scf.for %parallel_loop3A_530 = %parallel_loop3A_488 to %parallel_loop3A_489 step %parallel_loop3A_490  : i32 {
      %parallel_loop3A_531 = arith.constant 16 : i32
      %parallel_loop3A_532 = arith.muli %parallel_loop3A_530, %parallel_loop3A_531 : i32
      %parallel_loop3A_533 = arith.index_cast %parallel_loop3A_532 : i32 to index
      %parallel_loop3A_534 = tpu.vector_load %arg11[%parallel_loop3A_533] {strides = array<i32>} : memref<12544xf32, #tpu.memory_space<vmem>>, vector<16xf32>,
      %parallel_loop3A_535 = arith.index_cast %parallel_loop3A_532 : i32 to index
      %parallel_loop3A_536 = tpu.vector_load %arg7[%parallel_loop3A_535] {strides = array<i32>} : memref<12544xi32, #tpu.memory_space<vmem>>, vector<16xi32>,
      %parallel_loop3A_537 = arith.index_cast %parallel_loop3A_532 : i32 to index
      %parallel_loop3A_538 = tpu.vector_load %arg9[%parallel_loop3A_537] {strides = array<i32>} : memref<12544xi32, #tpu.memory_space<vmem>>, vector<16xi32>,
      %parallel_loop3A_539 = vector.broadcast %parallel_loop3A_491 : f32 to vector<16xf32>
      %parallel_loop3A_540 = arith.mulf %parallel_loop3A_534, %parallel_loop3A_539 : vector<16xf32>
      %parallel_loop3A_541 = arith.fptosi %parallel_loop3A_540 : vector<16xf32> to vector<16xi32>
      %parallel_loop3A_542 = arith.sitofp %parallel_loop3A_541 : vector<16xi32> to vector<16xf32>
      %parallel_loop3A_543 = vector.broadcast %parallel_loop3A_492 : f32 to vector<16xf32>
      %parallel_loop3A_544 = arith.mulf %parallel_loop3A_542, %parallel_loop3A_543 : vector<16xf32>
      %parallel_loop3A_545 = arith.constant 1.000000e+00 : f32
      %parallel_loop3A_546 = vector.broadcast %parallel_loop3A_545 : f32 to vector<16xf32>
      %parallel_loop3A_547 = arith.addf %parallel_loop3A_542, %parallel_loop3A_546 : vector<16xf32>
      %parallel_loop3A_548 = vector.broadcast %parallel_loop3A_492 : f32 to vector<16xf32>
      %parallel_loop3A_549 = arith.mulf %parallel_loop3A_547, %parallel_loop3A_548 : vector<16xf32>
      %parallel_loop3A_550 = arith.cmpf ole, %parallel_loop3A_534, %parallel_loop3A_544 : vector<16xf32>
      %parallel_loop3A_551 = arith.constant 1 : i32
      %parallel_loop3A_552 = arith.constant 0 : i32
      %parallel_loop3A_553 = vector.broadcast %parallel_loop3A_551 : i32 to vector<16xi32>
      %parallel_loop3A_554 = vector.broadcast %parallel_loop3A_552 : i32 to vector<16xi32>
      %parallel_loop3A_555 = arith.select %parallel_loop3A_550, %parallel_loop3A_553, %parallel_loop3A_554 : vector<16xi1>, vector<16xi32>
      %parallel_loop3A_556 = arith.subi %parallel_loop3A_541, %parallel_loop3A_555 : vector<16xi32>
      %parallel_loop3A_557 = arith.cmpf ogt, %parallel_loop3A_534, %parallel_loop3A_549 : vector<16xf32>
      %parallel_loop3A_558 = arith.constant 2 : i32
      %parallel_loop3A_559 = arith.constant 1 : i32
      %parallel_loop3A_560 = vector.broadcast %parallel_loop3A_558 : i32 to vector<16xi32>
      %parallel_loop3A_561 = vector.broadcast %parallel_loop3A_559 : i32 to vector<16xi32>
      %parallel_loop3A_562 = arith.select %parallel_loop3A_557, %parallel_loop3A_560, %parallel_loop3A_561 : vector<16xi1>, vector<16xi32>
      %parallel_loop3A_563 = arith.addi %parallel_loop3A_556, %parallel_loop3A_562 : vector<16xi32>
      %parallel_loop3A_564 = arith.constant 16 : i32
      %parallel_loop3A_565 = vector.broadcast %parallel_loop3A_564 : i32 to vector<16xi32>
      %parallel_loop3A_566 = arith.muli %parallel_loop3A_563, %parallel_loop3A_565 : vector<16xi32>
      %parallel_loop3A_567 = arith.addi %parallel_loop3A_566, %iota3A : vector<16xi32>
      %parallel_loop3A_568 = arith.cmpi eq, %parallel_loop3A_536, %parallel_loop3A_538 : vector<16xi32>
      %parallel_loop3A_569 = arith.constant 65537 : i32
      %parallel_loop3A_570 = arith.constant 1 : i32
      %parallel_loop3A_571 = vector.broadcast %parallel_loop3A_569 : i32 to vector<16xi32>
      %parallel_loop3A_572 = vector.broadcast %parallel_loop3A_570 : i32 to vector<16xi32>
      %parallel_loop3A_573 = arith.select %parallel_loop3A_568, %parallel_loop3A_571, %parallel_loop3A_572 : vector<16xi1>, vector<16xi32>
      tpu.vector_store_idx %arg13[%parallel_loop3A_567], %parallel_loop3A_573 {add = true} : memref<288xi32, #tpu.memory_space<vmem>>[vector<16xi32>], vector<16xi32>,
      tpu.vector_store_idx %arg14[%parallel_loop3A_567], %parallel_loop3A_534 {add = true} : memref<288xf32, #tpu.memory_space<vmem>>[vector<16xi32>], vector<16xf32>,
    } {sc.loop_unroll_factor = 8 : i64, sc.parallel_access}
    %dma_wait3A_493 = arith.constant 0 : i32
    %dma_wait3A_494 = tpu.memref_slice %arg8[%dma_wait3A_493] : memref<12544xi32, #tpu.memory_space<vmem>> -> memref<12464xi32, #tpu.memory_space<vmem>>
    %dma_wait3A_495 = tpu.memref_slice %arg2[%add3A_451] : memref<4000000xi32, #tpu.memory_space<hbm>> -> memref<12464xi32, #tpu.memory_space<hbm>>
    %dma_wait3A_496 = arith.constant 0 : i32
    %dma_wait3A_497 = tpu.memref_slice %arg8[%dma_wait3A_496] : memref<12544xi32, #tpu.memory_space<vmem>> -> memref<12464xi32, #tpu.memory_space<vmem>>
    %dma_wait3A_498 = tpu.memref_slice %arg2[%add3A_451] : memref<4000000xi32, #tpu.memory_space<hbm>> -> memref<12464xi32, #tpu.memory_space<hbm>>
    tpu.wait_dma2 semaphore(%arg16 : memref<!tpu.dma_semaphore, #tpu.memory_space<semaphore_mem>>) src(%dma_wait3A_498 : memref<12464xi32, #tpu.memory_space<hbm>>) dst(%dma_wait3A_497 : memref<12464xi32, #tpu.memory_space<vmem>>)
    %dma_wait3A_499 = arith.constant 0 : i32
    %dma_wait3A_500 = tpu.memref_slice %arg10[%dma_wait3A_499] : memref<12544xi32, #tpu.memory_space<vmem>> -> memref<12464xi32, #tpu.memory_space<vmem>>
    %dma_wait3A_501 = tpu.memref_slice %arg3[%add3A_451] : memref<4000000xi32, #tpu.memory_space<hbm>> -> memref<12464xi32, #tpu.memory_space<hbm>>
    %dma_wait3A_502 = arith.constant 0 : i32
    %dma_wait3A_503 = tpu.memref_slice %arg10[%dma_wait3A_502] : memref<12544xi32, #tpu.memory_space<vmem>> -> memref<12464xi32, #tpu.memory_space<vmem>>
    %dma_wait3A_504 = tpu.memref_slice %arg3[%add3A_451] : memref<4000000xi32, #tpu.memory_space<hbm>> -> memref<12464xi32, #tpu.memory_space<hbm>>
    tpu.wait_dma2 semaphore(%arg16 : memref<!tpu.dma_semaphore, #tpu.memory_space<semaphore_mem>>) src(%dma_wait3A_504 : memref<12464xi32, #tpu.memory_space<hbm>>) dst(%dma_wait3A_503 : memref<12464xi32, #tpu.memory_space<vmem>>)
    %dma_wait3A_505 = arith.constant 0 : i32
    %dma_wait3A_506 = tpu.memref_slice %arg12[%dma_wait3A_505] : memref<12544xf32, #tpu.memory_space<vmem>> -> memref<12464xf32, #tpu.memory_space<vmem>>
    %dma_wait3A_507 = tpu.memref_slice %arg4[%add3A_451] : memref<4000000xf32, #tpu.memory_space<hbm>> -> memref<12464xf32, #tpu.memory_space<hbm>>
    %dma_wait3A_508 = arith.constant 0 : i32
    %dma_wait3A_509 = tpu.memref_slice %arg12[%dma_wait3A_508] : memref<12544xf32, #tpu.memory_space<vmem>> -> memref<12464xf32, #tpu.memory_space<vmem>>
    %dma_wait3A_510 = tpu.memref_slice %arg4[%add3A_451] : memref<4000000xf32, #tpu.memory_space<hbm>> -> memref<12464xf32, #tpu.memory_space<hbm>>
    tpu.wait_dma2 semaphore(%arg16 : memref<!tpu.dma_semaphore, #tpu.memory_space<semaphore_mem>>) src(%dma_wait3A_510 : memref<12464xf32, #tpu.memory_space<hbm>>) dst(%dma_wait3A_509 : memref<12464xf32, #tpu.memory_space<vmem>>)
    %swap3A_511 = arith.constant 12464 : index
    %swap3A_512 = tpu.vector_load %arg12[%swap3A_511] {strides = array<i32>} : memref<12544xf32, #tpu.memory_space<vmem>>, vector<16xf32>,
    tpu.vector_store %arg12[%swap3A_511], %broadcast_in_dim3A_5 {strides = array<i32>} : memref<12544xf32, #tpu.memory_space<vmem>>, vector<16xf32>,
    %swap3A_513 = arith.constant 12480 : index
    %swap3A_514 = tpu.vector_load %arg12[%swap3A_513] {strides = array<i32>} : memref<12544xf32, #tpu.memory_space<vmem>>, vector<16xf32>,
    tpu.vector_store %arg12[%swap3A_513], %broadcast_in_dim3A_5 {strides = array<i32>} : memref<12544xf32, #tpu.memory_space<vmem>>, vector<16xf32>,
    %swap3A_515 = arith.constant 12496 : index
    %swap3A_516 = tpu.vector_load %arg12[%swap3A_515] {strides = array<i32>} : memref<12544xf32, #tpu.memory_space<vmem>>, vector<16xf32>,
    tpu.vector_store %arg12[%swap3A_515], %broadcast_in_dim3A_5 {strides = array<i32>} : memref<12544xf32, #tpu.memory_space<vmem>>, vector<16xf32>,
    %swap3A_517 = arith.constant 12512 : index
    %swap3A_518 = tpu.vector_load %arg12[%swap3A_517] {strides = array<i32>} : memref<12544xf32, #tpu.memory_space<vmem>>, vector<16xf32>,
    tpu.vector_store %arg12[%swap3A_517], %broadcast_in_dim3A_5 {strides = array<i32>} : memref<12544xf32, #tpu.memory_space<vmem>>, vector<16xf32>,
    %swap3A_519 = arith.constant 12528 : index
    %swap3A_520 = tpu.vector_load %arg12[%swap3A_519] {strides = array<i32>} : memref<12544xf32, #tpu.memory_space<vmem>>, vector<16xf32>,
    tpu.vector_store %arg12[%swap3A_519], %broadcast_in_dim3A_5 {strides = array<i32>} : memref<12544xf32, #tpu.memory_space<vmem>>, vector<16xf32>,
    %parallel_loop3A_521 = arith.constant 0 : i32
    %parallel_loop3A_522 = arith.constant 784 : i32
    %parallel_loop3A_523 = arith.constant 1 : i32
    %parallel_loop3A_524 = arith.constant 1.500000e+01 : f32
    %parallel_loop3A_525 = arith.constant 0.0666666701 : f32
    scf.for %parallel_loop3A_530 = %parallel_loop3A_521 to %parallel_loop3A_522 step %parallel_loop3A_523  : i32 {
      %parallel_loop3A_531 = arith.constant 16 : i32
      %parallel_loop3A_532 = arith.muli %parallel_loop3A_530, %parallel_loop3A_531 : i32
      %parallel_loop3A_533 = arith.index_cast %parallel_loop3A_532 : i32 to index
      %parallel_loop3A_534 = tpu.vector_load %arg12[%parallel_loop3A_533] {strides = array<i32>} : memref<12544xf32, #tpu.memory_space<vmem>>, vector<16xf32>,
      %parallel_loop3A_535 = arith.index_cast %parallel_loop3A_532 : i32 to index
      %parallel_loop3A_536 = tpu.vector_load %arg8[%parallel_loop3A_535] {strides = array<i32>} : memref<12544xi32, #tpu.memory_space<vmem>>, vector<16xi32>,
      %parallel_loop3A_537 = arith.index_cast %parallel_loop3A_532 : i32 to index
      %parallel_loop3A_538 = tpu.vector_load %arg10[%parallel_loop3A_537] {strides = array<i32>} : memref<12544xi32, #tpu.memory_space<vmem>>, vector<16xi32>,
      %parallel_loop3A_539 = vector.broadcast %parallel_loop3A_524 : f32 to vector<16xf32>
      %parallel_loop3A_540 = arith.mulf %parallel_loop3A_534, %parallel_loop3A_539 : vector<16xf32>
      %parallel_loop3A_541 = arith.fptosi %parallel_loop3A_540 : vector<16xf32> to vector<16xi32>
      %parallel_loop3A_542 = arith.sitofp %parallel_loop3A_541 : vector<16xi32> to vector<16xf32>
      %parallel_loop3A_543 = vector.broadcast %parallel_loop3A_525 : f32 to vector<16xf32>
      %parallel_loop3A_544 = arith.mulf %parallel_loop3A_542, %parallel_loop3A_543 : vector<16xf32>
      %parallel_loop3A_545 = arith.constant 1.000000e+00 : f32
      %parallel_loop3A_546 = vector.broadcast %parallel_loop3A_545 : f32 to vector<16xf32>
      %parallel_loop3A_547 = arith.addf %parallel_loop3A_542, %parallel_loop3A_546 : vector<16xf32>
      %parallel_loop3A_548 = vector.broadcast %parallel_loop3A_525 : f32 to vector<16xf32>
      %parallel_loop3A_549 = arith.mulf %parallel_loop3A_547, %parallel_loop3A_548 : vector<16xf32>
      %parallel_loop3A_550 = arith.cmpf ole, %parallel_loop3A_534, %parallel_loop3A_544 : vector<16xf32>
      %parallel_loop3A_551 = arith.constant 1 : i32
      %parallel_loop3A_552 = arith.constant 0 : i32
      %parallel_loop3A_553 = vector.broadcast %parallel_loop3A_551 : i32 to vector<16xi32>
      %parallel_loop3A_554 = vector.broadcast %parallel_loop3A_552 : i32 to vector<16xi32>
      %parallel_loop3A_555 = arith.select %parallel_loop3A_550, %parallel_loop3A_553, %parallel_loop3A_554 : vector<16xi1>, vector<16xi32>
      %parallel_loop3A_556 = arith.subi %parallel_loop3A_541, %parallel_loop3A_555 : vector<16xi32>
      %parallel_loop3A_557 = arith.cmpf ogt, %parallel_loop3A_534, %parallel_loop3A_549 : vector<16xf32>
      %parallel_loop3A_558 = arith.constant 2 : i32
      %parallel_loop3A_559 = arith.constant 1 : i32
      %parallel_loop3A_560 = vector.broadcast %parallel_loop3A_558 : i32 to vector<16xi32>
      %parallel_loop3A_561 = vector.broadcast %parallel_loop3A_559 : i32 to vector<16xi32>
      %parallel_loop3A_562 = arith.select %parallel_loop3A_557, %parallel_loop3A_560, %parallel_loop3A_561 : vector<16xi1>, vector<16xi32>
      %parallel_loop3A_563 = arith.addi %parallel_loop3A_556, %parallel_loop3A_562 : vector<16xi32>
      %parallel_loop3A_564 = arith.constant 16 : i32
      %parallel_loop3A_565 = vector.broadcast %parallel_loop3A_564 : i32 to vector<16xi32>
      %parallel_loop3A_566 = arith.muli %parallel_loop3A_563, %parallel_loop3A_565 : vector<16xi32>
      %parallel_loop3A_567 = arith.addi %parallel_loop3A_566, %iota3A : vector<16xi32>
      %parallel_loop3A_568 = arith.cmpi eq, %parallel_loop3A_536, %parallel_loop3A_538 : vector<16xi32>
      %parallel_loop3A_569 = arith.constant 65537 : i32
      %parallel_loop3A_570 = arith.constant 1 : i32
      %parallel_loop3A_571 = vector.broadcast %parallel_loop3A_569 : i32 to vector<16xi32>
      %parallel_loop3A_572 = vector.broadcast %parallel_loop3A_570 : i32 to vector<16xi32>
      %parallel_loop3A_573 = arith.select %parallel_loop3A_568, %parallel_loop3A_571, %parallel_loop3A_572 : vector<16xi1>, vector<16xi32>
      tpu.vector_store_idx %arg13[%parallel_loop3A_567], %parallel_loop3A_573 {add = true} : memref<288xi32, #tpu.memory_space<vmem>>[vector<16xi32>], vector<16xi32>,
      tpu.vector_store_idx %arg14[%parallel_loop3A_567], %parallel_loop3A_534 {add = true} : memref<288xf32, #tpu.memory_space<vmem>>[vector<16xi32>], vector<16xf32>,
    } {sc.loop_unroll_factor = 8 : i64, sc.parallel_access}
    %mul3A_526 = arith.constant 288 : i32
    %mul3A_527 = arith.muli %add3A, %mul3A_526 : i32
    "tpu.region"() ({
      %run_scoped3A = tpu.sem_alloc : memref<!tpu.dma_semaphore, #tpu.memory_space<semaphore_mem>>
      %dma_start3A_530 = tpu.memref_slice %arg5[%mul3A_527] : memref<9216xi32, #tpu.memory_space<hbm>> -> memref<288xi32, #tpu.memory_space<hbm>>
      %dma_start3A_531 = tpu.memref_slice %arg5[%mul3A_527] : memref<9216xi32, #tpu.memory_space<hbm>> -> memref<288xi32, #tpu.memory_space<hbm>>
      tpu.enqueue_dma source(%arg13 : memref<288xi32, #tpu.memory_space<vmem>>) target(%dma_start3A_531 : memref<288xi32, #tpu.memory_space<hbm>>) target_semaphore(%run_scoped3A : memref<!tpu.dma_semaphore, #tpu.memory_space<semaphore_mem>>)
      %dma_wait3A_532 = tpu.memref_slice %arg5[%mul3A_527] : memref<9216xi32, #tpu.memory_space<hbm>> -> memref<288xi32, #tpu.memory_space<hbm>>
      %dma_wait3A_533 = tpu.memref_slice %arg5[%mul3A_527] : memref<9216xi32, #tpu.memory_space<hbm>> -> memref<288xi32, #tpu.memory_space<hbm>>
      tpu.wait_dma2 semaphore(%run_scoped3A : memref<!tpu.dma_semaphore, #tpu.memory_space<semaphore_mem>>) src(%arg13 : memref<288xi32, #tpu.memory_space<vmem>>) dst(%dma_wait3A_533 : memref<288xi32, #tpu.memory_space<hbm>>)
      tpu.yield
    }) : () -> ()
    %mul3A_528 = arith.constant 288 : i32
    %mul3A_529 = arith.muli %add3A, %mul3A_528 : i32
    "tpu.region"() ({
      %run_scoped3A = tpu.sem_alloc : memref<!tpu.dma_semaphore, #tpu.memory_space<semaphore_mem>>
      %dma_start3A_530 = tpu.memref_slice %arg6[%mul3A_529] : memref<9216xf32, #tpu.memory_space<hbm>> -> memref<288xf32, #tpu.memory_space<hbm>>
      %dma_start3A_531 = tpu.memref_slice %arg6[%mul3A_529] : memref<9216xf32, #tpu.memory_space<hbm>> -> memref<288xf32, #tpu.memory_space<hbm>>
      tpu.enqueue_dma source(%arg14 : memref<288xf32, #tpu.memory_space<vmem>>) target(%dma_start3A_531 : memref<288xf32, #tpu.memory_space<hbm>>) target_semaphore(%run_scoped3A : memref<!tpu.dma_semaphore, #tpu.memory_space<semaphore_mem>>)
      %dma_wait3A_532 = tpu.memref_slice %arg6[%mul3A_529] : memref<9216xf32, #tpu.memory_space<hbm>> -> memref<288xf32, #tpu.memory_space<hbm>>
      %dma_wait3A_533 = tpu.memref_slice %arg6[%mul3A_529] : memref<9216xf32, #tpu.memory_space<hbm>> -> memref<288xf32, #tpu.memory_space<hbm>>
      tpu.wait_dma2 semaphore(%run_scoped3A : memref<!tpu.dma_semaphore, #tpu.memory_space<semaphore_mem>>) src(%arg14 : memref<288xf32, #tpu.memory_space<vmem>>) dst(%dma_wait3A_533 : memref<288xf32, #tpu.memory_space<hbm>>)
      tpu.yield
    }) : () -> ()
    return
  }
}

</mosaic_0001>

<sc_bundles>
// kernel: kernel.3.cloned.1.call-start
scs
__scs_entry_jumppad:
0x0: {  	(pc) =	sbr.rel $0x88, $3  }
0x1: {  	(tag) =	ssettag $0x0;
	lr =	simm.s32 $0x1  }
0x2: {  	[smem:$0x3F9E] =	sst lr;
	_ =	strace $0xD0000000  }
0x3: {  	_ = 	snop  }
0x4: {  	_ = 	snop  }
0x5: {  	_ = 	snop  }
0x6: {  	_ = 	snop  }
0x7: {  	_ = 	snop  }
__scs_overlays_trampoline_lowered:
0x8: {  	[smem:$0x3FAD] =	sst s0  }
0x9: {  	[smem:$0x3FAE] =	sst s1  }
0xa: {  	[smem:$0x3FAF] =	sst s2  }
0xb: {  	[smem:$0x3FB0] =	sst s3  }
0xc: {  	[smem:$0x3FB1] =	sst s4  }
0xd: {  	[smem:$0x3FB2] =	sst s5  }
0xe: {  	[smem:$0x3FB3] =	sst s6  }
0xf: {  	[smem:$0x3FB4] =	sst s7  }
0x10: {  	[smem:$0x3FB5] =	sst s8  }
0x11: {  	[smem:$0x3FB6] =	sst s9;
	s0 =	simm.s32 @!p0 $0x0  }
0x12: {  	s1 =	sld [smem:$0x3F9C];
	s0 =	simm.s32 @p0 $0x1  }
0x13: {  	[smem:$0x3FB7] =	sst s0;
	s0 =	simm.s32 @!p1 $0x0  }
0x14: {  	s2 =	sld [smem:$0x3F9B];
	s0 =	simm.s32 @p1 $0x1  }
0x15: {  	[smem:$0x3FB8] =	sst s0;
	s0 =	simm.s32 @!p2 $0x0  }
0x16: {  	s3 =	sld [smem:$0x3FDB];
	s0 =	simm.s32 @p2 $0x1  }
0x17: {  	s4 =	simm.s32 $0x1BF5;
	[smem:$0x3FBA] =	sst s0  }
0x18: {  	s0 =	sld [smem:$0x3F9D];
	_ =	swait.ge [sflag:s4], $0x0  }
0x19: {  	s7 =	sld [smem:$0x3F9E]  }
0x1a: {  	s8 =	sadd.s32 $0xFFFFE003, lr  }
0x1b: {  	s9 =	sadd.s32 $0xFFFFFEF7, lr;
	s5 =	simm.s32 $0xFFFFFFFF;
	p2 =	slt.u32 s8, $0xFFFFF086  }
0x1c: {  	p1 =	slt.u32 s9, $0xF7A;
	s5 =	simm.s32 @!p2 $0x0  }
0x1d: {  	s5 =	simm.s32 @p1 $0x1;
	p0 =	seq.s32 s7, s2  }
0x1e: {  	s7 =	smul.u32 @!p0 $0xF7A, s2;
	p2 =	seq.s32 @!p0 s5, $0x0  }
0x1f: {  	s9 =	smul.u32 $0xF7A, s1;
	s8 =	simm.s32 @!p0 $0x1BF5;
	p2 =	por !p2, p0  }
0x20: {  	[sflag:s8] =	ssyncset.s32 @!p0 $0xFFFFF086;
	s6 =	sadd.s32 @!p0 s3, s7;
	s7 =	simm.s32 @!p0 $0x108  }
0x21: {  	s3 =	sadd.s32 s3, s9;
	s6 =	sadd.s32 @!p0 $0x88, s6;
	s7 =	simm.s32 @p2 $0x1082  }
0x22: {  	[simem:s7], [sflag:s8] =	dma.local @!p0 [hbm:s6], $0xF7A  }
0x23: {  	s9 =	sor.u32 $0xD0000000, s2;
	s6 =	simm.s32 $0x108;
	_ =	swait.ge @!p0 [sflag:s8], $0x0  }
0x24: {  	s3 =	sadd.s32 $0x88, s3;
	s6 =	simm.s32 @!p1 $0x1082;
	[sflag:s4] =	ssyncset.s32 $0xFFFFF086  }
0x25: {  	[simem:s6], [sflag:s4] =	dma.local [hbm:s3], $0xF7A  }
0x26: {  	[smem:$0x3F9E] =	sst s1;
	(tag) =	ssettag s2;
	_ =	strace s9  }
0x27: {  	s1 =	sld [smem:$0x3FAE]  }
0x28: {  	s2 =	sld [smem:$0x3FAF]  }
0x29: {  	s4 =	sld [smem:$0x3FB1]  }
0x2a: {  	p0 =	seq.s32 s5, $0x0;
	s5 =	sld [smem:$0x3FB2]  }
0x2b: {  	s6 =	sld [smem:$0x3FB3]  }
0x2c: {  	s7 =	sld [smem:$0x3FB4]  }
0x2d: {  	s3 =	simm.s32 $0x108;
	s8 =	sld [smem:$0x3FB5]  }
0x2e: {  	s3 =	simm.s32 @!p0 $0x1082;
	s9 =	sld [smem:$0x3FB6]  }
0x2f: {  	lr =	sadd.s32 s0, s3;
	s0 =	sld [smem:$0x3FAD]  }
0x30: {  	s3 =	sld [smem:$0x3FB0]  }
0x31: {  	[smem:$0x3FB9] =	sst s10  }
0x32: {  	s10 =	sld [smem:$0x3FB7];
	_ =	sdelay $0x3  }
0x33: {  	p0 =	seq.s32 s10, $0x1;
	s10 =	sld [smem:$0x3FB9];
	_ =	sdelay $0x3  }
0x34: {  	[smem:$0x3FB9] =	sst s10  }
0x35: {  	s10 =	sld [smem:$0x3FB8];
	_ =	sdelay $0x3  }
0x36: {  	p1 =	seq.s32 s10, $0x1;
	s10 =	sld [smem:$0x3FB9];
	_ =	sdelay $0x3  }
0x37: {  	[smem:$0x3FB9] =	sst s10  }
0x38: {  	s10 =	sld [smem:$0x3FBA]  }
0x39: {  	_ = 	snop;
	(pc) =	sbr.ind lr, $3  }
0x3a: {  	_ = 	snop  }
0x3b: {  	_ = 	snop  }
0x3c: {  	p2 =	seq.s32 s10, $0x1;
	s10 =	sld [smem:$0x3FB9]  }
0x3d: {  	_ =	shalt  }
0x3e: {  	_ =	shalt  }
0x3f: {  	_ =	shalt  }
0x40: {  	_ =	shalt  }
0x41: {  	_ =	shalt  }
0x42: {  	_ =	shalt  }
0x43: {  	_ =	shalt  }
0x44: {  	_ =	shalt  }
0x45: {  	_ =	shalt  }
0x46: {  	_ =	shalt  }
0x47: {  	_ =	shalt  }
0x48: {  	_ =	shalt  }
0x49: {  	_ =	shalt  }
0x4a: {  	_ =	shalt  }
0x4b: {  	_ =	shalt  }
0x4c: {  	_ =	shalt  }
0x4d: {  	_ =	shalt  }
0x4e: {  	_ =	shalt  }
0x4f: {  	_ =	shalt  }
0x50: {  	_ =	shalt  }
0x51: {  	_ =	shalt  }
0x52: {  	_ =	shalt  }
0x53: {  	_ =	shalt  }
0x54: {  	_ =	shalt  }
0x55: {  	_ =	shalt  }
0x56: {  	_ =	shalt  }
0x57: {  	_ =	shalt  }
0x58: {  	_ =	shalt  }
0x59: {  	_ =	shalt  }
0x5a: {  	_ =	shalt  }
0x5b: {  	_ =	shalt  }
0x5c: {  	_ =	shalt  }
0x5d: {  	_ =	shalt  }
0x5e: {  	_ =	shalt  }
0x5f: {  	_ =	shalt  }
0x60: {  	_ =	shalt  }
0x61: {  	_ =	shalt  }
0x62: {  	_ =	shalt  }
0x63: {  	_ =	shalt  }
0x64: {  	_ =	shalt  }
0x65: {  	_ =	shalt  }
0x66: {  	_ =	shalt  }
0x67: {  	_ =	shalt  }
0x68: {  	_ =	shalt  }
0x69: {  	_ =	shalt  }
0x6a: {  	_ =	shalt  }
0x6b: {  	_ =	shalt  }
0x6c: {  	_ =	shalt  }
0x6d: {  	_ =	shalt  }
0x6e: {  	_ =	shalt  }
0x6f: {  	_ =	shalt  }
0x70: {  	_ =	shalt  }
0x71: {  	_ =	shalt  }
0x72: {  	_ =	shalt  }
0x73: {  	_ =	shalt  }
0x74: {  	_ =	shalt  }
0x75: {  	_ =	shalt  }
0x76: {  	_ =	shalt  }
0x77: {  	_ =	shalt  }
0x78: {  	_ =	shalt  }
0x79: {  	_ =	shalt  }
0x7a: {  	_ =	shalt  }
0x7b: {  	_ =	shalt  }
0x7c: {  	_ =	shalt  }
0x7d: {  	_ =	shalt  }
0x7e: {  	_ =	shalt  }
0x7f: {  	_ =	shalt  }
0x80: {  	_ =	shalt  }
0x81: {  	_ =	shalt  }
0x82: {  	_ =	shalt  }
0x83: {  	_ =	shalt  }
0x84: {  	_ =	shalt  }
0x85: {  	_ =	shalt  }
0x86: {  	_ =	shalt  }
0x87: {  	_ =	shalt  }
.Lfunc_end0:
.L_simem_size_0:
called_computation_lowered:
.L_overlay_start_0:
0x88: {  	s2 =	sld [smem:$0x3FD9]  }
0x89: {  	s3 =	sld [smem:$0x3FFE];
	_ =	sdelay $0x1  }
0x8a: {  	s1 =	srdreg.scid  }
0x8b: {  	s0 =	sand.u32 $0x1, s1  }
0x8c: {  	s17 =	sshll.u32 s0, $0xA;
	s2 =	sadd.s32 s3, s2  }
0x8d: {  	s2 =	sadd.s32 s2, s17  }
0x8e: {  	[smem:$0x3FC5] =	sst s2  }
0x8f: {  	_ = 	snop  }
0x90: {  	s2 =	sld [smem:$0x3FC9]  }
0x91: {  	s18 =	sld [smem:$0x3FC8]  }
0x92: {  	s4 =	sld [smem:$0x3FC7];
	(tm) =	ssettm $0x1  }
0x93: {  	s5 =	sld [smem:$0x3FFB];
	_ =	sdelay $0x3  }
0x94: {  	_ =	strace s5  }
0x95: {  	s5 =	sld [smem:$0x3FFC];
	_ =	sdelay $0x3  }
0x96: {  	_ =	strace s5  }
0x97: {  	s5 =	sld [smem:$0x3FFD];
	_ =	sdelay $0x3  }
0x98: {  	_ =	strace s5  }
0x99: {  	_ =	strace $0x8FFFFFFF  }
0x9a: {  	s19 =	sld [smem:$0x3FDB];
	_ =	sdelay $0x1  }
0x9b: {  	s6 =	simm.s32 $_scs_section_size  }
0x9c: {  	s7 =	simm.s32 $_size__tile_overlayer_lowered;
	s8 =	simm.s32 $_tile_overlayer_lowered  }
0x9d: {  	s22 =	simm.s32 $0x1BFF;
	s21 =	sshll.u32 s8, $0x1;
	s5 =	sadd.s32 s6, s19  }
0x9e: {  	s9 =	simm.s32 $0x0;
	s20 =	sshll.u32 s7, $0x1;
	s7 =	sadd.s32 s21, s5  }
0x9f: {  	[timem:s9], [sflag:s22] =	dma.local [hbm:s7], s20  }
0xa0: {  	_ =	swait.ge [sflag:s22], s20  }
0xa1: {  	s6 =	ssub.s32 $0x0, s20;
	[sflag:s22] =	ssyncset.done $0x0  }
0xa2: {  	[sflag:s22] =	ssyncadd.s32 s6;
	_ =	sdelay $0x1  }
0xa3: {  	s23 =	simm.s32 $0x1B8B  }
0xa4: {  	_ =	swait.ge [sflag:s23], $0x1  }
0xa5: {  	[sflag:s23] =	ssyncset.done $0x0  }
0xa6: {  	s25 =	simm.s32 $0x1B8E;
	s24 =	sld [smem:$0x3FFE];
	[sflag:s23] =	ssyncadd.s32 $0xFFFFFFFF  }
0xa7: {  	s26 =	simm.s32 $execute0_lowered;
	[smem:$0x3FD2] =	sst s25  }
0xa8: {  	s7 =	sshll.u32 s26, $0x1;
	_ =	strace $0x80000046;
	[dreg:$0x1] =	wrdreg $0xFFFFFFFF  }
0xa9: {  	s28 =	simm.s32 $_size_execute0_lowered;
	s5 =	sadd.s32 s5, s7;
	[dreg:$0x0] =	wrdreg $0x0  }
0xaa: {  	s7 =	sshll.u32 s28, $0x1;
	[dreg:$0x2] =	wrdreg s5  }
0xab: {  	[dreg:$0x3] =	wrdreg s7  }
0xac: {  	[dreg:$0x4] =	wrdreg $0xC0  }
0xad: {  	_ =	task [dreg:s9], $0x5FFFF  }
0xae: {  	[dreg:$0x1] =	wrdreg $0xFFFFFFFF  }
0xaf: {  	[dreg:$0x0] =	wrdreg $0x60  }
0xb0: {  	[dreg:$0x2] =	wrdreg s2  }
0xb1: {  	[dreg:$0x3] =	wrdreg s18  }
0xb2: {  	[dreg:$0x4] =	wrdreg s4  }
0xb3: {  	[dreg:$0x5] =	wrdreg s24  }
0xb4: {  	[dreg:$0x6] =	wrdreg $0x9  }
0xb5: {  	_ =	task.clear_ibuf [dreg:s9], $0x7FFFF;
	_ =	strace $0x90000046  }
0xb6: {  	s29 =	simm.s32 $0x9;
	_ =	strace $0x80000048  }
0xb7: {  	_ =	swait.ge [sflag:s29], $0x1  }
0xb8: {  	[sflag:s29] =	ssyncadd.s32 $0xFFFFFFFF  }
0xb9: {  	_ =	strace $0x90000048  }
0xba: {  	_ =	sfence  }
0xbb: {  	s30 =	sld [smem:$0x0];
	_ =	sdelay $0x2  }
0xbc: {  	s31 =	sshll.u32 s1, $0xD;
	s1 =	sshrl.u32 s1, $0x2  }
0xbd: {  	s3 =	sand.u32 $0x4000, s31;
	s1 =	sadd.s32 s1, s30  }
0xbe: {  	s0 =	sor.u32 s3, s0;
	s1 =	sshll.u32 s1, $0x11  }
0xbf: {  	s0 =	sor.u32 s1, s0  }
0xc0: {  	s0 =	sadd.s32 $0x8F2B, s0  }
0xc1: {  	[sflag:s0] =	ssyncadd.remote.s32 $0x1  }
0xc2: {  	_ =	sfence.sel $0xFFFF  }
0xc3: {  	[dreg:$0x0] =	wrdreg $0xFFFFFFFF;
	(pc) =	sbr.abs _section_cstart, $3  }
0xc4: {  	[dreg:$0x1] =	wrdreg $0xFFFFFFFF  }
0xc5: {  	_ =	task.clear_ibuf [dreg:s9], $0x2FFFF;
	_ =	strace $0x9FFFFFFF  }
0xc6: {  	(tm) =	ssettm $0x7FFFFFFF  }
0xc7: {  	_ =	shalt  }
tec
execute0_lowered:
.L_overlay_start_1:
0x0: {  	(tag) =	ssettag $0x1  }
0x1: {  	s0 =	srdreg.scid;
	s1 =	stileid.u32  }
0x2: {  	s0 =	sand.u32 $0x1, s0;
	s1 =	sshll.u32 s1, $0x1  }
0x3: {  	s2 =	rddreg [dreg:$0x0];
	s3 =	sor.u32 s0, s1  }
0x4: {  	s4 =	rddreg [dreg:$0x1];
	s5 =	smul.u32 $0x1E848, s3  }
0x5: {  	s6 =	rddreg [dreg:$0x2];
	s0 =	ssub.s32 $0x2, s0  }
0x6: {  	s1 =	simm.s32 $0x0;
	s7 =	sshrl.u32 s0, $0x1;
	s8 =	sadd.s32 $0x30D8, s5  }
0x7: {  	[smem:$0x7FF] =	sst s1;
	s7 =	ssub.s32 s0, s7;
	s8 =	sshrl.u32 s8, $0x3  }
0x8: {  	s0 =	sshrl.u32 s5, $0x3;
	s20 =	sadd.s32 $0x9288, s5;
	s9 =	sadd.s32 s2, s8  }
0x9: {  	s25 =	sadd.s32 $0xF438, s5;
	s17 =	sadd.s32 s4, s8;
	[dreg:$0x5] =	wrdreg s9  }
0xa: {  	s18 =	sadd.s32 $0xC36, s0;
	s8 =	sadd.s32 s6, s8;
	[dreg:$0x6] =	wrdreg s17  }
0xb: {  	s15 =	sadd.s32 $0x155E8, s5;
	s19 =	sadd.s32 s2, s18;
	[dreg:$0x7] =	wrdreg s8  }
0xc: {  	s23 =	sadd.s32 $0x186C, s0;
	s10 =	sadd.s32 s4, s18;
	[dreg:$0x8] =	wrdreg s19  }
0xd: {  	s5 =	sadd.s32 $0x1B798, s5;
	s24 =	sadd.s32 s2, s23;
	[dreg:$0x9] =	wrdreg s10  }
0xe: {  	s13 =	sadd.s32 $0x24A2, s0;
	s26 =	sadd.s32 s4, s23;
	[dreg:$0xe] =	wrdreg s24  }
0xf: {  	s14 =	sadd.s32 s2, s13;
	s16 =	sadd.s32 s4, s13;
	[dreg:$0xf] =	wrdreg s26  }
0x10: {  	s9 =	sadd.s32 s6, s18;
	s8 =	sshrl.u32 s20, $0x3;
	[dreg:$0x14] =	wrdreg s14  }
0x11: {  	[dreg:$0x15] =	wrdreg s16;
	s20 =	sadd.s32 s2, s0;
	s17 =	sshrl.u32 s5, $0x3  }
0x12: {  	s18 =	smul.u32 $0x24, s3;
	s19 =	rddreg [dreg:$0x3];
	s3 =	smax.u32 s7, $0x1  }
0x13: {  	s5 =	simm.s32 $0x6200;
	[dreg:$0xa] =	wrdreg s9;
	s21 =	sadd.s32 s2, s8  }
0x14: {  	s7 =	simm.s32 $0x3100;
	s22 =	sadd.s32 s4, s8;
	[dreg:$0xb] =	wrdreg s21  }
0x15: {  	s10 =	simm.s32 $0x1;
	s8 =	sadd.s32 s6, s8;
	[dreg:$0xc] =	wrdreg s22  }
0x16: {  	s14 =	simm.s32 $0x3;
	s9 =	sadd.s32 s6, s23;
	[dreg:$0xd] =	wrdreg s8  }
0x17: {  	s31 =	sadd.s32 s2, s17;
	s30 =	sadd.s32 s4, s17;
	[dreg:$0x10] =	wrdreg s9  }
0x18: {  	s8 =	sshrl.u32 s25, $0x3;
	s9 =	sadd.s32 s6, s13;
	s21 =	sadd.s32 s4, s0  }
0x19: {  	s22 =	sadd.s32 s6, s0;
	s0 =	sadd.s32 $0x30D8, s0;
	s13 =	simm.s32 $0x2  }
0x1a: {  	s11 =	sadd.s32 s2, s8;
	s12 =	sadd.s32 s4, s8;
	[dreg:$0x16] =	wrdreg s9  }
0x1b: {  	s8 =	sadd.s32 s6, s8;
	s26 =	sadd.s32 s2, s0;
	[dreg:$0x11] =	wrdreg s11  }
0x1c: {  	s28 =	sadd.s32 s4, s0;
	s29 =	sadd.s32 s6, s0;
	[dreg:$0x12] =	wrdreg s12  }
0x1d: {  	s0 =	sadd.s32 s6, s17;
	s9 =	simm.s32 $0xF500;
	[dreg:$0x13] =	wrdreg s8  }
0x1e: {  	s8 =	sshrl.u32 s15, $0x3;
	s11 =	simm.s32 $0x12600;
	s12 =	simm.s32 $0x12780  }
0x1f: {  	s15 =	simm.s32 $0x0;
	s23 =	sadd.s32 s2, s8;
	s24 =	sadd.s32 s4, s8  }
0x20: {  	v0 =	vimm.s32 $0x0;
	s25 =	sadd.s32 s6, s8;
	s2 =	sadd.s32 s19, s18;
	_ =	strace $0x80000047  }
0x21: {  	v1 =	vimm.f32 $0.0e+00;
	v2 =	vimm.s32 $0x1;
	v3 =	vlaneseq.u32;
	s6 =	simm.s32 $0xC400;
	s8 =	simm.s32 $0x9300;
	s4 =	sadd.s32 $0x600, s2  }
.LBB2_1:
0x22: {  	[tilespmem:$0x12600] =	vst v0  }
0x23: {  	[tilespmem:$0x12780] =	vst v1  }
0x24: {  	[tilespmem:$0x12610] =	vst v0  }
0x25: {  	[tilespmem:$0x12790] =	vst v1  }
0x26: {  	[tilespmem:$0x12620] =	vst v0  }
0x27: {  	[tilespmem:$0x127A0] =	vst v1  }
0x28: {  	[tilespmem:$0x12630] =	vst v0  }
0x29: {  	[tilespmem:$0x127B0] =	vst v1  }
0x2a: {  	[tilespmem:$0x12640] =	vst v0  }
0x2b: {  	[tilespmem:$0x127C0] =	vst v1  }
0x2c: {  	[tilespmem:$0x12650] =	vst v0  }
0x2d: {  	[tilespmem:$0x127D0] =	vst v1  }
0x2e: {  	[tilespmem:$0x12660] =	vst v0  }
0x2f: {  	[tilespmem:$0x127E0] =	vst v1  }
0x30: {  	[tilespmem:$0x12670] =	vst v0  }
0x31: {  	[tilespmem:$0x127F0] =	vst v1  }
0x32: {  	[tilespmem:$0x12680] =	vst v0  }
0x33: {  	[tilespmem:$0x12800] =	vst v1  }
0x34: {  	[tilespmem:$0x12690] =	vst v0  }
0x35: {  	[tilespmem:$0x12810] =	vst v1  }
0x36: {  	[tilespmem:$0x126A0] =	vst v0  }
0x37: {  	[tilespmem:$0x12820] =	vst v1  }
0x38: {  	[tilespmem:$0x126B0] =	vst v0  }
0x39: {  	[tilespmem:$0x12830] =	vst v1  }
0x3a: {  	[tilespmem:$0x126C0] =	vst v0  }
0x3b: {  	[tilespmem:$0x12840] =	vst v1  }
0x3c: {  	[tilespmem:$0x126D0] =	vst v0  }
0x3d: {  	[tilespmem:$0x12850] =	vst v1  }
0x3e: {  	[tilespmem:$0x126E0] =	vst v0  }
0x3f: {  	[tilespmem:$0x12860] =	vst v1  }
0x40: {  	[tilespmem:$0x126F0] =	vst v0  }
0x41: {  	[tilespmem:$0x12870] =	vst v1  }
0x42: {  	[tilespmem:$0x12700] =	vst v0  }
0x43: {  	[tilespmem:$0x12880] =	vst v1  }
0x44: {  	[tilespmem:$0x12710] =	vst v0  }
0x45: {  	[tilespmem:$0x12890] =	vst v1  }
0x46: {  	[tilespmem:$0xF4D0] =	vst v1  }
0x47: {  	[tilespmem:$0x125D0] =	vst v1  }
0x48: {  	[tilespmem:$0xF4E0] =	vst v1  }
0x49: {  	[tilespmem:$0x125E0] =	vst v1  }
0x4a: {  	[tilespmem:$0xF4F0] =	vst v1  }
0x4b: {  	[tilespmem:$0x125F0] =	vst v1  }
0x4c: {  	[tilespmem:s1], [sflag:$0x1] =	stream.linear.gather [hbm4b:s20+s1], $0x30D8, $0x38;
	[tilespmem:$0x12900] =	vst v63  }
0x4d: {  	_ = 	snop  }
0x4e: {  	[tilespmem:s5], [sflag:$0x1] =	stream.linear.gather [hbm4b:s21+s1], $0x30D8, $0x38;
	[tilespmem:$0x12900] =	vst v63  }
0x4f: {  	_ = 	snop  }
0x50: {  	[tilespmem:s6], [sflag:$0x1] =	stream.linear.gather [hbm4b:s22+s1], $0x30D8, $0x38;
	[tilespmem:$0x12900] =	vst v63  }
0x51: {  	s16 =	rddreg [dreg:$0x5]  }
0x52: {  	[tilespmem:s7], [sflag:$0x2] =	stream.linear.gather [hbm4b:s16+s1], $0x30D8, $0x38;
	[tilespmem:$0x12900] =	vst v63  }
0x53: {  	s17 =	rddreg [dreg:$0x6]  }
0x54: {  	[tilespmem:s8], [sflag:$0x2] =	stream.linear.gather [hbm4b:s17+s1], $0x30D8, $0x38;
	[tilespmem:$0x12900] =	vst v63  }
0x55: {  	s18 =	rddreg [dreg:$0x7]  }
0x56: {  	[tilespmem:s9], [sflag:$0x2] =	stream.linear.gather [hbm4b:s18+s1], $0x30D8, $0x38;
	[tilespmem:$0x12900] =	vst v63  }
0x57: {  	_ =	swait.ge [sflag:s10], $0x30D8  }
0x58: {  	[sflag:s10] =	ssyncset.done $0x0  }
0x59: {  	[sflag:s10] =	ssyncadd.s32 $0xFFFFCF28  }
0x5a: {  	_ =	swait.ge [sflag:s10], $0x30D8  }
0x5b: {  	[sflag:s10] =	ssyncset.done $0x0  }
0x5c: {  	[sflag:s10] =	ssyncadd.s32 $0xFFFFCF28  }
0x5d: {  	_ =	swait.ge [sflag:s10], $0x30D8  }
0x5e: {  	[sflag:s10] =	ssyncset.done $0x0  }
0x5f: {  	s19 =	simm.s32 $0xC440;
	[sflag:s10] =	ssyncadd.s32 $0xFFFFCF28  }
0x60: {  	v17 =	vld [tilespmem:s19+$0x30]  }
0x61: {  	v9 =	vld [tilespmem:s19+$0xFFFFFFD0]  }
0x62: {  	v8 =	vld [tilespmem:s19+$0xFFFFFFE0]  }
0x63: {  	v6 =	vld [tilespmem:s19+$0xFFFFFFF0]  }
0x64: {  	v7 =	vld [tilespmem:s19+$0x0]  }
0x65: {  	v4 =	vld [tilespmem:s19+$0x10]  }
0x66: {  	v5 =	vld [tilespmem:s19+$0x20]  }
0x67: {  	v10 =	vld [tilespmem:s19+$0xFFFFFFC0]  }
0x68: {  	v11 =	vmul.f32 $1.500000000e+01, v17  }
0x69: {  	v12 =	vmul.f32 $1.500000000e+01, v9;
	v13 =	vmul.f32 $1.500000000e+01, v8  }
0x6a: {  	v14 =	vmul.f32 $1.500000000e+01, v6;
	v15 =	vmul.f32 $1.500000000e+01, v7  }
0x6b: {  	v16 =	vmul.f32 $1.500000000e+01, v4;
	v19 =	vmul.f32 $1.500000000e+01, v5  }
0x6c: {  	v20 =	vmul.f32 $1.500000000e+01, v10;
	v11 =	vtrunc.f32 v11  }
0x6d: {  	v12 =	vtrunc.f32 v12;
	v13 =	vtrunc.f32 v13  }
0x6e: {  	v14 =	vtrunc.f32 v14;
	v11 =	vcvt.f32.s32 v11  }
0x6f: {  	v16 =	vtrunc.f32 v16;
	v27 =	vcvt.f32.s32 v14  }
0x70: {  	v28 =	vcvt.f32.s32 v16;
	v18 =	vcvt.s32.f32 v11  }
0x71: {  	v15 =	vtrunc.f32 v15;
	v20 =	vtrunc.f32 v20  }
0x72: {  	v24 =	vcvt.s32.f32 v27;
	v26 =	vcvt.s32.f32 v28;
	v21 =	vadd.f32 $1.000000000e+00, v18  }
0x73: {  	v23 =	vcvt.f32.s32 v13;
	v18 =	vmul.f32 $6.666667010e-02, v18  }
0x74: {  	v31 =	vadd.f32 $1.000000000e+00, v24;
	v33 =	vadd.f32 $1.000000000e+00, v26;
	v21 =	vmul.f32 $6.666667010e-02, v21  }
0x75: {  	vm0 =	vle.f32 v17, v18;
	v18 =	vtrunc.f32 v19;
	v19 =	vcvt.f32.s32 v20  }
0x76: {  	v31 =	vmul.f32 $6.666667010e-02, v31;
	v20 =	vsel vm0, $0xFFFFFFFF, v0;
	v18 =	vcvt.f32.s32 v18  }
0x77: {  	s17 =	simm.s32 $0x6240;
	vm13 =	vgt.f32 v17, v21;
	v21 =	vcvt.f32.s32 v12;
	v11 =	vadd.s32 v11, v20  }
0x78: {  	s16 =	simm.s32 $0x40;
	v13 =	vld [tilespmem:s17+$0x30];
	v14 =	vcvt.s32.f32 v19;
	vm10 =	vgt.f32 v6, v31;
	v20 =	vsel vm13, $0x2, v2  }
0x79: {  	v12 =	vld [tilespmem:s16+$0x30];
	v29 =	vcvt.s32.f32 v18;
	v37 =	vsel vm10, $0x2, v2;
	v11 =	vadd.s32 v20, v11  }
0x7a: {  	v20 =	vcvt.f32.s32 v15;
	v15 =	vcvt.s32.f32 v23;
	v16 =	vadd.f32 $1.000000000e+00, v14  }
0x7b: {  	v14 =	vmul.f32 $6.666667010e-02, v14;
	v11 =	vshll.u32 v11, $0x4;
	v34 =	vadd.f32 $1.000000000e+00, v29  }
0x7c: {  	v22 =	vor.u32 v3, v11;
	v11 =	vcvt.s32.f32 v21;
	v25 =	vcvt.s32.f32 v20  }
0x7d: {  	vm15 =	vle.f32 v10, v14;
	v14 =	vmul.f32 $6.666667010e-02, v15;
	v16 =	vmul.f32 $6.666667010e-02, v16  }
0x7e: {  	vm14 =	veq.s32 v12, v13;
	v13 =	vadd.f32 $1.000000000e+00, v15;
	v15 =	vmul.f32 $6.666667010e-02, v24  }
0x7f: {  	v12 =	vadd.f32 $1.000000000e+00, v11;
	v30 =	vsel vm14, $0x10001, v2;
	v32 =	vadd.f32 $1.000000000e+00, v25  }
0x80: {  	v11 =	vmul.f32 $6.666667010e-02, v11;
	v24 =	vmul.f32 $6.666667010e-02, v25;
	vm6 =	vgt.f32 v10, v16;
	v16 =	vld [tilespmem:s17+$0xFFFFFFE0]  }
0x81: {  	vm2 =	vle.f32 v8, v14;
	v14 =	vmul.f32 $6.666667010e-02, v29;
	v29 =	vmul.f32 $6.666667010e-02, v13;
	v13 =	vld [tilespmem:s16+$0xFFFFFFD0]  }
0x82: {  	v25 =	vmul.f32 $6.666667010e-02, v26;
	vm3 =	vle.f32 v6, v15;
	v15 =	vld [tilespmem:s17+$0xFFFFFFD0];
	v62 =	vsel vm6, $0x2, v2  }
0x83: {  	vm1 =	vle.f32 v9, v11;
	v11 =	vld [tilespmem:s16+$0xFFFFFFC0];
	v26 =	vmul.f32 $6.666667010e-02, v12;
	v32 =	vmul.f32 $6.666667010e-02, v32  }
0x84: {  	v12 =	vld [tilespmem:s17+$0xFFFFFFC0];
	vm4 =	vle.f32 v7, v24;
	v24 =	vmul.f32 $6.666667010e-02, v33;
	vm5 =	vle.f32 v4, v25  }
0x85: {  	v25 =	vmul.f32 $6.666667010e-02, v34;
	vm8 =	vle.f32 v5, v14;
	v14 =	vld [tilespmem:s16+$0xFFFFFFE0];
	v31 =	vsel vm3, $0xFFFFFFFF, v0  }
0x86: {  	vm9 =	vgt.f32 v8, v29;
	[tilespmem:v22+s11+$0x0] =	vst.idx.add.s32.msk $0xffff, v30;
	v29 =	vsel vm1, $0xFFFFFFFF, v0;
	v30 =	vsel vm2, $0xFFFFFFFF, v0  }
0x87: {  	v33 =	vld [tilespmem:s17+$0x20];
	v60 =	vsel vm5, $0xFFFFFFFF, v0;
	v61 =	vsel vm8, $0xFFFFFFFF, v0;
	vm7 =	vgt.f32 v9, v26  }
0x88: {  	vm11 =	vgt.f32 v7, v32;
	v26 =	vsel vm15, $0xFFFFFFFF, v0;
	vm0 =	vgt.f32 v4, v24;
	[tilespmem:v22+s12+$0x0] =	vst.idx.add.f32.msk $0xffff, v17  }
0x89: {  	vm12 =	vgt.f32 v5, v25;
	v17 =	vsel vm4, $0xFFFFFFFF, v0;
	v22 =	vld [tilespmem:s16+$0xFFFFFFF0];
	v36 =	vsel vm9, $0x2, v2  }
0x8a: {  	v24 =	vld [tilespmem:s17+$0xFFFFFFF0];
	v21 =	vadd.s32 v21, v29;
	v23 =	vadd.s32 v23, v30;
	v30 =	vadd.s32 v27, v31  }
0x8b: {  	v25 =	vld [tilespmem:s16+$0x0];
	v28 =	vadd.s32 v28, v60;
	v31 =	vadd.s32 v18, v61;
	v35 =	vsel vm7, $0x2, v2  }
0x8c: {  	v27 =	vld [tilespmem:s16+$0x10];
	v38 =	vsel vm11, $0x2, v2;
	v39 =	vsel vm0, $0x2, v2;
	v19 =	vadd.s32 v19, v26  }
0x8d: {  	v29 =	vld [tilespmem:s17+$0x10];
	v40 =	vsel vm12, $0x2, v2;
	v17 =	vadd.s32 v20, v17;
	v63 =	vadd.s32 v36, v23  }
0x8e: {  	v26 =	vld [tilespmem:s17+$0x0];
	v23 =	vadd.s32 v37, v30;
	v19 =	vadd.s32 v62, v19;
	v21 =	vadd.s32 v35, v21  }
0x8f: {  	v32 =	vld [tilespmem:s16+$0x20];
	v20 =	vadd.s32 v38, v17;
	v18 =	vadd.s32 v39, v28;
	v17 =	vadd.s32 v40, v31  }
0x90: {  	s18 =	simm.s32 $0x0;
	s19 =	simm.s32 $0xC4C0;
	v30 =	vshll.u32 v19, $0x4;
	v21 =	vshll.u32 v21, $0x4;
	v19 =	vshll.u32 v63, $0x4  }
.LBB2_2:
0x91: {  	v28 =	vld [tilespmem:s19+$0x30];
	v23 =	vshll.u32 v23, $0x4;
	v31 =	vshll.u32 v20, $0x4;
	v18 =	vshll.u32 v18, $0x4  }
0x92: {  	s18 =	sadd.s32 $0x8, s18;
	vm4 =	veq.s32 v11, v12;
	vm5 =	veq.s32 v13, v15;
	v11 =	vshll.u32 v17, $0x4;
	v34 =	vld [tilespmem:s19+$0xFFFFFFD0]  }
0x93: {  	vm6 =	veq.s32 v14, v16;
	vm3 =	veq.s32 v22, v24;
	vm2 =	veq.s32 v25, v26;
	p0 =	slt.u32 s18, $0x308;
	v12 =	vld [tilespmem:s19+$0xFFFFFFE0]  }
0x94: {  	v14 =	vor.u32 v3, v30;
	vm1 =	veq.s32 v27, v29;
	vm0 =	veq.s32 v32, v33;
	v13 =	vld [tilespmem:s19+$0xFFFFFFF0]  }
0x95: {  	v15 =	vor.u32 v3, v21;
	v16 =	vor.u32 v3, v19;
	v22 =	vor.u32 v3, v23;
	v20 =	vld [tilespmem:s19+$0x0]  }
0x96: {  	v23 =	vor.u32 v3, v31;
	v21 =	vor.u32 v3, v18;
	v19 =	vld [tilespmem:s19+$0x10];
	v24 =	vmul.f32 $1.500000000e+01, v28  }
0x97: {  	v26 =	vsel vm4, $0x10001, v2;
	v18 =	vor.u32 v3, v11;
	v25 =	vmul.f32 $1.500000000e+01, v34;
	v17 =	vld [tilespmem:s19+$0x20]  }
0x98: {  	v29 =	vsel vm5, $0x10001, v2;
	v11 =	vld [tilespmem:s19+$0xFFFFFFC0];
	v27 =	vmul.f32 $1.500000000e+01, v12;
	v24 =	vtrunc.f32 v24  }
0x99: {  	v31 =	vmul.f32 $1.500000000e+01, v13;
	v24 =	vcvt.f32.s32 v24;
	[tilespmem:v14+s11+$0x0] =	vst.idx.add.s32.msk $0xffff, v26;
	v26 =	vsel vm6, $0x10001, v2  }
0x9a: {  	v25 =	vtrunc.f32 v25;
	v32 =	vmul.f32 $1.500000000e+01, v20;
	[tilespmem:v14+s12+$0x0] =	vst.idx.add.f32.msk $0xffff, v10;
	v14 =	vsel vm3, $0x10001, v2  }
0x9b: {  	v33 =	vmul.f32 $1.500000000e+01, v19;
	v35 =	vcvt.s32.f32 v24;
	[tilespmem:v15+s11+$0x0] =	vst.idx.add.s32.msk $0xffff, v29;
	v29 =	vsel vm2, $0x10001, v2  }
0x9c: {  	v30 =	vsel vm1, $0x10001, v2;
	v27 =	vtrunc.f32 v27;
	v36 =	vmul.f32 $1.500000000e+01, v17;
	[tilespmem:v15+s12+$0x0] =	vst.idx.add.f32.msk $0xffff, v9;
	v9 =	vmovc v34  }
0x9d: {  	v34 =	vtrunc.f32 v31;
	v15 =	vmul.f32 $1.500000000e+01, v11;
	v37 =	vadd.f32 $1.000000000e+00, v35;
	[tilespmem:v16+s11+$0x0] =	vst.idx.add.s32.msk $0xffff, v26;
	v10 =	vmovc v11  }
0x9e: {  	v31 =	vsel vm0, $0x10001, v2;
	v26 =	vtrunc.f32 v32;
	v11 =	vmul.f32 $6.666667010e-02, v35;
	[tilespmem:v16+s12+$0x0] =	vst.idx.add.f32.msk $0xffff, v8;
	v8 =	vmovc v12  }
0x9f: {  	v12 =	vtrunc.f32 v15;
	v15 =	vmul.f32 $6.666667010e-02, v37;
	[tilespmem:v22+s11+$0x0] =	vst.idx.add.s32.msk $0xffff, v14  }
0xa0: {  	v16 =	vtrunc.f32 v36;
	v14 =	vtrunc.f32 v33;
	vm0 =	vle.f32 v28, v11;
	[tilespmem:v22+s12+$0x0] =	vst.idx.add.f32.msk $0xffff, v6;
	v6 =	vmovc v13  }
0xa1: {  	s16 =	sadd.s32 $0x80, s16;
	v35 =	vcvt.f32.s32 v12;
	v11 =	vsel vm0, $0xFFFFFFFF, v0;
	vm0 =	vgt.f32 v28, v15;
	[tilespmem:v23+s11+$0x0] =	vst.idx.add.s32.msk $0xffff, v29  }
0xa2: {  	s17 =	sadd.s32 $0x80, s17;
	v36 =	vcvt.f32.s32 v25;
	v11 =	vadd.s32 v24, v11;
	v22 =	vld [tilespmem:s16+$0x30];
	v12 =	vsel vm0, $0x2, v2  }
0xa3: {  	v34 =	vcvt.f32.s32 v34;
	v37 =	vcvt.f32.s32 v27;
	v24 =	vld [tilespmem:s17+$0x30];
	v12 =	vadd.s32 v12, v11  }
0xa4: {  	v38 =	vcvt.f32.s32 v26;
	v39 =	vcvt.f32.s32 v14;
	v11 =	vld [tilespmem:s16+$0xFFFFFFC0];
	v13 =	vshll.u32 v12, $0x4  }
0xa5: {  	v40 =	vcvt.f32.s32 v16;
	v25 =	vcvt.s32.f32 v35;
	v12 =	vld [tilespmem:s17+$0xFFFFFFC0];
	v26 =	vor.u32 v3, v13  }
0xa6: {  	v27 =	vcvt.s32.f32 v36;
	v29 =	vcvt.s32.f32 v37;
	v13 =	vld [tilespmem:s16+$0xFFFFFFD0]  }
0xa7: {  	v33 =	vcvt.s32.f32 v34;
	v41 =	vcvt.s32.f32 v38;
	v32 =	vadd.f32 $1.000000000e+00, v25;
	v15 =	vld [tilespmem:s17+$0xFFFFFFD0]  }
0xa8: {  	v43 =	vcvt.s32.f32 v40;
	v42 =	vcvt.s32.f32 v39;
	v14 =	vld [tilespmem:s16+$0xFFFFFFE0];
	vm0 =	veq.s32 v22, v24  }
0xa9: {  	v44 =	vadd.f32 $1.000000000e+00, v27;
	v45 =	vadd.f32 $1.000000000e+00, v29;
	v16 =	vld [tilespmem:s17+$0xFFFFFFE0];
	v22 =	vsel vm0, $0x10001, v2  }
0xaa: {  	v46 =	vadd.f32 $1.000000000e+00, v33;
	v47 =	vadd.f32 $1.000000000e+00, v41;
	v24 =	vmul.f32 $6.666667010e-02, v25;
	[tilespmem:v26+s11+$0x0] =	vst.idx.add.s32.msk $0xffff, v22  }
0xab: {  	v49 =	vadd.f32 $1.000000000e+00, v43;
	v48 =	vadd.f32 $1.000000000e+00, v42;
	v25 =	vmul.f32 $6.666667010e-02, v27;
	[tilespmem:v26+s12+$0x0] =	vst.idx.add.f32.msk $0xffff, v28  }
0xac: {  	v27 =	vmul.f32 $6.666667010e-02, v33;
	vm0 =	vle.f32 v10, v24;
	v26 =	vmul.f32 $6.666667010e-02, v29;
	v22 =	vld [tilespmem:s16+$0xFFFFFFF0]  }
0xad: {  	v33 =	vmul.f32 $6.666667010e-02, v42;
	vm1 =	vle.f32 v9, v25;
	v28 =	vmul.f32 $6.666667010e-02, v41;
	v24 =	vld [tilespmem:s17+$0xFFFFFFF0]  }
0xae: {  	v32 =	vmul.f32 $6.666667010e-02, v32;
	v41 =	vmul.f32 $6.666667010e-02, v43;
	vm2 =	vle.f32 v8, v26;
	v25 =	vld [tilespmem:s16+$0x0]  }
0xaf: {  	v42 =	vmul.f32 $6.666667010e-02, v44;
	vm3 =	vle.f32 v6, v27;
	v43 =	vmul.f32 $6.666667010e-02, v45;
	v26 =	vld [tilespmem:s17+$0x0]  }
0xb0: {  	v44 =	vmul.f32 $6.666667010e-02, v46;
	v45 =	vmul.f32 $6.666667010e-02, v47;
	vm4 =	vle.f32 v20, v28;
	v27 =	vld [tilespmem:s16+$0x10]  }
0xb1: {  	v46 =	vmul.f32 $6.666667010e-02, v49;
	vm5 =	vle.f32 v19, v33;
	v28 =	vmul.f32 $6.666667010e-02, v48;
	v29 =	vld [tilespmem:s17+$0x10]  }
0xb2: {  	vm6 =	vgt.f32 v10, v32;
	vm7 =	vgt.f32 v9, v42;
	vm8 =	vle.f32 v17, v41;
	v32 =	vld [tilespmem:s16+$0x20]  }
0xb3: {  	vm10 =	vgt.f32 v6, v44;
	vm9 =	vgt.f32 v8, v43;
	vm11 =	vgt.f32 v20, v45;
	v33 =	vld [tilespmem:s17+$0x20]  }
0xb4: {  	vm12 =	vgt.f32 v17, v46;
	v41 =	vsel vm0, $0xFFFFFFFF, v0;
	vm0 =	vgt.f32 v19, v28;
	[tilespmem:v23+s12+$0x0] =	vst.idx.add.f32.msk $0xffff, v7  }
0xb5: {  	v42 =	vsel vm3, $0xFFFFFFFF, v0;
	v28 =	vsel vm2, $0xFFFFFFFF, v0;
	v23 =	vsel vm1, $0xFFFFFFFF, v0;
	v7 =	vmovc v20;
	[tilespmem:v21+s11+$0x0] =	vst.idx.add.s32.msk $0xffff, v30  }
0xb6: {  	v43 =	vsel vm8, $0xFFFFFFFF, v0;
	v20 =	vsel vm4, $0xFFFFFFFF, v0;
	v30 =	vsel vm5, $0xFFFFFFFF, v0;
	[tilespmem:v21+s12+$0x0] =	vst.idx.add.f32.msk $0xffff, v4;
	v4 =	vmovc v19  }
0xb7: {  	v44 =	vsel vm9, $0x2, v2;
	v19 =	vsel vm6, $0x2, v2;
	v21 =	vsel vm7, $0x2, v2;
	[tilespmem:v18+s11+$0x0] =	vst.idx.add.s32.msk $0xffff, v31  }
0xb8: {  	v45 =	vsel vm11, $0x2, v2;
	v46 =	vsel vm0, $0x2, v2;
	v31 =	vsel vm10, $0x2, v2;
	[tilespmem:v18+s12+$0x0] =	vst.idx.add.f32.msk $0xffff, v5;
	v5 =	vmovc v17  }
0xb9: {  	v17 =	vadd.s32 v35, v41;
	v18 =	vadd.s32 v36, v23;
	v35 =	vsel vm12, $0x2, v2  }
.Ltmp0:
0xba: {  	v20 =	vadd.s32 v38, v20;
	v23 =	vadd.s32 v37, v28;
	v28 =	vadd.s32 v34, v42;
	(pc) =	sbr.rel @p0 .LBB2_2-.Ltmp0, $4  }
0xbb: {  	v19 =	vadd.s32 v19, v17;
	v17 =	vadd.s32 v39, v30;
	v30 =	vadd.s32 v40, v43  }
0xbc: {  	v21 =	vadd.s32 v21, v18;
	v34 =	vadd.s32 v44, v23;
	v23 =	vadd.s32 v31, v28  }
0xbd: {  	v20 =	vadd.s32 v45, v20;
	v18 =	vadd.s32 v46, v17;
	v17 =	vadd.s32 v35, v30  }
0xbe: {  	s19 =	sadd.s32 $0x80, s19;
	v30 =	vshll.u32 v19, $0x4;
	v21 =	vshll.u32 v21, $0x4;
	v19 =	vshll.u32 v34, $0x4  }
0xbf: {  	v28 =	vor.u32 v3, v30  }
0xc0: {  	v21 =	vor.u32 v3, v21;
	_ =	sdelay $0x1  }
0xc1: {  	vm0 =	veq.s32 v11, v12  }
0xc2: {  	v11 =	vor.u32 v3, v19;
	vm6 =	veq.s32 v13, v15;
	v12 =	vsel vm0, $0x10001, v2  }
0xc3: {  	v19 =	vshll.u32 v23, $0x4;
	v13 =	vsel vm6, $0x10001, v2;
	[tilespmem:v28+s11+$0x0] =	vst.idx.add.s32.msk $0xffff, v12  }
0xc4: {  	v12 =	vor.u32 v3, v19;
	[tilespmem:v21+s11+$0x0] =	vst.idx.add.s32.msk $0xffff, v13  }
0xc5: {  	vm7 =	veq.s32 v14, v16;
	[tilespmem:v28+s12+$0x0] =	vst.idx.add.f32.msk $0xffff, v10;
	v10 =	vshll.u32 v20, $0x4  }
0xc6: {  	v13 =	vsel vm7, $0x10001, v2;
	[tilespmem:v21+s12+$0x0] =	vst.idx.add.f32.msk $0xffff, v9;
	v9 =	vshll.u32 v18, $0x4;
	v10 =	vor.u32 v3, v10  }
0xc7: {  	vm8 =	veq.s32 v22, v24;
	[tilespmem:v11+s11+$0x0] =	vst.idx.add.s32.msk $0xffff, v13;
	v9 =	vor.u32 v3, v9  }
0xc8: {  	v13 =	vsel vm8, $0x10001, v2;
	[tilespmem:v11+s12+$0x0] =	vst.idx.add.f32.msk $0xffff, v8  }
0xc9: {  	vm9 =	veq.s32 v25, v26;
	v8 =	vshll.u32 v17, $0x4;
	[tilespmem:v12+s11+$0x0] =	vst.idx.add.s32.msk $0xffff, v13  }
0xca: {  	vm10 =	veq.s32 v27, v29;
	v11 =	vsel vm9, $0x10001, v2;
	v8 =	vor.u32 v3, v8;
	[tilespmem:v12+s12+$0x0] =	vst.idx.add.f32.msk $0xffff, v6  }
0xcb: {  	v6 =	vsel vm10, $0x10001, v2;
	[tilespmem:v10+s11+$0x0] =	vst.idx.add.s32.msk $0xffff, v11  }
0xcc: {  	[tilespmem:v9+s11+$0x0] =	vst.idx.add.s32.msk $0xffff, v6  }
0xcd: {  	vm11 =	veq.s32 v32, v33;
	[tilespmem:v10+s12+$0x0] =	vst.idx.add.f32.msk $0xffff, v7  }
0xce: {  	v6 =	vsel vm11, $0x10001, v2;
	[tilespmem:v9+s12+$0x0] =	vst.idx.add.f32.msk $0xffff, v4  }
0xcf: {  	[tilespmem:v8+s11+$0x0] =	vst.idx.add.s32.msk $0xffff, v6  }
0xd0: {  	[tilespmem:v8+s12+$0x0] =	vst.idx.add.f32.msk $0xffff, v5  }
0xd1: {  	s16 =	rddreg [dreg:$0x8]  }
0xd2: {  	[tilespmem:s1], [sflag:$0x1] =	stream.linear.gather [hbm4b:s16+s1], $0x30D8, $0x38;
	[tilespmem:$0x12900] =	vst v63  }
0xd3: {  	s17 =	rddreg [dreg:$0x9]  }
0xd4: {  	[tilespmem:s5], [sflag:$0x1] =	stream.linear.gather [hbm4b:s17+s1], $0x30D8, $0x38;
	[tilespmem:$0x12900] =	vst v63  }
0xd5: {  	s18 =	rddreg [dreg:$0xa]  }
0xd6: {  	[tilespmem:s6], [sflag:$0x1] =	stream.linear.gather [hbm4b:s18+s1], $0x30D8, $0x38;
	[tilespmem:$0x12900] =	vst v63  }
0xd7: {  	_ =	swait.ge [sflag:s13], $0x30D8  }
0xd8: {  	[sflag:s13] =	ssyncset.done $0x0  }
0xd9: {  	[sflag:s13] =	ssyncadd.s32 $0xFFFFCF28  }
0xda: {  	_ =	swait.ge [sflag:s13], $0x30D8  }
0xdb: {  	[sflag:s13] =	ssyncset.done $0x0  }
0xdc: {  	[sflag:s13] =	ssyncadd.s32 $0xFFFFCF28  }
0xdd: {  	_ =	swait.ge [sflag:s13], $0x30D8  }
0xde: {  	[sflag:s13] =	ssyncset.done $0x0  }
0xdf: {  	s19 =	simm.s32 $0xF540;
	[sflag:s13] =	ssyncadd.s32 $0xFFFFCF28  }
0xe0: {  	v17 =	vld [tilespmem:s19+$0x30]  }
0xe1: {  	v9 =	vld [tilespmem:s19+$0xFFFFFFD0]  }
0xe2: {  	v8 =	vld [tilespmem:s19+$0xFFFFFFE0]  }
0xe3: {  	v6 =	vld [tilespmem:s19+$0xFFFFFFF0]  }
0xe4: {  	v7 =	vld [tilespmem:s19+$0x0]  }
0xe5: {  	v4 =	vld [tilespmem:s19+$0x10]  }
0xe6: {  	v5 =	vld [tilespmem:s19+$0x20]  }
0xe7: {  	v10 =	vld [tilespmem:s19+$0xFFFFFFC0]  }
0xe8: {  	v11 =	vmul.f32 $1.500000000e+01, v17  }
0xe9: {  	v12 =	vmul.f32 $1.500000000e+01, v9;
	v13 =	vmul.f32 $1.500000000e+01, v8  }
0xea: {  	v14 =	vmul.f32 $1.500000000e+01, v6;
	v15 =	vmul.f32 $1.500000000e+01, v7  }
0xeb: {  	v16 =	vmul.f32 $1.500000000e+01, v4;
	v19 =	vmul.f32 $1.500000000e+01, v5  }
0xec: {  	v20 =	vmul.f32 $1.500000000e+01, v10;
	v11 =	vtrunc.f32 v11  }
0xed: {  	v12 =	vtrunc.f32 v12;
	v13 =	vtrunc.f32 v13  }
0xee: {  	v14 =	vtrunc.f32 v14;
	v11 =	vcvt.f32.s32 v11  }
0xef: {  	v16 =	vtrunc.f32 v16;
	v27 =	vcvt.f32.s32 v14  }
0xf0: {  	v28 =	vcvt.f32.s32 v16;
	v18 =	vcvt.s32.f32 v11  }
0xf1: {  	v15 =	vtrunc.f32 v15;
	v20 =	vtrunc.f32 v20  }
0xf2: {  	v24 =	vcvt.s32.f32 v27;
	v26 =	vcvt.s32.f32 v28;
	v21 =	vadd.f32 $1.000000000e+00, v18  }
0xf3: {  	v23 =	vcvt.f32.s32 v13;
	v18 =	vmul.f32 $6.666667010e-02, v18  }
0xf4: {  	v31 =	vadd.f32 $1.000000000e+00, v24;
	v59 =	vadd.f32 $1.000000000e+00, v26;
	v21 =	vmul.f32 $6.666667010e-02, v21  }
0xf5: {  	vm12 =	vle.f32 v17, v18;
	v18 =	vtrunc.f32 v19;
	v19 =	vcvt.f32.s32 v20  }
0xf6: {  	v31 =	vmul.f32 $6.666667010e-02, v31;
	v20 =	vsel vm12, $0xFFFFFFFF, v0;
	v18 =	vcvt.f32.s32 v18  }
0xf7: {  	s17 =	simm.s32 $0x9340;
	vm13 =	vgt.f32 v17, v21;
	v21 =	vcvt.f32.s32 v12;
	v11 =	vadd.s32 v11, v20  }
0xf8: {  	s16 =	simm.s32 $0x3140;
	v13 =	vld [tilespmem:s17+$0x30];
	v14 =	vcvt.s32.f32 v19;
	vm10 =	vgt.f32 v6, v31;
	v20 =	vsel vm13, $0x2, v2  }
0xf9: {  	v12 =	vld [tilespmem:s16+$0x30];
	v29 =	vcvt.s32.f32 v18;
	v37 =	vsel vm10, $0x2, v2;
	v11 =	vadd.s32 v20, v11  }
0xfa: {  	v20 =	vcvt.f32.s32 v15;
	v15 =	vcvt.s32.f32 v23;
	v16 =	vadd.f32 $1.000000000e+00, v14  }
0xfb: {  	v14 =	vmul.f32 $6.666667010e-02, v14;
	v11 =	vshll.u32 v11, $0x4;
	v34 =	vadd.f32 $1.000000000e+00, v29  }
0xfc: {  	v22 =	vor.u32 v3, v11;
	v11 =	vcvt.s32.f32 v21;
	v25 =	vcvt.s32.f32 v20  }
0xfd: {  	vm15 =	vle.f32 v10, v14;
	v14 =	vmul.f32 $6.666667010e-02, v15;
	v16 =	vmul.f32 $6.666667010e-02, v16  }
0xfe: {  	vm14 =	veq.s32 v12, v13;
	v13 =	vadd.f32 $1.000000000e+00, v15;
	v15 =	vmul.f32 $6.666667010e-02, v24  }
0xff: {  	v12 =	vadd.f32 $1.000000000e+00, v11;
	v30 =	vsel vm14, $0x10001, v2;
	v11 =	vmul.f32 $6.666667010e-02, v11  }
0x100: {  	v33 =	vld [tilespmem:s17+$0x20];
	v58 =	vadd.f32 $1.000000000e+00, v25;
	v24 =	vmul.f32 $6.666667010e-02, v25;
	v25 =	vmul.f32 $6.666667010e-02, v26  }
0x101: {  	vm2 =	vle.f32 v8, v14;
	v14 =	vmul.f32 $6.666667010e-02, v29;
	vm6 =	vgt.f32 v10, v16;
	v16 =	vld [tilespmem:s17+$0xFFFFFFE0]  }
0x102: {  	v29 =	vmul.f32 $6.666667010e-02, v13;
	vm3 =	vle.f32 v6, v15;
	v13 =	vld [tilespmem:s16+$0xFFFFFFD0];
	v62 =	vsel vm6, $0x2, v2  }
0x103: {  	v15 =	vld [tilespmem:s17+$0xFFFFFFD0];
	vm1 =	vle.f32 v9, v11;
	v26 =	vmul.f32 $6.666667010e-02, v12;
	v32 =	vmul.f32 $6.666667010e-02, v58  }
0x104: {  	v11 =	vld [tilespmem:s16+$0xFFFFFFC0];
	vm4 =	vle.f32 v7, v24;
	v24 =	vmul.f32 $6.666667010e-02, v59;
	vm5 =	vle.f32 v4, v25  }
0x105: {  	v12 =	vld [tilespmem:s17+$0xFFFFFFC0];
	v25 =	vmul.f32 $6.666667010e-02, v34;
	vm8 =	vle.f32 v5, v14;
	v31 =	vsel vm3, $0xFFFFFFFF, v0  }
0x106: {  	vm9 =	vgt.f32 v8, v29;
	[tilespmem:v22+s11+$0x0] =	vst.idx.add.s32.msk $0xffff, v30;
	v29 =	vsel vm1, $0xFFFFFFFF, v0;
	v30 =	vsel vm2, $0xFFFFFFFF, v0  }
0x107: {  	v14 =	vld [tilespmem:s16+$0xFFFFFFE0];
	v60 =	vsel vm5, $0xFFFFFFFF, v0;
	v61 =	vsel vm8, $0xFFFFFFFF, v0;
	vm7 =	vgt.f32 v9, v26  }
0x108: {  	vm11 =	vgt.f32 v7, v32;
	v26 =	vsel vm15, $0xFFFFFFFF, v0;
	vm0 =	vgt.f32 v4, v24;
	[tilespmem:v22+s12+$0x0] =	vst.idx.add.f32.msk $0xffff, v17  }
0x109: {  	vm12 =	vgt.f32 v5, v25;
	v17 =	vsel vm4, $0xFFFFFFFF, v0;
	v22 =	vld [tilespmem:s16+$0xFFFFFFF0];
	v36 =	vsel vm9, $0x2, v2  }
0x10a: {  	v24 =	vld [tilespmem:s17+$0xFFFFFFF0];
	v21 =	vadd.s32 v21, v29;
	v23 =	vadd.s32 v23, v30;
	v30 =	vadd.s32 v27, v31  }
0x10b: {  	v25 =	vld [tilespmem:s16+$0x0];
	v28 =	vadd.s32 v28, v60;
	v31 =	vadd.s32 v18, v61;
	v35 =	vsel vm7, $0x2, v2  }
0x10c: {  	v27 =	vld [tilespmem:s16+$0x10];
	v38 =	vsel vm11, $0x2, v2;
	v39 =	vsel vm0, $0x2, v2;
	v19 =	vadd.s32 v19, v26  }
0x10d: {  	v29 =	vld [tilespmem:s17+$0x10];
	v40 =	vsel vm12, $0x2, v2;
	v17 =	vadd.s32 v20, v17;
	v63 =	vadd.s32 v36, v23  }
0x10e: {  	v26 =	vld [tilespmem:s17+$0x0];
	v23 =	vadd.s32 v37, v30;
	v19 =	vadd.s32 v62, v19;
	v21 =	vadd.s32 v35, v21  }
0x10f: {  	v32 =	vld [tilespmem:s16+$0x20];
	v20 =	vadd.s32 v38, v17;
	v18 =	vadd.s32 v39, v28;
	v17 =	vadd.s32 v40, v31  }
0x110: {  	s18 =	simm.s32 $0x0;
	s19 =	simm.s32 $0xF5C0;
	v30 =	vshll.u32 v19, $0x4;
	v21 =	vshll.u32 v21, $0x4;
	v19 =	vshll.u32 v63, $0x4  }
.LBB2_4:
0x111: {  	v28 =	vld [tilespmem:s19+$0x30];
	v23 =	vshll.u32 v23, $0x4;
	v31 =	vshll.u32 v20, $0x4;
	v18 =	vshll.u32 v18, $0x4  }
0x112: {  	s18 =	sadd.s32 $0x8, s18;
	vm4 =	veq.s32 v11, v12;
	vm5 =	veq.s32 v13, v15;
	v11 =	vshll.u32 v17, $0x4;
	v34 =	vld [tilespmem:s19+$0xFFFFFFD0]  }
0x113: {  	vm6 =	veq.s32 v14, v16;
	vm3 =	veq.s32 v22, v24;
	vm2 =	veq.s32 v25, v26;
	p0 =	slt.u32 s18, $0x308;
	v12 =	vld [tilespmem:s19+$0xFFFFFFE0]  }
0x114: {  	v14 =	vor.u32 v3, v30;
	vm1 =	veq.s32 v27, v29;
	vm0 =	veq.s32 v32, v33;
	v13 =	vld [tilespmem:s19+$0xFFFFFFF0]  }
0x115: {  	v15 =	vor.u32 v3, v21;
	v16 =	vor.u32 v3, v19;
	v22 =	vor.u32 v3, v23;
	v20 =	vld [tilespmem:s19+$0x0]  }
0x116: {  	v23 =	vor.u32 v3, v31;
	v21 =	vor.u32 v3, v18;
	v19 =	vld [tilespmem:s19+$0x10];
	v24 =	vmul.f32 $1.500000000e+01, v28  }
0x117: {  	v26 =	vsel vm4, $0x10001, v2;
	v18 =	vor.u32 v3, v11;
	v25 =	vmul.f32 $1.500000000e+01, v34;
	v17 =	vld [tilespmem:s19+$0x20]  }
0x118: {  	v29 =	vsel vm5, $0x10001, v2;
	v11 =	vld [tilespmem:s19+$0xFFFFFFC0];
	v27 =	vmul.f32 $1.500000000e+01, v12;
	v24 =	vtrunc.f32 v24  }
0x119: {  	v31 =	vmul.f32 $1.500000000e+01, v13;
	v24 =	vcvt.f32.s32 v24;
	[tilespmem:v14+s11+$0x0] =	vst.idx.add.s32.msk $0xffff, v26;
	v26 =	vsel vm6, $0x10001, v2  }
0x11a: {  	v25 =	vtrunc.f32 v25;
	v32 =	vmul.f32 $1.500000000e+01, v20;
	[tilespmem:v14+s12+$0x0] =	vst.idx.add.f32.msk $0xffff, v10;
	v14 =	vsel vm3, $0x10001, v2  }
0x11b: {  	v33 =	vmul.f32 $1.500000000e+01, v19;
	v35 =	vcvt.s32.f32 v24;
	[tilespmem:v15+s11+$0x0] =	vst.idx.add.s32.msk $0xffff, v29;
	v29 =	vsel vm2, $0x10001, v2  }
0x11c: {  	v30 =	vsel vm1, $0x10001, v2;
	v27 =	vtrunc.f32 v27;
	v36 =	vmul.f32 $1.500000000e+01, v17;
	[tilespmem:v15+s12+$0x0] =	vst.idx.add.f32.msk $0xffff, v9;
	v9 =	vmovc v34  }
0x11d: {  	v34 =	vtrunc.f32 v31;
	v15 =	vmul.f32 $1.500000000e+01, v11;
	v37 =	vadd.f32 $1.000000000e+00, v35;
	[tilespmem:v16+s11+$0x0] =	vst.idx.add.s32.msk $0xffff, v26;
	v10 =	vmovc v11  }
0x11e: {  	v31 =	vsel vm0, $0x10001, v2;
	v26 =	vtrunc.f32 v32;
	v11 =	vmul.f32 $6.666667010e-02, v35;
	[tilespmem:v16+s12+$0x0] =	vst.idx.add.f32.msk $0xffff, v8;
	v8 =	vmovc v12  }
0x11f: {  	v12 =	vtrunc.f32 v15;
	v15 =	vmul.f32 $6.666667010e-02, v37;
	[tilespmem:v22+s11+$0x0] =	vst.idx.add.s32.msk $0xffff, v14  }
0x120: {  	v16 =	vtrunc.f32 v36;
	v14 =	vtrunc.f32 v33;
	vm0 =	vle.f32 v28, v11;
	[tilespmem:v22+s12+$0x0] =	vst.idx.add.f32.msk $0xffff, v6;
	v6 =	vmovc v13  }
0x121: {  	s16 =	sadd.s32 $0x80, s16;
	v35 =	vcvt.f32.s32 v12;
	v11 =	vsel vm0, $0xFFFFFFFF, v0;
	vm0 =	vgt.f32 v28, v15;
	[tilespmem:v23+s11+$0x0] =	vst.idx.add.s32.msk $0xffff, v29  }
0x122: {  	s17 =	sadd.s32 $0x80, s17;
	v36 =	vcvt.f32.s32 v25;
	v11 =	vadd.s32 v24, v11;
	v22 =	vld [tilespmem:s16+$0x30];
	v12 =	vsel vm0, $0x2, v2  }
0x123: {  	v34 =	vcvt.f32.s32 v34;
	v37 =	vcvt.f32.s32 v27;
	v24 =	vld [tilespmem:s17+$0x30];
	v12 =	vadd.s32 v12, v11  }
0x124: {  	v38 =	vcvt.f32.s32 v26;
	v39 =	vcvt.f32.s32 v14;
	v11 =	vld [tilespmem:s16+$0xFFFFFFC0];
	v13 =	vshll.u32 v12, $0x4  }
0x125: {  	v40 =	vcvt.f32.s32 v16;
	v25 =	vcvt.s32.f32 v35;
	v12 =	vld [tilespmem:s17+$0xFFFFFFC0];
	v26 =	vor.u32 v3, v13  }
0x126: {  	v27 =	vcvt.s32.f32 v36;
	v29 =	vcvt.s32.f32 v37;
	v13 =	vld [tilespmem:s16+$0xFFFFFFD0]  }
0x127: {  	v33 =	vcvt.s32.f32 v34;
	v41 =	vcvt.s32.f32 v38;
	v32 =	vadd.f32 $1.000000000e+00, v25;
	v15 =	vld [tilespmem:s17+$0xFFFFFFD0]  }
0x128: {  	v43 =	vcvt.s32.f32 v40;
	v42 =	vcvt.s32.f32 v39;
	v14 =	vld [tilespmem:s16+$0xFFFFFFE0];
	vm0 =	veq.s32 v22, v24  }
0x129: {  	v44 =	vadd.f32 $1.000000000e+00, v27;
	v45 =	vadd.f32 $1.000000000e+00, v29;
	v16 =	vld [tilespmem:s17+$0xFFFFFFE0];
	v22 =	vsel vm0, $0x10001, v2  }
0x12a: {  	v46 =	vadd.f32 $1.000000000e+00, v33;
	v47 =	vadd.f32 $1.000000000e+00, v41;
	v24 =	vmul.f32 $6.666667010e-02, v25;
	[tilespmem:v26+s11+$0x0] =	vst.idx.add.s32.msk $0xffff, v22  }
0x12b: {  	v49 =	vadd.f32 $1.000000000e+00, v43;
	v48 =	vadd.f32 $1.000000000e+00, v42;
	v25 =	vmul.f32 $6.666667010e-02, v27;
	[tilespmem:v26+s12+$0x0] =	vst.idx.add.f32.msk $0xffff, v28  }
0x12c: {  	v27 =	vmul.f32 $6.666667010e-02, v33;
	vm0 =	vle.f32 v10, v24;
	v26 =	vmul.f32 $6.666667010e-02, v29;
	v22 =	vld [tilespmem:s16+$0xFFFFFFF0]  }
0x12d: {  	v33 =	vmul.f32 $6.666667010e-02, v42;
	vm1 =	vle.f32 v9, v25;
	v28 =	vmul.f32 $6.666667010e-02, v41;
	v24 =	vld [tilespmem:s17+$0xFFFFFFF0]  }
0x12e: {  	v32 =	vmul.f32 $6.666667010e-02, v32;
	v41 =	vmul.f32 $6.666667010e-02, v43;
	vm2 =	vle.f32 v8, v26;
	v25 =	vld [tilespmem:s16+$0x0]  }
0x12f: {  	v42 =	vmul.f32 $6.666667010e-02, v44;
	vm3 =	vle.f32 v6, v27;
	v43 =	vmul.f32 $6.666667010e-02, v45;
	v26 =	vld [tilespmem:s17+$0x0]  }
0x130: {  	v44 =	vmul.f32 $6.666667010e-02, v46;
	v45 =	vmul.f32 $6.666667010e-02, v47;
	vm4 =	vle.f32 v20, v28;
	v27 =	vld [tilespmem:s16+$0x10]  }
0x131: {  	v46 =	vmul.f32 $6.666667010e-02, v49;
	vm5 =	vle.f32 v19, v33;
	v28 =	vmul.f32 $6.666667010e-02, v48;
	v29 =	vld [tilespmem:s17+$0x10]  }
0x132: {  	vm6 =	vgt.f32 v10, v32;
	vm7 =	vgt.f32 v9, v42;
	vm8 =	vle.f32 v17, v41;
	v32 =	vld [tilespmem:s16+$0x20]  }
0x133: {  	vm10 =	vgt.f32 v6, v44;
	vm9 =	vgt.f32 v8, v43;
	vm11 =	vgt.f32 v20, v45;
	v33 =	vld [tilespmem:s17+$0x20]  }
0x134: {  	vm12 =	vgt.f32 v17, v46;
	v41 =	vsel vm0, $0xFFFFFFFF, v0;
	vm0 =	vgt.f32 v19, v28;
	[tilespmem:v23+s12+$0x0] =	vst.idx.add.f32.msk $0xffff, v7  }
0x135: {  	v42 =	vsel vm3, $0xFFFFFFFF, v0;
	v28 =	vsel vm2, $0xFFFFFFFF, v0;
	v23 =	vsel vm1, $0xFFFFFFFF, v0;
	v7 =	vmovc v20;
	[tilespmem:v21+s11+$0x0] =	vst.idx.add.s32.msk $0xffff, v30  }
0x136: {  	v43 =	vsel vm8, $0xFFFFFFFF, v0;
	v20 =	vsel vm4, $0xFFFFFFFF, v0;
	v30 =	vsel vm5, $0xFFFFFFFF, v0;
	[tilespmem:v21+s12+$0x0] =	vst.idx.add.f32.msk $0xffff, v4;
	v4 =	vmovc v19  }
0x137: {  	v44 =	vsel vm9, $0x2, v2;
	v19 =	vsel vm6, $0x2, v2;
	v21 =	vsel vm7, $0x2, v2;
	[tilespmem:v18+s11+$0x0] =	vst.idx.add.s32.msk $0xffff, v31  }
0x138: {  	v45 =	vsel vm11, $0x2, v2;
	v46 =	vsel vm0, $0x2, v2;
	v31 =	vsel vm10, $0x2, v2;
	[tilespmem:v18+s12+$0x0] =	vst.idx.add.f32.msk $0xffff, v5;
	v5 =	vmovc v17  }
0x139: {  	v17 =	vadd.s32 v35, v41;
	v18 =	vadd.s32 v36, v23;
	v35 =	vsel vm12, $0x2, v2  }
.Ltmp1:
0x13a: {  	v20 =	vadd.s32 v38, v20;
	v23 =	vadd.s32 v37, v28;
	v28 =	vadd.s32 v34, v42;
	(pc) =	sbr.rel @p0 .LBB2_4-.Ltmp1, $4  }
0x13b: {  	v19 =	vadd.s32 v19, v17;
	v17 =	vadd.s32 v39, v30;
	v30 =	vadd.s32 v40, v43  }
0x13c: {  	v21 =	vadd.s32 v21, v18;
	v34 =	vadd.s32 v44, v23;
	v23 =	vadd.s32 v31, v28  }
0x13d: {  	v20 =	vadd.s32 v45, v20;
	v18 =	vadd.s32 v46, v17;
	v17 =	vadd.s32 v35, v30  }
0x13e: {  	s19 =	sadd.s32 $0x80, s19;
	v30 =	vshll.u32 v19, $0x4;
	v21 =	vshll.u32 v21, $0x4;
	v19 =	vshll.u32 v34, $0x4  }
0x13f: {  	v28 =	vor.u32 v3, v30  }
0x140: {  	v21 =	vor.u32 v3, v21;
	_ =	sdelay $0x1  }
0x141: {  	vm0 =	veq.s32 v11, v12  }
0x142: {  	v11 =	vor.u32 v3, v19;
	vm6 =	veq.s32 v13, v15;
	v12 =	vsel vm0, $0x10001, v2  }
0x143: {  	v19 =	vshll.u32 v23, $0x4;
	v13 =	vsel vm6, $0x10001, v2;
	[tilespmem:v28+s11+$0x0] =	vst.idx.add.s32.msk $0xffff, v12  }
0x144: {  	v12 =	vor.u32 v3, v19;
	[tilespmem:v21+s11+$0x0] =	vst.idx.add.s32.msk $0xffff, v13  }
0x145: {  	vm7 =	veq.s32 v14, v16;
	[tilespmem:v28+s12+$0x0] =	vst.idx.add.f32.msk $0xffff, v10;
	v10 =	vshll.u32 v20, $0x4  }
0x146: {  	v13 =	vsel vm7, $0x10001, v2;
	[tilespmem:v21+s12+$0x0] =	vst.idx.add.f32.msk $0xffff, v9;
	v9 =	vshll.u32 v18, $0x4;
	v10 =	vor.u32 v3, v10  }
0x147: {  	vm8 =	veq.s32 v22, v24;
	[tilespmem:v11+s11+$0x0] =	vst.idx.add.s32.msk $0xffff, v13;
	v9 =	vor.u32 v3, v9  }
0x148: {  	v13 =	vsel vm8, $0x10001, v2;
	[tilespmem:v11+s12+$0x0] =	vst.idx.add.f32.msk $0xffff, v8  }
0x149: {  	vm9 =	veq.s32 v25, v26;
	v8 =	vshll.u32 v17, $0x4;
	[tilespmem:v12+s11+$0x0] =	vst.idx.add.s32.msk $0xffff, v13  }
0x14a: {  	vm10 =	veq.s32 v27, v29;
	v11 =	vsel vm9, $0x10001, v2;
	v8 =	vor.u32 v3, v8;
	[tilespmem:v12+s12+$0x0] =	vst.idx.add.f32.msk $0xffff, v6  }
0x14b: {  	v6 =	vsel vm10, $0x10001, v2;
	[tilespmem:v10+s11+$0x0] =	vst.idx.add.s32.msk $0xffff, v11  }
0x14c: {  	[tilespmem:v9+s11+$0x0] =	vst.idx.add.s32.msk $0xffff, v6  }
0x14d: {  	vm11 =	veq.s32 v32, v33;
	[tilespmem:v10+s12+$0x0] =	vst.idx.add.f32.msk $0xffff, v7  }
0x14e: {  	v6 =	vsel vm11, $0x10001, v2;
	[tilespmem:v9+s12+$0x0] =	vst.idx.add.f32.msk $0xffff, v4  }
0x14f: {  	[tilespmem:v8+s11+$0x0] =	vst.idx.add.s32.msk $0xffff, v6  }
0x150: {  	[tilespmem:v8+s12+$0x0] =	vst.idx.add.f32.msk $0xffff, v5  }
0x151: {  	s16 =	rddreg [dreg:$0xb]  }
0x152: {  	[tilespmem:s7], [sflag:$0x2] =	stream.linear.gather [hbm4b:s16+s1], $0x30D8, $0x38;
	[tilespmem:$0x12900] =	vst v63  }
0x153: {  	s17 =	rddreg [dreg:$0xc]  }
0x154: {  	[tilespmem:s8], [sflag:$0x2] =	stream.linear.gather [hbm4b:s17+s1], $0x30D8, $0x38;
	[tilespmem:$0x12900] =	vst v63  }
0x155: {  	s18 =	rddreg [dreg:$0xd]  }
0x156: {  	[tilespmem:s9], [sflag:$0x2] =	stream.linear.gather [hbm4b:s18+s1], $0x30D8, $0x38;
	[tilespmem:$0x12900] =	vst v63  }
0x157: {  	_ =	swait.ge [sflag:s10], $0x30D8  }
0x158: {  	[sflag:s10] =	ssyncset.done $0x0  }
0x159: {  	[sflag:s10] =	ssyncadd.s32 $0xFFFFCF28  }
0x15a: {  	_ =	swait.ge [sflag:s10], $0x30D8  }
0x15b: {  	[sflag:s10] =	ssyncset.done $0x0  }
0x15c: {  	[sflag:s10] =	ssyncadd.s32 $0xFFFFCF28  }
0x15d: {  	_ =	swait.ge [sflag:s10], $0x30D8  }
0x15e: {  	[sflag:s10] =	ssyncset.done $0x0  }
0x15f: {  	s19 =	simm.s32 $0xC440;
	[sflag:s10] =	ssyncadd.s32 $0xFFFFCF28  }
0x160: {  	v17 =	vld [tilespmem:s19+$0x30]  }
0x161: {  	v9 =	vld [tilespmem:s19+$0xFFFFFFD0]  }
0x162: {  	v8 =	vld [tilespmem:s19+$0xFFFFFFE0]  }
0x163: {  	v6 =	vld [tilespmem:s19+$0xFFFFFFF0]  }
0x164: {  	v7 =	vld [tilespmem:s19+$0x0]  }
0x165: {  	v4 =	vld [tilespmem:s19+$0x10]  }
0x166: {  	v5 =	vld [tilespmem:s19+$0x20]  }
0x167: {  	v10 =	vld [tilespmem:s19+$0xFFFFFFC0]  }
0x168: {  	v11 =	vmul.f32 $1.500000000e+01, v17  }
0x169: {  	v12 =	vmul.f32 $1.500000000e+01, v9;
	v13 =	vmul.f32 $1.500000000e+01, v8  }
0x16a: {  	v14 =	vmul.f32 $1.500000000e+01, v6;
	v15 =	vmul.f32 $1.500000000e+01, v7  }
0x16b: {  	v16 =	vmul.f32 $1.500000000e+01, v4;
	v19 =	vmul.f32 $1.500000000e+01, v5  }
0x16c: {  	v20 =	vmul.f32 $1.500000000e+01, v10;
	v11 =	vtrunc.f32 v11  }
0x16d: {  	v12 =	vtrunc.f32 v12;
	v13 =	vtrunc.f32 v13  }
0x16e: {  	v14 =	vtrunc.f32 v14;
	v11 =	vcvt.f32.s32 v11  }
0x16f: {  	v16 =	vtrunc.f32 v16;
	v27 =	vcvt.f32.s32 v14  }
0x170: {  	v28 =	vcvt.f32.s32 v16;
	v18 =	vcvt.s32.f32 v11  }
0x171: {  	v15 =	vtrunc.f32 v15;
	v20 =	vtrunc.f32 v20  }
0x172: {  	v24 =	vcvt.s32.f32 v27;
	v26 =	vcvt.s32.f32 v28;
	v21 =	vadd.f32 $1.000000000e+00, v18  }
0x173: {  	v23 =	vcvt.f32.s32 v13;
	v18 =	vmul.f32 $6.666667010e-02, v18  }
0x174: {  	v31 =	vadd.f32 $1.000000000e+00, v24;
	v59 =	vadd.f32 $1.000000000e+00, v26;
	v21 =	vmul.f32 $6.666667010e-02, v21  }
0x175: {  	vm12 =	vle.f32 v17, v18;
	v18 =	vtrunc.f32 v19;
	v19 =	vcvt.f32.s32 v20  }
0x176: {  	v31 =	vmul.f32 $6.666667010e-02, v31;
	v20 =	vsel vm12, $0xFFFFFFFF, v0;
	v18 =	vcvt.f32.s32 v18  }
0x177: {  	s17 =	simm.s32 $0x6240;
	vm13 =	vgt.f32 v17, v21;
	v21 =	vcvt.f32.s32 v12;
	v11 =	vadd.s32 v11, v20  }
0x178: {  	s16 =	simm.s32 $0x40;
	v13 =	vld [tilespmem:s17+$0x30];
	v14 =	vcvt.s32.f32 v19;
	vm10 =	vgt.f32 v6, v31;
	v20 =	vsel vm13, $0x2, v2  }
0x179: {  	v12 =	vld [tilespmem:s16+$0x30];
	v29 =	vcvt.s32.f32 v18;
	v37 =	vsel vm10, $0x2, v2;
	v11 =	vadd.s32 v20, v11  }
0x17a: {  	v20 =	vcvt.f32.s32 v15;
	v15 =	vcvt.s32.f32 v23;
	v16 =	vadd.f32 $1.000000000e+00, v14  }
0x17b: {  	v14 =	vmul.f32 $6.666667010e-02, v14;
	v11 =	vshll.u32 v11, $0x4;
	v34 =	vadd.f32 $1.000000000e+00, v29  }
0x17c: {  	v22 =	vor.u32 v3, v11;
	v11 =	vcvt.s32.f32 v21;
	v25 =	vcvt.s32.f32 v20  }
0x17d: {  	vm15 =	vle.f32 v10, v14;
	v14 =	vmul.f32 $6.666667010e-02, v15;
	v16 =	vmul.f32 $6.666667010e-02, v16  }
0x17e: {  	vm14 =	veq.s32 v12, v13;
	v13 =	vadd.f32 $1.000000000e+00, v15;
	v15 =	vmul.f32 $6.666667010e-02, v24  }
0x17f: {  	v12 =	vadd.f32 $1.000000000e+00, v11;
	v30 =	vsel vm14, $0x10001, v2;
	v11 =	vmul.f32 $6.666667010e-02, v11  }
0x180: {  	v33 =	vld [tilespmem:s17+$0x20];
	v58 =	vadd.f32 $1.000000000e+00, v25;
	v24 =	vmul.f32 $6.666667010e-02, v25;
	v25 =	vmul.f32 $6.666667010e-02, v26  }
0x181: {  	vm2 =	vle.f32 v8, v14;
	v14 =	vmul.f32 $6.666667010e-02, v29;
	vm6 =	vgt.f32 v10, v16;
	v16 =	vld [tilespmem:s17+$0xFFFFFFE0]  }
0x182: {  	v29 =	vmul.f32 $6.666667010e-02, v13;
	vm3 =	vle.f32 v6, v15;
	v13 =	vld [tilespmem:s16+$0xFFFFFFD0];
	v62 =	vsel vm6, $0x2, v2  }
0x183: {  	v15 =	vld [tilespmem:s17+$0xFFFFFFD0];
	vm1 =	vle.f32 v9, v11;
	v26 =	vmul.f32 $6.666667010e-02, v12;
	v32 =	vmul.f32 $6.666667010e-02, v58  }
0x184: {  	v11 =	vld [tilespmem:s16+$0xFFFFFFC0];
	vm4 =	vle.f32 v7, v24;
	v24 =	vmul.f32 $6.666667010e-02, v59;
	vm5 =	vle.f32 v4, v25  }
0x185: {  	v12 =	vld [tilespmem:s17+$0xFFFFFFC0];
	v25 =	vmul.f32 $6.666667010e-02, v34;
	vm8 =	vle.f32 v5, v14;
	v31 =	vsel vm3, $0xFFFFFFFF, v0  }
0x186: {  	vm9 =	vgt.f32 v8, v29;
	[tilespmem:v22+s11+$0x0] =	vst.idx.add.s32.msk $0xffff, v30;
	v29 =	vsel vm1, $0xFFFFFFFF, v0;
	v30 =	vsel vm2, $0xFFFFFFFF, v0  }
0x187: {  	v14 =	vld [tilespmem:s16+$0xFFFFFFE0];
	v60 =	vsel vm5, $0xFFFFFFFF, v0;
	v61 =	vsel vm8, $0xFFFFFFFF, v0;
	vm7 =	vgt.f32 v9, v26  }
0x188: {  	vm11 =	vgt.f32 v7, v32;
	v26 =	vsel vm15, $0xFFFFFFFF, v0;
	vm0 =	vgt.f32 v4, v24;
	[tilespmem:v22+s12+$0x0] =	vst.idx.add.f32.msk $0xffff, v17  }
0x189: {  	vm12 =	vgt.f32 v5, v25;
	v17 =	vsel vm4, $0xFFFFFFFF, v0;
	v22 =	vld [tilespmem:s16+$0xFFFFFFF0];
	v36 =	vsel vm9, $0x2, v2  }
0x18a: {  	v24 =	vld [tilespmem:s17+$0xFFFFFFF0];
	v21 =	vadd.s32 v21, v29;
	v23 =	vadd.s32 v23, v30;
	v30 =	vadd.s32 v27, v31  }
0x18b: {  	v25 =	vld [tilespmem:s16+$0x0];
	v28 =	vadd.s32 v28, v60;
	v31 =	vadd.s32 v18, v61;
	v35 =	vsel vm7, $0x2, v2  }
0x18c: {  	v27 =	vld [tilespmem:s16+$0x10];
	v38 =	vsel vm11, $0x2, v2;
	v39 =	vsel vm0, $0x2, v2;
	v19 =	vadd.s32 v19, v26  }
0x18d: {  	v29 =	vld [tilespmem:s17+$0x10];
	v40 =	vsel vm12, $0x2, v2;
	v17 =	vadd.s32 v20, v17;
	v63 =	vadd.s32 v36, v23  }
0x18e: {  	v26 =	vld [tilespmem:s17+$0x0];
	v23 =	vadd.s32 v37, v30;
	v19 =	vadd.s32 v62, v19;
	v21 =	vadd.s32 v35, v21  }
0x18f: {  	v32 =	vld [tilespmem:s16+$0x20];
	v20 =	vadd.s32 v38, v17;
	v18 =	vadd.s32 v39, v28;
	v17 =	vadd.s32 v40, v31  }
0x190: {  	s18 =	simm.s32 $0x0;
	s19 =	simm.s32 $0xC4C0;
	v30 =	vshll.u32 v19, $0x4;
	v21 =	vshll.u32 v21, $0x4;
	v19 =	vshll.u32 v63, $0x4  }
.LBB2_6:
0x191: {  	v28 =	vld [tilespmem:s19+$0x30];
	v23 =	vshll.u32 v23, $0x4;
	v31 =	vshll.u32 v20, $0x4;
	v18 =	vshll.u32 v18, $0x4  }
0x192: {  	s18 =	sadd.s32 $0x8, s18;
	vm4 =	veq.s32 v11, v12;
	vm5 =	veq.s32 v13, v15;
	v11 =	vshll.u32 v17, $0x4;
	v34 =	vld [tilespmem:s19+$0xFFFFFFD0]  }
0x193: {  	vm6 =	veq.s32 v14, v16;
	vm3 =	veq.s32 v22, v24;
	vm2 =	veq.s32 v25, v26;
	p0 =	slt.u32 s18, $0x308;
	v12 =	vld [tilespmem:s19+$0xFFFFFFE0]  }
0x194: {  	v14 =	vor.u32 v3, v30;
	vm1 =	veq.s32 v27, v29;
	vm0 =	veq.s32 v32, v33;
	v13 =	vld [tilespmem:s19+$0xFFFFFFF0]  }
0x195: {  	v15 =	vor.u32 v3, v21;
	v16 =	vor.u32 v3, v19;
	v22 =	vor.u32 v3, v23;
	v20 =	vld [tilespmem:s19+$0x0]  }
0x196: {  	v23 =	vor.u32 v3, v31;
	v21 =	vor.u32 v3, v18;
	v19 =	vld [tilespmem:s19+$0x10];
	v24 =	vmul.f32 $1.500000000e+01, v28  }
0x197: {  	v26 =	vsel vm4, $0x10001, v2;
	v18 =	vor.u32 v3, v11;
	v25 =	vmul.f32 $1.500000000e+01, v34;
	v17 =	vld [tilespmem:s19+$0x20]  }
0x198: {  	v29 =	vsel vm5, $0x10001, v2;
	v11 =	vld [tilespmem:s19+$0xFFFFFFC0];
	v27 =	vmul.f32 $1.500000000e+01, v12;
	v24 =	vtrunc.f32 v24  }
0x199: {  	v31 =	vmul.f32 $1.500000000e+01, v13;
	v24 =	vcvt.f32.s32 v24;
	[tilespmem:v14+s11+$0x0] =	vst.idx.add.s32.msk $0xffff, v26;
	v26 =	vsel vm6, $0x10001, v2  }
0x19a: {  	v25 =	vtrunc.f32 v25;
	v32 =	vmul.f32 $1.500000000e+01, v20;
	[tilespmem:v14+s12+$0x0] =	vst.idx.add.f32.msk $0xffff, v10;
	v14 =	vsel vm3, $0x10001, v2  }
0x19b: {  	v33 =	vmul.f32 $1.500000000e+01, v19;
	v35 =	vcvt.s32.f32 v24;
	[tilespmem:v15+s11+$0x0] =	vst.idx.add.s32.msk $0xffff, v29;
	v29 =	vsel vm2, $0x10001, v2  }
0x19c: {  	v30 =	vsel vm1, $0x10001, v2;
	v27 =	vtrunc.f32 v27;
	v36 =	vmul.f32 $1.500000000e+01, v17;
	[tilespmem:v15+s12+$0x0] =	vst.idx.add.f32.msk $0xffff, v9;
	v9 =	vmovc v34  }
0x19d: {  	v34 =	vtrunc.f32 v31;
	v15 =	vmul.f32 $1.500000000e+01, v11;
	v37 =	vadd.f32 $1.000000000e+00, v35;
	[tilespmem:v16+s11+$0x0] =	vst.idx.add.s32.msk $0xffff, v26;
	v10 =	vmovc v11  }
0x19e: {  	v31 =	vsel vm0, $0x10001, v2;
	v26 =	vtrunc.f32 v32;
	v11 =	vmul.f32 $6.666667010e-02, v35;
	[tilespmem:v16+s12+$0x0] =	vst.idx.add.f32.msk $0xffff, v8;
	v8 =	vmovc v12  }
0x19f: {  	v12 =	vtrunc.f32 v15;
	v15 =	vmul.f32 $6.666667010e-02, v37;
	[tilespmem:v22+s11+$0x0] =	vst.idx.add.s32.msk $0xffff, v14  }
0x1a0: {  	v16 =	vtrunc.f32 v36;
	v14 =	vtrunc.f32 v33;
	vm0 =	vle.f32 v28, v11;
	[tilespmem:v22+s12+$0x0] =	vst.idx.add.f32.msk $0xffff, v6;
	v6 =	vmovc v13  }
0x1a1: {  	s16 =	sadd.s32 $0x80, s16;
	v35 =	vcvt.f32.s32 v12;
	v11 =	vsel vm0, $0xFFFFFFFF, v0;
	vm0 =	vgt.f32 v28, v15;
	[tilespmem:v23+s11+$0x0] =	vst.idx.add.s32.msk $0xffff, v29  }
0x1a2: {  	s17 =	sadd.s32 $0x80, s17;
	v36 =	vcvt.f32.s32 v25;
	v11 =	vadd.s32 v24, v11;
	v22 =	vld [tilespmem:s16+$0x30];
	v12 =	vsel vm0, $0x2, v2  }
0x1a3: {  	v34 =	vcvt.f32.s32 v34;
	v37 =	vcvt.f32.s32 v27;
	v24 =	vld [tilespmem:s17+$0x30];
	v12 =	vadd.s32 v12, v11  }
0x1a4: {  	v38 =	vcvt.f32.s32 v26;
	v39 =	vcvt.f32.s32 v14;
	v11 =	vld [tilespmem:s16+$0xFFFFFFC0];
	v13 =	vshll.u32 v12, $0x4  }
0x1a5: {  	v40 =	vcvt.f32.s32 v16;
	v25 =	vcvt.s32.f32 v35;
	v12 =	vld [tilespmem:s17+$0xFFFFFFC0];
	v26 =	vor.u32 v3, v13  }
0x1a6: {  	v27 =	vcvt.s32.f32 v36;
	v29 =	vcvt.s32.f32 v37;
	v13 =	vld [tilespmem:s16+$0xFFFFFFD0]  }
0x1a7: {  	v33 =	vcvt.s32.f32 v34;
	v41 =	vcvt.s32.f32 v38;
	v32 =	vadd.f32 $1.000000000e+00, v25;
	v15 =	vld [tilespmem:s17+$0xFFFFFFD0]  }
0x1a8: {  	v43 =	vcvt.s32.f32 v40;
	v42 =	vcvt.s32.f32 v39;
	v14 =	vld [tilespmem:s16+$0xFFFFFFE0];
	vm0 =	veq.s32 v22, v24  }
0x1a9: {  	v44 =	vadd.f32 $1.000000000e+00, v27;
	v45 =	vadd.f32 $1.000000000e+00, v29;
	v16 =	vld [tilespmem:s17+$0xFFFFFFE0];
	v22 =	vsel vm0, $0x10001, v2  }
0x1aa: {  	v46 =	vadd.f32 $1.000000000e+00, v33;
	v47 =	vadd.f32 $1.000000000e+00, v41;
	v24 =	vmul.f32 $6.666667010e-02, v25;
	[tilespmem:v26+s11+$0x0] =	vst.idx.add.s32.msk $0xffff, v22  }
0x1ab: {  	v49 =	vadd.f32 $1.000000000e+00, v43;
	v48 =	vadd.f32 $1.000000000e+00, v42;
	v25 =	vmul.f32 $6.666667010e-02, v27;
	[tilespmem:v26+s12+$0x0] =	vst.idx.add.f32.msk $0xffff, v28  }
0x1ac: {  	v27 =	vmul.f32 $6.666667010e-02, v33;
	vm0 =	vle.f32 v10, v24;
	v26 =	vmul.f32 $6.666667010e-02, v29;
	v22 =	vld [tilespmem:s16+$0xFFFFFFF0]  }
0x1ad: {  	v33 =	vmul.f32 $6.666667010e-02, v42;
	vm1 =	vle.f32 v9, v25;
	v28 =	vmul.f32 $6.666667010e-02, v41;
	v24 =	vld [tilespmem:s17+$0xFFFFFFF0]  }
0x1ae: {  	v32 =	vmul.f32 $6.666667010e-02, v32;
	v41 =	vmul.f32 $6.666667010e-02, v43;
	vm2 =	vle.f32 v8, v26;
	v25 =	vld [tilespmem:s16+$0x0]  }
0x1af: {  	v42 =	vmul.f32 $6.666667010e-02, v44;
	vm3 =	vle.f32 v6, v27;
	v43 =	vmul.f32 $6.666667010e-02, v45;
	v26 =	vld [tilespmem:s17+$0x0]  }
0x1b0: {  	v44 =	vmul.f32 $6.666667010e-02, v46;
	v45 =	vmul.f32 $6.666667010e-02, v47;
	vm4 =	vle.f32 v20, v28;
	v27 =	vld [tilespmem:s16+$0x10]  }
0x1b1: {  	v46 =	vmul.f32 $6.666667010e-02, v49;
	vm5 =	vle.f32 v19, v33;
	v28 =	vmul.f32 $6.666667010e-02, v48;
	v29 =	vld [tilespmem:s17+$0x10]  }
0x1b2: {  	vm6 =	vgt.f32 v10, v32;
	vm7 =	vgt.f32 v9, v42;
	vm8 =	vle.f32 v17, v41;
	v32 =	vld [tilespmem:s16+$0x20]  }
0x1b3: {  	vm10 =	vgt.f32 v6, v44;
	vm9 =	vgt.f32 v8, v43;
	vm11 =	vgt.f32 v20, v45;
	v33 =	vld [tilespmem:s17+$0x20]  }
0x1b4: {  	vm12 =	vgt.f32 v17, v46;
	v41 =	vsel vm0, $0xFFFFFFFF, v0;
	vm0 =	vgt.f32 v19, v28;
	[tilespmem:v23+s12+$0x0] =	vst.idx.add.f32.msk $0xffff, v7  }
0x1b5: {  	v42 =	vsel vm3, $0xFFFFFFFF, v0;
	v28 =	vsel vm2, $0xFFFFFFFF, v0;
	v23 =	vsel vm1, $0xFFFFFFFF, v0;
	v7 =	vmovc v20;
	[tilespmem:v21+s11+$0x0] =	vst.idx.add.s32.msk $0xffff, v30  }
0x1b6: {  	v43 =	vsel vm8, $0xFFFFFFFF, v0;
	v20 =	vsel vm4, $0xFFFFFFFF, v0;
	v30 =	vsel vm5, $0xFFFFFFFF, v0;
	[tilespmem:v21+s12+$0x0] =	vst.idx.add.f32.msk $0xffff, v4;
	v4 =	vmovc v19  }
0x1b7: {  	v44 =	vsel vm9, $0x2, v2;
	v19 =	vsel vm6, $0x2, v2;
	v21 =	vsel vm7, $0x2, v2;
	[tilespmem:v18+s11+$0x0] =	vst.idx.add.s32.msk $0xffff, v31  }
0x1b8: {  	v45 =	vsel vm11, $0x2, v2;
	v46 =	vsel vm0, $0x2, v2;
	v31 =	vsel vm10, $0x2, v2;
	[tilespmem:v18+s12+$0x0] =	vst.idx.add.f32.msk $0xffff, v5;
	v5 =	vmovc v17  }
0x1b9: {  	v17 =	vadd.s32 v35, v41;
	v18 =	vadd.s32 v36, v23;
	v35 =	vsel vm12, $0x2, v2  }
.Ltmp2:
0x1ba: {  	v20 =	vadd.s32 v38, v20;
	v23 =	vadd.s32 v37, v28;
	v28 =	vadd.s32 v34, v42;
	(pc) =	sbr.rel @p0 .LBB2_6-.Ltmp2, $4  }
0x1bb: {  	v19 =	vadd.s32 v19, v17;
	v17 =	vadd.s32 v39, v30;
	v30 =	vadd.s32 v40, v43  }
0x1bc: {  	v21 =	vadd.s32 v21, v18;
	v34 =	vadd.s32 v44, v23;
	v23 =	vadd.s32 v31, v28  }
0x1bd: {  	v20 =	vadd.s32 v45, v20;
	v18 =	vadd.s32 v46, v17;
	v17 =	vadd.s32 v35, v30  }
0x1be: {  	s19 =	sadd.s32 $0x80, s19;
	v30 =	vshll.u32 v19, $0x4;
	v21 =	vshll.u32 v21, $0x4;
	v19 =	vshll.u32 v34, $0x4  }
0x1bf: {  	v28 =	vor.u32 v3, v30  }
0x1c0: {  	v21 =	vor.u32 v3, v21;
	_ =	sdelay $0x1  }
0x1c1: {  	vm0 =	veq.s32 v11, v12  }
0x1c2: {  	v11 =	vor.u32 v3, v19;
	vm6 =	veq.s32 v13, v15;
	v12 =	vsel vm0, $0x10001, v2  }
0x1c3: {  	v19 =	vshll.u32 v23, $0x4;
	v13 =	vsel vm6, $0x10001, v2;
	[tilespmem:v28+s11+$0x0] =	vst.idx.add.s32.msk $0xffff, v12  }
0x1c4: {  	v12 =	vor.u32 v3, v19;
	[tilespmem:v21+s11+$0x0] =	vst.idx.add.s32.msk $0xffff, v13  }
0x1c5: {  	vm7 =	veq.s32 v14, v16;
	[tilespmem:v28+s12+$0x0] =	vst.idx.add.f32.msk $0xffff, v10;
	v10 =	vshll.u32 v20, $0x4  }
0x1c6: {  	v13 =	vsel vm7, $0x10001, v2;
	[tilespmem:v21+s12+$0x0] =	vst.idx.add.f32.msk $0xffff, v9;
	v9 =	vshll.u32 v18, $0x4;
	v10 =	vor.u32 v3, v10  }
0x1c7: {  	vm8 =	veq.s32 v22, v24;
	[tilespmem:v11+s11+$0x0] =	vst.idx.add.s32.msk $0xffff, v13;
	v9 =	vor.u32 v3, v9  }
0x1c8: {  	v13 =	vsel vm8, $0x10001, v2;
	[tilespmem:v11+s12+$0x0] =	vst.idx.add.f32.msk $0xffff, v8  }
0x1c9: {  	vm9 =	veq.s32 v25, v26;
	v8 =	vshll.u32 v17, $0x4;
	[tilespmem:v12+s11+$0x0] =	vst.idx.add.s32.msk $0xffff, v13  }
0x1ca: {  	vm10 =	veq.s32 v27, v29;
	v11 =	vsel vm9, $0x10001, v2;
	v8 =	vor.u32 v3, v8;
	[tilespmem:v12+s12+$0x0] =	vst.idx.add.f32.msk $0xffff, v6  }
0x1cb: {  	v6 =	vsel vm10, $0x10001, v2;
	[tilespmem:v10+s11+$0x0] =	vst.idx.add.s32.msk $0xffff, v11  }
0x1cc: {  	[tilespmem:v9+s11+$0x0] =	vst.idx.add.s32.msk $0xffff, v6  }
0x1cd: {  	vm11 =	veq.s32 v32, v33;
	[tilespmem:v10+s12+$0x0] =	vst.idx.add.f32.msk $0xffff, v7  }
0x1ce: {  	v6 =	vsel vm11, $0x10001, v2;
	[tilespmem:v9+s12+$0x0] =	vst.idx.add.f32.msk $0xffff, v4  }
0x1cf: {  	[tilespmem:v8+s11+$0x0] =	vst.idx.add.s32.msk $0xffff, v6  }
0x1d0: {  	[tilespmem:v8+s12+$0x0] =	vst.idx.add.f32.msk $0xffff, v5  }
0x1d1: {  	s16 =	rddreg [dreg:$0xe]  }
0x1d2: {  	[tilespmem:s1], [sflag:$0x1] =	stream.linear.gather [hbm4b:s16+s1], $0x30D8, $0x38;
	[tilespmem:$0x12900] =	vst v63  }
0x1d3: {  	s17 =	rddreg [dreg:$0xf]  }
0x1d4: {  	[tilespmem:s5], [sflag:$0x1] =	stream.linear.gather [hbm4b:s17+s1], $0x30D8, $0x38;
	[tilespmem:$0x12900] =	vst v63  }
0x1d5: {  	s18 =	rddreg [dreg:$0x10]  }
0x1d6: {  	[tilespmem:s6], [sflag:$0x1] =	stream.linear.gather [hbm4b:s18+s1], $0x30D8, $0x38;
	[tilespmem:$0x12900] =	vst v63  }
0x1d7: {  	_ =	swait.ge [sflag:s13], $0x30D8  }
0x1d8: {  	[sflag:s13] =	ssyncset.done $0x0  }
0x1d9: {  	[sflag:s13] =	ssyncadd.s32 $0xFFFFCF28  }
0x1da: {  	_ =	swait.ge [sflag:s13], $0x30D8  }
0x1db: {  	[sflag:s13] =	ssyncset.done $0x0  }
0x1dc: {  	[sflag:s13] =	ssyncadd.s32 $0xFFFFCF28  }
0x1dd: {  	_ =	swait.ge [sflag:s13], $0x30D8  }
0x1de: {  	[sflag:s13] =	ssyncset.done $0x0  }
0x1df: {  	s19 =	simm.s32 $0xF540;
	[sflag:s13] =	ssyncadd.s32 $0xFFFFCF28  }
0x1e0: {  	v17 =	vld [tilespmem:s19+$0x30]  }
0x1e1: {  	v9 =	vld [tilespmem:s19+$0xFFFFFFD0]  }
0x1e2: {  	v8 =	vld [tilespmem:s19+$0xFFFFFFE0]  }
0x1e3: {  	v6 =	vld [tilespmem:s19+$0xFFFFFFF0]  }
0x1e4: {  	v7 =	vld [tilespmem:s19+$0x0]  }
0x1e5: {  	v4 =	vld [tilespmem:s19+$0x10]  }
0x1e6: {  	v5 =	vld [tilespmem:s19+$0x20]  }
0x1e7: {  	v10 =	vld [tilespmem:s19+$0xFFFFFFC0]  }
0x1e8: {  	v11 =	vmul.f32 $1.500000000e+01, v17  }
0x1e9: {  	v12 =	vmul.f32 $1.500000000e+01, v9;
	v13 =	vmul.f32 $1.500000000e+01, v8  }
0x1ea: {  	v14 =	vmul.f32 $1.500000000e+01, v6;
	v15 =	vmul.f32 $1.500000000e+01, v7  }
0x1eb: {  	v16 =	vmul.f32 $1.500000000e+01, v4;
	v19 =	vmul.f32 $1.500000000e+01, v5  }
0x1ec: {  	v20 =	vmul.f32 $1.500000000e+01, v10;
	v11 =	vtrunc.f32 v11  }
0x1ed: {  	v12 =	vtrunc.f32 v12;
	v13 =	vtrunc.f32 v13  }
0x1ee: {  	v14 =	vtrunc.f32 v14;
	v11 =	vcvt.f32.s32 v11  }
0x1ef: {  	v16 =	vtrunc.f32 v16;
	v27 =	vcvt.f32.s32 v14  }
0x1f0: {  	v28 =	vcvt.f32.s32 v16;
	v18 =	vcvt.s32.f32 v11  }
0x1f1: {  	v15 =	vtrunc.f32 v15;
	v20 =	vtrunc.f32 v20  }
0x1f2: {  	v24 =	vcvt.s32.f32 v27;
	v26 =	vcvt.s32.f32 v28;
	v21 =	vadd.f32 $1.000000000e+00, v18  }
0x1f3: {  	v23 =	vcvt.f32.s32 v13;
	v18 =	vmul.f32 $6.666667010e-02, v18  }
0x1f4: {  	v31 =	vadd.f32 $1.000000000e+00, v24;
	v59 =	vadd.f32 $1.000000000e+00, v26;
	v21 =	vmul.f32 $6.666667010e-02, v21  }
0x1f5: {  	vm12 =	vle.f32 v17, v18;
	v18 =	vtrunc.f32 v19;
	v19 =	vcvt.f32.s32 v20  }
0x1f6: {  	v31 =	vmul.f32 $6.666667010e-02, v31;
	v20 =	vsel vm12, $0xFFFFFFFF, v0;
	v18 =	vcvt.f32.s32 v18  }
0x1f7: {  	s17 =	simm.s32 $0x9340;
	vm13 =	vgt.f32 v17, v21;
	v21 =	vcvt.f32.s32 v12;
	v11 =	vadd.s32 v11, v20  }
0x1f8: {  	s16 =	simm.s32 $0x3140;
	v13 =	vld [tilespmem:s17+$0x30];
	v14 =	vcvt.s32.f32 v19;
	vm10 =	vgt.f32 v6, v31;
	v20 =	vsel vm13, $0x2, v2  }
0x1f9: {  	v12 =	vld [tilespmem:s16+$0x30];
	v29 =	vcvt.s32.f32 v18;
	v37 =	vsel vm10, $0x2, v2;
	v11 =	vadd.s32 v20, v11  }
0x1fa: {  	v20 =	vcvt.f32.s32 v15;
	v15 =	vcvt.s32.f32 v23;
	v16 =	vadd.f32 $1.000000000e+00, v14  }
0x1fb: {  	v14 =	vmul.f32 $6.666667010e-02, v14;
	v11 =	vshll.u32 v11, $0x4;
	v34 =	vadd.f32 $1.000000000e+00, v29  }
0x1fc: {  	v22 =	vor.u32 v3, v11;
	v11 =	vcvt.s32.f32 v21;
	v25 =	vcvt.s32.f32 v20  }
0x1fd: {  	vm15 =	vle.f32 v10, v14;
	v14 =	vmul.f32 $6.666667010e-02, v15;
	v16 =	vmul.f32 $6.666667010e-02, v16  }
0x1fe: {  	vm14 =	veq.s32 v12, v13;
	v13 =	vadd.f32 $1.000000000e+00, v15;
	v15 =	vmul.f32 $6.666667010e-02, v24  }
0x1ff: {  	v12 =	vadd.f32 $1.000000000e+00, v11;
	v30 =	vsel vm14, $0x10001, v2;
	v11 =	vmul.f32 $6.666667010e-02, v11  }
0x200: {  	v33 =	vld [tilespmem:s17+$0x20];
	v58 =	vadd.f32 $1.000000000e+00, v25;
	v24 =	vmul.f32 $6.666667010e-02, v25;
	v25 =	vmul.f32 $6.666667010e-02, v26  }
0x201: {  	vm2 =	vle.f32 v8, v14;
	v14 =	vmul.f32 $6.666667010e-02, v29;
	vm6 =	vgt.f32 v10, v16;
	v16 =	vld [tilespmem:s17+$0xFFFFFFE0]  }
0x202: {  	v29 =	vmul.f32 $6.666667010e-02, v13;
	vm3 =	vle.f32 v6, v15;
	v13 =	vld [tilespmem:s16+$0xFFFFFFD0];
	v62 =	vsel vm6, $0x2, v2  }
0x203: {  	v15 =	vld [tilespmem:s17+$0xFFFFFFD0];
	vm1 =	vle.f32 v9, v11;
	v26 =	vmul.f32 $6.666667010e-02, v12;
	v32 =	vmul.f32 $6.666667010e-02, v58  }
0x204: {  	v11 =	vld [tilespmem:s16+$0xFFFFFFC0];
	vm4 =	vle.f32 v7, v24;
	v24 =	vmul.f32 $6.666667010e-02, v59;
	vm5 =	vle.f32 v4, v25  }
0x205: {  	v12 =	vld [tilespmem:s17+$0xFFFFFFC0];
	v25 =	vmul.f32 $6.666667010e-02, v34;
	vm8 =	vle.f32 v5, v14;
	v31 =	vsel vm3, $0xFFFFFFFF, v0  }
0x206: {  	vm9 =	vgt.f32 v8, v29;
	[tilespmem:v22+s11+$0x0] =	vst.idx.add.s32.msk $0xffff, v30;
	v29 =	vsel vm1, $0xFFFFFFFF, v0;
	v30 =	vsel vm2, $0xFFFFFFFF, v0  }
0x207: {  	v14 =	vld [tilespmem:s16+$0xFFFFFFE0];
	v60 =	vsel vm5, $0xFFFFFFFF, v0;
	v61 =	vsel vm8, $0xFFFFFFFF, v0;
	vm7 =	vgt.f32 v9, v26  }
0x208: {  	vm11 =	vgt.f32 v7, v32;
	v26 =	vsel vm15, $0xFFFFFFFF, v0;
	vm0 =	vgt.f32 v4, v24;
	[tilespmem:v22+s12+$0x0] =	vst.idx.add.f32.msk $0xffff, v17  }
0x209: {  	vm12 =	vgt.f32 v5, v25;
	v17 =	vsel vm4, $0xFFFFFFFF, v0;
	v22 =	vld [tilespmem:s16+$0xFFFFFFF0];
	v36 =	vsel vm9, $0x2, v2  }
0x20a: {  	v24 =	vld [tilespmem:s17+$0xFFFFFFF0];
	v21 =	vadd.s32 v21, v29;
	v23 =	vadd.s32 v23, v30;
	v30 =	vadd.s32 v27, v31  }
0x20b: {  	v25 =	vld [tilespmem:s16+$0x0];
	v28 =	vadd.s32 v28, v60;
	v31 =	vadd.s32 v18, v61;
	v35 =	vsel vm7, $0x2, v2  }
0x20c: {  	v27 =	vld [tilespmem:s16+$0x10];
	v38 =	vsel vm11, $0x2, v2;
	v39 =	vsel vm0, $0x2, v2;
	v19 =	vadd.s32 v19, v26  }
0x20d: {  	v29 =	vld [tilespmem:s17+$0x10];
	v40 =	vsel vm12, $0x2, v2;
	v17 =	vadd.s32 v20, v17;
	v63 =	vadd.s32 v36, v23  }
0x20e: {  	v26 =	vld [tilespmem:s17+$0x0];
	v23 =	vadd.s32 v37, v30;
	v19 =	vadd.s32 v62, v19;
	v21 =	vadd.s32 v35, v21  }
0x20f: {  	v32 =	vld [tilespmem:s16+$0x20];
	v20 =	vadd.s32 v38, v17;
	v18 =	vadd.s32 v39, v28;
	v17 =	vadd.s32 v40, v31  }
0x210: {  	s18 =	simm.s32 $0x0;
	s19 =	simm.s32 $0xF5C0;
	v30 =	vshll.u32 v19, $0x4;
	v21 =	vshll.u32 v21, $0x4;
	v19 =	vshll.u32 v63, $0x4  }
.LBB2_8:
0x211: {  	v28 =	vld [tilespmem:s19+$0x30];
	v23 =	vshll.u32 v23, $0x4;
	v31 =	vshll.u32 v20, $0x4;
	v18 =	vshll.u32 v18, $0x4  }
0x212: {  	s18 =	sadd.s32 $0x8, s18;
	vm4 =	veq.s32 v11, v12;
	vm5 =	veq.s32 v13, v15;
	v11 =	vshll.u32 v17, $0x4;
	v34 =	vld [tilespmem:s19+$0xFFFFFFD0]  }
0x213: {  	vm6 =	veq.s32 v14, v16;
	vm3 =	veq.s32 v22, v24;
	vm2 =	veq.s32 v25, v26;
	p0 =	slt.u32 s18, $0x308;
	v12 =	vld [tilespmem:s19+$0xFFFFFFE0]  }
0x214: {  	v14 =	vor.u32 v3, v30;
	vm1 =	veq.s32 v27, v29;
	vm0 =	veq.s32 v32, v33;
	v13 =	vld [tilespmem:s19+$0xFFFFFFF0]  }
0x215: {  	v15 =	vor.u32 v3, v21;
	v16 =	vor.u32 v3, v19;
	v22 =	vor.u32 v3, v23;
	v20 =	vld [tilespmem:s19+$0x0]  }
0x216: {  	v23 =	vor.u32 v3, v31;
	v21 =	vor.u32 v3, v18;
	v19 =	vld [tilespmem:s19+$0x10];
	v24 =	vmul.f32 $1.500000000e+01, v28  }
0x217: {  	v26 =	vsel vm4, $0x10001, v2;
	v18 =	vor.u32 v3, v11;
	v25 =	vmul.f32 $1.500000000e+01, v34;
	v17 =	vld [tilespmem:s19+$0x20]  }
0x218: {  	v29 =	vsel vm5, $0x10001, v2;
	v11 =	vld [tilespmem:s19+$0xFFFFFFC0];
	v27 =	vmul.f32 $1.500000000e+01, v12;
	v24 =	vtrunc.f32 v24  }
0x219: {  	v31 =	vmul.f32 $1.500000000e+01, v13;
	v24 =	vcvt.f32.s32 v24;
	[tilespmem:v14+s11+$0x0] =	vst.idx.add.s32.msk $0xffff, v26;
	v26 =	vsel vm6, $0x10001, v2  }
0x21a: {  	v25 =	vtrunc.f32 v25;
	v32 =	vmul.f32 $1.500000000e+01, v20;
	[tilespmem:v14+s12+$0x0] =	vst.idx.add.f32.msk $0xffff, v10;
	v14 =	vsel vm3, $0x10001, v2  }
0x21b: {  	v33 =	vmul.f32 $1.500000000e+01, v19;
	v35 =	vcvt.s32.f32 v24;
	[tilespmem:v15+s11+$0x0] =	vst.idx.add.s32.msk $0xffff, v29;
	v29 =	vsel vm2, $0x10001, v2  }
0x21c: {  	v30 =	vsel vm1, $0x10001, v2;
	v27 =	vtrunc.f32 v27;
	v36 =	vmul.f32 $1.500000000e+01, v17;
	[tilespmem:v15+s12+$0x0] =	vst.idx.add.f32.msk $0xffff, v9;
	v9 =	vmovc v34  }
0x21d: {  	v34 =	vtrunc.f32 v31;
	v15 =	vmul.f32 $1.500000000e+01, v11;
	v37 =	vadd.f32 $1.000000000e+00, v35;
	[tilespmem:v16+s11+$0x0] =	vst.idx.add.s32.msk $0xffff, v26;
	v10 =	vmovc v11  }
0x21e: {  	v31 =	vsel vm0, $0x10001, v2;
	v26 =	vtrunc.f32 v32;
	v11 =	vmul.f32 $6.666667010e-02, v35;
	[tilespmem:v16+s12+$0x0] =	vst.idx.add.f32.msk $0xffff, v8;
	v8 =	vmovc v12  }
0x21f: {  	v12 =	vtrunc.f32 v15;
	v15 =	vmul.f32 $6.666667010e-02, v37;
	[tilespmem:v22+s11+$0x0] =	vst.idx.add.s32.msk $0xffff, v14  }
0x220: {  	v16 =	vtrunc.f32 v36;
	v14 =	vtrunc.f32 v33;
	vm0 =	vle.f32 v28, v11;
	[tilespmem:v22+s12+$0x0] =	vst.idx.add.f32.msk $0xffff, v6;
	v6 =	vmovc v13  }
0x221: {  	s16 =	sadd.s32 $0x80, s16;
	v35 =	vcvt.f32.s32 v12;
	v11 =	vsel vm0, $0xFFFFFFFF, v0;
	vm0 =	vgt.f32 v28, v15;
	[tilespmem:v23+s11+$0x0] =	vst.idx.add.s32.msk $0xffff, v29  }
0x222: {  	s17 =	sadd.s32 $0x80, s17;
	v36 =	vcvt.f32.s32 v25;
	v11 =	vadd.s32 v24, v11;
	v22 =	vld [tilespmem:s16+$0x30];
	v12 =	vsel vm0, $0x2, v2  }
0x223: {  	v34 =	vcvt.f32.s32 v34;
	v37 =	vcvt.f32.s32 v27;
	v24 =	vld [tilespmem:s17+$0x30];
	v12 =	vadd.s32 v12, v11  }
0x224: {  	v38 =	vcvt.f32.s32 v26;
	v39 =	vcvt.f32.s32 v14;
	v11 =	vld [tilespmem:s16+$0xFFFFFFC0];
	v13 =	vshll.u32 v12, $0x4  }
0x225: {  	v40 =	vcvt.f32.s32 v16;
	v25 =	vcvt.s32.f32 v35;
	v12 =	vld [tilespmem:s17+$0xFFFFFFC0];
	v26 =	vor.u32 v3, v13  }
0x226: {  	v27 =	vcvt.s32.f32 v36;
	v29 =	vcvt.s32.f32 v37;
	v13 =	vld [tilespmem:s16+$0xFFFFFFD0]  }
0x227: {  	v33 =	vcvt.s32.f32 v34;
	v41 =	vcvt.s32.f32 v38;
	v32 =	vadd.f32 $1.000000000e+00, v25;
	v15 =	vld [tilespmem:s17+$0xFFFFFFD0]  }
0x228: {  	v43 =	vcvt.s32.f32 v40;
	v42 =	vcvt.s32.f32 v39;
	v14 =	vld [tilespmem:s16+$0xFFFFFFE0];
	vm0 =	veq.s32 v22, v24  }
0x229: {  	v44 =	vadd.f32 $1.000000000e+00, v27;
	v45 =	vadd.f32 $1.000000000e+00, v29;
	v16 =	vld [tilespmem:s17+$0xFFFFFFE0];
	v22 =	vsel vm0, $0x10001, v2  }
0x22a: {  	v46 =	vadd.f32 $1.000000000e+00, v33;
	v47 =	vadd.f32 $1.000000000e+00, v41;
	v24 =	vmul.f32 $6.666667010e-02, v25;
	[tilespmem:v26+s11+$0x0] =	vst.idx.add.s32.msk $0xffff, v22  }
0x22b: {  	v49 =	vadd.f32 $1.000000000e+00, v43;
	v48 =	vadd.f32 $1.000000000e+00, v42;
	v25 =	vmul.f32 $6.666667010e-02, v27;
	[tilespmem:v26+s12+$0x0] =	vst.idx.add.f32.msk $0xffff, v28  }
0x22c: {  	v27 =	vmul.f32 $6.666667010e-02, v33;
	vm0 =	vle.f32 v10, v24;
	v26 =	vmul.f32 $6.666667010e-02, v29;
	v22 =	vld [tilespmem:s16+$0xFFFFFFF0]  }
0x22d: {  	v33 =	vmul.f32 $6.666667010e-02, v42;
	vm1 =	vle.f32 v9, v25;
	v28 =	vmul.f32 $6.666667010e-02, v41;
	v24 =	vld [tilespmem:s17+$0xFFFFFFF0]  }
0x22e: {  	v32 =	vmul.f32 $6.666667010e-02, v32;
	v41 =	vmul.f32 $6.666667010e-02, v43;
	vm2 =	vle.f32 v8, v26;
	v25 =	vld [tilespmem:s16+$0x0]  }
0x22f: {  	v42 =	vmul.f32 $6.666667010e-02, v44;
	vm3 =	vle.f32 v6, v27;
	v43 =	vmul.f32 $6.666667010e-02, v45;
	v26 =	vld [tilespmem:s17+$0x0]  }
0x230: {  	v44 =	vmul.f32 $6.666667010e-02, v46;
	v45 =	vmul.f32 $6.666667010e-02, v47;
	vm4 =	vle.f32 v20, v28;
	v27 =	vld [tilespmem:s16+$0x10]  }
0x231: {  	v46 =	vmul.f32 $6.666667010e-02, v49;
	vm5 =	vle.f32 v19, v33;
	v28 =	vmul.f32 $6.666667010e-02, v48;
	v29 =	vld [tilespmem:s17+$0x10]  }
0x232: {  	vm6 =	vgt.f32 v10, v32;
	vm7 =	vgt.f32 v9, v42;
	vm8 =	vle.f32 v17, v41;
	v32 =	vld [tilespmem:s16+$0x20]  }
0x233: {  	vm10 =	vgt.f32 v6, v44;
	vm9 =	vgt.f32 v8, v43;
	vm11 =	vgt.f32 v20, v45;
	v33 =	vld [tilespmem:s17+$0x20]  }
0x234: {  	vm12 =	vgt.f32 v17, v46;
	v41 =	vsel vm0, $0xFFFFFFFF, v0;
	vm0 =	vgt.f32 v19, v28;
	[tilespmem:v23+s12+$0x0] =	vst.idx.add.f32.msk $0xffff, v7  }
0x235: {  	v42 =	vsel vm3, $0xFFFFFFFF, v0;
	v28 =	vsel vm2, $0xFFFFFFFF, v0;
	v23 =	vsel vm1, $0xFFFFFFFF, v0;
	v7 =	vmovc v20;
	[tilespmem:v21+s11+$0x0] =	vst.idx.add.s32.msk $0xffff, v30  }
0x236: {  	v43 =	vsel vm8, $0xFFFFFFFF, v0;
	v20 =	vsel vm4, $0xFFFFFFFF, v0;
	v30 =	vsel vm5, $0xFFFFFFFF, v0;
	[tilespmem:v21+s12+$0x0] =	vst.idx.add.f32.msk $0xffff, v4;
	v4 =	vmovc v19  }
0x237: {  	v44 =	vsel vm9, $0x2, v2;
	v19 =	vsel vm6, $0x2, v2;
	v21 =	vsel vm7, $0x2, v2;
	[tilespmem:v18+s11+$0x0] =	vst.idx.add.s32.msk $0xffff, v31  }
0x238: {  	v45 =	vsel vm11, $0x2, v2;
	v46 =	vsel vm0, $0x2, v2;
	v31 =	vsel vm10, $0x2, v2;
	[tilespmem:v18+s12+$0x0] =	vst.idx.add.f32.msk $0xffff, v5;
	v5 =	vmovc v17  }
0x239: {  	v17 =	vadd.s32 v35, v41;
	v18 =	vadd.s32 v36, v23;
	v35 =	vsel vm12, $0x2, v2  }
.Ltmp3:
0x23a: {  	v20 =	vadd.s32 v38, v20;
	v23 =	vadd.s32 v37, v28;
	v28 =	vadd.s32 v34, v42;
	(pc) =	sbr.rel @p0 .LBB2_8-.Ltmp3, $4  }
0x23b: {  	v19 =	vadd.s32 v19, v17;
	v17 =	vadd.s32 v39, v30;
	v30 =	vadd.s32 v40, v43  }
0x23c: {  	v21 =	vadd.s32 v21, v18;
	v34 =	vadd.s32 v44, v23;
	v23 =	vadd.s32 v31, v28  }
0x23d: {  	v20 =	vadd.s32 v45, v20;
	v18 =	vadd.s32 v46, v17;
	v17 =	vadd.s32 v35, v30  }
0x23e: {  	s19 =	sadd.s32 $0x80, s19;
	v30 =	vshll.u32 v19, $0x4;
	v21 =	vshll.u32 v21, $0x4;
	v19 =	vshll.u32 v34, $0x4  }
0x23f: {  	v28 =	vor.u32 v3, v30  }
0x240: {  	v21 =	vor.u32 v3, v21;
	_ =	sdelay $0x1  }
0x241: {  	vm0 =	veq.s32 v11, v12  }
0x242: {  	v11 =	vor.u32 v3, v19;
	vm6 =	veq.s32 v13, v15;
	v12 =	vsel vm0, $0x10001, v2  }
0x243: {  	v19 =	vshll.u32 v23, $0x4;
	v13 =	vsel vm6, $0x10001, v2;
	[tilespmem:v28+s11+$0x0] =	vst.idx.add.s32.msk $0xffff, v12  }
0x244: {  	v12 =	vor.u32 v3, v19;
	[tilespmem:v21+s11+$0x0] =	vst.idx.add.s32.msk $0xffff, v13  }
0x245: {  	vm7 =	veq.s32 v14, v16;
	[tilespmem:v28+s12+$0x0] =	vst.idx.add.f32.msk $0xffff, v10;
	v10 =	vshll.u32 v20, $0x4  }
0x246: {  	v13 =	vsel vm7, $0x10001, v2;
	[tilespmem:v21+s12+$0x0] =	vst.idx.add.f32.msk $0xffff, v9;
	v9 =	vshll.u32 v18, $0x4;
	v10 =	vor.u32 v3, v10  }
0x247: {  	vm8 =	veq.s32 v22, v24;
	[tilespmem:v11+s11+$0x0] =	vst.idx.add.s32.msk $0xffff, v13;
	v9 =	vor.u32 v3, v9  }
0x248: {  	v13 =	vsel vm8, $0x10001, v2;
	[tilespmem:v11+s12+$0x0] =	vst.idx.add.f32.msk $0xffff, v8  }
0x249: {  	vm9 =	veq.s32 v25, v26;
	v8 =	vshll.u32 v17, $0x4;
	[tilespmem:v12+s11+$0x0] =	vst.idx.add.s32.msk $0xffff, v13  }
0x24a: {  	vm10 =	veq.s32 v27, v29;
	v11 =	vsel vm9, $0x10001, v2;
	v8 =	vor.u32 v3, v8;
	[tilespmem:v12+s12+$0x0] =	vst.idx.add.f32.msk $0xffff, v6  }
0x24b: {  	v6 =	vsel vm10, $0x10001, v2;
	[tilespmem:v10+s11+$0x0] =	vst.idx.add.s32.msk $0xffff, v11  }
0x24c: {  	[tilespmem:v9+s11+$0x0] =	vst.idx.add.s32.msk $0xffff, v6  }
0x24d: {  	vm11 =	veq.s32 v32, v33;
	[tilespmem:v10+s12+$0x0] =	vst.idx.add.f32.msk $0xffff, v7  }
0x24e: {  	v6 =	vsel vm11, $0x10001, v2;
	[tilespmem:v9+s12+$0x0] =	vst.idx.add.f32.msk $0xffff, v4  }
0x24f: {  	[tilespmem:v8+s11+$0x0] =	vst.idx.add.s32.msk $0xffff, v6  }
0x250: {  	[tilespmem:v8+s12+$0x0] =	vst.idx.add.f32.msk $0xffff, v5  }
0x251: {  	s16 =	rddreg [dreg:$0x11]  }
0x252: {  	[tilespmem:s7], [sflag:$0x2] =	stream.linear.gather [hbm4b:s16+s1], $0x30D8, $0x38;
	[tilespmem:$0x12900] =	vst v63  }
0x253: {  	s17 =	rddreg [dreg:$0x12]  }
0x254: {  	[tilespmem:s8], [sflag:$0x2] =	stream.linear.gather [hbm4b:s17+s1], $0x30D8, $0x38;
	[tilespmem:$0x12900] =	vst v63  }
0x255: {  	s18 =	rddreg [dreg:$0x13]  }
0x256: {  	[tilespmem:s9], [sflag:$0x2] =	stream.linear.gather [hbm4b:s18+s1], $0x30D8, $0x38;
	[tilespmem:$0x12900] =	vst v63  }
0x257: {  	_ =	swait.ge [sflag:s10], $0x30D8  }
0x258: {  	[sflag:s10] =	ssyncset.done $0x0  }
0x259: {  	[sflag:s10] =	ssyncadd.s32 $0xFFFFCF28  }
0x25a: {  	_ =	swait.ge [sflag:s10], $0x30D8  }
0x25b: {  	[sflag:s10] =	ssyncset.done $0x0  }
0x25c: {  	[sflag:s10] =	ssyncadd.s32 $0xFFFFCF28  }
0x25d: {  	_ =	swait.ge [sflag:s10], $0x30D8  }
0x25e: {  	[sflag:s10] =	ssyncset.done $0x0  }
0x25f: {  	s19 =	simm.s32 $0xC440;
	[sflag:s10] =	ssyncadd.s32 $0xFFFFCF28  }
0x260: {  	v17 =	vld [tilespmem:s19+$0x30]  }
0x261: {  	v9 =	vld [tilespmem:s19+$0xFFFFFFD0]  }
0x262: {  	v8 =	vld [tilespmem:s19+$0xFFFFFFE0]  }
0x263: {  	v6 =	vld [tilespmem:s19+$0xFFFFFFF0]  }
0x264: {  	v7 =	vld [tilespmem:s19+$0x0]  }
0x265: {  	v4 =	vld [tilespmem:s19+$0x10]  }
0x266: {  	v5 =	vld [tilespmem:s19+$0x20]  }
0x267: {  	v10 =	vld [tilespmem:s19+$0xFFFFFFC0]  }
0x268: {  	v11 =	vmul.f32 $1.500000000e+01, v17  }
0x269: {  	v12 =	vmul.f32 $1.500000000e+01, v9;
	v13 =	vmul.f32 $1.500000000e+01, v8  }
0x26a: {  	v14 =	vmul.f32 $1.500000000e+01, v6;
	v15 =	vmul.f32 $1.500000000e+01, v7  }
0x26b: {  	v16 =	vmul.f32 $1.500000000e+01, v4;
	v19 =	vmul.f32 $1.500000000e+01, v5  }
0x26c: {  	v20 =	vmul.f32 $1.500000000e+01, v10;
	v11 =	vtrunc.f32 v11  }
0x26d: {  	v12 =	vtrunc.f32 v12;
	v13 =	vtrunc.f32 v13  }
0x26e: {  	v14 =	vtrunc.f32 v14;
	v11 =	vcvt.f32.s32 v11  }
0x26f: {  	v16 =	vtrunc.f32 v16;
	v27 =	vcvt.f32.s32 v14  }
0x270: {  	v28 =	vcvt.f32.s32 v16;
	v18 =	vcvt.s32.f32 v11  }
0x271: {  	v15 =	vtrunc.f32 v15;
	v20 =	vtrunc.f32 v20  }
0x272: {  	v24 =	vcvt.s32.f32 v27;
	v26 =	vcvt.s32.f32 v28;
	v21 =	vadd.f32 $1.000000000e+00, v18  }
0x273: {  	v23 =	vcvt.f32.s32 v13;
	v18 =	vmul.f32 $6.666667010e-02, v18  }
0x274: {  	v31 =	vadd.f32 $1.000000000e+00, v24;
	v59 =	vadd.f32 $1.000000000e+00, v26;
	v21 =	vmul.f32 $6.666667010e-02, v21  }
0x275: {  	vm12 =	vle.f32 v17, v18;
	v18 =	vtrunc.f32 v19;
	v19 =	vcvt.f32.s32 v20  }
0x276: {  	v31 =	vmul.f32 $6.666667010e-02, v31;
	v20 =	vsel vm12, $0xFFFFFFFF, v0;
	v18 =	vcvt.f32.s32 v18  }
0x277: {  	s17 =	simm.s32 $0x6240;
	vm13 =	vgt.f32 v17, v21;
	v21 =	vcvt.f32.s32 v12;
	v11 =	vadd.s32 v11, v20  }
0x278: {  	s16 =	simm.s32 $0x40;
	v13 =	vld [tilespmem:s17+$0x30];
	v14 =	vcvt.s32.f32 v19;
	vm10 =	vgt.f32 v6, v31;
	v20 =	vsel vm13, $0x2, v2  }
0x279: {  	v12 =	vld [tilespmem:s16+$0x30];
	v29 =	vcvt.s32.f32 v18;
	v37 =	vsel vm10, $0x2, v2;
	v11 =	vadd.s32 v20, v11  }
0x27a: {  	v20 =	vcvt.f32.s32 v15;
	v15 =	vcvt.s32.f32 v23;
	v16 =	vadd.f32 $1.000000000e+00, v14  }
0x27b: {  	v14 =	vmul.f32 $6.666667010e-02, v14;
	v11 =	vshll.u32 v11, $0x4;
	v34 =	vadd.f32 $1.000000000e+00, v29  }
0x27c: {  	v22 =	vor.u32 v3, v11;
	v11 =	vcvt.s32.f32 v21;
	v25 =	vcvt.s32.f32 v20  }
0x27d: {  	vm15 =	vle.f32 v10, v14;
	v14 =	vmul.f32 $6.666667010e-02, v15;
	v16 =	vmul.f32 $6.666667010e-02, v16  }
0x27e: {  	vm14 =	veq.s32 v12, v13;
	v13 =	vadd.f32 $1.000000000e+00, v15;
	v15 =	vmul.f32 $6.666667010e-02, v24  }
0x27f: {  	v12 =	vadd.f32 $1.000000000e+00, v11;
	v30 =	vsel vm14, $0x10001, v2;
	v11 =	vmul.f32 $6.666667010e-02, v11  }
0x280: {  	v33 =	vld [tilespmem:s17+$0x20];
	v58 =	vadd.f32 $1.000000000e+00, v25;
	v24 =	vmul.f32 $6.666667010e-02, v25;
	v25 =	vmul.f32 $6.666667010e-02, v26  }
0x281: {  	vm2 =	vle.f32 v8, v14;
	v14 =	vmul.f32 $6.666667010e-02, v29;
	vm6 =	vgt.f32 v10, v16;
	v16 =	vld [tilespmem:s17+$0xFFFFFFE0]  }
0x282: {  	v29 =	vmul.f32 $6.666667010e-02, v13;
	vm3 =	vle.f32 v6, v15;
	v13 =	vld [tilespmem:s16+$0xFFFFFFD0];
	v62 =	vsel vm6, $0x2, v2  }
0x283: {  	v15 =	vld [tilespmem:s17+$0xFFFFFFD0];
	vm1 =	vle.f32 v9, v11;
	v26 =	vmul.f32 $6.666667010e-02, v12;
	v32 =	vmul.f32 $6.666667010e-02, v58  }
0x284: {  	v11 =	vld [tilespmem:s16+$0xFFFFFFC0];
	vm4 =	vle.f32 v7, v24;
	v24 =	vmul.f32 $6.666667010e-02, v59;
	vm5 =	vle.f32 v4, v25  }
0x285: {  	v12 =	vld [tilespmem:s17+$0xFFFFFFC0];
	v25 =	vmul.f32 $6.666667010e-02, v34;
	vm8 =	vle.f32 v5, v14;
	v31 =	vsel vm3, $0xFFFFFFFF, v0  }
0x286: {  	vm9 =	vgt.f32 v8, v29;
	[tilespmem:v22+s11+$0x0] =	vst.idx.add.s32.msk $0xffff, v30;
	v29 =	vsel vm1, $0xFFFFFFFF, v0;
	v30 =	vsel vm2, $0xFFFFFFFF, v0  }
0x287: {  	v14 =	vld [tilespmem:s16+$0xFFFFFFE0];
	v60 =	vsel vm5, $0xFFFFFFFF, v0;
	v61 =	vsel vm8, $0xFFFFFFFF, v0;
	vm7 =	vgt.f32 v9, v26  }
0x288: {  	vm11 =	vgt.f32 v7, v32;
	v26 =	vsel vm15, $0xFFFFFFFF, v0;
	vm0 =	vgt.f32 v4, v24;
	[tilespmem:v22+s12+$0x0] =	vst.idx.add.f32.msk $0xffff, v17  }
0x289: {  	vm12 =	vgt.f32 v5, v25;
	v17 =	vsel vm4, $0xFFFFFFFF, v0;
	v22 =	vld [tilespmem:s16+$0xFFFFFFF0];
	v36 =	vsel vm9, $0x2, v2  }
0x28a: {  	v24 =	vld [tilespmem:s17+$0xFFFFFFF0];
	v21 =	vadd.s32 v21, v29;
	v23 =	vadd.s32 v23, v30;
	v30 =	vadd.s32 v27, v31  }
0x28b: {  	v25 =	vld [tilespmem:s16+$0x0];
	v28 =	vadd.s32 v28, v60;
	v31 =	vadd.s32 v18, v61;
	v35 =	vsel vm7, $0x2, v2  }
0x28c: {  	v27 =	vld [tilespmem:s16+$0x10];
	v38 =	vsel vm11, $0x2, v2;
	v39 =	vsel vm0, $0x2, v2;
	v19 =	vadd.s32 v19, v26  }
0x28d: {  	v29 =	vld [tilespmem:s17+$0x10];
	v40 =	vsel vm12, $0x2, v2;
	v17 =	vadd.s32 v20, v17;
	v63 =	vadd.s32 v36, v23  }
0x28e: {  	v26 =	vld [tilespmem:s17+$0x0];
	v23 =	vadd.s32 v37, v30;
	v19 =	vadd.s32 v62, v19;
	v21 =	vadd.s32 v35, v21  }
0x28f: {  	v32 =	vld [tilespmem:s16+$0x20];
	v20 =	vadd.s32 v38, v17;
	v18 =	vadd.s32 v39, v28;
	v17 =	vadd.s32 v40, v31  }
0x290: {  	s18 =	simm.s32 $0x0;
	s19 =	simm.s32 $0xC4C0;
	v30 =	vshll.u32 v19, $0x4;
	v21 =	vshll.u32 v21, $0x4;
	v19 =	vshll.u32 v63, $0x4  }
.LBB2_10:
0x291: {  	v28 =	vld [tilespmem:s19+$0x30];
	v23 =	vshll.u32 v23, $0x4;
	v31 =	vshll.u32 v20, $0x4;
	v18 =	vshll.u32 v18, $0x4  }
0x292: {  	s18 =	sadd.s32 $0x8, s18;
	vm4 =	veq.s32 v11, v12;
	vm5 =	veq.s32 v13, v15;
	v11 =	vshll.u32 v17, $0x4;
	v34 =	vld [tilespmem:s19+$0xFFFFFFD0]  }
0x293: {  	vm6 =	veq.s32 v14, v16;
	vm3 =	veq.s32 v22, v24;
	vm2 =	veq.s32 v25, v26;
	p0 =	slt.u32 s18, $0x308;
	v12 =	vld [tilespmem:s19+$0xFFFFFFE0]  }
0x294: {  	v14 =	vor.u32 v3, v30;
	vm1 =	veq.s32 v27, v29;
	vm0 =	veq.s32 v32, v33;
	v13 =	vld [tilespmem:s19+$0xFFFFFFF0]  }
0x295: {  	v15 =	vor.u32 v3, v21;
	v16 =	vor.u32 v3, v19;
	v22 =	vor.u32 v3, v23;
	v20 =	vld [tilespmem:s19+$0x0]  }
0x296: {  	v23 =	vor.u32 v3, v31;
	v21 =	vor.u32 v3, v18;
	v19 =	vld [tilespmem:s19+$0x10];
	v24 =	vmul.f32 $1.500000000e+01, v28  }
0x297: {  	v26 =	vsel vm4, $0x10001, v2;
	v18 =	vor.u32 v3, v11;
	v25 =	vmul.f32 $1.500000000e+01, v34;
	v17 =	vld [tilespmem:s19+$0x20]  }
0x298: {  	v29 =	vsel vm5, $0x10001, v2;
	v11 =	vld [tilespmem:s19+$0xFFFFFFC0];
	v27 =	vmul.f32 $1.500000000e+01, v12;
	v24 =	vtrunc.f32 v24  }
0x299: {  	v31 =	vmul.f32 $1.500000000e+01, v13;
	v24 =	vcvt.f32.s32 v24;
	[tilespmem:v14+s11+$0x0] =	vst.idx.add.s32.msk $0xffff, v26;
	v26 =	vsel vm6, $0x10001, v2  }
0x29a: {  	v25 =	vtrunc.f32 v25;
	v32 =	vmul.f32 $1.500000000e+01, v20;
	[tilespmem:v14+s12+$0x0] =	vst.idx.add.f32.msk $0xffff, v10;
	v14 =	vsel vm3, $0x10001, v2  }
0x29b: {  	v33 =	vmul.f32 $1.500000000e+01, v19;
	v35 =	vcvt.s32.f32 v24;
	[tilespmem:v15+s11+$0x0] =	vst.idx.add.s32.msk $0xffff, v29;
	v29 =	vsel vm2, $0x10001, v2  }
0x29c: {  	v30 =	vsel vm1, $0x10001, v2;
	v27 =	vtrunc.f32 v27;
	v36 =	vmul.f32 $1.500000000e+01, v17;
	[tilespmem:v15+s12+$0x0] =	vst.idx.add.f32.msk $0xffff, v9;
	v9 =	vmovc v34  }
0x29d: {  	v34 =	vtrunc.f32 v31;
	v15 =	vmul.f32 $1.500000000e+01, v11;
	v37 =	vadd.f32 $1.000000000e+00, v35;
	[tilespmem:v16+s11+$0x0] =	vst.idx.add.s32.msk $0xffff, v26;
	v10 =	vmovc v11  }
0x29e: {  	v31 =	vsel vm0, $0x10001, v2;
	v26 =	vtrunc.f32 v32;
	v11 =	vmul.f32 $6.666667010e-02, v35;
	[tilespmem:v16+s12+$0x0] =	vst.idx.add.f32.msk $0xffff, v8;
	v8 =	vmovc v12  }
0x29f: {  	v12 =	vtrunc.f32 v15;
	v15 =	vmul.f32 $6.666667010e-02, v37;
	[tilespmem:v22+s11+$0x0] =	vst.idx.add.s32.msk $0xffff, v14  }
0x2a0: {  	v16 =	vtrunc.f32 v36;
	v14 =	vtrunc.f32 v33;
	vm0 =	vle.f32 v28, v11;
	[tilespmem:v22+s12+$0x0] =	vst.idx.add.f32.msk $0xffff, v6;
	v6 =	vmovc v13  }
0x2a1: {  	s16 =	sadd.s32 $0x80, s16;
	v35 =	vcvt.f32.s32 v12;
	v11 =	vsel vm0, $0xFFFFFFFF, v0;
	vm0 =	vgt.f32 v28, v15;
	[tilespmem:v23+s11+$0x0] =	vst.idx.add.s32.msk $0xffff, v29  }
0x2a2: {  	s17 =	sadd.s32 $0x80, s17;
	v36 =	vcvt.f32.s32 v25;
	v11 =	vadd.s32 v24, v11;
	v22 =	vld [tilespmem:s16+$0x30];
	v12 =	vsel vm0, $0x2, v2  }
0x2a3: {  	v34 =	vcvt.f32.s32 v34;
	v37 =	vcvt.f32.s32 v27;
	v24 =	vld [tilespmem:s17+$0x30];
	v12 =	vadd.s32 v12, v11  }
0x2a4: {  	v38 =	vcvt.f32.s32 v26;
	v39 =	vcvt.f32.s32 v14;
	v11 =	vld [tilespmem:s16+$0xFFFFFFC0];
	v13 =	vshll.u32 v12, $0x4  }
0x2a5: {  	v40 =	vcvt.f32.s32 v16;
	v25 =	vcvt.s32.f32 v35;
	v12 =	vld [tilespmem:s17+$0xFFFFFFC0];
	v26 =	vor.u32 v3, v13  }
0x2a6: {  	v27 =	vcvt.s32.f32 v36;
	v29 =	vcvt.s32.f32 v37;
	v13 =	vld [tilespmem:s16+$0xFFFFFFD0]  }
0x2a7: {  	v33 =	vcvt.s32.f32 v34;
	v41 =	vcvt.s32.f32 v38;
	v32 =	vadd.f32 $1.000000000e+00, v25;
	v15 =	vld [tilespmem:s17+$0xFFFFFFD0]  }
0x2a8: {  	v43 =	vcvt.s32.f32 v40;
	v42 =	vcvt.s32.f32 v39;
	v14 =	vld [tilespmem:s16+$0xFFFFFFE0];
	vm0 =	veq.s32 v22, v24  }
0x2a9: {  	v44 =	vadd.f32 $1.000000000e+00, v27;
	v45 =	vadd.f32 $1.000000000e+00, v29;
	v16 =	vld [tilespmem:s17+$0xFFFFFFE0];
	v22 =	vsel vm0, $0x10001, v2  }
0x2aa: {  	v46 =	vadd.f32 $1.000000000e+00, v33;
	v47 =	vadd.f32 $1.000000000e+00, v41;
	v24 =	vmul.f32 $6.666667010e-02, v25;
	[tilespmem:v26+s11+$0x0] =	vst.idx.add.s32.msk $0xffff, v22  }
0x2ab: {  	v49 =	vadd.f32 $1.000000000e+00, v43;
	v48 =	vadd.f32 $1.000000000e+00, v42;
	v25 =	vmul.f32 $6.666667010e-02, v27;
	[tilespmem:v26+s12+$0x0] =	vst.idx.add.f32.msk $0xffff, v28  }
0x2ac: {  	v27 =	vmul.f32 $6.666667010e-02, v33;
	vm0 =	vle.f32 v10, v24;
	v26 =	vmul.f32 $6.666667010e-02, v29;
	v22 =	vld [tilespmem:s16+$0xFFFFFFF0]  }
0x2ad: {  	v33 =	vmul.f32 $6.666667010e-02, v42;
	vm1 =	vle.f32 v9, v25;
	v28 =	vmul.f32 $6.666667010e-02, v41;
	v24 =	vld [tilespmem:s17+$0xFFFFFFF0]  }
0x2ae: {  	v32 =	vmul.f32 $6.666667010e-02, v32;
	v41 =	vmul.f32 $6.666667010e-02, v43;
	vm2 =	vle.f32 v8, v26;
	v25 =	vld [tilespmem:s16+$0x0]  }
0x2af: {  	v42 =	vmul.f32 $6.666667010e-02, v44;
	vm3 =	vle.f32 v6, v27;
	v43 =	vmul.f32 $6.666667010e-02, v45;
	v26 =	vld [tilespmem:s17+$0x0]  }
0x2b0: {  	v44 =	vmul.f32 $6.666667010e-02, v46;
	v45 =	vmul.f32 $6.666667010e-02, v47;
	vm4 =	vle.f32 v20, v28;
	v27 =	vld [tilespmem:s16+$0x10]  }
0x2b1: {  	v46 =	vmul.f32 $6.666667010e-02, v49;
	vm5 =	vle.f32 v19, v33;
	v28 =	vmul.f32 $6.666667010e-02, v48;
	v29 =	vld [tilespmem:s17+$0x10]  }
0x2b2: {  	vm6 =	vgt.f32 v10, v32;
	vm7 =	vgt.f32 v9, v42;
	vm8 =	vle.f32 v17, v41;
	v32 =	vld [tilespmem:s16+$0x20]  }
0x2b3: {  	vm10 =	vgt.f32 v6, v44;
	vm9 =	vgt.f32 v8, v43;
	vm11 =	vgt.f32 v20, v45;
	v33 =	vld [tilespmem:s17+$0x20]  }
0x2b4: {  	vm12 =	vgt.f32 v17, v46;
	v41 =	vsel vm0, $0xFFFFFFFF, v0;
	vm0 =	vgt.f32 v19, v28;
	[tilespmem:v23+s12+$0x0] =	vst.idx.add.f32.msk $0xffff, v7  }
0x2b5: {  	v42 =	vsel vm3, $0xFFFFFFFF, v0;
	v28 =	vsel vm2, $0xFFFFFFFF, v0;
	v23 =	vsel vm1, $0xFFFFFFFF, v0;
	v7 =	vmovc v20;
	[tilespmem:v21+s11+$0x0] =	vst.idx.add.s32.msk $0xffff, v30  }
0x2b6: {  	v43 =	vsel vm8, $0xFFFFFFFF, v0;
	v20 =	vsel vm4, $0xFFFFFFFF, v0;
	v30 =	vsel vm5, $0xFFFFFFFF, v0;
	[tilespmem:v21+s12+$0x0] =	vst.idx.add.f32.msk $0xffff, v4;
	v4 =	vmovc v19  }
0x2b7: {  	v44 =	vsel vm9, $0x2, v2;
	v19 =	vsel vm6, $0x2, v2;
	v21 =	vsel vm7, $0x2, v2;
	[tilespmem:v18+s11+$0x0] =	vst.idx.add.s32.msk $0xffff, v31  }
0x2b8: {  	v45 =	vsel vm11, $0x2, v2;
	v46 =	vsel vm0, $0x2, v2;
	v31 =	vsel vm10, $0x2, v2;
	[tilespmem:v18+s12+$0x0] =	vst.idx.add.f32.msk $0xffff, v5;
	v5 =	vmovc v17  }
0x2b9: {  	v17 =	vadd.s32 v35, v41;
	v18 =	vadd.s32 v36, v23;
	v35 =	vsel vm12, $0x2, v2  }
.Ltmp4:
0x2ba: {  	v20 =	vadd.s32 v38, v20;
	v23 =	vadd.s32 v37, v28;
	v28 =	vadd.s32 v34, v42;
	(pc) =	sbr.rel @p0 .LBB2_10-.Ltmp4, $4  }
0x2bb: {  	v19 =	vadd.s32 v19, v17;
	v17 =	vadd.s32 v39, v30;
	v30 =	vadd.s32 v40, v43  }
0x2bc: {  	v21 =	vadd.s32 v21, v18;
	v34 =	vadd.s32 v44, v23;
	v23 =	vadd.s32 v31, v28  }
0x2bd: {  	v20 =	vadd.s32 v45, v20;
	v18 =	vadd.s32 v46, v17;
	v17 =	vadd.s32 v35, v30  }
0x2be: {  	s19 =	sadd.s32 $0x80, s19;
	v30 =	vshll.u32 v19, $0x4;
	v21 =	vshll.u32 v21, $0x4;
	v19 =	vshll.u32 v34, $0x4  }
0x2bf: {  	v28 =	vor.u32 v3, v30  }
0x2c0: {  	v21 =	vor.u32 v3, v21;
	_ =	sdelay $0x1  }
0x2c1: {  	vm0 =	veq.s32 v11, v12  }
0x2c2: {  	v11 =	vor.u32 v3, v19;
	vm6 =	veq.s32 v13, v15;
	v12 =	vsel vm0, $0x10001, v2  }
0x2c3: {  	v19 =	vshll.u32 v23, $0x4;
	v13 =	vsel vm6, $0x10001, v2;
	[tilespmem:v28+s11+$0x0] =	vst.idx.add.s32.msk $0xffff, v12  }
0x2c4: {  	v12 =	vor.u32 v3, v19;
	[tilespmem:v21+s11+$0x0] =	vst.idx.add.s32.msk $0xffff, v13  }
0x2c5: {  	vm7 =	veq.s32 v14, v16;
	[tilespmem:v28+s12+$0x0] =	vst.idx.add.f32.msk $0xffff, v10;
	v10 =	vshll.u32 v20, $0x4  }
0x2c6: {  	v13 =	vsel vm7, $0x10001, v2;
	[tilespmem:v21+s12+$0x0] =	vst.idx.add.f32.msk $0xffff, v9;
	v9 =	vshll.u32 v18, $0x4;
	v10 =	vor.u32 v3, v10  }
0x2c7: {  	vm8 =	veq.s32 v22, v24;
	[tilespmem:v11+s11+$0x0] =	vst.idx.add.s32.msk $0xffff, v13;
	v9 =	vor.u32 v3, v9  }
0x2c8: {  	v13 =	vsel vm8, $0x10001, v2;
	[tilespmem:v11+s12+$0x0] =	vst.idx.add.f32.msk $0xffff, v8  }
0x2c9: {  	vm9 =	veq.s32 v25, v26;
	v8 =	vshll.u32 v17, $0x4;
	[tilespmem:v12+s11+$0x0] =	vst.idx.add.s32.msk $0xffff, v13  }
0x2ca: {  	vm10 =	veq.s32 v27, v29;
	v11 =	vsel vm9, $0x10001, v2;
	v8 =	vor.u32 v3, v8;
	[tilespmem:v12+s12+$0x0] =	vst.idx.add.f32.msk $0xffff, v6  }
0x2cb: {  	v6 =	vsel vm10, $0x10001, v2;
	[tilespmem:v10+s11+$0x0] =	vst.idx.add.s32.msk $0xffff, v11  }
0x2cc: {  	[tilespmem:v9+s11+$0x0] =	vst.idx.add.s32.msk $0xffff, v6  }
0x2cd: {  	vm11 =	veq.s32 v32, v33;
	[tilespmem:v10+s12+$0x0] =	vst.idx.add.f32.msk $0xffff, v7  }
0x2ce: {  	v6 =	vsel vm11, $0x10001, v2;
	[tilespmem:v9+s12+$0x0] =	vst.idx.add.f32.msk $0xffff, v4  }
0x2cf: {  	[tilespmem:v8+s11+$0x0] =	vst.idx.add.s32.msk $0xffff, v6  }
0x2d0: {  	[tilespmem:v8+s12+$0x0] =	vst.idx.add.f32.msk $0xffff, v5  }
0x2d1: {  	s16 =	rddreg [dreg:$0x14]  }
0x2d2: {  	[tilespmem:s1], [sflag:$0x1] =	stream.linear.gather [hbm4b:s16+s1], $0x30D8, $0x38;
	[tilespmem:$0x12900] =	vst v63  }
0x2d3: {  	s17 =	rddreg [dreg:$0x15]  }
0x2d4: {  	[tilespmem:s5], [sflag:$0x1] =	stream.linear.gather [hbm4b:s17+s1], $0x30D8, $0x38;
	[tilespmem:$0x12900] =	vst v63  }
0x2d5: {  	s18 =	rddreg [dreg:$0x16]  }
0x2d6: {  	[tilespmem:s6], [sflag:$0x1] =	stream.linear.gather [hbm4b:s18+s1], $0x30D8, $0x38;
	[tilespmem:$0x12900] =	vst v63  }
0x2d7: {  	_ =	swait.ge [sflag:s13], $0x30D8  }
0x2d8: {  	[sflag:s13] =	ssyncset.done $0x0  }
0x2d9: {  	[sflag:s13] =	ssyncadd.s32 $0xFFFFCF28  }
0x2da: {  	_ =	swait.ge [sflag:s13], $0x30D8  }
0x2db: {  	[sflag:s13] =	ssyncset.done $0x0  }
0x2dc: {  	[sflag:s13] =	ssyncadd.s32 $0xFFFFCF28  }
0x2dd: {  	_ =	swait.ge [sflag:s13], $0x30D8  }
0x2de: {  	[sflag:s13] =	ssyncset.done $0x0  }
0x2df: {  	s19 =	simm.s32 $0xF540;
	[sflag:s13] =	ssyncadd.s32 $0xFFFFCF28  }
0x2e0: {  	v17 =	vld [tilespmem:s19+$0x30]  }
0x2e1: {  	v9 =	vld [tilespmem:s19+$0xFFFFFFD0]  }
0x2e2: {  	v8 =	vld [tilespmem:s19+$0xFFFFFFE0]  }
0x2e3: {  	v6 =	vld [tilespmem:s19+$0xFFFFFFF0]  }
0x2e4: {  	v7 =	vld [tilespmem:s19+$0x0]  }
0x2e5: {  	v4 =	vld [tilespmem:s19+$0x10]  }
0x2e6: {  	v5 =	vld [tilespmem:s19+$0x20]  }
0x2e7: {  	v10 =	vld [tilespmem:s19+$0xFFFFFFC0]  }
0x2e8: {  	v11 =	vmul.f32 $1.500000000e+01, v17  }
0x2e9: {  	v12 =	vmul.f32 $1.500000000e+01, v9;
	v13 =	vmul.f32 $1.500000000e+01, v8  }
0x2ea: {  	v14 =	vmul.f32 $1.500000000e+01, v6;
	v15 =	vmul.f32 $1.500000000e+01, v7  }
0x2eb: {  	v16 =	vmul.f32 $1.500000000e+01, v4;
	v19 =	vmul.f32 $1.500000000e+01, v5  }
0x2ec: {  	v20 =	vmul.f32 $1.500000000e+01, v10;
	v11 =	vtrunc.f32 v11  }
0x2ed: {  	v12 =	vtrunc.f32 v12;
	v13 =	vtrunc.f32 v13  }
0x2ee: {  	v14 =	vtrunc.f32 v14;
	v11 =	vcvt.f32.s32 v11  }
0x2ef: {  	v16 =	vtrunc.f32 v16;
	v27 =	vcvt.f32.s32 v14  }
0x2f0: {  	v28 =	vcvt.f32.s32 v16;
	v18 =	vcvt.s32.f32 v11  }
0x2f1: {  	v15 =	vtrunc.f32 v15;
	v20 =	vtrunc.f32 v20  }
0x2f2: {  	v24 =	vcvt.s32.f32 v27;
	v26 =	vcvt.s32.f32 v28;
	v21 =	vadd.f32 $1.000000000e+00, v18  }
0x2f3: {  	v23 =	vcvt.f32.s32 v13;
	v18 =	vmul.f32 $6.666667010e-02, v18  }
0x2f4: {  	v31 =	vadd.f32 $1.000000000e+00, v24;
	v59 =	vadd.f32 $1.000000000e+00, v26;
	v21 =	vmul.f32 $6.666667010e-02, v21  }
0x2f5: {  	vm12 =	vle.f32 v17, v18;
	v18 =	vtrunc.f32 v19;
	v19 =	vcvt.f32.s32 v20  }
0x2f6: {  	v31 =	vmul.f32 $6.666667010e-02, v31;
	v20 =	vsel vm12, $0xFFFFFFFF, v0;
	v18 =	vcvt.f32.s32 v18  }
0x2f7: {  	s17 =	simm.s32 $0x9340;
	vm13 =	vgt.f32 v17, v21;
	v21 =	vcvt.f32.s32 v12;
	v11 =	vadd.s32 v11, v20  }
0x2f8: {  	s16 =	simm.s32 $0x3140;
	v13 =	vld [tilespmem:s17+$0x30];
	v14 =	vcvt.s32.f32 v19;
	vm10 =	vgt.f32 v6, v31;
	v20 =	vsel vm13, $0x2, v2  }
0x2f9: {  	v12 =	vld [tilespmem:s16+$0x30];
	v29 =	vcvt.s32.f32 v18;
	v37 =	vsel vm10, $0x2, v2;
	v11 =	vadd.s32 v20, v11  }
0x2fa: {  	v20 =	vcvt.f32.s32 v15;
	v15 =	vcvt.s32.f32 v23;
	v16 =	vadd.f32 $1.000000000e+00, v14  }
0x2fb: {  	v14 =	vmul.f32 $6.666667010e-02, v14;
	v11 =	vshll.u32 v11, $0x4;
	v34 =	vadd.f32 $1.000000000e+00, v29  }
0x2fc: {  	v22 =	vor.u32 v3, v11;
	v11 =	vcvt.s32.f32 v21;
	v25 =	vcvt.s32.f32 v20  }
0x2fd: {  	vm15 =	vle.f32 v10, v14;
	v14 =	vmul.f32 $6.666667010e-02, v15;
	v16 =	vmul.f32 $6.666667010e-02, v16  }
0x2fe: {  	vm14 =	veq.s32 v12, v13;
	v13 =	vadd.f32 $1.000000000e+00, v15;
	v15 =	vmul.f32 $6.666667010e-02, v24  }
0x2ff: {  	v12 =	vadd.f32 $1.000000000e+00, v11;
	v30 =	vsel vm14, $0x10001, v2;
	v11 =	vmul.f32 $6.666667010e-02, v11  }
0x300: {  	v33 =	vld [tilespmem:s17+$0x20];
	v58 =	vadd.f32 $1.000000000e+00, v25;
	v24 =	vmul.f32 $6.666667010e-02, v25;
	v25 =	vmul.f32 $6.666667010e-02, v26  }
0x301: {  	vm2 =	vle.f32 v8, v14;
	v14 =	vmul.f32 $6.666667010e-02, v29;
	vm6 =	vgt.f32 v10, v16;
	v16 =	vld [tilespmem:s17+$0xFFFFFFE0]  }
0x302: {  	v29 =	vmul.f32 $6.666667010e-02, v13;
	vm3 =	vle.f32 v6, v15;
	v13 =	vld [tilespmem:s16+$0xFFFFFFD0];
	v62 =	vsel vm6, $0x2, v2  }
0x303: {  	v15 =	vld [tilespmem:s17+$0xFFFFFFD0];
	vm1 =	vle.f32 v9, v11;
	v26 =	vmul.f32 $6.666667010e-02, v12;
	v32 =	vmul.f32 $6.666667010e-02, v58  }
0x304: {  	v11 =	vld [tilespmem:s16+$0xFFFFFFC0];
	vm4 =	vle.f32 v7, v24;
	v24 =	vmul.f32 $6.666667010e-02, v59;
	vm5 =	vle.f32 v4, v25  }
0x305: {  	v12 =	vld [tilespmem:s17+$0xFFFFFFC0];
	v25 =	vmul.f32 $6.666667010e-02, v34;
	vm8 =	vle.f32 v5, v14;
	v31 =	vsel vm3, $0xFFFFFFFF, v0  }
0x306: {  	vm9 =	vgt.f32 v8, v29;
	[tilespmem:v22+s11+$0x0] =	vst.idx.add.s32.msk $0xffff, v30;
	v29 =	vsel vm1, $0xFFFFFFFF, v0;
	v30 =	vsel vm2, $0xFFFFFFFF, v0  }
0x307: {  	v14 =	vld [tilespmem:s16+$0xFFFFFFE0];
	v60 =	vsel vm5, $0xFFFFFFFF, v0;
	v61 =	vsel vm8, $0xFFFFFFFF, v0;
	vm7 =	vgt.f32 v9, v26  }
0x308: {  	vm11 =	vgt.f32 v7, v32;
	v26 =	vsel vm15, $0xFFFFFFFF, v0;
	vm0 =	vgt.f32 v4, v24;
	[tilespmem:v22+s12+$0x0] =	vst.idx.add.f32.msk $0xffff, v17  }
0x309: {  	vm12 =	vgt.f32 v5, v25;
	v17 =	vsel vm4, $0xFFFFFFFF, v0;
	v22 =	vld [tilespmem:s16+$0xFFFFFFF0];
	v36 =	vsel vm9, $0x2, v2  }
0x30a: {  	v24 =	vld [tilespmem:s17+$0xFFFFFFF0];
	v21 =	vadd.s32 v21, v29;
	v23 =	vadd.s32 v23, v30;
	v30 =	vadd.s32 v27, v31  }
0x30b: {  	v25 =	vld [tilespmem:s16+$0x0];
	v28 =	vadd.s32 v28, v60;
	v31 =	vadd.s32 v18, v61;
	v35 =	vsel vm7, $0x2, v2  }
0x30c: {  	v27 =	vld [tilespmem:s16+$0x10];
	v38 =	vsel vm11, $0x2, v2;
	v39 =	vsel vm0, $0x2, v2;
	v19 =	vadd.s32 v19, v26  }
0x30d: {  	v29 =	vld [tilespmem:s17+$0x10];
	v40 =	vsel vm12, $0x2, v2;
	v17 =	vadd.s32 v20, v17;
	v63 =	vadd.s32 v36, v23  }
0x30e: {  	v26 =	vld [tilespmem:s17+$0x0];
	v23 =	vadd.s32 v37, v30;
	v19 =	vadd.s32 v62, v19;
	v21 =	vadd.s32 v35, v21  }
0x30f: {  	v32 =	vld [tilespmem:s16+$0x20];
	v20 =	vadd.s32 v38, v17;
	v18 =	vadd.s32 v39, v28;
	v17 =	vadd.s32 v40, v31  }
0x310: {  	s18 =	simm.s32 $0x0;
	s19 =	simm.s32 $0xF5C0;
	v30 =	vshll.u32 v19, $0x4;
	v21 =	vshll.u32 v21, $0x4;
	v19 =	vshll.u32 v63, $0x4  }
.LBB2_12:
0x311: {  	v28 =	vld [tilespmem:s19+$0x30];
	v23 =	vshll.u32 v23, $0x4;
	v31 =	vshll.u32 v20, $0x4;
	v18 =	vshll.u32 v18, $0x4  }
0x312: {  	s18 =	sadd.s32 $0x8, s18;
	vm4 =	veq.s32 v11, v12;
	vm5 =	veq.s32 v13, v15;
	v11 =	vshll.u32 v17, $0x4;
	v34 =	vld [tilespmem:s19+$0xFFFFFFD0]  }
0x313: {  	vm6 =	veq.s32 v14, v16;
	vm3 =	veq.s32 v22, v24;
	vm2 =	veq.s32 v25, v26;
	p0 =	slt.u32 s18, $0x308;
	v12 =	vld [tilespmem:s19+$0xFFFFFFE0]  }
0x314: {  	v14 =	vor.u32 v3, v30;
	vm1 =	veq.s32 v27, v29;
	vm0 =	veq.s32 v32, v33;
	v13 =	vld [tilespmem:s19+$0xFFFFFFF0]  }
0x315: {  	v15 =	vor.u32 v3, v21;
	v16 =	vor.u32 v3, v19;
	v22 =	vor.u32 v3, v23;
	v20 =	vld [tilespmem:s19+$0x0]  }
0x316: {  	v23 =	vor.u32 v3, v31;
	v21 =	vor.u32 v3, v18;
	v19 =	vld [tilespmem:s19+$0x10];
	v24 =	vmul.f32 $1.500000000e+01, v28  }
0x317: {  	v26 =	vsel vm4, $0x10001, v2;
	v18 =	vor.u32 v3, v11;
	v25 =	vmul.f32 $1.500000000e+01, v34;
	v17 =	vld [tilespmem:s19+$0x20]  }
0x318: {  	v29 =	vsel vm5, $0x10001, v2;
	v11 =	vld [tilespmem:s19+$0xFFFFFFC0];
	v27 =	vmul.f32 $1.500000000e+01, v12;
	v24 =	vtrunc.f32 v24  }
0x319: {  	v31 =	vmul.f32 $1.500000000e+01, v13;
	v24 =	vcvt.f32.s32 v24;
	[tilespmem:v14+s11+$0x0] =	vst.idx.add.s32.msk $0xffff, v26;
	v26 =	vsel vm6, $0x10001, v2  }
0x31a: {  	v25 =	vtrunc.f32 v25;
	v32 =	vmul.f32 $1.500000000e+01, v20;
	[tilespmem:v14+s12+$0x0] =	vst.idx.add.f32.msk $0xffff, v10;
	v14 =	vsel vm3, $0x10001, v2  }
0x31b: {  	v33 =	vmul.f32 $1.500000000e+01, v19;
	v35 =	vcvt.s32.f32 v24;
	[tilespmem:v15+s11+$0x0] =	vst.idx.add.s32.msk $0xffff, v29;
	v29 =	vsel vm2, $0x10001, v2  }
0x31c: {  	v30 =	vsel vm1, $0x10001, v2;
	v27 =	vtrunc.f32 v27;
	v36 =	vmul.f32 $1.500000000e+01, v17;
	[tilespmem:v15+s12+$0x0] =	vst.idx.add.f32.msk $0xffff, v9;
	v9 =	vmovc v34  }
0x31d: {  	v34 =	vtrunc.f32 v31;
	v15 =	vmul.f32 $1.500000000e+01, v11;
	v37 =	vadd.f32 $1.000000000e+00, v35;
	[tilespmem:v16+s11+$0x0] =	vst.idx.add.s32.msk $0xffff, v26;
	v10 =	vmovc v11  }
0x31e: {  	v31 =	vsel vm0, $0x10001, v2;
	v26 =	vtrunc.f32 v32;
	v11 =	vmul.f32 $6.666667010e-02, v35;
	[tilespmem:v16+s12+$0x0] =	vst.idx.add.f32.msk $0xffff, v8;
	v8 =	vmovc v12  }
0x31f: {  	v12 =	vtrunc.f32 v15;
	v15 =	vmul.f32 $6.666667010e-02, v37;
	[tilespmem:v22+s11+$0x0] =	vst.idx.add.s32.msk $0xffff, v14  }
0x320: {  	v16 =	vtrunc.f32 v36;
	v14 =	vtrunc.f32 v33;
	vm0 =	vle.f32 v28, v11;
	[tilespmem:v22+s12+$0x0] =	vst.idx.add.f32.msk $0xffff, v6;
	v6 =	vmovc v13  }
0x321: {  	s16 =	sadd.s32 $0x80, s16;
	v35 =	vcvt.f32.s32 v12;
	v11 =	vsel vm0, $0xFFFFFFFF, v0;
	vm0 =	vgt.f32 v28, v15;
	[tilespmem:v23+s11+$0x0] =	vst.idx.add.s32.msk $0xffff, v29  }
0x322: {  	s17 =	sadd.s32 $0x80, s17;
	v36 =	vcvt.f32.s32 v25;
	v11 =	vadd.s32 v24, v11;
	v22 =	vld [tilespmem:s16+$0x30];
	v12 =	vsel vm0, $0x2, v2  }
0x323: {  	v34 =	vcvt.f32.s32 v34;
	v37 =	vcvt.f32.s32 v27;
	v24 =	vld [tilespmem:s17+$0x30];
	v12 =	vadd.s32 v12, v11  }
0x324: {  	v38 =	vcvt.f32.s32 v26;
	v39 =	vcvt.f32.s32 v14;
	v11 =	vld [tilespmem:s16+$0xFFFFFFC0];
	v13 =	vshll.u32 v12, $0x4  }
0x325: {  	v40 =	vcvt.f32.s32 v16;
	v25 =	vcvt.s32.f32 v35;
	v12 =	vld [tilespmem:s17+$0xFFFFFFC0];
	v26 =	vor.u32 v3, v13  }
0x326: {  	v27 =	vcvt.s32.f32 v36;
	v29 =	vcvt.s32.f32 v37;
	v13 =	vld [tilespmem:s16+$0xFFFFFFD0]  }
0x327: {  	v33 =	vcvt.s32.f32 v34;
	v41 =	vcvt.s32.f32 v38;
	v32 =	vadd.f32 $1.000000000e+00, v25;
	v15 =	vld [tilespmem:s17+$0xFFFFFFD0]  }
0x328: {  	v43 =	vcvt.s32.f32 v40;
	v42 =	vcvt.s32.f32 v39;
	v14 =	vld [tilespmem:s16+$0xFFFFFFE0];
	vm0 =	veq.s32 v22, v24  }
0x329: {  	v44 =	vadd.f32 $1.000000000e+00, v27;
	v45 =	vadd.f32 $1.000000000e+00, v29;
	v16 =	vld [tilespmem:s17+$0xFFFFFFE0];
	v22 =	vsel vm0, $0x10001, v2  }
0x32a: {  	v46 =	vadd.f32 $1.000000000e+00, v33;
	v47 =	vadd.f32 $1.000000000e+00, v41;
	v24 =	vmul.f32 $6.666667010e-02, v25;
	[tilespmem:v26+s11+$0x0] =	vst.idx.add.s32.msk $0xffff, v22  }
0x32b: {  	v49 =	vadd.f32 $1.000000000e+00, v43;
	v48 =	vadd.f32 $1.000000000e+00, v42;
	v25 =	vmul.f32 $6.666667010e-02, v27;
	[tilespmem:v26+s12+$0x0] =	vst.idx.add.f32.msk $0xffff, v28  }
0x32c: {  	v27 =	vmul.f32 $6.666667010e-02, v33;
	vm0 =	vle.f32 v10, v24;
	v26 =	vmul.f32 $6.666667010e-02, v29;
	v22 =	vld [tilespmem:s16+$0xFFFFFFF0]  }
0x32d: {  	v33 =	vmul.f32 $6.666667010e-02, v42;
	vm1 =	vle.f32 v9, v25;
	v28 =	vmul.f32 $6.666667010e-02, v41;
	v24 =	vld [tilespmem:s17+$0xFFFFFFF0]  }
0x32e: {  	v32 =	vmul.f32 $6.666667010e-02, v32;
	v41 =	vmul.f32 $6.666667010e-02, v43;
	vm2 =	vle.f32 v8, v26;
	v25 =	vld [tilespmem:s16+$0x0]  }
0x32f: {  	v42 =	vmul.f32 $6.666667010e-02, v44;
	vm3 =	vle.f32 v6, v27;
	v43 =	vmul.f32 $6.666667010e-02, v45;
	v26 =	vld [tilespmem:s17+$0x0]  }
0x330: {  	v44 =	vmul.f32 $6.666667010e-02, v46;
	v45 =	vmul.f32 $6.666667010e-02, v47;
	vm4 =	vle.f32 v20, v28;
	v27 =	vld [tilespmem:s16+$0x10]  }
0x331: {  	v46 =	vmul.f32 $6.666667010e-02, v49;
	vm5 =	vle.f32 v19, v33;
	v28 =	vmul.f32 $6.666667010e-02, v48;
	v29 =	vld [tilespmem:s17+$0x10]  }
0x332: {  	vm6 =	vgt.f32 v10, v32;
	vm7 =	vgt.f32 v9, v42;
	vm8 =	vle.f32 v17, v41;
	v32 =	vld [tilespmem:s16+$0x20]  }
0x333: {  	vm10 =	vgt.f32 v6, v44;
	vm9 =	vgt.f32 v8, v43;
	vm11 =	vgt.f32 v20, v45;
	v33 =	vld [tilespmem:s17+$0x20]  }
0x334: {  	vm12 =	vgt.f32 v17, v46;
	v41 =	vsel vm0, $0xFFFFFFFF, v0;
	vm0 =	vgt.f32 v19, v28;
	[tilespmem:v23+s12+$0x0] =	vst.idx.add.f32.msk $0xffff, v7  }
0x335: {  	v42 =	vsel vm3, $0xFFFFFFFF, v0;
	v28 =	vsel vm2, $0xFFFFFFFF, v0;
	v23 =	vsel vm1, $0xFFFFFFFF, v0;
	v7 =	vmovc v20;
	[tilespmem:v21+s11+$0x0] =	vst.idx.add.s32.msk $0xffff, v30  }
0x336: {  	v43 =	vsel vm8, $0xFFFFFFFF, v0;
	v20 =	vsel vm4, $0xFFFFFFFF, v0;
	v30 =	vsel vm5, $0xFFFFFFFF, v0;
	[tilespmem:v21+s12+$0x0] =	vst.idx.add.f32.msk $0xffff, v4;
	v4 =	vmovc v19  }
0x337: {  	v44 =	vsel vm9, $0x2, v2;
	v19 =	vsel vm6, $0x2, v2;
	v21 =	vsel vm7, $0x2, v2;
	[tilespmem:v18+s11+$0x0] =	vst.idx.add.s32.msk $0xffff, v31  }
0x338: {  	v45 =	vsel vm11, $0x2, v2;
	v46 =	vsel vm0, $0x2, v2;
	v31 =	vsel vm10, $0x2, v2;
	[tilespmem:v18+s12+$0x0] =	vst.idx.add.f32.msk $0xffff, v5;
	v5 =	vmovc v17  }
0x339: {  	v17 =	vadd.s32 v35, v41;
	v18 =	vadd.s32 v36, v23;
	v35 =	vsel vm12, $0x2, v2  }
.Ltmp5:
0x33a: {  	v20 =	vadd.s32 v38, v20;
	v23 =	vadd.s32 v37, v28;
	v28 =	vadd.s32 v34, v42;
	(pc) =	sbr.rel @p0 .LBB2_12-.Ltmp5, $4  }
0x33b: {  	v19 =	vadd.s32 v19, v17;
	v17 =	vadd.s32 v39, v30;
	v30 =	vadd.s32 v40, v43  }
0x33c: {  	v21 =	vadd.s32 v21, v18;
	v34 =	vadd.s32 v44, v23;
	v23 =	vadd.s32 v31, v28  }
0x33d: {  	v20 =	vadd.s32 v45, v20;
	v18 =	vadd.s32 v46, v17;
	v17 =	vadd.s32 v35, v30  }
0x33e: {  	s19 =	sadd.s32 $0x80, s19;
	v30 =	vshll.u32 v19, $0x4;
	v21 =	vshll.u32 v21, $0x4;
	v19 =	vshll.u32 v34, $0x4  }
0x33f: {  	v28 =	vor.u32 v3, v30  }
0x340: {  	v21 =	vor.u32 v3, v21;
	_ =	sdelay $0x1  }
0x341: {  	vm0 =	veq.s32 v11, v12  }
0x342: {  	v11 =	vor.u32 v3, v19;
	vm6 =	veq.s32 v13, v15;
	v12 =	vsel vm0, $0x10001, v2  }
0x343: {  	v19 =	vshll.u32 v23, $0x4;
	v13 =	vsel vm6, $0x10001, v2;
	[tilespmem:v28+s11+$0x0] =	vst.idx.add.s32.msk $0xffff, v12  }
0x344: {  	v12 =	vor.u32 v3, v19;
	[tilespmem:v21+s11+$0x0] =	vst.idx.add.s32.msk $0xffff, v13  }
0x345: {  	vm7 =	veq.s32 v14, v16;
	[tilespmem:v28+s12+$0x0] =	vst.idx.add.f32.msk $0xffff, v10;
	v10 =	vshll.u32 v20, $0x4  }
0x346: {  	v13 =	vsel vm7, $0x10001, v2;
	[tilespmem:v21+s12+$0x0] =	vst.idx.add.f32.msk $0xffff, v9;
	v9 =	vshll.u32 v18, $0x4;
	v10 =	vor.u32 v3, v10  }
0x347: {  	vm8 =	veq.s32 v22, v24;
	[tilespmem:v11+s11+$0x0] =	vst.idx.add.s32.msk $0xffff, v13;
	v9 =	vor.u32 v3, v9  }
0x348: {  	v13 =	vsel vm8, $0x10001, v2;
	[tilespmem:v11+s12+$0x0] =	vst.idx.add.f32.msk $0xffff, v8  }
0x349: {  	vm9 =	veq.s32 v25, v26;
	v8 =	vshll.u32 v17, $0x4;
	[tilespmem:v12+s11+$0x0] =	vst.idx.add.s32.msk $0xffff, v13  }
0x34a: {  	vm10 =	veq.s32 v27, v29;
	v11 =	vsel vm9, $0x10001, v2;
	v8 =	vor.u32 v3, v8;
	[tilespmem:v12+s12+$0x0] =	vst.idx.add.f32.msk $0xffff, v6  }
0x34b: {  	v6 =	vsel vm10, $0x10001, v2;
	[tilespmem:v10+s11+$0x0] =	vst.idx.add.s32.msk $0xffff, v11  }
0x34c: {  	[tilespmem:v9+s11+$0x0] =	vst.idx.add.s32.msk $0xffff, v6  }
0x34d: {  	vm11 =	veq.s32 v32, v33;
	[tilespmem:v10+s12+$0x0] =	vst.idx.add.f32.msk $0xffff, v7  }
0x34e: {  	v6 =	vsel vm11, $0x10001, v2;
	[tilespmem:v9+s12+$0x0] =	vst.idx.add.f32.msk $0xffff, v4  }
0x34f: {  	[tilespmem:v8+s11+$0x0] =	vst.idx.add.s32.msk $0xffff, v6  }
0x350: {  	[tilespmem:v8+s12+$0x0] =	vst.idx.add.f32.msk $0xffff, v5  }
0x351: {  	[tilespmem:s7], [sflag:$0x2] =	stream.linear.gather [hbm4b:s23+s1], $0x30D8, $0x38;
	[tilespmem:$0x12900] =	vst v63  }
0x352: {  	_ = 	snop  }
0x353: {  	[tilespmem:s8], [sflag:$0x2] =	stream.linear.gather [hbm4b:s24+s1], $0x30D8, $0x38;
	[tilespmem:$0x12900] =	vst v63  }
0x354: {  	_ = 	snop  }
0x355: {  	[tilespmem:s9], [sflag:$0x2] =	stream.linear.gather [hbm4b:s25+s1], $0x30D8, $0x38;
	[tilespmem:$0x12900] =	vst v63  }
0x356: {  	_ =	swait.ge [sflag:s10], $0x30D8  }
0x357: {  	[sflag:s10] =	ssyncset.done $0x0  }
0x358: {  	[sflag:s10] =	ssyncadd.s32 $0xFFFFCF28  }
0x359: {  	_ =	swait.ge [sflag:s10], $0x30D8  }
0x35a: {  	[sflag:s10] =	ssyncset.done $0x0  }
0x35b: {  	[sflag:s10] =	ssyncadd.s32 $0xFFFFCF28  }
0x35c: {  	_ =	swait.ge [sflag:s10], $0x30D8  }
0x35d: {  	[sflag:s10] =	ssyncset.done $0x0  }
0x35e: {  	s16 =	simm.s32 $0xC440;
	[sflag:s10] =	ssyncadd.s32 $0xFFFFCF28  }
0x35f: {  	v17 =	vld [tilespmem:s16+$0x30]  }
0x360: {  	v9 =	vld [tilespmem:s16+$0xFFFFFFD0]  }
0x361: {  	v8 =	vld [tilespmem:s16+$0xFFFFFFE0]  }
0x362: {  	v6 =	vld [tilespmem:s16+$0xFFFFFFF0]  }
0x363: {  	v7 =	vld [tilespmem:s16+$0x0]  }
0x364: {  	v4 =	vld [tilespmem:s16+$0x10]  }
0x365: {  	v5 =	vld [tilespmem:s16+$0x20]  }
0x366: {  	v10 =	vld [tilespmem:s16+$0xFFFFFFC0]  }
0x367: {  	v11 =	vmul.f32 $1.500000000e+01, v17  }
0x368: {  	v12 =	vmul.f32 $1.500000000e+01, v9;
	v13 =	vmul.f32 $1.500000000e+01, v8  }
0x369: {  	v14 =	vmul.f32 $1.500000000e+01, v6;
	v15 =	vmul.f32 $1.500000000e+01, v7  }
0x36a: {  	v16 =	vmul.f32 $1.500000000e+01, v4;
	v19 =	vmul.f32 $1.500000000e+01, v5  }
0x36b: {  	v20 =	vmul.f32 $1.500000000e+01, v10;
	v11 =	vtrunc.f32 v11  }
0x36c: {  	v12 =	vtrunc.f32 v12;
	v13 =	vtrunc.f32 v13  }
0x36d: {  	v14 =	vtrunc.f32 v14;
	v11 =	vcvt.f32.s32 v11  }
0x36e: {  	v16 =	vtrunc.f32 v16;
	v27 =	vcvt.f32.s32 v14  }
0x36f: {  	v28 =	vcvt.f32.s32 v16;
	v18 =	vcvt.s32.f32 v11  }
0x370: {  	v15 =	vtrunc.f32 v15;
	v20 =	vtrunc.f32 v20  }
0x371: {  	v24 =	vcvt.s32.f32 v27;
	v26 =	vcvt.s32.f32 v28;
	v21 =	vadd.f32 $1.000000000e+00, v18  }
0x372: {  	v23 =	vcvt.f32.s32 v13;
	v18 =	vmul.f32 $6.666667010e-02, v18  }
0x373: {  	v31 =	vadd.f32 $1.000000000e+00, v24;
	v59 =	vadd.f32 $1.000000000e+00, v26;
	v21 =	vmul.f32 $6.666667010e-02, v21  }
0x374: {  	vm12 =	vle.f32 v17, v18;
	v18 =	vtrunc.f32 v19;
	v19 =	vcvt.f32.s32 v20  }
0x375: {  	v31 =	vmul.f32 $6.666667010e-02, v31;
	v20 =	vsel vm12, $0xFFFFFFFF, v0;
	v18 =	vcvt.f32.s32 v18  }
0x376: {  	s17 =	simm.s32 $0x6240;
	vm13 =	vgt.f32 v17, v21;
	v21 =	vcvt.f32.s32 v12;
	v11 =	vadd.s32 v11, v20  }
0x377: {  	s16 =	simm.s32 $0x40;
	v13 =	vld [tilespmem:s17+$0x30];
	v14 =	vcvt.s32.f32 v19;
	vm10 =	vgt.f32 v6, v31;
	v20 =	vsel vm13, $0x2, v2  }
0x378: {  	v12 =	vld [tilespmem:s16+$0x30];
	v29 =	vcvt.s32.f32 v18;
	v37 =	vsel vm10, $0x2, v2;
	v11 =	vadd.s32 v20, v11  }
0x379: {  	v20 =	vcvt.f32.s32 v15;
	v15 =	vcvt.s32.f32 v23;
	v16 =	vadd.f32 $1.000000000e+00, v14  }
0x37a: {  	v14 =	vmul.f32 $6.666667010e-02, v14;
	v11 =	vshll.u32 v11, $0x4;
	v34 =	vadd.f32 $1.000000000e+00, v29  }
0x37b: {  	v22 =	vor.u32 v3, v11;
	v11 =	vcvt.s32.f32 v21;
	v25 =	vcvt.s32.f32 v20  }
0x37c: {  	vm15 =	vle.f32 v10, v14;
	v14 =	vmul.f32 $6.666667010e-02, v15;
	v16 =	vmul.f32 $6.666667010e-02, v16  }
0x37d: {  	vm14 =	veq.s32 v12, v13;
	v13 =	vadd.f32 $1.000000000e+00, v15;
	v15 =	vmul.f32 $6.666667010e-02, v24  }
0x37e: {  	v12 =	vadd.f32 $1.000000000e+00, v11;
	v30 =	vsel vm14, $0x10001, v2;
	v11 =	vmul.f32 $6.666667010e-02, v11  }
0x37f: {  	v33 =	vld [tilespmem:s17+$0x20];
	v58 =	vadd.f32 $1.000000000e+00, v25;
	v24 =	vmul.f32 $6.666667010e-02, v25;
	v25 =	vmul.f32 $6.666667010e-02, v26  }
0x380: {  	vm2 =	vle.f32 v8, v14;
	v14 =	vmul.f32 $6.666667010e-02, v29;
	vm6 =	vgt.f32 v10, v16;
	v16 =	vld [tilespmem:s17+$0xFFFFFFE0]  }
0x381: {  	v29 =	vmul.f32 $6.666667010e-02, v13;
	vm3 =	vle.f32 v6, v15;
	v13 =	vld [tilespmem:s16+$0xFFFFFFD0];
	v62 =	vsel vm6, $0x2, v2  }
0x382: {  	v15 =	vld [tilespmem:s17+$0xFFFFFFD0];
	vm1 =	vle.f32 v9, v11;
	v26 =	vmul.f32 $6.666667010e-02, v12;
	v32 =	vmul.f32 $6.666667010e-02, v58  }
0x383: {  	v11 =	vld [tilespmem:s16+$0xFFFFFFC0];
	vm4 =	vle.f32 v7, v24;
	v24 =	vmul.f32 $6.666667010e-02, v59;
	vm5 =	vle.f32 v4, v25  }
0x384: {  	v12 =	vld [tilespmem:s17+$0xFFFFFFC0];
	v25 =	vmul.f32 $6.666667010e-02, v34;
	vm8 =	vle.f32 v5, v14;
	v31 =	vsel vm3, $0xFFFFFFFF, v0  }
0x385: {  	vm9 =	vgt.f32 v8, v29;
	[tilespmem:v22+s11+$0x0] =	vst.idx.add.s32.msk $0xffff, v30;
	v29 =	vsel vm1, $0xFFFFFFFF, v0;
	v30 =	vsel vm2, $0xFFFFFFFF, v0  }
0x386: {  	v14 =	vld [tilespmem:s16+$0xFFFFFFE0];
	v60 =	vsel vm5, $0xFFFFFFFF, v0;
	v61 =	vsel vm8, $0xFFFFFFFF, v0;
	vm7 =	vgt.f32 v9, v26  }
0x387: {  	vm11 =	vgt.f32 v7, v32;
	v26 =	vsel vm15, $0xFFFFFFFF, v0;
	vm0 =	vgt.f32 v4, v24;
	[tilespmem:v22+s12+$0x0] =	vst.idx.add.f32.msk $0xffff, v17  }
0x388: {  	vm12 =	vgt.f32 v5, v25;
	v17 =	vsel vm4, $0xFFFFFFFF, v0;
	v22 =	vld [tilespmem:s16+$0xFFFFFFF0];
	v36 =	vsel vm9, $0x2, v2  }
0x389: {  	v24 =	vld [tilespmem:s17+$0xFFFFFFF0];
	v21 =	vadd.s32 v21, v29;
	v23 =	vadd.s32 v23, v30;
	v30 =	vadd.s32 v27, v31  }
0x38a: {  	v25 =	vld [tilespmem:s16+$0x0];
	v28 =	vadd.s32 v28, v60;
	v31 =	vadd.s32 v18, v61;
	v35 =	vsel vm7, $0x2, v2  }
0x38b: {  	v27 =	vld [tilespmem:s16+$0x10];
	v38 =	vsel vm11, $0x2, v2;
	v39 =	vsel vm0, $0x2, v2;
	v19 =	vadd.s32 v19, v26  }
0x38c: {  	v29 =	vld [tilespmem:s17+$0x10];
	v40 =	vsel vm12, $0x2, v2;
	v17 =	vadd.s32 v20, v17;
	v63 =	vadd.s32 v36, v23  }
0x38d: {  	v26 =	vld [tilespmem:s17+$0x0];
	v23 =	vadd.s32 v37, v30;
	v19 =	vadd.s32 v62, v19;
	v21 =	vadd.s32 v35, v21  }
0x38e: {  	v32 =	vld [tilespmem:s16+$0x20];
	v20 =	vadd.s32 v38, v17;
	v18 =	vadd.s32 v39, v28;
	v17 =	vadd.s32 v40, v31  }
0x38f: {  	s18 =	simm.s32 $0x0;
	s19 =	simm.s32 $0xC4C0;
	v30 =	vshll.u32 v19, $0x4;
	v21 =	vshll.u32 v21, $0x4;
	v19 =	vshll.u32 v63, $0x4  }
.LBB2_14:
0x390: {  	v28 =	vld [tilespmem:s19+$0x30];
	v23 =	vshll.u32 v23, $0x4;
	v31 =	vshll.u32 v20, $0x4;
	v18 =	vshll.u32 v18, $0x4  }
0x391: {  	s18 =	sadd.s32 $0x8, s18;
	vm4 =	veq.s32 v11, v12;
	vm5 =	veq.s32 v13, v15;
	v11 =	vshll.u32 v17, $0x4;
	v34 =	vld [tilespmem:s19+$0xFFFFFFD0]  }
0x392: {  	vm6 =	veq.s32 v14, v16;
	vm3 =	veq.s32 v22, v24;
	vm2 =	veq.s32 v25, v26;
	p0 =	slt.u32 s18, $0x308;
	v12 =	vld [tilespmem:s19+$0xFFFFFFE0]  }
0x393: {  	v14 =	vor.u32 v3, v30;
	vm1 =	veq.s32 v27, v29;
	vm0 =	veq.s32 v32, v33;
	v13 =	vld [tilespmem:s19+$0xFFFFFFF0]  }
0x394: {  	v15 =	vor.u32 v3, v21;
	v16 =	vor.u32 v3, v19;
	v22 =	vor.u32 v3, v23;
	v20 =	vld [tilespmem:s19+$0x0]  }
0x395: {  	v23 =	vor.u32 v3, v31;
	v21 =	vor.u32 v3, v18;
	v19 =	vld [tilespmem:s19+$0x10];
	v24 =	vmul.f32 $1.500000000e+01, v28  }
0x396: {  	v26 =	vsel vm4, $0x10001, v2;
	v18 =	vor.u32 v3, v11;
	v25 =	vmul.f32 $1.500000000e+01, v34;
	v17 =	vld [tilespmem:s19+$0x20]  }
0x397: {  	v29 =	vsel vm5, $0x10001, v2;
	v11 =	vld [tilespmem:s19+$0xFFFFFFC0];
	v27 =	vmul.f32 $1.500000000e+01, v12;
	v24 =	vtrunc.f32 v24  }
0x398: {  	v31 =	vmul.f32 $1.500000000e+01, v13;
	v24 =	vcvt.f32.s32 v24;
	[tilespmem:v14+s11+$0x0] =	vst.idx.add.s32.msk $0xffff, v26;
	v26 =	vsel vm6, $0x10001, v2  }
0x399: {  	v25 =	vtrunc.f32 v25;
	v32 =	vmul.f32 $1.500000000e+01, v20;
	[tilespmem:v14+s12+$0x0] =	vst.idx.add.f32.msk $0xffff, v10;
	v14 =	vsel vm3, $0x10001, v2  }
0x39a: {  	v33 =	vmul.f32 $1.500000000e+01, v19;
	v35 =	vcvt.s32.f32 v24;
	[tilespmem:v15+s11+$0x0] =	vst.idx.add.s32.msk $0xffff, v29;
	v29 =	vsel vm2, $0x10001, v2  }
0x39b: {  	v30 =	vsel vm1, $0x10001, v2;
	v27 =	vtrunc.f32 v27;
	v36 =	vmul.f32 $1.500000000e+01, v17;
	[tilespmem:v15+s12+$0x0] =	vst.idx.add.f32.msk $0xffff, v9;
	v9 =	vmovc v34  }
0x39c: {  	v34 =	vtrunc.f32 v31;
	v15 =	vmul.f32 $1.500000000e+01, v11;
	v37 =	vadd.f32 $1.000000000e+00, v35;
	[tilespmem:v16+s11+$0x0] =	vst.idx.add.s32.msk $0xffff, v26;
	v10 =	vmovc v11  }
0x39d: {  	v31 =	vsel vm0, $0x10001, v2;
	v26 =	vtrunc.f32 v32;
	v11 =	vmul.f32 $6.666667010e-02, v35;
	[tilespmem:v16+s12+$0x0] =	vst.idx.add.f32.msk $0xffff, v8;
	v8 =	vmovc v12  }
0x39e: {  	v12 =	vtrunc.f32 v15;
	v15 =	vmul.f32 $6.666667010e-02, v37;
	[tilespmem:v22+s11+$0x0] =	vst.idx.add.s32.msk $0xffff, v14  }
0x39f: {  	v16 =	vtrunc.f32 v36;
	v14 =	vtrunc.f32 v33;
	vm0 =	vle.f32 v28, v11;
	[tilespmem:v22+s12+$0x0] =	vst.idx.add.f32.msk $0xffff, v6;
	v6 =	vmovc v13  }
0x3a0: {  	s16 =	sadd.s32 $0x80, s16;
	v35 =	vcvt.f32.s32 v12;
	v11 =	vsel vm0, $0xFFFFFFFF, v0;
	vm0 =	vgt.f32 v28, v15;
	[tilespmem:v23+s11+$0x0] =	vst.idx.add.s32.msk $0xffff, v29  }
0x3a1: {  	s17 =	sadd.s32 $0x80, s17;
	v36 =	vcvt.f32.s32 v25;
	v11 =	vadd.s32 v24, v11;
	v22 =	vld [tilespmem:s16+$0x30];
	v12 =	vsel vm0, $0x2, v2  }
0x3a2: {  	v34 =	vcvt.f32.s32 v34;
	v37 =	vcvt.f32.s32 v27;
	v24 =	vld [tilespmem:s17+$0x30];
	v12 =	vadd.s32 v12, v11  }
0x3a3: {  	v38 =	vcvt.f32.s32 v26;
	v39 =	vcvt.f32.s32 v14;
	v11 =	vld [tilespmem:s16+$0xFFFFFFC0];
	v13 =	vshll.u32 v12, $0x4  }
0x3a4: {  	v40 =	vcvt.f32.s32 v16;
	v25 =	vcvt.s32.f32 v35;
	v12 =	vld [tilespmem:s17+$0xFFFFFFC0];
	v26 =	vor.u32 v3, v13  }
0x3a5: {  	v27 =	vcvt.s32.f32 v36;
	v29 =	vcvt.s32.f32 v37;
	v13 =	vld [tilespmem:s16+$0xFFFFFFD0]  }
0x3a6: {  	v33 =	vcvt.s32.f32 v34;
	v41 =	vcvt.s32.f32 v38;
	v32 =	vadd.f32 $1.000000000e+00, v25;
	v15 =	vld [tilespmem:s17+$0xFFFFFFD0]  }
0x3a7: {  	v43 =	vcvt.s32.f32 v40;
	v42 =	vcvt.s32.f32 v39;
	v14 =	vld [tilespmem:s16+$0xFFFFFFE0];
	vm0 =	veq.s32 v22, v24  }
0x3a8: {  	v44 =	vadd.f32 $1.000000000e+00, v27;
	v45 =	vadd.f32 $1.000000000e+00, v29;
	v16 =	vld [tilespmem:s17+$0xFFFFFFE0];
	v22 =	vsel vm0, $0x10001, v2  }
0x3a9: {  	v46 =	vadd.f32 $1.000000000e+00, v33;
	v47 =	vadd.f32 $1.000000000e+00, v41;
	v24 =	vmul.f32 $6.666667010e-02, v25;
	[tilespmem:v26+s11+$0x0] =	vst.idx.add.s32.msk $0xffff, v22  }
0x3aa: {  	v49 =	vadd.f32 $1.000000000e+00, v43;
	v48 =	vadd.f32 $1.000000000e+00, v42;
	v25 =	vmul.f32 $6.666667010e-02, v27;
	[tilespmem:v26+s12+$0x0] =	vst.idx.add.f32.msk $0xffff, v28  }
0x3ab: {  	v27 =	vmul.f32 $6.666667010e-02, v33;
	vm0 =	vle.f32 v10, v24;
	v26 =	vmul.f32 $6.666667010e-02, v29;
	v22 =	vld [tilespmem:s16+$0xFFFFFFF0]  }
0x3ac: {  	v33 =	vmul.f32 $6.666667010e-02, v42;
	vm1 =	vle.f32 v9, v25;
	v28 =	vmul.f32 $6.666667010e-02, v41;
	v24 =	vld [tilespmem:s17+$0xFFFFFFF0]  }
0x3ad: {  	v32 =	vmul.f32 $6.666667010e-02, v32;
	v41 =	vmul.f32 $6.666667010e-02, v43;
	vm2 =	vle.f32 v8, v26;
	v25 =	vld [tilespmem:s16+$0x0]  }
0x3ae: {  	v42 =	vmul.f32 $6.666667010e-02, v44;
	vm3 =	vle.f32 v6, v27;
	v43 =	vmul.f32 $6.666667010e-02, v45;
	v26 =	vld [tilespmem:s17+$0x0]  }
0x3af: {  	v44 =	vmul.f32 $6.666667010e-02, v46;
	v45 =	vmul.f32 $6.666667010e-02, v47;
	vm4 =	vle.f32 v20, v28;
	v27 =	vld [tilespmem:s16+$0x10]  }
0x3b0: {  	v46 =	vmul.f32 $6.666667010e-02, v49;
	vm5 =	vle.f32 v19, v33;
	v28 =	vmul.f32 $6.666667010e-02, v48;
	v29 =	vld [tilespmem:s17+$0x10]  }
0x3b1: {  	vm6 =	vgt.f32 v10, v32;
	vm7 =	vgt.f32 v9, v42;
	vm8 =	vle.f32 v17, v41;
	v32 =	vld [tilespmem:s16+$0x20]  }
0x3b2: {  	vm10 =	vgt.f32 v6, v44;
	vm9 =	vgt.f32 v8, v43;
	vm11 =	vgt.f32 v20, v45;
	v33 =	vld [tilespmem:s17+$0x20]  }
0x3b3: {  	vm12 =	vgt.f32 v17, v46;
	v41 =	vsel vm0, $0xFFFFFFFF, v0;
	vm0 =	vgt.f32 v19, v28;
	[tilespmem:v23+s12+$0x0] =	vst.idx.add.f32.msk $0xffff, v7  }
0x3b4: {  	v42 =	vsel vm3, $0xFFFFFFFF, v0;
	v28 =	vsel vm2, $0xFFFFFFFF, v0;
	v23 =	vsel vm1, $0xFFFFFFFF, v0;
	v7 =	vmovc v20;
	[tilespmem:v21+s11+$0x0] =	vst.idx.add.s32.msk $0xffff, v30  }
0x3b5: {  	v43 =	vsel vm8, $0xFFFFFFFF, v0;
	v20 =	vsel vm4, $0xFFFFFFFF, v0;
	v30 =	vsel vm5, $0xFFFFFFFF, v0;
	[tilespmem:v21+s12+$0x0] =	vst.idx.add.f32.msk $0xffff, v4;
	v4 =	vmovc v19  }
0x3b6: {  	v44 =	vsel vm9, $0x2, v2;
	v19 =	vsel vm6, $0x2, v2;
	v21 =	vsel vm7, $0x2, v2;
	[tilespmem:v18+s11+$0x0] =	vst.idx.add.s32.msk $0xffff, v31  }
0x3b7: {  	v45 =	vsel vm11, $0x2, v2;
	v46 =	vsel vm0, $0x2, v2;
	v31 =	vsel vm10, $0x2, v2;
	[tilespmem:v18+s12+$0x0] =	vst.idx.add.f32.msk $0xffff, v5;
	v5 =	vmovc v17  }
0x3b8: {  	v17 =	vadd.s32 v35, v41;
	v18 =	vadd.s32 v36, v23;
	v35 =	vsel vm12, $0x2, v2  }
.Ltmp6:
0x3b9: {  	v20 =	vadd.s32 v38, v20;
	v23 =	vadd.s32 v37, v28;
	v28 =	vadd.s32 v34, v42;
	(pc) =	sbr.rel @p0 .LBB2_14-.Ltmp6, $4  }
0x3ba: {  	v19 =	vadd.s32 v19, v17;
	v17 =	vadd.s32 v39, v30;
	v30 =	vadd.s32 v40, v43  }
0x3bb: {  	v21 =	vadd.s32 v21, v18;
	v34 =	vadd.s32 v44, v23;
	v23 =	vadd.s32 v31, v28  }
0x3bc: {  	v20 =	vadd.s32 v45, v20;
	v18 =	vadd.s32 v46, v17;
	v17 =	vadd.s32 v35, v30  }
0x3bd: {  	s19 =	sadd.s32 $0x80, s19;
	v30 =	vshll.u32 v19, $0x4;
	v21 =	vshll.u32 v21, $0x4;
	v19 =	vshll.u32 v34, $0x4  }
0x3be: {  	v28 =	vor.u32 v3, v30  }
0x3bf: {  	v21 =	vor.u32 v3, v21;
	_ =	sdelay $0x1  }
0x3c0: {  	vm0 =	veq.s32 v11, v12  }
0x3c1: {  	v11 =	vor.u32 v3, v19;
	vm6 =	veq.s32 v13, v15;
	v12 =	vsel vm0, $0x10001, v2  }
0x3c2: {  	v19 =	vshll.u32 v23, $0x4;
	v13 =	vsel vm6, $0x10001, v2;
	[tilespmem:v28+s11+$0x0] =	vst.idx.add.s32.msk $0xffff, v12  }
0x3c3: {  	v12 =	vor.u32 v3, v19;
	[tilespmem:v21+s11+$0x0] =	vst.idx.add.s32.msk $0xffff, v13  }
0x3c4: {  	vm7 =	veq.s32 v14, v16;
	[tilespmem:v28+s12+$0x0] =	vst.idx.add.f32.msk $0xffff, v10;
	v10 =	vshll.u32 v20, $0x4  }
0x3c5: {  	v13 =	vsel vm7, $0x10001, v2;
	[tilespmem:v21+s12+$0x0] =	vst.idx.add.f32.msk $0xffff, v9;
	v9 =	vshll.u32 v18, $0x4;
	v10 =	vor.u32 v3, v10  }
0x3c6: {  	vm8 =	veq.s32 v22, v24;
	[tilespmem:v11+s11+$0x0] =	vst.idx.add.s32.msk $0xffff, v13;
	v9 =	vor.u32 v3, v9  }
0x3c7: {  	v13 =	vsel vm8, $0x10001, v2;
	[tilespmem:v11+s12+$0x0] =	vst.idx.add.f32.msk $0xffff, v8  }
0x3c8: {  	vm9 =	veq.s32 v25, v26;
	v8 =	vshll.u32 v17, $0x4;
	[tilespmem:v12+s11+$0x0] =	vst.idx.add.s32.msk $0xffff, v13  }
0x3c9: {  	vm10 =	veq.s32 v27, v29;
	v11 =	vsel vm9, $0x10001, v2;
	v8 =	vor.u32 v3, v8;
	[tilespmem:v12+s12+$0x0] =	vst.idx.add.f32.msk $0xffff, v6  }
0x3ca: {  	v6 =	vsel vm10, $0x10001, v2;
	[tilespmem:v10+s11+$0x0] =	vst.idx.add.s32.msk $0xffff, v11  }
0x3cb: {  	[tilespmem:v9+s11+$0x0] =	vst.idx.add.s32.msk $0xffff, v6  }
0x3cc: {  	vm11 =	veq.s32 v32, v33;
	[tilespmem:v10+s12+$0x0] =	vst.idx.add.f32.msk $0xffff, v7  }
0x3cd: {  	v6 =	vsel vm11, $0x10001, v2;
	[tilespmem:v9+s12+$0x0] =	vst.idx.add.f32.msk $0xffff, v4  }
0x3ce: {  	[tilespmem:v8+s11+$0x0] =	vst.idx.add.s32.msk $0xffff, v6  }
0x3cf: {  	[tilespmem:v8+s12+$0x0] =	vst.idx.add.f32.msk $0xffff, v5  }
0x3d0: {  	[tilespmem:s1], [sflag:$0x1] =	stream.linear.gather [hbm4b:s26+s1], $0x30D8, $0x38;
	[tilespmem:$0x12900] =	vst v63  }
0x3d1: {  	_ = 	snop  }
0x3d2: {  	[tilespmem:s5], [sflag:$0x1] =	stream.linear.gather [hbm4b:s28+s1], $0x30D8, $0x38;
	[tilespmem:$0x12900] =	vst v63  }
0x3d3: {  	_ = 	snop  }
0x3d4: {  	[tilespmem:s6], [sflag:$0x1] =	stream.linear.gather [hbm4b:s29+s1], $0x30D8, $0x38;
	[tilespmem:$0x12900] =	vst v63  }
0x3d5: {  	_ =	swait.ge [sflag:s13], $0x30D8  }
0x3d6: {  	[sflag:s13] =	ssyncset.done $0x0  }
0x3d7: {  	[sflag:s13] =	ssyncadd.s32 $0xFFFFCF28  }
0x3d8: {  	_ =	swait.ge [sflag:s13], $0x30D8  }
0x3d9: {  	[sflag:s13] =	ssyncset.done $0x0  }
0x3da: {  	[sflag:s13] =	ssyncadd.s32 $0xFFFFCF28  }
0x3db: {  	_ =	swait.ge [sflag:s13], $0x30D8  }
0x3dc: {  	[sflag:s13] =	ssyncset.done $0x0  }
0x3dd: {  	s16 =	simm.s32 $0xF540;
	[sflag:s13] =	ssyncadd.s32 $0xFFFFCF28  }
0x3de: {  	v17 =	vld [tilespmem:s16+$0x30]  }
0x3df: {  	v9 =	vld [tilespmem:s16+$0xFFFFFFD0]  }
0x3e0: {  	v8 =	vld [tilespmem:s16+$0xFFFFFFE0]  }
0x3e1: {  	v6 =	vld [tilespmem:s16+$0xFFFFFFF0]  }
0x3e2: {  	v7 =	vld [tilespmem:s16+$0x0]  }
0x3e3: {  	v4 =	vld [tilespmem:s16+$0x10]  }
0x3e4: {  	v5 =	vld [tilespmem:s16+$0x20]  }
0x3e5: {  	v10 =	vld [tilespmem:s16+$0xFFFFFFC0]  }
0x3e6: {  	v11 =	vmul.f32 $1.500000000e+01, v17  }
0x3e7: {  	v12 =	vmul.f32 $1.500000000e+01, v9;
	v13 =	vmul.f32 $1.500000000e+01, v8  }
0x3e8: {  	v14 =	vmul.f32 $1.500000000e+01, v6;
	v15 =	vmul.f32 $1.500000000e+01, v7  }
0x3e9: {  	v16 =	vmul.f32 $1.500000000e+01, v4;
	v19 =	vmul.f32 $1.500000000e+01, v5  }
0x3ea: {  	v20 =	vmul.f32 $1.500000000e+01, v10;
	v11 =	vtrunc.f32 v11  }
0x3eb: {  	v12 =	vtrunc.f32 v12;
	v13 =	vtrunc.f32 v13  }
0x3ec: {  	v14 =	vtrunc.f32 v14;
	v11 =	vcvt.f32.s32 v11  }
0x3ed: {  	v16 =	vtrunc.f32 v16;
	v27 =	vcvt.f32.s32 v14  }
0x3ee: {  	v28 =	vcvt.f32.s32 v16;
	v18 =	vcvt.s32.f32 v11  }
0x3ef: {  	v15 =	vtrunc.f32 v15;
	v20 =	vtrunc.f32 v20  }
0x3f0: {  	v24 =	vcvt.s32.f32 v27;
	v26 =	vcvt.s32.f32 v28;
	v21 =	vadd.f32 $1.000000000e+00, v18  }
0x3f1: {  	v23 =	vcvt.f32.s32 v13;
	v18 =	vmul.f32 $6.666667010e-02, v18  }
0x3f2: {  	v31 =	vadd.f32 $1.000000000e+00, v24;
	v59 =	vadd.f32 $1.000000000e+00, v26;
	v21 =	vmul.f32 $6.666667010e-02, v21  }
0x3f3: {  	vm12 =	vle.f32 v17, v18;
	v18 =	vtrunc.f32 v19;
	v19 =	vcvt.f32.s32 v20  }
0x3f4: {  	v31 =	vmul.f32 $6.666667010e-02, v31;
	v20 =	vsel vm12, $0xFFFFFFFF, v0;
	v18 =	vcvt.f32.s32 v18  }
0x3f5: {  	s17 =	simm.s32 $0x9340;
	vm13 =	vgt.f32 v17, v21;
	v21 =	vcvt.f32.s32 v12;
	v11 =	vadd.s32 v11, v20  }
0x3f6: {  	s16 =	simm.s32 $0x3140;
	v13 =	vld [tilespmem:s17+$0x30];
	v14 =	vcvt.s32.f32 v19;
	vm10 =	vgt.f32 v6, v31;
	v20 =	vsel vm13, $0x2, v2  }
0x3f7: {  	v12 =	vld [tilespmem:s16+$0x30];
	v29 =	vcvt.s32.f32 v18;
	v37 =	vsel vm10, $0x2, v2;
	v11 =	vadd.s32 v20, v11  }
0x3f8: {  	v20 =	vcvt.f32.s32 v15;
	v15 =	vcvt.s32.f32 v23;
	v16 =	vadd.f32 $1.000000000e+00, v14  }
0x3f9: {  	v14 =	vmul.f32 $6.666667010e-02, v14;
	v11 =	vshll.u32 v11, $0x4;
	v34 =	vadd.f32 $1.000000000e+00, v29  }
0x3fa: {  	v22 =	vor.u32 v3, v11;
	v11 =	vcvt.s32.f32 v21;
	v25 =	vcvt.s32.f32 v20  }
0x3fb: {  	vm15 =	vle.f32 v10, v14;
	v14 =	vmul.f32 $6.666667010e-02, v15;
	v16 =	vmul.f32 $6.666667010e-02, v16  }
0x3fc: {  	vm14 =	veq.s32 v12, v13;
	v13 =	vadd.f32 $1.000000000e+00, v15;
	v15 =	vmul.f32 $6.666667010e-02, v24  }
0x3fd: {  	v12 =	vadd.f32 $1.000000000e+00, v11;
	v30 =	vsel vm14, $0x10001, v2;
	v11 =	vmul.f32 $6.666667010e-02, v11  }
0x3fe: {  	v33 =	vld [tilespmem:s17+$0x20];
	v58 =	vadd.f32 $1.000000000e+00, v25;
	v24 =	vmul.f32 $6.666667010e-02, v25;
	v25 =	vmul.f32 $6.666667010e-02, v26  }
0x3ff: {  	vm2 =	vle.f32 v8, v14;
	v14 =	vmul.f32 $6.666667010e-02, v29;
	vm6 =	vgt.f32 v10, v16;
	v16 =	vld [tilespmem:s17+$0xFFFFFFE0]  }
0x400: {  	v29 =	vmul.f32 $6.666667010e-02, v13;
	vm3 =	vle.f32 v6, v15;
	v13 =	vld [tilespmem:s16+$0xFFFFFFD0];
	v62 =	vsel vm6, $0x2, v2  }
0x401: {  	v15 =	vld [tilespmem:s17+$0xFFFFFFD0];
	vm1 =	vle.f32 v9, v11;
	v26 =	vmul.f32 $6.666667010e-02, v12;
	v32 =	vmul.f32 $6.666667010e-02, v58  }
0x402: {  	v11 =	vld [tilespmem:s16+$0xFFFFFFC0];
	vm4 =	vle.f32 v7, v24;
	v24 =	vmul.f32 $6.666667010e-02, v59;
	vm5 =	vle.f32 v4, v25  }
0x403: {  	v12 =	vld [tilespmem:s17+$0xFFFFFFC0];
	v25 =	vmul.f32 $6.666667010e-02, v34;
	vm8 =	vle.f32 v5, v14;
	v31 =	vsel vm3, $0xFFFFFFFF, v0  }
0x404: {  	vm9 =	vgt.f32 v8, v29;
	[tilespmem:v22+s11+$0x0] =	vst.idx.add.s32.msk $0xffff, v30;
	v29 =	vsel vm1, $0xFFFFFFFF, v0;
	v30 =	vsel vm2, $0xFFFFFFFF, v0  }
0x405: {  	v14 =	vld [tilespmem:s16+$0xFFFFFFE0];
	v60 =	vsel vm5, $0xFFFFFFFF, v0;
	v61 =	vsel vm8, $0xFFFFFFFF, v0;
	vm7 =	vgt.f32 v9, v26  }
0x406: {  	vm11 =	vgt.f32 v7, v32;
	v26 =	vsel vm15, $0xFFFFFFFF, v0;
	vm0 =	vgt.f32 v4, v24;
	[tilespmem:v22+s12+$0x0] =	vst.idx.add.f32.msk $0xffff, v17  }
0x407: {  	vm12 =	vgt.f32 v5, v25;
	v17 =	vsel vm4, $0xFFFFFFFF, v0;
	v22 =	vld [tilespmem:s16+$0xFFFFFFF0];
	v36 =	vsel vm9, $0x2, v2  }
0x408: {  	v24 =	vld [tilespmem:s17+$0xFFFFFFF0];
	v21 =	vadd.s32 v21, v29;
	v23 =	vadd.s32 v23, v30;
	v30 =	vadd.s32 v27, v31  }
0x409: {  	v25 =	vld [tilespmem:s16+$0x0];
	v28 =	vadd.s32 v28, v60;
	v31 =	vadd.s32 v18, v61;
	v35 =	vsel vm7, $0x2, v2  }
0x40a: {  	v27 =	vld [tilespmem:s16+$0x10];
	v38 =	vsel vm11, $0x2, v2;
	v39 =	vsel vm0, $0x2, v2;
	v19 =	vadd.s32 v19, v26  }
0x40b: {  	v29 =	vld [tilespmem:s17+$0x10];
	v40 =	vsel vm12, $0x2, v2;
	v17 =	vadd.s32 v20, v17;
	v63 =	vadd.s32 v36, v23  }
0x40c: {  	v26 =	vld [tilespmem:s17+$0x0];
	v23 =	vadd.s32 v37, v30;
	v19 =	vadd.s32 v62, v19;
	v21 =	vadd.s32 v35, v21  }
0x40d: {  	v32 =	vld [tilespmem:s16+$0x20];
	v20 =	vadd.s32 v38, v17;
	v18 =	vadd.s32 v39, v28;
	v17 =	vadd.s32 v40, v31  }
0x40e: {  	s18 =	simm.s32 $0x0;
	s19 =	simm.s32 $0xF5C0;
	v30 =	vshll.u32 v19, $0x4;
	v21 =	vshll.u32 v21, $0x4;
	v19 =	vshll.u32 v63, $0x4  }
.LBB2_16:
0x40f: {  	v28 =	vld [tilespmem:s19+$0x30];
	v23 =	vshll.u32 v23, $0x4;
	v31 =	vshll.u32 v20, $0x4;
	v18 =	vshll.u32 v18, $0x4  }
0x410: {  	s18 =	sadd.s32 $0x8, s18;
	vm4 =	veq.s32 v11, v12;
	vm5 =	veq.s32 v13, v15;
	v11 =	vshll.u32 v17, $0x4;
	v34 =	vld [tilespmem:s19+$0xFFFFFFD0]  }
0x411: {  	vm6 =	veq.s32 v14, v16;
	vm3 =	veq.s32 v22, v24;
	vm2 =	veq.s32 v25, v26;
	p0 =	slt.u32 s18, $0x308;
	v12 =	vld [tilespmem:s19+$0xFFFFFFE0]  }
0x412: {  	v14 =	vor.u32 v3, v30;
	vm1 =	veq.s32 v27, v29;
	vm0 =	veq.s32 v32, v33;
	v13 =	vld [tilespmem:s19+$0xFFFFFFF0]  }
0x413: {  	v15 =	vor.u32 v3, v21;
	v16 =	vor.u32 v3, v19;
	v22 =	vor.u32 v3, v23;
	v20 =	vld [tilespmem:s19+$0x0]  }
0x414: {  	v23 =	vor.u32 v3, v31;
	v21 =	vor.u32 v3, v18;
	v19 =	vld [tilespmem:s19+$0x10];
	v24 =	vmul.f32 $1.500000000e+01, v28  }
0x415: {  	v26 =	vsel vm4, $0x10001, v2;
	v18 =	vor.u32 v3, v11;
	v25 =	vmul.f32 $1.500000000e+01, v34;
	v17 =	vld [tilespmem:s19+$0x20]  }
0x416: {  	v29 =	vsel vm5, $0x10001, v2;
	v11 =	vld [tilespmem:s19+$0xFFFFFFC0];
	v27 =	vmul.f32 $1.500000000e+01, v12;
	v24 =	vtrunc.f32 v24  }
0x417: {  	v31 =	vmul.f32 $1.500000000e+01, v13;
	v24 =	vcvt.f32.s32 v24;
	[tilespmem:v14+s11+$0x0] =	vst.idx.add.s32.msk $0xffff, v26;
	v26 =	vsel vm6, $0x10001, v2  }
0x418: {  	v25 =	vtrunc.f32 v25;
	v32 =	vmul.f32 $1.500000000e+01, v20;
	[tilespmem:v14+s12+$0x0] =	vst.idx.add.f32.msk $0xffff, v10;
	v14 =	vsel vm3, $0x10001, v2  }
0x419: {  	v33 =	vmul.f32 $1.500000000e+01, v19;
	v35 =	vcvt.s32.f32 v24;
	[tilespmem:v15+s11+$0x0] =	vst.idx.add.s32.msk $0xffff, v29;
	v29 =	vsel vm2, $0x10001, v2  }
0x41a: {  	v30 =	vsel vm1, $0x10001, v2;
	v27 =	vtrunc.f32 v27;
	v36 =	vmul.f32 $1.500000000e+01, v17;
	[tilespmem:v15+s12+$0x0] =	vst.idx.add.f32.msk $0xffff, v9;
	v9 =	vmovc v34  }
0x41b: {  	v34 =	vtrunc.f32 v31;
	v15 =	vmul.f32 $1.500000000e+01, v11;
	v37 =	vadd.f32 $1.000000000e+00, v35;
	[tilespmem:v16+s11+$0x0] =	vst.idx.add.s32.msk $0xffff, v26;
	v10 =	vmovc v11  }
0x41c: {  	v31 =	vsel vm0, $0x10001, v2;
	v26 =	vtrunc.f32 v32;
	v11 =	vmul.f32 $6.666667010e-02, v35;
	[tilespmem:v16+s12+$0x0] =	vst.idx.add.f32.msk $0xffff, v8;
	v8 =	vmovc v12  }
0x41d: {  	v12 =	vtrunc.f32 v15;
	v15 =	vmul.f32 $6.666667010e-02, v37;
	[tilespmem:v22+s11+$0x0] =	vst.idx.add.s32.msk $0xffff, v14  }
0x41e: {  	v16 =	vtrunc.f32 v36;
	v14 =	vtrunc.f32 v33;
	vm0 =	vle.f32 v28, v11;
	[tilespmem:v22+s12+$0x0] =	vst.idx.add.f32.msk $0xffff, v6;
	v6 =	vmovc v13  }
0x41f: {  	s16 =	sadd.s32 $0x80, s16;
	v35 =	vcvt.f32.s32 v12;
	v11 =	vsel vm0, $0xFFFFFFFF, v0;
	vm0 =	vgt.f32 v28, v15;
	[tilespmem:v23+s11+$0x0] =	vst.idx.add.s32.msk $0xffff, v29  }
0x420: {  	s17 =	sadd.s32 $0x80, s17;
	v36 =	vcvt.f32.s32 v25;
	v11 =	vadd.s32 v24, v11;
	v22 =	vld [tilespmem:s16+$0x30];
	v12 =	vsel vm0, $0x2, v2  }
0x421: {  	v34 =	vcvt.f32.s32 v34;
	v37 =	vcvt.f32.s32 v27;
	v24 =	vld [tilespmem:s17+$0x30];
	v12 =	vadd.s32 v12, v11  }
0x422: {  	v38 =	vcvt.f32.s32 v26;
	v39 =	vcvt.f32.s32 v14;
	v11 =	vld [tilespmem:s16+$0xFFFFFFC0];
	v13 =	vshll.u32 v12, $0x4  }
0x423: {  	v40 =	vcvt.f32.s32 v16;
	v25 =	vcvt.s32.f32 v35;
	v12 =	vld [tilespmem:s17+$0xFFFFFFC0];
	v26 =	vor.u32 v3, v13  }
0x424: {  	v27 =	vcvt.s32.f32 v36;
	v29 =	vcvt.s32.f32 v37;
	v13 =	vld [tilespmem:s16+$0xFFFFFFD0]  }
0x425: {  	v33 =	vcvt.s32.f32 v34;
	v41 =	vcvt.s32.f32 v38;
	v32 =	vadd.f32 $1.000000000e+00, v25;
	v15 =	vld [tilespmem:s17+$0xFFFFFFD0]  }
0x426: {  	v43 =	vcvt.s32.f32 v40;
	v42 =	vcvt.s32.f32 v39;
	v14 =	vld [tilespmem:s16+$0xFFFFFFE0];
	vm0 =	veq.s32 v22, v24  }
0x427: {  	v44 =	vadd.f32 $1.000000000e+00, v27;
	v45 =	vadd.f32 $1.000000000e+00, v29;
	v16 =	vld [tilespmem:s17+$0xFFFFFFE0];
	v22 =	vsel vm0, $0x10001, v2  }
0x428: {  	v46 =	vadd.f32 $1.000000000e+00, v33;
	v47 =	vadd.f32 $1.000000000e+00, v41;
	v24 =	vmul.f32 $6.666667010e-02, v25;
	[tilespmem:v26+s11+$0x0] =	vst.idx.add.s32.msk $0xffff, v22  }
0x429: {  	v49 =	vadd.f32 $1.000000000e+00, v43;
	v48 =	vadd.f32 $1.000000000e+00, v42;
	v25 =	vmul.f32 $6.666667010e-02, v27;
	[tilespmem:v26+s12+$0x0] =	vst.idx.add.f32.msk $0xffff, v28  }
0x42a: {  	v27 =	vmul.f32 $6.666667010e-02, v33;
	vm0 =	vle.f32 v10, v24;
	v26 =	vmul.f32 $6.666667010e-02, v29;
	v22 =	vld [tilespmem:s16+$0xFFFFFFF0]  }
0x42b: {  	v33 =	vmul.f32 $6.666667010e-02, v42;
	vm1 =	vle.f32 v9, v25;
	v28 =	vmul.f32 $6.666667010e-02, v41;
	v24 =	vld [tilespmem:s17+$0xFFFFFFF0]  }
0x42c: {  	v32 =	vmul.f32 $6.666667010e-02, v32;
	v41 =	vmul.f32 $6.666667010e-02, v43;
	vm2 =	vle.f32 v8, v26;
	v25 =	vld [tilespmem:s16+$0x0]  }
0x42d: {  	v42 =	vmul.f32 $6.666667010e-02, v44;
	vm3 =	vle.f32 v6, v27;
	v43 =	vmul.f32 $6.666667010e-02, v45;
	v26 =	vld [tilespmem:s17+$0x0]  }
0x42e: {  	v44 =	vmul.f32 $6.666667010e-02, v46;
	v45 =	vmul.f32 $6.666667010e-02, v47;
	vm4 =	vle.f32 v20, v28;
	v27 =	vld [tilespmem:s16+$0x10]  }
0x42f: {  	v46 =	vmul.f32 $6.666667010e-02, v49;
	vm5 =	vle.f32 v19, v33;
	v28 =	vmul.f32 $6.666667010e-02, v48;
	v29 =	vld [tilespmem:s17+$0x10]  }
0x430: {  	vm6 =	vgt.f32 v10, v32;
	vm7 =	vgt.f32 v9, v42;
	vm8 =	vle.f32 v17, v41;
	v32 =	vld [tilespmem:s16+$0x20]  }
0x431: {  	vm10 =	vgt.f32 v6, v44;
	vm9 =	vgt.f32 v8, v43;
	vm11 =	vgt.f32 v20, v45;
	v33 =	vld [tilespmem:s17+$0x20]  }
0x432: {  	vm12 =	vgt.f32 v17, v46;
	v41 =	vsel vm0, $0xFFFFFFFF, v0;
	vm0 =	vgt.f32 v19, v28;
	[tilespmem:v23+s12+$0x0] =	vst.idx.add.f32.msk $0xffff, v7  }
0x433: {  	v42 =	vsel vm3, $0xFFFFFFFF, v0;
	v28 =	vsel vm2, $0xFFFFFFFF, v0;
	v23 =	vsel vm1, $0xFFFFFFFF, v0;
	v7 =	vmovc v20;
	[tilespmem:v21+s11+$0x0] =	vst.idx.add.s32.msk $0xffff, v30  }
0x434: {  	v43 =	vsel vm8, $0xFFFFFFFF, v0;
	v20 =	vsel vm4, $0xFFFFFFFF, v0;
	v30 =	vsel vm5, $0xFFFFFFFF, v0;
	[tilespmem:v21+s12+$0x0] =	vst.idx.add.f32.msk $0xffff, v4;
	v4 =	vmovc v19  }
0x435: {  	v44 =	vsel vm9, $0x2, v2;
	v19 =	vsel vm6, $0x2, v2;
	v21 =	vsel vm7, $0x2, v2;
	[tilespmem:v18+s11+$0x0] =	vst.idx.add.s32.msk $0xffff, v31  }
0x436: {  	v45 =	vsel vm11, $0x2, v2;
	v46 =	vsel vm0, $0x2, v2;
	v31 =	vsel vm10, $0x2, v2;
	[tilespmem:v18+s12+$0x0] =	vst.idx.add.f32.msk $0xffff, v5;
	v5 =	vmovc v17  }
0x437: {  	v17 =	vadd.s32 v35, v41;
	v18 =	vadd.s32 v36, v23;
	v35 =	vsel vm12, $0x2, v2  }
.Ltmp7:
0x438: {  	v20 =	vadd.s32 v38, v20;
	v23 =	vadd.s32 v37, v28;
	v28 =	vadd.s32 v34, v42;
	(pc) =	sbr.rel @p0 .LBB2_16-.Ltmp7, $4  }
0x439: {  	v19 =	vadd.s32 v19, v17;
	v17 =	vadd.s32 v39, v30;
	v30 =	vadd.s32 v40, v43  }
0x43a: {  	v21 =	vadd.s32 v21, v18;
	v34 =	vadd.s32 v44, v23;
	v23 =	vadd.s32 v31, v28  }
0x43b: {  	v20 =	vadd.s32 v45, v20;
	v18 =	vadd.s32 v46, v17;
	v17 =	vadd.s32 v35, v30  }
0x43c: {  	s19 =	sadd.s32 $0x80, s19;
	v30 =	vshll.u32 v19, $0x4;
	v21 =	vshll.u32 v21, $0x4;
	v19 =	vshll.u32 v34, $0x4  }
0x43d: {  	v28 =	vor.u32 v3, v30  }
0x43e: {  	v21 =	vor.u32 v3, v21;
	_ =	sdelay $0x1  }
0x43f: {  	vm0 =	veq.s32 v11, v12  }
0x440: {  	v11 =	vor.u32 v3, v19;
	vm6 =	veq.s32 v13, v15;
	v12 =	vsel vm0, $0x10001, v2  }
0x441: {  	v19 =	vshll.u32 v23, $0x4;
	v13 =	vsel vm6, $0x10001, v2;
	[tilespmem:v28+s11+$0x0] =	vst.idx.add.s32.msk $0xffff, v12  }
0x442: {  	v12 =	vor.u32 v3, v19;
	[tilespmem:v21+s11+$0x0] =	vst.idx.add.s32.msk $0xffff, v13  }
0x443: {  	vm7 =	veq.s32 v14, v16;
	[tilespmem:v28+s12+$0x0] =	vst.idx.add.f32.msk $0xffff, v10;
	v10 =	vshll.u32 v20, $0x4  }
0x444: {  	v13 =	vsel vm7, $0x10001, v2;
	[tilespmem:v21+s12+$0x0] =	vst.idx.add.f32.msk $0xffff, v9;
	v9 =	vshll.u32 v18, $0x4;
	v10 =	vor.u32 v3, v10  }
0x445: {  	vm8 =	veq.s32 v22, v24;
	[tilespmem:v11+s11+$0x0] =	vst.idx.add.s32.msk $0xffff, v13;
	v9 =	vor.u32 v3, v9  }
0x446: {  	v13 =	vsel vm8, $0x10001, v2;
	[tilespmem:v11+s12+$0x0] =	vst.idx.add.f32.msk $0xffff, v8  }
0x447: {  	vm9 =	veq.s32 v25, v26;
	v8 =	vshll.u32 v17, $0x4;
	[tilespmem:v12+s11+$0x0] =	vst.idx.add.s32.msk $0xffff, v13  }
0x448: {  	vm10 =	veq.s32 v27, v29;
	v11 =	vsel vm9, $0x10001, v2;
	v8 =	vor.u32 v3, v8;
	[tilespmem:v12+s12+$0x0] =	vst.idx.add.f32.msk $0xffff, v6  }
0x449: {  	v6 =	vsel vm10, $0x10001, v2;
	[tilespmem:v10+s11+$0x0] =	vst.idx.add.s32.msk $0xffff, v11  }
0x44a: {  	[tilespmem:v9+s11+$0x0] =	vst.idx.add.s32.msk $0xffff, v6  }
0x44b: {  	vm11 =	veq.s32 v32, v33;
	[tilespmem:v10+s12+$0x0] =	vst.idx.add.f32.msk $0xffff, v7  }
0x44c: {  	v6 =	vsel vm11, $0x10001, v2;
	[tilespmem:v9+s12+$0x0] =	vst.idx.add.f32.msk $0xffff, v4  }
0x44d: {  	[tilespmem:v8+s11+$0x0] =	vst.idx.add.s32.msk $0xffff, v6  }
0x44e: {  	[tilespmem:v8+s12+$0x0] =	vst.idx.add.f32.msk $0xffff, v5  }
0x44f: {  	[tilespmem:s7], [sflag:$0x2] =	stream.linear.gather [hbm4b:s31+s1], $0x30B0, $0x38;
	[tilespmem:$0x12900] =	vst v63  }
0x450: {  	_ = 	snop  }
0x451: {  	[tilespmem:s8], [sflag:$0x2] =	stream.linear.gather [hbm4b:s30+s1], $0x30B0, $0x38;
	[tilespmem:$0x12900] =	vst v63  }
0x452: {  	_ = 	snop  }
0x453: {  	[tilespmem:s9], [sflag:$0x2] =	stream.linear.gather [hbm4b:s0+s1], $0x30B0, $0x38;
	[tilespmem:$0x12900] =	vst v63  }
0x454: {  	_ =	swait.ge [sflag:s10], $0x30D8  }
0x455: {  	[sflag:s10] =	ssyncset.done $0x0  }
0x456: {  	[sflag:s10] =	ssyncadd.s32 $0xFFFFCF28  }
0x457: {  	_ =	swait.ge [sflag:s10], $0x30D8  }
0x458: {  	[sflag:s10] =	ssyncset.done $0x0  }
0x459: {  	[sflag:s10] =	ssyncadd.s32 $0xFFFFCF28  }
0x45a: {  	_ =	swait.ge [sflag:s10], $0x30D8  }
0x45b: {  	[sflag:s10] =	ssyncset.done $0x0  }
0x45c: {  	s16 =	simm.s32 $0xC440;
	[sflag:s10] =	ssyncadd.s32 $0xFFFFCF28  }
0x45d: {  	v17 =	vld [tilespmem:s16+$0x30]  }
0x45e: {  	v9 =	vld [tilespmem:s16+$0xFFFFFFD0]  }
0x45f: {  	v8 =	vld [tilespmem:s16+$0xFFFFFFE0]  }
0x460: {  	v6 =	vld [tilespmem:s16+$0xFFFFFFF0]  }
0x461: {  	v7 =	vld [tilespmem:s16+$0x0]  }
0x462: {  	v4 =	vld [tilespmem:s16+$0x10]  }
0x463: {  	v5 =	vld [tilespmem:s16+$0x20]  }
0x464: {  	v10 =	vld [tilespmem:s16+$0xFFFFFFC0]  }
0x465: {  	v11 =	vmul.f32 $1.500000000e+01, v17  }
0x466: {  	v12 =	vmul.f32 $1.500000000e+01, v9;
	v13 =	vmul.f32 $1.500000000e+01, v8  }
0x467: {  	v14 =	vmul.f32 $1.500000000e+01, v6;
	v15 =	vmul.f32 $1.500000000e+01, v7  }
0x468: {  	v16 =	vmul.f32 $1.500000000e+01, v4;
	v19 =	vmul.f32 $1.500000000e+01, v5  }
0x469: {  	v20 =	vmul.f32 $1.500000000e+01, v10;
	v11 =	vtrunc.f32 v11  }
0x46a: {  	v12 =	vtrunc.f32 v12;
	v13 =	vtrunc.f32 v13  }
0x46b: {  	v14 =	vtrunc.f32 v14;
	v11 =	vcvt.f32.s32 v11  }
0x46c: {  	v16 =	vtrunc.f32 v16;
	v27 =	vcvt.f32.s32 v14  }
0x46d: {  	v28 =	vcvt.f32.s32 v16;
	v18 =	vcvt.s32.f32 v11  }
0x46e: {  	v15 =	vtrunc.f32 v15;
	v20 =	vtrunc.f32 v20  }
0x46f: {  	v24 =	vcvt.s32.f32 v27;
	v26 =	vcvt.s32.f32 v28;
	v21 =	vadd.f32 $1.000000000e+00, v18  }
0x470: {  	v23 =	vcvt.f32.s32 v13;
	v18 =	vmul.f32 $6.666667010e-02, v18  }
0x471: {  	v31 =	vadd.f32 $1.000000000e+00, v24;
	v59 =	vadd.f32 $1.000000000e+00, v26;
	v21 =	vmul.f32 $6.666667010e-02, v21  }
0x472: {  	vm12 =	vle.f32 v17, v18;
	v18 =	vtrunc.f32 v19;
	v19 =	vcvt.f32.s32 v20  }
0x473: {  	v31 =	vmul.f32 $6.666667010e-02, v31;
	v20 =	vsel vm12, $0xFFFFFFFF, v0;
	v18 =	vcvt.f32.s32 v18  }
0x474: {  	s17 =	simm.s32 $0x6240;
	vm13 =	vgt.f32 v17, v21;
	v21 =	vcvt.f32.s32 v12;
	v11 =	vadd.s32 v11, v20  }
0x475: {  	s16 =	simm.s32 $0x40;
	v13 =	vld [tilespmem:s17+$0x30];
	v14 =	vcvt.s32.f32 v19;
	vm10 =	vgt.f32 v6, v31;
	v20 =	vsel vm13, $0x2, v2  }
0x476: {  	v12 =	vld [tilespmem:s16+$0x30];
	v29 =	vcvt.s32.f32 v18;
	v37 =	vsel vm10, $0x2, v2;
	v11 =	vadd.s32 v20, v11  }
0x477: {  	v20 =	vcvt.f32.s32 v15;
	v15 =	vcvt.s32.f32 v23;
	v16 =	vadd.f32 $1.000000000e+00, v14  }
0x478: {  	v14 =	vmul.f32 $6.666667010e-02, v14;
	v11 =	vshll.u32 v11, $0x4;
	v34 =	vadd.f32 $1.000000000e+00, v29  }
0x479: {  	v22 =	vor.u32 v3, v11;
	v11 =	vcvt.s32.f32 v21;
	v25 =	vcvt.s32.f32 v20  }
0x47a: {  	vm15 =	vle.f32 v10, v14;
	v14 =	vmul.f32 $6.666667010e-02, v15;
	v16 =	vmul.f32 $6.666667010e-02, v16  }
0x47b: {  	vm14 =	veq.s32 v12, v13;
	v13 =	vadd.f32 $1.000000000e+00, v15;
	v15 =	vmul.f32 $6.666667010e-02, v24  }
0x47c: {  	v12 =	vadd.f32 $1.000000000e+00, v11;
	v30 =	vsel vm14, $0x10001, v2;
	v11 =	vmul.f32 $6.666667010e-02, v11  }
0x47d: {  	v33 =	vld [tilespmem:s17+$0x20];
	v58 =	vadd.f32 $1.000000000e+00, v25;
	v24 =	vmul.f32 $6.666667010e-02, v25;
	v25 =	vmul.f32 $6.666667010e-02, v26  }
0x47e: {  	vm2 =	vle.f32 v8, v14;
	v14 =	vmul.f32 $6.666667010e-02, v29;
	vm6 =	vgt.f32 v10, v16;
	v16 =	vld [tilespmem:s17+$0xFFFFFFE0]  }
0x47f: {  	v29 =	vmul.f32 $6.666667010e-02, v13;
	vm3 =	vle.f32 v6, v15;
	v13 =	vld [tilespmem:s16+$0xFFFFFFD0];
	v62 =	vsel vm6, $0x2, v2  }
0x480: {  	v15 =	vld [tilespmem:s17+$0xFFFFFFD0];
	vm1 =	vle.f32 v9, v11;
	v26 =	vmul.f32 $6.666667010e-02, v12;
	v32 =	vmul.f32 $6.666667010e-02, v58  }
0x481: {  	v11 =	vld [tilespmem:s16+$0xFFFFFFC0];
	vm4 =	vle.f32 v7, v24;
	v24 =	vmul.f32 $6.666667010e-02, v59;
	vm5 =	vle.f32 v4, v25  }
0x482: {  	v12 =	vld [tilespmem:s17+$0xFFFFFFC0];
	v25 =	vmul.f32 $6.666667010e-02, v34;
	vm8 =	vle.f32 v5, v14;
	v31 =	vsel vm3, $0xFFFFFFFF, v0  }
0x483: {  	vm9 =	vgt.f32 v8, v29;
	[tilespmem:v22+s11+$0x0] =	vst.idx.add.s32.msk $0xffff, v30;
	v29 =	vsel vm1, $0xFFFFFFFF, v0;
	v30 =	vsel vm2, $0xFFFFFFFF, v0  }
0x484: {  	v14 =	vld [tilespmem:s16+$0xFFFFFFE0];
	v60 =	vsel vm5, $0xFFFFFFFF, v0;
	v61 =	vsel vm8, $0xFFFFFFFF, v0;
	vm7 =	vgt.f32 v9, v26  }
0x485: {  	vm11 =	vgt.f32 v7, v32;
	v26 =	vsel vm15, $0xFFFFFFFF, v0;
	vm0 =	vgt.f32 v4, v24;
	[tilespmem:v22+s12+$0x0] =	vst.idx.add.f32.msk $0xffff, v17  }
0x486: {  	vm12 =	vgt.f32 v5, v25;
	v17 =	vsel vm4, $0xFFFFFFFF, v0;
	v22 =	vld [tilespmem:s16+$0xFFFFFFF0];
	v36 =	vsel vm9, $0x2, v2  }
0x487: {  	v24 =	vld [tilespmem:s17+$0xFFFFFFF0];
	v21 =	vadd.s32 v21, v29;
	v23 =	vadd.s32 v23, v30;
	v30 =	vadd.s32 v27, v31  }
0x488: {  	v25 =	vld [tilespmem:s16+$0x0];
	v28 =	vadd.s32 v28, v60;
	v31 =	vadd.s32 v18, v61;
	v35 =	vsel vm7, $0x2, v2  }
0x489: {  	v27 =	vld [tilespmem:s16+$0x10];
	v38 =	vsel vm11, $0x2, v2;
	v39 =	vsel vm0, $0x2, v2;
	v19 =	vadd.s32 v19, v26  }
0x48a: {  	v29 =	vld [tilespmem:s17+$0x10];
	v40 =	vsel vm12, $0x2, v2;
	v17 =	vadd.s32 v20, v17;
	v63 =	vadd.s32 v36, v23  }
0x48b: {  	v26 =	vld [tilespmem:s17+$0x0];
	v23 =	vadd.s32 v37, v30;
	v19 =	vadd.s32 v62, v19;
	v21 =	vadd.s32 v35, v21  }
0x48c: {  	v32 =	vld [tilespmem:s16+$0x20];
	v20 =	vadd.s32 v38, v17;
	v18 =	vadd.s32 v39, v28;
	v17 =	vadd.s32 v40, v31  }
0x48d: {  	s18 =	simm.s32 $0x0;
	s19 =	simm.s32 $0xC4C0;
	v30 =	vshll.u32 v19, $0x4;
	v21 =	vshll.u32 v21, $0x4;
	v19 =	vshll.u32 v63, $0x4  }
.LBB2_18:
0x48e: {  	v28 =	vld [tilespmem:s19+$0x30];
	v23 =	vshll.u32 v23, $0x4;
	v31 =	vshll.u32 v20, $0x4;
	v18 =	vshll.u32 v18, $0x4  }
0x48f: {  	s18 =	sadd.s32 $0x8, s18;
	vm4 =	veq.s32 v11, v12;
	vm5 =	veq.s32 v13, v15;
	v11 =	vshll.u32 v17, $0x4;
	v34 =	vld [tilespmem:s19+$0xFFFFFFD0]  }
0x490: {  	vm6 =	veq.s32 v14, v16;
	vm3 =	veq.s32 v22, v24;
	vm2 =	veq.s32 v25, v26;
	p0 =	slt.u32 s18, $0x308;
	v12 =	vld [tilespmem:s19+$0xFFFFFFE0]  }
0x491: {  	v14 =	vor.u32 v3, v30;
	vm1 =	veq.s32 v27, v29;
	vm0 =	veq.s32 v32, v33;
	v13 =	vld [tilespmem:s19+$0xFFFFFFF0]  }
0x492: {  	v15 =	vor.u32 v3, v21;
	v16 =	vor.u32 v3, v19;
	v22 =	vor.u32 v3, v23;
	v20 =	vld [tilespmem:s19+$0x0]  }
0x493: {  	v23 =	vor.u32 v3, v31;
	v21 =	vor.u32 v3, v18;
	v19 =	vld [tilespmem:s19+$0x10];
	v24 =	vmul.f32 $1.500000000e+01, v28  }
0x494: {  	v26 =	vsel vm4, $0x10001, v2;
	v18 =	vor.u32 v3, v11;
	v25 =	vmul.f32 $1.500000000e+01, v34;
	v17 =	vld [tilespmem:s19+$0x20]  }
0x495: {  	v29 =	vsel vm5, $0x10001, v2;
	v11 =	vld [tilespmem:s19+$0xFFFFFFC0];
	v27 =	vmul.f32 $1.500000000e+01, v12;
	v24 =	vtrunc.f32 v24  }
0x496: {  	v31 =	vmul.f32 $1.500000000e+01, v13;
	v24 =	vcvt.f32.s32 v24;
	[tilespmem:v14+s11+$0x0] =	vst.idx.add.s32.msk $0xffff, v26;
	v26 =	vsel vm6, $0x10001, v2  }
0x497: {  	v25 =	vtrunc.f32 v25;
	v32 =	vmul.f32 $1.500000000e+01, v20;
	[tilespmem:v14+s12+$0x0] =	vst.idx.add.f32.msk $0xffff, v10;
	v14 =	vsel vm3, $0x10001, v2  }
0x498: {  	v33 =	vmul.f32 $1.500000000e+01, v19;
	v35 =	vcvt.s32.f32 v24;
	[tilespmem:v15+s11+$0x0] =	vst.idx.add.s32.msk $0xffff, v29;
	v29 =	vsel vm2, $0x10001, v2  }
0x499: {  	v30 =	vsel vm1, $0x10001, v2;
	v27 =	vtrunc.f32 v27;
	v36 =	vmul.f32 $1.500000000e+01, v17;
	[tilespmem:v15+s12+$0x0] =	vst.idx.add.f32.msk $0xffff, v9;
	v9 =	vmovc v34  }
0x49a: {  	v34 =	vtrunc.f32 v31;
	v15 =	vmul.f32 $1.500000000e+01, v11;
	v37 =	vadd.f32 $1.000000000e+00, v35;
	[tilespmem:v16+s11+$0x0] =	vst.idx.add.s32.msk $0xffff, v26;
	v10 =	vmovc v11  }
0x49b: {  	v31 =	vsel vm0, $0x10001, v2;
	v26 =	vtrunc.f32 v32;
	v11 =	vmul.f32 $6.666667010e-02, v35;
	[tilespmem:v16+s12+$0x0] =	vst.idx.add.f32.msk $0xffff, v8;
	v8 =	vmovc v12  }
0x49c: {  	v12 =	vtrunc.f32 v15;
	v15 =	vmul.f32 $6.666667010e-02, v37;
	[tilespmem:v22+s11+$0x0] =	vst.idx.add.s32.msk $0xffff, v14  }
0x49d: {  	v16 =	vtrunc.f32 v36;
	v14 =	vtrunc.f32 v33;
	vm0 =	vle.f32 v28, v11;
	[tilespmem:v22+s12+$0x0] =	vst.idx.add.f32.msk $0xffff, v6;
	v6 =	vmovc v13  }
0x49e: {  	s16 =	sadd.s32 $0x80, s16;
	v35 =	vcvt.f32.s32 v12;
	v11 =	vsel vm0, $0xFFFFFFFF, v0;
	vm0 =	vgt.f32 v28, v15;
	[tilespmem:v23+s11+$0x0] =	vst.idx.add.s32.msk $0xffff, v29  }
0x49f: {  	s17 =	sadd.s32 $0x80, s17;
	v36 =	vcvt.f32.s32 v25;
	v11 =	vadd.s32 v24, v11;
	v22 =	vld [tilespmem:s16+$0x30];
	v12 =	vsel vm0, $0x2, v2  }
0x4a0: {  	v34 =	vcvt.f32.s32 v34;
	v37 =	vcvt.f32.s32 v27;
	v24 =	vld [tilespmem:s17+$0x30];
	v12 =	vadd.s32 v12, v11  }
0x4a1: {  	v38 =	vcvt.f32.s32 v26;
	v39 =	vcvt.f32.s32 v14;
	v11 =	vld [tilespmem:s16+$0xFFFFFFC0];
	v13 =	vshll.u32 v12, $0x4  }
0x4a2: {  	v40 =	vcvt.f32.s32 v16;
	v25 =	vcvt.s32.f32 v35;
	v12 =	vld [tilespmem:s17+$0xFFFFFFC0];
	v26 =	vor.u32 v3, v13  }
0x4a3: {  	v27 =	vcvt.s32.f32 v36;
	v29 =	vcvt.s32.f32 v37;
	v13 =	vld [tilespmem:s16+$0xFFFFFFD0]  }
0x4a4: {  	v33 =	vcvt.s32.f32 v34;
	v41 =	vcvt.s32.f32 v38;
	v32 =	vadd.f32 $1.000000000e+00, v25;
	v15 =	vld [tilespmem:s17+$0xFFFFFFD0]  }
0x4a5: {  	v43 =	vcvt.s32.f32 v40;
	v42 =	vcvt.s32.f32 v39;
	v14 =	vld [tilespmem:s16+$0xFFFFFFE0];
	vm0 =	veq.s32 v22, v24  }
0x4a6: {  	v44 =	vadd.f32 $1.000000000e+00, v27;
	v45 =	vadd.f32 $1.000000000e+00, v29;
	v16 =	vld [tilespmem:s17+$0xFFFFFFE0];
	v22 =	vsel vm0, $0x10001, v2  }
0x4a7: {  	v46 =	vadd.f32 $1.000000000e+00, v33;
	v47 =	vadd.f32 $1.000000000e+00, v41;
	v24 =	vmul.f32 $6.666667010e-02, v25;
	[tilespmem:v26+s11+$0x0] =	vst.idx.add.s32.msk $0xffff, v22  }
0x4a8: {  	v49 =	vadd.f32 $1.000000000e+00, v43;
	v48 =	vadd.f32 $1.000000000e+00, v42;
	v25 =	vmul.f32 $6.666667010e-02, v27;
	[tilespmem:v26+s12+$0x0] =	vst.idx.add.f32.msk $0xffff, v28  }
0x4a9: {  	v27 =	vmul.f32 $6.666667010e-02, v33;
	vm0 =	vle.f32 v10, v24;
	v26 =	vmul.f32 $6.666667010e-02, v29;
	v22 =	vld [tilespmem:s16+$0xFFFFFFF0]  }
0x4aa: {  	v33 =	vmul.f32 $6.666667010e-02, v42;
	vm1 =	vle.f32 v9, v25;
	v28 =	vmul.f32 $6.666667010e-02, v41;
	v24 =	vld [tilespmem:s17+$0xFFFFFFF0]  }
0x4ab: {  	v32 =	vmul.f32 $6.666667010e-02, v32;
	v41 =	vmul.f32 $6.666667010e-02, v43;
	vm2 =	vle.f32 v8, v26;
	v25 =	vld [tilespmem:s16+$0x0]  }
0x4ac: {  	v42 =	vmul.f32 $6.666667010e-02, v44;
	vm3 =	vle.f32 v6, v27;
	v43 =	vmul.f32 $6.666667010e-02, v45;
	v26 =	vld [tilespmem:s17+$0x0]  }
0x4ad: {  	v44 =	vmul.f32 $6.666667010e-02, v46;
	v45 =	vmul.f32 $6.666667010e-02, v47;
	vm4 =	vle.f32 v20, v28;
	v27 =	vld [tilespmem:s16+$0x10]  }
0x4ae: {  	v46 =	vmul.f32 $6.666667010e-02, v49;
	vm5 =	vle.f32 v19, v33;
	v28 =	vmul.f32 $6.666667010e-02, v48;
	v29 =	vld [tilespmem:s17+$0x10]  }
0x4af: {  	vm6 =	vgt.f32 v10, v32;
	vm7 =	vgt.f32 v9, v42;
	vm8 =	vle.f32 v17, v41;
	v32 =	vld [tilespmem:s16+$0x20]  }
0x4b0: {  	vm10 =	vgt.f32 v6, v44;
	vm9 =	vgt.f32 v8, v43;
	vm11 =	vgt.f32 v20, v45;
	v33 =	vld [tilespmem:s17+$0x20]  }
0x4b1: {  	vm12 =	vgt.f32 v17, v46;
	v41 =	vsel vm0, $0xFFFFFFFF, v0;
	vm0 =	vgt.f32 v19, v28;
	[tilespmem:v23+s12+$0x0] =	vst.idx.add.f32.msk $0xffff, v7  }
0x4b2: {  	v42 =	vsel vm3, $0xFFFFFFFF, v0;
	v28 =	vsel vm2, $0xFFFFFFFF, v0;
	v23 =	vsel vm1, $0xFFFFFFFF, v0;
	v7 =	vmovc v20;
	[tilespmem:v21+s11+$0x0] =	vst.idx.add.s32.msk $0xffff, v30  }
0x4b3: {  	v43 =	vsel vm8, $0xFFFFFFFF, v0;
	v20 =	vsel vm4, $0xFFFFFFFF, v0;
	v30 =	vsel vm5, $0xFFFFFFFF, v0;
	[tilespmem:v21+s12+$0x0] =	vst.idx.add.f32.msk $0xffff, v4;
	v4 =	vmovc v19  }
0x4b4: {  	v44 =	vsel vm9, $0x2, v2;
	v19 =	vsel vm6, $0x2, v2;
	v21 =	vsel vm7, $0x2, v2;
	[tilespmem:v18+s11+$0x0] =	vst.idx.add.s32.msk $0xffff, v31  }
0x4b5: {  	v45 =	vsel vm11, $0x2, v2;
	v46 =	vsel vm0, $0x2, v2;
	v31 =	vsel vm10, $0x2, v2;
	[tilespmem:v18+s12+$0x0] =	vst.idx.add.f32.msk $0xffff, v5;
	v5 =	vmovc v17  }
0x4b6: {  	v17 =	vadd.s32 v35, v41;
	v18 =	vadd.s32 v36, v23;
	v35 =	vsel vm12, $0x2, v2  }
.Ltmp8:
0x4b7: {  	v20 =	vadd.s32 v38, v20;
	v23 =	vadd.s32 v37, v28;
	v28 =	vadd.s32 v34, v42;
	(pc) =	sbr.rel @p0 .LBB2_18-.Ltmp8, $4  }
0x4b8: {  	v19 =	vadd.s32 v19, v17;
	v17 =	vadd.s32 v39, v30;
	v30 =	vadd.s32 v40, v43  }
0x4b9: {  	v21 =	vadd.s32 v21, v18;
	v34 =	vadd.s32 v44, v23;
	v23 =	vadd.s32 v31, v28  }
0x4ba: {  	v20 =	vadd.s32 v45, v20;
	v18 =	vadd.s32 v46, v17;
	v17 =	vadd.s32 v35, v30  }
0x4bb: {  	s19 =	sadd.s32 $0x80, s19;
	v30 =	vshll.u32 v19, $0x4;
	v21 =	vshll.u32 v21, $0x4;
	v19 =	vshll.u32 v34, $0x4  }
0x4bc: {  	v28 =	vor.u32 v3, v30  }
0x4bd: {  	v21 =	vor.u32 v3, v21;
	_ =	sdelay $0x1  }
0x4be: {  	vm0 =	veq.s32 v11, v12  }
0x4bf: {  	v11 =	vor.u32 v3, v19;
	vm6 =	veq.s32 v13, v15;
	v12 =	vsel vm0, $0x10001, v2  }
0x4c0: {  	v19 =	vshll.u32 v23, $0x4;
	v13 =	vsel vm6, $0x10001, v2;
	[tilespmem:v28+s11+$0x0] =	vst.idx.add.s32.msk $0xffff, v12  }
0x4c1: {  	v12 =	vor.u32 v3, v19;
	[tilespmem:v21+s11+$0x0] =	vst.idx.add.s32.msk $0xffff, v13  }
0x4c2: {  	vm7 =	veq.s32 v14, v16;
	[tilespmem:v28+s12+$0x0] =	vst.idx.add.f32.msk $0xffff, v10;
	v10 =	vshll.u32 v20, $0x4  }
0x4c3: {  	v13 =	vsel vm7, $0x10001, v2;
	[tilespmem:v21+s12+$0x0] =	vst.idx.add.f32.msk $0xffff, v9;
	v9 =	vshll.u32 v18, $0x4;
	v10 =	vor.u32 v3, v10  }
0x4c4: {  	vm8 =	veq.s32 v22, v24;
	[tilespmem:v11+s11+$0x0] =	vst.idx.add.s32.msk $0xffff, v13;
	v9 =	vor.u32 v3, v9  }
0x4c5: {  	v13 =	vsel vm8, $0x10001, v2;
	[tilespmem:v11+s12+$0x0] =	vst.idx.add.f32.msk $0xffff, v8  }
0x4c6: {  	vm9 =	veq.s32 v25, v26;
	v8 =	vshll.u32 v17, $0x4;
	[tilespmem:v12+s11+$0x0] =	vst.idx.add.s32.msk $0xffff, v13  }
0x4c7: {  	vm10 =	veq.s32 v27, v29;
	v11 =	vsel vm9, $0x10001, v2;
	v8 =	vor.u32 v3, v8;
	[tilespmem:v12+s12+$0x0] =	vst.idx.add.f32.msk $0xffff, v6  }
0x4c8: {  	v6 =	vsel vm10, $0x10001, v2;
	[tilespmem:v10+s11+$0x0] =	vst.idx.add.s32.msk $0xffff, v11  }
0x4c9: {  	[tilespmem:v9+s11+$0x0] =	vst.idx.add.s32.msk $0xffff, v6  }
0x4ca: {  	vm11 =	veq.s32 v32, v33;
	[tilespmem:v10+s12+$0x0] =	vst.idx.add.f32.msk $0xffff, v7  }
0x4cb: {  	v6 =	vsel vm11, $0x10001, v2;
	[tilespmem:v9+s12+$0x0] =	vst.idx.add.f32.msk $0xffff, v4  }
0x4cc: {  	[tilespmem:v8+s11+$0x0] =	vst.idx.add.s32.msk $0xffff, v6  }
0x4cd: {  	[tilespmem:v8+s12+$0x0] =	vst.idx.add.f32.msk $0xffff, v5  }
0x4ce: {  	_ =	swait.ge [sflag:s13], $0x30B0  }
0x4cf: {  	[sflag:s13] =	ssyncset.done $0x0  }
0x4d0: {  	[sflag:s13] =	ssyncadd.s32 $0xFFFFCF50  }
0x4d1: {  	_ =	swait.ge [sflag:s13], $0x30B0  }
0x4d2: {  	[sflag:s13] =	ssyncset.done $0x0  }
0x4d3: {  	[sflag:s13] =	ssyncadd.s32 $0xFFFFCF50  }
0x4d4: {  	_ =	swait.ge [sflag:s13], $0x30B0  }
0x4d5: {  	[sflag:s13] =	ssyncset.done $0x0  }
0x4d6: {  	[sflag:s13] =	ssyncadd.s32 $0xFFFFCF50  }
0x4d7: {  	[tilespmem:$0x125B0] =	vst v1  }
0x4d8: {  	[tilespmem:$0x125C0] =	vst v1  }
0x4d9: {  	[tilespmem:$0x125D0] =	vst v1  }
0x4da: {  	[tilespmem:$0x125E0] =	vst v1  }
0x4db: {  	s16 =	simm.s32 $0xF540;
	[tilespmem:$0x125F0] =	vst v1  }
0x4dc: {  	v17 =	vld [tilespmem:s16+$0x30]  }
0x4dd: {  	v9 =	vld [tilespmem:s16+$0xFFFFFFD0]  }
0x4de: {  	v8 =	vld [tilespmem:s16+$0xFFFFFFE0]  }
0x4df: {  	v6 =	vld [tilespmem:s16+$0xFFFFFFF0]  }
0x4e0: {  	v7 =	vld [tilespmem:s16+$0x0]  }
0x4e1: {  	v4 =	vld [tilespmem:s16+$0x10]  }
0x4e2: {  	v5 =	vld [tilespmem:s16+$0x20]  }
0x4e3: {  	v10 =	vld [tilespmem:s16+$0xFFFFFFC0]  }
0x4e4: {  	v11 =	vmul.f32 $1.500000000e+01, v17  }
0x4e5: {  	v12 =	vmul.f32 $1.500000000e+01, v9;
	v13 =	vmul.f32 $1.500000000e+01, v8  }
0x4e6: {  	v14 =	vmul.f32 $1.500000000e+01, v6;
	v15 =	vmul.f32 $1.500000000e+01, v7  }
0x4e7: {  	v16 =	vmul.f32 $1.500000000e+01, v4;
	v19 =	vmul.f32 $1.500000000e+01, v5  }
0x4e8: {  	v20 =	vmul.f32 $1.500000000e+01, v10;
	v11 =	vtrunc.f32 v11  }
0x4e9: {  	v12 =	vtrunc.f32 v12;
	v13 =	vtrunc.f32 v13  }
0x4ea: {  	v14 =	vtrunc.f32 v14;
	v11 =	vcvt.f32.s32 v11  }
0x4eb: {  	v16 =	vtrunc.f32 v16;
	v27 =	vcvt.f32.s32 v14  }
0x4ec: {  	v28 =	vcvt.f32.s32 v16;
	v18 =	vcvt.s32.f32 v11  }
0x4ed: {  	v15 =	vtrunc.f32 v15;
	v20 =	vtrunc.f32 v20  }
0x4ee: {  	v24 =	vcvt.s32.f32 v27;
	v26 =	vcvt.s32.f32 v28;
	v21 =	vadd.f32 $1.000000000e+00, v18  }
0x4ef: {  	v23 =	vcvt.f32.s32 v13;
	v18 =	vmul.f32 $6.666667010e-02, v18  }
0x4f0: {  	v31 =	vadd.f32 $1.000000000e+00, v24;
	v59 =	vadd.f32 $1.000000000e+00, v26;
	v21 =	vmul.f32 $6.666667010e-02, v21  }
0x4f1: {  	vm12 =	vle.f32 v17, v18;
	v18 =	vtrunc.f32 v19;
	v19 =	vcvt.f32.s32 v20  }
0x4f2: {  	v31 =	vmul.f32 $6.666667010e-02, v31;
	v20 =	vsel vm12, $0xFFFFFFFF, v0;
	v18 =	vcvt.f32.s32 v18  }
0x4f3: {  	s17 =	simm.s32 $0x9340;
	vm13 =	vgt.f32 v17, v21;
	v21 =	vcvt.f32.s32 v12;
	v11 =	vadd.s32 v11, v20  }
0x4f4: {  	s16 =	simm.s32 $0x3140;
	v13 =	vld [tilespmem:s17+$0x30];
	v14 =	vcvt.s32.f32 v19;
	vm10 =	vgt.f32 v6, v31;
	v20 =	vsel vm13, $0x2, v2  }
0x4f5: {  	v12 =	vld [tilespmem:s16+$0x30];
	v29 =	vcvt.s32.f32 v18;
	v37 =	vsel vm10, $0x2, v2;
	v11 =	vadd.s32 v20, v11  }
0x4f6: {  	v20 =	vcvt.f32.s32 v15;
	v15 =	vcvt.s32.f32 v23;
	v16 =	vadd.f32 $1.000000000e+00, v14  }
0x4f7: {  	v14 =	vmul.f32 $6.666667010e-02, v14;
	v11 =	vshll.u32 v11, $0x4;
	v34 =	vadd.f32 $1.000000000e+00, v29  }
0x4f8: {  	v22 =	vor.u32 v3, v11;
	v11 =	vcvt.s32.f32 v21;
	v25 =	vcvt.s32.f32 v20  }
0x4f9: {  	vm15 =	vle.f32 v10, v14;
	v14 =	vmul.f32 $6.666667010e-02, v15;
	v16 =	vmul.f32 $6.666667010e-02, v16  }
0x4fa: {  	vm14 =	veq.s32 v12, v13;
	v13 =	vadd.f32 $1.000000000e+00, v15;
	v15 =	vmul.f32 $6.666667010e-02, v24  }
0x4fb: {  	v12 =	vadd.f32 $1.000000000e+00, v11;
	v30 =	vsel vm14, $0x10001, v2;
	v11 =	vmul.f32 $6.666667010e-02, v11  }
0x4fc: {  	v33 =	vld [tilespmem:s17+$0x20];
	v58 =	vadd.f32 $1.000000000e+00, v25;
	v24 =	vmul.f32 $6.666667010e-02, v25;
	v25 =	vmul.f32 $6.666667010e-02, v26  }
0x4fd: {  	vm2 =	vle.f32 v8, v14;
	v14 =	vmul.f32 $6.666667010e-02, v29;
	vm6 =	vgt.f32 v10, v16;
	v16 =	vld [tilespmem:s17+$0xFFFFFFE0]  }
0x4fe: {  	v29 =	vmul.f32 $6.666667010e-02, v13;
	vm3 =	vle.f32 v6, v15;
	v13 =	vld [tilespmem:s16+$0xFFFFFFD0];
	v62 =	vsel vm6, $0x2, v2  }
0x4ff: {  	v15 =	vld [tilespmem:s17+$0xFFFFFFD0];
	vm1 =	vle.f32 v9, v11;
	v26 =	vmul.f32 $6.666667010e-02, v12;
	v32 =	vmul.f32 $6.666667010e-02, v58  }
0x500: {  	v11 =	vld [tilespmem:s16+$0xFFFFFFC0];
	vm4 =	vle.f32 v7, v24;
	v24 =	vmul.f32 $6.666667010e-02, v59;
	vm5 =	vle.f32 v4, v25  }
0x501: {  	v12 =	vld [tilespmem:s17+$0xFFFFFFC0];
	v25 =	vmul.f32 $6.666667010e-02, v34;
	vm8 =	vle.f32 v5, v14;
	v31 =	vsel vm3, $0xFFFFFFFF, v0  }
0x502: {  	vm9 =	vgt.f32 v8, v29;
	[tilespmem:v22+s11+$0x0] =	vst.idx.add.s32.msk $0xffff, v30;
	v29 =	vsel vm1, $0xFFFFFFFF, v0;
	v30 =	vsel vm2, $0xFFFFFFFF, v0  }
0x503: {  	v14 =	vld [tilespmem:s16+$0xFFFFFFE0];
	v60 =	vsel vm5, $0xFFFFFFFF, v0;
	v61 =	vsel vm8, $0xFFFFFFFF, v0;
	vm7 =	vgt.f32 v9, v26  }
0x504: {  	vm11 =	vgt.f32 v7, v32;
	v26 =	vsel vm15, $0xFFFFFFFF, v0;
	vm0 =	vgt.f32 v4, v24;
	[tilespmem:v22+s12+$0x0] =	vst.idx.add.f32.msk $0xffff, v17  }
0x505: {  	vm12 =	vgt.f32 v5, v25;
	v17 =	vsel vm4, $0xFFFFFFFF, v0;
	v22 =	vld [tilespmem:s16+$0xFFFFFFF0];
	v36 =	vsel vm9, $0x2, v2  }
0x506: {  	v24 =	vld [tilespmem:s17+$0xFFFFFFF0];
	v21 =	vadd.s32 v21, v29;
	v23 =	vadd.s32 v23, v30;
	v30 =	vadd.s32 v27, v31  }
0x507: {  	v25 =	vld [tilespmem:s16+$0x0];
	v28 =	vadd.s32 v28, v60;
	v31 =	vadd.s32 v18, v61;
	v35 =	vsel vm7, $0x2, v2  }
0x508: {  	v27 =	vld [tilespmem:s16+$0x10];
	v38 =	vsel vm11, $0x2, v2;
	v39 =	vsel vm0, $0x2, v2;
	v19 =	vadd.s32 v19, v26  }
0x509: {  	v29 =	vld [tilespmem:s17+$0x10];
	v40 =	vsel vm12, $0x2, v2;
	v17 =	vadd.s32 v20, v17;
	v63 =	vadd.s32 v36, v23  }
0x50a: {  	v26 =	vld [tilespmem:s17+$0x0];
	v23 =	vadd.s32 v37, v30;
	v19 =	vadd.s32 v62, v19;
	v21 =	vadd.s32 v35, v21  }
0x50b: {  	v32 =	vld [tilespmem:s16+$0x20];
	v20 =	vadd.s32 v38, v17;
	v18 =	vadd.s32 v39, v28;
	v17 =	vadd.s32 v40, v31  }
0x50c: {  	s18 =	simm.s32 $0x0;
	s19 =	simm.s32 $0xF5C0;
	v30 =	vshll.u32 v19, $0x4;
	v21 =	vshll.u32 v21, $0x4;
	v19 =	vshll.u32 v63, $0x4  }
.LBB2_20:
0x50d: {  	v28 =	vld [tilespmem:s19+$0x30];
	v23 =	vshll.u32 v23, $0x4;
	v31 =	vshll.u32 v20, $0x4;
	v18 =	vshll.u32 v18, $0x4  }
0x50e: {  	s18 =	sadd.s32 $0x8, s18;
	vm4 =	veq.s32 v11, v12;
	vm5 =	veq.s32 v13, v15;
	v11 =	vshll.u32 v17, $0x4;
	v34 =	vld [tilespmem:s19+$0xFFFFFFD0]  }
0x50f: {  	vm6 =	veq.s32 v14, v16;
	vm3 =	veq.s32 v22, v24;
	vm2 =	veq.s32 v25, v26;
	p0 =	slt.u32 s18, $0x308;
	v12 =	vld [tilespmem:s19+$0xFFFFFFE0]  }
0x510: {  	v14 =	vor.u32 v3, v30;
	vm1 =	veq.s32 v27, v29;
	vm0 =	veq.s32 v32, v33;
	v13 =	vld [tilespmem:s19+$0xFFFFFFF0]  }
0x511: {  	v15 =	vor.u32 v3, v21;
	v16 =	vor.u32 v3, v19;
	v22 =	vor.u32 v3, v23;
	v20 =	vld [tilespmem:s19+$0x0]  }
0x512: {  	v23 =	vor.u32 v3, v31;
	v21 =	vor.u32 v3, v18;
	v19 =	vld [tilespmem:s19+$0x10];
	v24 =	vmul.f32 $1.500000000e+01, v28  }
0x513: {  	v26 =	vsel vm4, $0x10001, v2;
	v18 =	vor.u32 v3, v11;
	v25 =	vmul.f32 $1.500000000e+01, v34;
	v17 =	vld [tilespmem:s19+$0x20]  }
0x514: {  	v29 =	vsel vm5, $0x10001, v2;
	v11 =	vld [tilespmem:s19+$0xFFFFFFC0];
	v27 =	vmul.f32 $1.500000000e+01, v12;
	v24 =	vtrunc.f32 v24  }
0x515: {  	v31 =	vmul.f32 $1.500000000e+01, v13;
	v24 =	vcvt.f32.s32 v24;
	[tilespmem:v14+s11+$0x0] =	vst.idx.add.s32.msk $0xffff, v26;
	v26 =	vsel vm6, $0x10001, v2  }
0x516: {  	v25 =	vtrunc.f32 v25;
	v32 =	vmul.f32 $1.500000000e+01, v20;
	[tilespmem:v14+s12+$0x0] =	vst.idx.add.f32.msk $0xffff, v10;
	v14 =	vsel vm3, $0x10001, v2  }
0x517: {  	v33 =	vmul.f32 $1.500000000e+01, v19;
	v35 =	vcvt.s32.f32 v24;
	[tilespmem:v15+s11+$0x0] =	vst.idx.add.s32.msk $0xffff, v29;
	v29 =	vsel vm2, $0x10001, v2  }
0x518: {  	v30 =	vsel vm1, $0x10001, v2;
	v27 =	vtrunc.f32 v27;
	v36 =	vmul.f32 $1.500000000e+01, v17;
	[tilespmem:v15+s12+$0x0] =	vst.idx.add.f32.msk $0xffff, v9;
	v9 =	vmovc v34  }
0x519: {  	v34 =	vtrunc.f32 v31;
	v15 =	vmul.f32 $1.500000000e+01, v11;
	v37 =	vadd.f32 $1.000000000e+00, v35;
	[tilespmem:v16+s11+$0x0] =	vst.idx.add.s32.msk $0xffff, v26;
	v10 =	vmovc v11  }
0x51a: {  	v31 =	vsel vm0, $0x10001, v2;
	v26 =	vtrunc.f32 v32;
	v11 =	vmul.f32 $6.666667010e-02, v35;
	[tilespmem:v16+s12+$0x0] =	vst.idx.add.f32.msk $0xffff, v8;
	v8 =	vmovc v12  }
0x51b: {  	v12 =	vtrunc.f32 v15;
	v15 =	vmul.f32 $6.666667010e-02, v37;
	[tilespmem:v22+s11+$0x0] =	vst.idx.add.s32.msk $0xffff, v14  }
0x51c: {  	v16 =	vtrunc.f32 v36;
	v14 =	vtrunc.f32 v33;
	vm0 =	vle.f32 v28, v11;
	[tilespmem:v22+s12+$0x0] =	vst.idx.add.f32.msk $0xffff, v6;
	v6 =	vmovc v13  }
0x51d: {  	s16 =	sadd.s32 $0x80, s16;
	v35 =	vcvt.f32.s32 v12;
	v11 =	vsel vm0, $0xFFFFFFFF, v0;
	vm0 =	vgt.f32 v28, v15;
	[tilespmem:v23+s11+$0x0] =	vst.idx.add.s32.msk $0xffff, v29  }
0x51e: {  	s17 =	sadd.s32 $0x80, s17;
	v36 =	vcvt.f32.s32 v25;
	v11 =	vadd.s32 v24, v11;
	v22 =	vld [tilespmem:s16+$0x30];
	v12 =	vsel vm0, $0x2, v2  }
0x51f: {  	v34 =	vcvt.f32.s32 v34;
	v37 =	vcvt.f32.s32 v27;
	v24 =	vld [tilespmem:s17+$0x30];
	v12 =	vadd.s32 v12, v11  }
0x520: {  	v38 =	vcvt.f32.s32 v26;
	v39 =	vcvt.f32.s32 v14;
	v11 =	vld [tilespmem:s16+$0xFFFFFFC0];
	v13 =	vshll.u32 v12, $0x4  }
0x521: {  	v40 =	vcvt.f32.s32 v16;
	v25 =	vcvt.s32.f32 v35;
	v12 =	vld [tilespmem:s17+$0xFFFFFFC0];
	v26 =	vor.u32 v3, v13  }
0x522: {  	v27 =	vcvt.s32.f32 v36;
	v29 =	vcvt.s32.f32 v37;
	v13 =	vld [tilespmem:s16+$0xFFFFFFD0]  }
0x523: {  	v33 =	vcvt.s32.f32 v34;
	v41 =	vcvt.s32.f32 v38;
	v32 =	vadd.f32 $1.000000000e+00, v25;
	v15 =	vld [tilespmem:s17+$0xFFFFFFD0]  }
0x524: {  	v43 =	vcvt.s32.f32 v40;
	v42 =	vcvt.s32.f32 v39;
	v14 =	vld [tilespmem:s16+$0xFFFFFFE0];
	vm0 =	veq.s32 v22, v24  }
0x525: {  	v44 =	vadd.f32 $1.000000000e+00, v27;
	v45 =	vadd.f32 $1.000000000e+00, v29;
	v16 =	vld [tilespmem:s17+$0xFFFFFFE0];
	v22 =	vsel vm0, $0x10001, v2  }
0x526: {  	v46 =	vadd.f32 $1.000000000e+00, v33;
	v47 =	vadd.f32 $1.000000000e+00, v41;
	v24 =	vmul.f32 $6.666667010e-02, v25;
	[tilespmem:v26+s11+$0x0] =	vst.idx.add.s32.msk $0xffff, v22  }
0x527: {  	v49 =	vadd.f32 $1.000000000e+00, v43;
	v48 =	vadd.f32 $1.000000000e+00, v42;
	v25 =	vmul.f32 $6.666667010e-02, v27;
	[tilespmem:v26+s12+$0x0] =	vst.idx.add.f32.msk $0xffff, v28  }
0x528: {  	v27 =	vmul.f32 $6.666667010e-02, v33;
	vm0 =	vle.f32 v10, v24;
	v26 =	vmul.f32 $6.666667010e-02, v29;
	v22 =	vld [tilespmem:s16+$0xFFFFFFF0]  }
0x529: {  	v33 =	vmul.f32 $6.666667010e-02, v42;
	vm1 =	vle.f32 v9, v25;
	v28 =	vmul.f32 $6.666667010e-02, v41;
	v24 =	vld [tilespmem:s17+$0xFFFFFFF0]  }
0x52a: {  	v32 =	vmul.f32 $6.666667010e-02, v32;
	v41 =	vmul.f32 $6.666667010e-02, v43;
	vm2 =	vle.f32 v8, v26;
	v25 =	vld [tilespmem:s16+$0x0]  }
0x52b: {  	v42 =	vmul.f32 $6.666667010e-02, v44;
	vm3 =	vle.f32 v6, v27;
	v43 =	vmul.f32 $6.666667010e-02, v45;
	v26 =	vld [tilespmem:s17+$0x0]  }
0x52c: {  	v44 =	vmul.f32 $6.666667010e-02, v46;
	v45 =	vmul.f32 $6.666667010e-02, v47;
	vm4 =	vle.f32 v20, v28;
	v27 =	vld [tilespmem:s16+$0x10]  }
0x52d: {  	v46 =	vmul.f32 $6.666667010e-02, v49;
	vm5 =	vle.f32 v19, v33;
	v28 =	vmul.f32 $6.666667010e-02, v48;
	v29 =	vld [tilespmem:s17+$0x10]  }
0x52e: {  	vm6 =	vgt.f32 v10, v32;
	vm7 =	vgt.f32 v9, v42;
	vm8 =	vle.f32 v17, v41;
	v32 =	vld [tilespmem:s16+$0x20]  }
0x52f: {  	vm10 =	vgt.f32 v6, v44;
	vm9 =	vgt.f32 v8, v43;
	vm11 =	vgt.f32 v20, v45;
	v33 =	vld [tilespmem:s17+$0x20]  }
0x530: {  	vm12 =	vgt.f32 v17, v46;
	v41 =	vsel vm0, $0xFFFFFFFF, v0;
	vm0 =	vgt.f32 v19, v28;
	[tilespmem:v23+s12+$0x0] =	vst.idx.add.f32.msk $0xffff, v7  }
0x531: {  	v42 =	vsel vm3, $0xFFFFFFFF, v0;
	v28 =	vsel vm2, $0xFFFFFFFF, v0;
	v23 =	vsel vm1, $0xFFFFFFFF, v0;
	v7 =	vmovc v20;
	[tilespmem:v21+s11+$0x0] =	vst.idx.add.s32.msk $0xffff, v30  }
0x532: {  	v43 =	vsel vm8, $0xFFFFFFFF, v0;
	v20 =	vsel vm4, $0xFFFFFFFF, v0;
	v30 =	vsel vm5, $0xFFFFFFFF, v0;
	[tilespmem:v21+s12+$0x0] =	vst.idx.add.f32.msk $0xffff, v4;
	v4 =	vmovc v19  }
0x533: {  	v44 =	vsel vm9, $0x2, v2;
	v19 =	vsel vm6, $0x2, v2;
	v21 =	vsel vm7, $0x2, v2;
	[tilespmem:v18+s11+$0x0] =	vst.idx.add.s32.msk $0xffff, v31  }
0x534: {  	v45 =	vsel vm11, $0x2, v2;
	v46 =	vsel vm0, $0x2, v2;
	v31 =	vsel vm10, $0x2, v2;
	[tilespmem:v18+s12+$0x0] =	vst.idx.add.f32.msk $0xffff, v5;
	v5 =	vmovc v17  }
0x535: {  	v17 =	vadd.s32 v35, v41;
	v18 =	vadd.s32 v36, v23;
	v35 =	vsel vm12, $0x2, v2  }
.Ltmp9:
0x536: {  	v20 =	vadd.s32 v38, v20;
	v23 =	vadd.s32 v37, v28;
	v28 =	vadd.s32 v34, v42;
	(pc) =	sbr.rel @p0 .LBB2_20-.Ltmp9, $4  }
0x537: {  	v19 =	vadd.s32 v19, v17;
	v17 =	vadd.s32 v39, v30;
	v30 =	vadd.s32 v40, v43  }
0x538: {  	v21 =	vadd.s32 v21, v18;
	v34 =	vadd.s32 v44, v23;
	v23 =	vadd.s32 v31, v28  }
0x539: {  	v20 =	vadd.s32 v45, v20;
	v18 =	vadd.s32 v46, v17;
	v17 =	vadd.s32 v35, v30  }
0x53a: {  	s19 =	sadd.s32 $0x80, s19;
	v30 =	vshll.u32 v19, $0x4;
	v21 =	vshll.u32 v21, $0x4;
	v19 =	vshll.u32 v34, $0x4  }
0x53b: {  	v28 =	vor.u32 v3, v30  }
0x53c: {  	v21 =	vor.u32 v3, v21  }
0x53d: {  	v53 =	vor.u32 v3, v19  }
0x53e: {  	vm0 =	veq.s32 v11, v12  }
0x53f: {  	vm10 =	veq.s32 v13, v15;
	v12 =	vsel vm0, $0x10001, v2  }
0x540: {  	v54 =	vshll.u32 v23, $0x4;
	vm11 =	veq.s32 v14, v16;
	v13 =	vsel vm10, $0x10001, v2;
	[tilespmem:v28+s11+$0x0] =	vst.idx.add.s32.msk $0xffff, v12  }
0x541: {  	v55 =	vor.u32 v3, v54;
	v57 =	vsel vm11, $0x10001, v2;
	[tilespmem:v21+s11+$0x0] =	vst.idx.add.s32.msk $0xffff, v13  }
0x542: {  	v56 =	vshll.u32 v20, $0x4;
	[tilespmem:v53+s11+$0x0] =	vst.idx.add.s32.msk $0xffff, v57  }
0x543: {  	v58 =	vshll.u32 v18, $0x4;
	[tilespmem:v28+s12+$0x0] =	vst.idx.add.f32.msk $0xffff, v10;
	v10 =	vor.u32 v3, v56  }
0x544: {  	vm12 =	veq.s32 v22, v24;
	v60 =	vshll.u32 v17, $0x4;
	[tilespmem:v21+s12+$0x0] =	vst.idx.add.f32.msk $0xffff, v9;
	v9 =	vor.u32 v3, v58  }
0x545: {  	v59 =	vsel vm12, $0x10001, v2;
	[tilespmem:v53+s12+$0x0] =	vst.idx.add.f32.msk $0xffff, v8;
	v8 =	vor.u32 v3, v60  }
0x546: {  	vm13 =	veq.s32 v25, v26;
	[tilespmem:v55+s11+$0x0] =	vst.idx.add.s32.msk $0xffff, v59  }
0x547: {  	vm14 =	veq.s32 v27, v29;
	v61 =	vsel vm13, $0x10001, v2;
	[tilespmem:v55+s12+$0x0] =	vst.idx.add.f32.msk $0xffff, v6  }
0x548: {  	vm15 =	veq.s32 v32, v33;
	v62 =	vsel vm14, $0x10001, v2;
	[tilespmem:v10+s11+$0x0] =	vst.idx.add.s32.msk $0xffff, v61  }
0x549: {  	v63 =	vsel vm15, $0x10001, v2;
	[tilespmem:v9+s11+$0x0] =	vst.idx.add.s32.msk $0xffff, v62  }
0x54a: {  	[tilespmem:v8+s11+$0x0] =	vst.idx.add.s32.msk $0xffff, v63  }
0x54b: {  	[tilespmem:v10+s12+$0x0] =	vst.idx.add.f32.msk $0xffff, v7  }
0x54c: {  	[tilespmem:v9+s12+$0x0] =	vst.idx.add.f32.msk $0xffff, v4  }
0x54d: {  	[tilespmem:v8+s12+$0x0] =	vst.idx.add.f32.msk $0xffff, v5  }
0x54e: {  	[hbm4b:s2+s1] =	stream.linear.scatter [tilespmem:s11], [sflag:$0x3], $0x120, $0x38;
	[tilespmem:$0x12900] =	vst v63  }
0x54f: {  	s15 =	sadd.s32 $0x1, s15;
	_ =	swait.ge [sflag:s14], $0x120  }
0x550: {  	p0 =	sne.s32 s15, s3;
	[sflag:s14] =	ssyncset.done $0x0  }
.Ltmp10:
0x551: {  	[sflag:s14] =	ssyncadd.s32 $0xFFFFFEE0;
	(pc) =	sbr.rel @p0 .LBB2_1-.Ltmp10, $4  }
0x552: {  	[hbm4b:s4+s1] =	stream.linear.scatter [tilespmem:s12], [sflag:$0x3], $0x120, $0x38;
	[tilespmem:$0x12900] =	vst v63  }
0x553: {  	_ =	swait.ge [sflag:s14], $0x120  }
0x554: {  	[sflag:s14] =	ssyncset.done $0x0  }
0x555: {  	[sflag:s14] =	ssyncadd.s32 $0xFFFFFEE0  }
0x556: {  	_ =	sfence.sel $0x180000  }
0x557: {  	[bflag:$0x0] =	sbarrier.arrive $0xFFFF  }
0x558: {  	_ =	strace $0x90000047  }
0x559: {  	s0 =	stileid.u32;
	[bflag:$0x2] =	sbarrier.arrive $0xFFFF  }
0x55a: {  	p0 =	sne.s32 s0, $0x0;
	s0 =	rddreg [dreg:$0x4]  }
0x55b: {  	s0 =	sadd.s32 @!p0 $0x100000, s0  }
0x55c: {  	[sflag:s0] =	ssyncadd.tile.s32 @!p0 $0x1;
	_ =	shalt  }
.Lfunc_end2:
_tile_overlayer_lowered:
.L_overlay_start_2:
0x55d: {  	(tag) =	ssettag $0x2  }
0x55e: {  	s0 =	rddreg [dreg:$0x0];
	s2 =	stileid.u32  }
0x55f: {  	s1 =	rddreg [dreg:$0x1];
	p0 =	sne.s32 s2, $0x0  }
0x560: {  	s3 =	rddreg [dreg:$0x2];
	[bflag:$0x3] =	sbarrier.arrive $0xFFFF;
	s2 =	simm.s32 @!p0 $0x1C03  }
0x561: {  	[timem:s3], [sflag:s2] =	dma.local @!p0 [hbm:s0], s1  }
0x562: {  	s0 =	simm.s32 @!p0 $0x3  }
0x563: {  	_ =	swait.ge @!p0 [sflag:s0], s1  }
0x564: {  	s1 =	ssub.s32 @!p0 $0x0, s1;
	[sflag:s0] =	ssyncset.done @!p0 $0x0  }
0x565: {  	[sflag:s0] =	ssyncadd.s32 @!p0 s1  }
0x566: {  	[bflag:$0x3] =	sbarrier.arrive $0xFFFF  }
0x567: {  	_ =	shalt  }

</sc_bundles>
